<compile_context>
chip_gen: v7x
topology: tpu7x:2x2x1
jax: 0.10.2.dev20260603
libtpu: 0.0.44.dev20260713+nightly
codegen_flags: <defaults>
</compile_context>

<pallas_src>
import jax
import jax.numpy as jnp
from jax import lax
from jax.experimental import pallas as pl
from jax.experimental.pallas import tpu as pltpu
from jax.experimental.pallas import tpu_sc as plsc

ALPHA = 1.0
BETA = 10.0
OHEM_RATIO = 3.0
SMOOTH = 1.0

B, H, W = 16, 512, 512
N = B * H * W
NC, NS, L = 2, 16, 16
NW = NC * NS
HPW = H // 2

RB = 16
NCH = HPW // RB
NBUF = 4
VECS_PER_ROW = W // L

MB = 6
SH = 23 - MB
TOPKEY = 127 << MB
NBINS = 2048
HISTW = NBINS * L
HROWS = HISTW // 128
TAILBITS = (TOPKEY - (NBINS - 1) + 1) << SH


def _sc_hist_body(p_hbm, t_hbm, hist_out,
                  pb0, pb1, pb2, pb3, tb0, tb1, tb2, tb3, hist,
                  sp0, sp1, sp2, sp3, st0, st1, st2, st3):
    c = lax.axis_index("c")
    s = lax.axis_index("s")
    wid = s * NC + c
    img = wid >> 1
    row0 = (wid & 1) * HPW

    zero16 = jnp.zeros((L,), jnp.float32)
    ones16 = jnp.ones((L,), jnp.float32)
    lane = lax.iota(jnp.int32, L)

    def zstep(i, carry):
        hist[i, pl.ds(0, L)] = zero16
        hist[i, pl.ds(16, L)] = zero16
        hist[i, pl.ds(32, L)] = zero16
        hist[i, pl.ds(48, L)] = zero16
        hist[i, pl.ds(64, L)] = zero16
        hist[i, pl.ds(80, L)] = zero16
        hist[i, pl.ds(96, L)] = zero16
        hist[i, pl.ds(112, L)] = zero16
        return carry

    lax.fori_loop(0, HROWS, zstep, 0)

    pbufs = (pb0, pb1, pb2, pb3)
    tbufs = (tb0, tb1, tb2, tb3)
    psems = (sp0, sp1, sp2, sp3)
    tsems = (st0, st1, st2, st3)

    def start(ci, slot):
        r = row0 + ci * RB
        pltpu.async_copy(p_hbm.at[img, 0, pl.ds(r, RB), :], pbufs[slot], psems[slot])
        pltpu.async_copy(t_hbm.at[img, 0, pl.ds(r, RB), :], tbufs[slot], tsems[slot])

    def wait(slot):
        pltpu.make_async_copy(p_hbm.at[0, 0, pl.ds(0, RB), :], pbufs[slot], psems[slot]).wait()
        pltpu.make_async_copy(t_hbm.at[0, 0, pl.ds(0, RB), :], tbufs[slot], tsems[slot]).wait()

    for pre in range(NBUF - 1):
        start(pre, pre)

    def chunk(ci, slot):
        @pl.when(ci + NBUF - 1 < NCH)
        def _():
            start(ci + NBUF - 1, (slot + NBUF - 1) % NBUF)

        wait(slot)
        pb = pbufs[slot]
        tb = tbufs[slot]

        def inner(r, carry):
            for g in range(VECS_PER_ROW // 8):
                ps = [pb[r, pl.ds((g * 8 + u) * L, L)] for u in range(8)]
                ts = [tb[r, pl.ds((g * 8 + u) * L, L)] for u in range(8)]
                hrs, hcols = [], []
                for u in range(8):
                    qeff = jnp.maximum(1.0 - ps[u], ts[u])
                    bits = plsc.bitcast(qeff, jnp.int32)
                    raw = (TOPKEY - (bits >> SH)).astype(jnp.uint32)
                    bin_ = jnp.minimum(raw, jnp.uint32(NBINS - 1)).astype(jnp.int32)
                    hrs.append(bin_ >> 3)
                    hcols.append(((bin_ & 7) << 4) + lane)
                for u in range(8):
                    plsc.addupdate_scatter(hist, [hrs[u], hcols[u]], ones16)
            return carry

        lax.fori_loop(0, RB, inner, 0)

    def outer(g, carry):
        for b in range(NBUF):
            chunk(g * NBUF + b, b)
        return carry

    lax.fori_loop(0, NCH // NBUF, outer, 0)

    pltpu.sync_copy(hist, hist_out.at[pl.ds(wid * HROWS, HROWS), :])


def _sc_hist(p4, t4):
    mesh = plsc.VectorSubcoreMesh(core_axis_name="c", subcore_axis_name="s")
    return pl.kernel(
        _sc_hist_body,
        out_type=jax.ShapeDtypeStruct((NW * HROWS, 128), jnp.float32),
        mesh=mesh,
        compiler_params=pltpu.CompilerParams(needs_layout_passes=False,
                                             skip_device_barrier=True),
        scratch_types=(
            [pltpu.VMEM((RB, W), jnp.float32)] * (2 * NBUF)
            + [pltpu.VMEM((HROWS, 128), jnp.float32)]
            + [pltpu.SemaphoreType.DMA] * (2 * NBUF)
        ),
    )(p4, t4)


def _tc_dense_body(p_ref, t_ref, bp_ref, tp_ref, tg_ref, m_ref, out_ref):
    p = p_ref[...]
    t = t_ref[...]
    bp = bp_ref[...]
    tp = tp_ref[...]
    tg = tg_ref[...]
    m = m_ref[...]

    lp = jnp.maximum(jnp.log(p), -100.0)
    q = 1.0 - p
    qeff = jnp.maximum(q, t)
    v = -jnp.maximum(jnp.log(qeff), -100.0)

    qbits = lax.bitcast_convert_type(qeff, jnp.int32)
    tail = qbits < TAILBITS

    n_pos = jnp.sum(t)
    s_pos = jnp.sum(t * (-lp))
    s_neg = jnp.sum(v)
    s_tail = jnp.sum(jnp.where(tail, v, 0.0))
    c_tail = jnp.sum(jnp.where(tail, 1.0, 0.0))
    s_bp = jnp.sum(bp)
    s_inter = jnp.sum(bp * t)
    s_l1 = jnp.sum(jnp.abs(tp - tg) * m)
    s_m = jnp.sum(m)

    vals = [n_pos, s_pos, s_neg, s_tail, c_tail, s_bp, s_inter, s_l1, s_m]

    @pl.when(pl.program_id(0) == 0)
    def _():
        for i, val in enumerate(vals):
            out_ref[0, i] = val

    @pl.when(pl.program_id(0) != 0)
    def _():
        for i, val in enumerate(vals):
            out_ref[0, i] += val


def _tc_dense(p4, t4, bp4, tp4, tg4, m4):
    spec = pl.BlockSpec((2, 1, H, W), lambda i: (i, 0, 0, 0))
    return pl.pallas_call(
        _tc_dense_body,
        grid=(B // 2,),
        in_specs=[spec] * 6,
        out_specs=pl.BlockSpec(memory_space=pltpu.SMEM),
        out_shape=jax.ShapeDtypeStruct((1, 16), jnp.float32),
    )(p4, t4, bp4, tp4, tg4, m4)


def _tc_fin_body(sc_ref, hc_ref, out_ref):
    n_pos = sc_ref[0, 0]
    s_pos = sc_ref[0, 1]
    s_neg = sc_ref[0, 2]
    s_tail = sc_ref[0, 3]
    c_tail = sc_ref[0, 4]
    s_bp = sc_ref[0, 5]
    s_inter = sc_ref[0, 6]
    s_l1 = sc_ref[0, 7]
    s_m = sc_ref[0, 8]

    n_neg = jnp.float32(N) - n_pos
    k = jnp.minimum(n_neg, jnp.floor(n_pos * OHEM_RATIO))

    hc = jnp.sum(hc_ref[...].reshape(NW, HROWS, 128), axis=0)
    r_i = lax.broadcasted_iota(jnp.int32, hc.shape, 0)
    c_i = lax.broadcasted_iota(jnp.int32, hc.shape, 1)
    binv = lax.shift_right_logical(r_i * 128 + c_i, 4)

    shex = TOPKEY - binv
    lo_q = lax.bitcast_convert_type(lax.shift_left(shex, SH), jnp.float32)
    hi_q = lax.bitcast_convert_type(lax.shift_left(shex + 1, SH), jnp.float32)
    vbar = 1.0 - (hi_q * jnp.log(hi_q) - lo_q * jnp.log(lo_q)) / (hi_q - lo_q)
    vbar = jnp.where(binv == 0, 0.0, vbar)

    def bstep(i, state):
        lo, hi = state
        mid = lax.div(lo + hi, 2)
        cnt = jnp.sum(jnp.where(binv >= mid, hc, 0.0))
        sel = cnt >= k
        return jnp.where(sel, mid, lo), jnp.where(sel, hi, mid)

    bstar, _ = lax.fori_loop(0, 12, bstep, (jnp.int32(0), jnp.int32(NBINS)))

    above = binv > bstar
    c_above = jnp.sum(jnp.where(above, hc, 0.0))
    regular_above = above & (binv < NBINS - 1)
    s_above = jnp.sum(jnp.where(regular_above, hc * vbar, 0.0))
    s_above = s_above + jnp.where(bstar < NBINS - 1, s_tail, 0.0)

    r = k - c_above
    vtail_avg = s_tail / jnp.maximum(c_tail, 1.0)
    in_bin = jnp.sum(jnp.where(binv == bstar, hc * vbar, 0.0))
    cnt_bin = jnp.sum(jnp.where(binv == bstar, hc, 0.0))
    vbar_bstar = in_bin / jnp.maximum(cnt_bin, 1.0)
    est = r * jnp.where(bstar == NBINS - 1, vtail_avg, vbar_bstar)

    sum_topk = jnp.where(k >= n_neg, s_neg, s_above + est)

    pos_loss = s_pos / (n_pos + 1e-6)
    neg_loss = sum_topk / k
    dice = (2.0 * s_inter + SMOOTH) / (s_bp + n_pos + SMOOTH)
    loss_binary = 1.0 - dice
    loss_thresh = s_l1 / (s_m + 1e-6)
    out_ref[0, 0] = pos_loss + neg_loss + ALPHA * loss_binary + BETA * loss_thresh


def _tc_finalize(scalars, hc_all):
    return pl.pallas_call(
        _tc_fin_body,
        in_specs=[
            pl.BlockSpec(memory_space=pltpu.SMEM),
            pl.BlockSpec(memory_space=pltpu.VMEM),
        ],
        out_specs=pl.BlockSpec(memory_space=pltpu.SMEM),
        out_shape=jax.ShapeDtypeStruct((1, 1), jnp.float32),
    )(scalars, hc_all)


def kernel(prob_map_pred, thresh_map_pred, binary_map_pred,
           prob_map_gt, thresh_map_gt, mask_gt):
    hc_all = _sc_hist(prob_map_pred, prob_map_gt)
    scalars = _tc_dense(prob_map_pred, prob_map_gt, binary_map_pred,
                        thresh_map_pred, thresh_map_gt, mask_gt)
    out = _tc_finalize(scalars, hc_all)
    return out[0, 0]

# --- scband reference (transcript-rebuilt; emitter-appended) ---
"""Pipeline reference for scband-dbloss-61967788147055 (READ-ONLY COPY).

The authoritative reference and input builder live on the scoring server;
editing this copy changes nothing except your own understanding.
"""

import jax, jax.numpy as jnp
import numpy as np

ALPHA = 1.0
BETA = 10.0
OHEM_RATIO = 3.0
SMOOTH = 1.0


def setup_inputs(seed: int = 0) -> dict:
    key = jax.random.key(seed)
    ks = jax.random.split(key, 6)
    B, C, H, W = 16, 1, 512, 512
    shp = (B, C, H, W)
    prob_map_pred = jax.random.uniform(ks[0], shp, dtype=jnp.float32)
    thresh_map_pred = jax.random.uniform(ks[1], shp, dtype=jnp.float32)
    binary_map_pred = jax.random.uniform(ks[2], shp, dtype=jnp.float32)
    prob_map_gt = jax.random.randint(ks[3], shp, 0, 2).astype(jnp.float32)
    thresh_map_gt = jax.random.uniform(ks[4], shp, dtype=jnp.float32)
    mask_gt = jax.random.randint(ks[5], shp, 0, 2).astype(jnp.float32)
    return {
        "prob_map_pred": prob_map_pred,
        "thresh_map_pred": thresh_map_pred,
        "binary_map_pred": binary_map_pred,
        "prob_map_gt": prob_map_gt,
        "thresh_map_gt": thresh_map_gt,
        "mask_gt": mask_gt,
    }


def _bce(pred, target):
    # torch BCELoss(reduction='none') clamps log terms at -100
    log_p = jnp.clip(jnp.log(pred), -100.0, None)
    log_1mp = jnp.clip(jnp.log(1.0 - pred), -100.0, None)
    return -(target * log_p + (1.0 - target) * log_1mp)


def reference(prob_map_pred, thresh_map_pred, binary_map_pred,
              prob_map_gt, thresh_map_gt, mask_gt):
    bce = _bce(prob_map_pred, prob_map_gt)
    positive_mask = (prob_map_gt > 0).astype(jnp.float32)
    negative_mask = 1.0 - positive_mask
    num_positive = positive_mask.sum()
    num_negative = jnp.minimum(negative_mask.sum(),
                               jnp.floor(num_positive * OHEM_RATIO))

    positive_loss = (bce * positive_mask).sum() / (num_positive + 1e-06)
    negative_loss_all = (bce * negative_mask).reshape(-1)
    n_total = negative_loss_all.shape[0]
    negative_sorted, _ = jax.lax.top_k(negative_loss_all, n_total)
    rank = jnp.arange(n_total, dtype=jnp.float32)
    sel = (rank < num_negative).astype(jnp.float32)
    negative_loss_mean = (negative_sorted * sel).sum() / num_negative
    loss_prob = positive_loss + negative_loss_mean

    # Dice loss between binary_map_pred and prob_map_gt
    bp = binary_map_pred.reshape(-1)
    tg = prob_map_gt.reshape(-1)
    intersection = (bp * tg).sum()
    dice = (2.0 * intersection + SMOOTH) / (bp.sum() + tg.sum() + SMOOTH)
    loss_binary = 1.0 - dice

    # Masked L1 loss between thresh maps
    m = mask_gt.astype(jnp.float32)
    l1 = jnp.abs(thresh_map_pred - thresh_map_gt) * m
    loss_thresh = l1.sum() / (m.sum() + 1e-06)

    return loss_prob + ALPHA * loss_binary + BETA * loss_thresh

if __name__ == "__main__":
    import jax
    _d = setup_inputs()
    print(jax.jit(kernel)(*tuple(_d.values())))

</pallas_src>

<mosaic_0001>
#map = affine_map<(d0, d1) -> (0, 0, 0, 0)>
#map1 = affine_map<(d0, d1) -> (0, 0)>
module attributes {stable_mosaic.version = 14 : i64} {
  func.func @_sc_hist_body(%arg0: i32, %arg1: i32, %arg2: memref<16x1x512x512xf32, #tpu.memory_space<hbm>>, %arg3: memref<16x1x512x512xf32, #tpu.memory_space<hbm>>, %arg4: memref<8192x128xf32, #tpu.memory_space<hbm>>, %arg5: memref<16x512xf32, #tpu.memory_space<vmem>>, %arg6: memref<16x512xf32, #tpu.memory_space<vmem>>, %arg7: memref<16x512xf32, #tpu.memory_space<vmem>>, %arg8: memref<16x512xf32, #tpu.memory_space<vmem>>, %arg9: memref<16x512xf32, #tpu.memory_space<vmem>>, %arg10: memref<16x512xf32, #tpu.memory_space<vmem>>, %arg11: memref<16x512xf32, #tpu.memory_space<vmem>>, %arg12: memref<16x512xf32, #tpu.memory_space<vmem>>, %arg13: memref<256x128xf32, #tpu.memory_space<vmem>>, %arg14: memref<!tpu.dma_semaphore, #tpu.memory_space<semaphore_mem>>, %arg15: memref<!tpu.dma_semaphore, #tpu.memory_space<semaphore_mem>>, %arg16: memref<!tpu.dma_semaphore, #tpu.memory_space<semaphore_mem>>, %arg17: memref<!tpu.dma_semaphore, #tpu.memory_space<semaphore_mem>>, %arg18: memref<!tpu.dma_semaphore, #tpu.memory_space<semaphore_mem>>, %arg19: memref<!tpu.dma_semaphore, #tpu.memory_space<semaphore_mem>>, %arg20: memref<!tpu.dma_semaphore, #tpu.memory_space<semaphore_mem>>, %arg21: memref<!tpu.dma_semaphore, #tpu.memory_space<semaphore_mem>>) attributes {dimension_semantics = [#tpu.dimension_semantics<core_parallel>, #tpu.dimension_semantics<subcore_parallel>], iteration_bounds = array<i64: 2, 16>, scalar_prefetch = 0 : i64, scratch_operands = 17 : i64, tpu.core_type = #tpu.core_type<sc_vector_subcore>, window_params = [{transform_indices = #map}, {transform_indices = #map}, {transform_indices = #map1}]} {
    %mul3A = arith.constant 2 : i32
    %mul3A_0 = arith.muli %arg1, %mul3A : i32
    %add3A = arith.addi %mul3A_0, %arg0 : i32
    %shift_right_arithmetic3A = arith.constant 1 : i32
    %shift_right_arithmetic3A_1 = arith.shrsi %add3A, %shift_right_arithmetic3A : i32
    %and3A = arith.constant 1 : i32
    %and3A_2 = arith.andi %add3A, %and3A : i32
    %mul3A_3 = arith.constant 256 : i32
    %mul3A_4 = arith.muli %and3A_2, %mul3A_3 : i32
    %broadcast_in_dim3A = arith.constant 0.000000e+00 : f32
    %broadcast_in_dim3A_5 = vector.broadcast %broadcast_in_dim3A : f32 to vector<16xf32>
    %broadcast_in_dim3A_6 = arith.constant 1.000000e+00 : f32
    %broadcast_in_dim3A_7 = vector.broadcast %broadcast_in_dim3A_6 : f32 to vector<16xf32>
    %iota3A = tpu.iota {dimensions = array<i32: 0>} : vector<16xi32>
    %scan3A = arith.constant 0 : i32
    %scan3A_8 = arith.constant 0 : i32
    %scan3A_9 = arith.constant 256 : i32
    %scan3A_10 = arith.addi %scan3A_8, %scan3A_9 : i32
    %scan3A_11 = arith.constant 1 : i32
    scf.for %scan3A_68 = %scan3A_8 to %scan3A_10 step %scan3A_11  : i32 {
      %swap3A = arith.index_cast %scan3A_68 : i32 to index
      %swap3A_69 = arith.constant 0 : index
      %swap3A_70 = tpu.vector_load %arg13[%swap3A, %swap3A_69] {strides = array<i32>} : memref<256x128xf32, #tpu.memory_space<vmem>>, vector<16xf32>,
      tpu.vector_store %arg13[%swap3A, %swap3A_69], %broadcast_in_dim3A_5 {strides = array<i32>} : memref<256x128xf32, #tpu.memory_space<vmem>>, vector<16xf32>,
      %swap3A_71 = arith.index_cast %scan3A_68 : i32 to index
      %swap3A_72 = arith.constant 16 : index
      %swap3A_73 = tpu.vector_load %arg13[%swap3A_71, %swap3A_72] {strides = array<i32>} : memref<256x128xf32, #tpu.memory_space<vmem>>, vector<16xf32>,
      tpu.vector_store %arg13[%swap3A_71, %swap3A_72], %broadcast_in_dim3A_5 {strides = array<i32>} : memref<256x128xf32, #tpu.memory_space<vmem>>, vector<16xf32>,
      %swap3A_74 = arith.index_cast %scan3A_68 : i32 to index
      %swap3A_75 = arith.constant 32 : index
      %swap3A_76 = tpu.vector_load %arg13[%swap3A_74, %swap3A_75] {strides = array<i32>} : memref<256x128xf32, #tpu.memory_space<vmem>>, vector<16xf32>,
      tpu.vector_store %arg13[%swap3A_74, %swap3A_75], %broadcast_in_dim3A_5 {strides = array<i32>} : memref<256x128xf32, #tpu.memory_space<vmem>>, vector<16xf32>,
      %swap3A_77 = arith.index_cast %scan3A_68 : i32 to index
      %swap3A_78 = arith.constant 48 : index
      %swap3A_79 = tpu.vector_load %arg13[%swap3A_77, %swap3A_78] {strides = array<i32>} : memref<256x128xf32, #tpu.memory_space<vmem>>, vector<16xf32>,
      tpu.vector_store %arg13[%swap3A_77, %swap3A_78], %broadcast_in_dim3A_5 {strides = array<i32>} : memref<256x128xf32, #tpu.memory_space<vmem>>, vector<16xf32>,
      %swap3A_80 = arith.index_cast %scan3A_68 : i32 to index
      %swap3A_81 = arith.constant 64 : index
      %swap3A_82 = tpu.vector_load %arg13[%swap3A_80, %swap3A_81] {strides = array<i32>} : memref<256x128xf32, #tpu.memory_space<vmem>>, vector<16xf32>,
      tpu.vector_store %arg13[%swap3A_80, %swap3A_81], %broadcast_in_dim3A_5 {strides = array<i32>} : memref<256x128xf32, #tpu.memory_space<vmem>>, vector<16xf32>,
      %swap3A_83 = arith.index_cast %scan3A_68 : i32 to index
      %swap3A_84 = arith.constant 80 : index
      %swap3A_85 = tpu.vector_load %arg13[%swap3A_83, %swap3A_84] {strides = array<i32>} : memref<256x128xf32, #tpu.memory_space<vmem>>, vector<16xf32>,
      tpu.vector_store %arg13[%swap3A_83, %swap3A_84], %broadcast_in_dim3A_5 {strides = array<i32>} : memref<256x128xf32, #tpu.memory_space<vmem>>, vector<16xf32>,
      %swap3A_86 = arith.index_cast %scan3A_68 : i32 to index
      %swap3A_87 = arith.constant 96 : index
      %swap3A_88 = tpu.vector_load %arg13[%swap3A_86, %swap3A_87] {strides = array<i32>} : memref<256x128xf32, #tpu.memory_space<vmem>>, vector<16xf32>,
      tpu.vector_store %arg13[%swap3A_86, %swap3A_87], %broadcast_in_dim3A_5 {strides = array<i32>} : memref<256x128xf32, #tpu.memory_space<vmem>>, vector<16xf32>,
      %swap3A_89 = arith.index_cast %scan3A_68 : i32 to index
      %swap3A_90 = arith.constant 112 : index
      %swap3A_91 = tpu.vector_load %arg13[%swap3A_89, %swap3A_90] {strides = array<i32>} : memref<256x128xf32, #tpu.memory_space<vmem>>, vector<16xf32>,
      tpu.vector_store %arg13[%swap3A_89, %swap3A_90], %broadcast_in_dim3A_5 {strides = array<i32>} : memref<256x128xf32, #tpu.memory_space<vmem>>, vector<16xf32>,
    }
    %scan3A_12 = arith.constant 256 : i32
    %add3A_13 = arith.constant 0 : i32
    %add3A_14 = arith.addi %mul3A_4, %add3A_13 : i32
    %dma_start3A = arith.constant 0 : i32
    %dma_start3A_15 = arith.constant 0 : i32
    %dma_start3A_16 = tpu.memref_slice %arg2[%shift_right_arithmetic3A_1, %dma_start3A, %add3A_14, %dma_start3A_15] : memref<16x1x512x512xf32, #tpu.memory_space<hbm>> -> memref<1x1x16x512xf32, #tpu.memory_space<hbm>>
    %dma_start3A_17 = tpu.memref_squeeze %dma_start3A_16 : memref<1x1x16x512xf32, #tpu.memory_space<hbm>> -> memref<16x512xf32, #tpu.memory_space<hbm>>
    %dma_start3A_18 = arith.constant 0 : i32
    %dma_start3A_19 = tpu.memref_slice %arg2[%shift_right_arithmetic3A_1, %dma_start3A, %add3A_14, %dma_start3A_18] : memref<16x1x512x512xf32, #tpu.memory_space<hbm>> -> memref<1x1x16x512xf32, #tpu.memory_space<hbm>>
    %dma_start3A_20 = tpu.memref_squeeze %dma_start3A_19 : memref<1x1x16x512xf32, #tpu.memory_space<hbm>> -> memref<16x512xf32, #tpu.memory_space<hbm>>
    tpu.enqueue_dma source(%dma_start3A_20 : memref<16x512xf32, #tpu.memory_space<hbm>>) target(%arg5 : memref<16x512xf32, #tpu.memory_space<vmem>>) target_semaphore(%arg14 : memref<!tpu.dma_semaphore, #tpu.memory_space<semaphore_mem>>)
    %dma_start3A_21 = arith.constant 0 : i32
    %dma_start3A_22 = arith.constant 0 : i32
    %dma_start3A_23 = tpu.memref_slice %arg3[%shift_right_arithmetic3A_1, %dma_start3A_21, %add3A_14, %dma_start3A_22] : memref<16x1x512x512xf32, #tpu.memory_space<hbm>> -> memref<1x1x16x512xf32, #tpu.memory_space<hbm>>
    %dma_start3A_24 = tpu.memref_squeeze %dma_start3A_23 : memref<1x1x16x512xf32, #tpu.memory_space<hbm>> -> memref<16x512xf32, #tpu.memory_space<hbm>>
    %dma_start3A_25 = arith.constant 0 : i32
    %dma_start3A_26 = tpu.memref_slice %arg3[%shift_right_arithmetic3A_1, %dma_start3A_21, %add3A_14, %dma_start3A_25] : memref<16x1x512x512xf32, #tpu.memory_space<hbm>> -> memref<1x1x16x512xf32, #tpu.memory_space<hbm>>
    %dma_start3A_27 = tpu.memref_squeeze %dma_start3A_26 : memref<1x1x16x512xf32, #tpu.memory_space<hbm>> -> memref<16x512xf32, #tpu.memory_space<hbm>>
    tpu.enqueue_dma source(%dma_start3A_27 : memref<16x512xf32, #tpu.memory_space<hbm>>) target(%arg9 : memref<16x512xf32, #tpu.memory_space<vmem>>) target_semaphore(%arg18 : memref<!tpu.dma_semaphore, #tpu.memory_space<semaphore_mem>>)
    %add3A_28 = arith.constant 16 : i32
    %add3A_29 = arith.addi %mul3A_4, %add3A_28 : i32
    %dma_start3A_30 = arith.constant 0 : i32
    %dma_start3A_31 = arith.constant 0 : i32
    %dma_start3A_32 = tpu.memref_slice %arg2[%shift_right_arithmetic3A_1, %dma_start3A_30, %add3A_29, %dma_start3A_31] : memref<16x1x512x512xf32, #tpu.memory_space<hbm>> -> memref<1x1x16x512xf32, #tpu.memory_space<hbm>>
    %dma_start3A_33 = tpu.memref_squeeze %dma_start3A_32 : memref<1x1x16x512xf32, #tpu.memory_space<hbm>> -> memref<16x512xf32, #tpu.memory_space<hbm>>
    %dma_start3A_34 = arith.constant 0 : i32
    %dma_start3A_35 = tpu.memref_slice %arg2[%shift_right_arithmetic3A_1, %dma_start3A_30, %add3A_29, %dma_start3A_34] : memref<16x1x512x512xf32, #tpu.memory_space<hbm>> -> memref<1x1x16x512xf32, #tpu.memory_space<hbm>>
    %dma_start3A_36 = tpu.memref_squeeze %dma_start3A_35 : memref<1x1x16x512xf32, #tpu.memory_space<hbm>> -> memref<16x512xf32, #tpu.memory_space<hbm>>
    tpu.enqueue_dma source(%dma_start3A_36 : memref<16x512xf32, #tpu.memory_space<hbm>>) target(%arg6 : memref<16x512xf32, #tpu.memory_space<vmem>>) target_semaphore(%arg15 : memref<!tpu.dma_semaphore, #tpu.memory_space<semaphore_mem>>)
    %dma_start3A_37 = arith.constant 0 : i32
    %dma_start3A_38 = arith.constant 0 : i32
    %dma_start3A_39 = tpu.memref_slice %arg3[%shift_right_arithmetic3A_1, %dma_start3A_37, %add3A_29, %dma_start3A_38] : memref<16x1x512x512xf32, #tpu.memory_space<hbm>> -> memref<1x1x16x512xf32, #tpu.memory_space<hbm>>
    %dma_start3A_40 = tpu.memref_squeeze %dma_start3A_39 : memref<1x1x16x512xf32, #tpu.memory_space<hbm>> -> memref<16x512xf32, #tpu.memory_space<hbm>>
    %dma_start3A_41 = arith.constant 0 : i32
    %dma_start3A_42 = tpu.memref_slice %arg3[%shift_right_arithmetic3A_1, %dma_start3A_37, %add3A_29, %dma_start3A_41] : memref<16x1x512x512xf32, #tpu.memory_space<hbm>> -> memref<1x1x16x512xf32, #tpu.memory_space<hbm>>
    %dma_start3A_43 = tpu.memref_squeeze %dma_start3A_42 : memref<1x1x16x512xf32, #tpu.memory_space<hbm>> -> memref<16x512xf32, #tpu.memory_space<hbm>>
    tpu.enqueue_dma source(%dma_start3A_43 : memref<16x512xf32, #tpu.memory_space<hbm>>) target(%arg10 : memref<16x512xf32, #tpu.memory_space<vmem>>) target_semaphore(%arg19 : memref<!tpu.dma_semaphore, #tpu.memory_space<semaphore_mem>>)
    %add3A_44 = arith.constant 32 : i32
    %add3A_45 = arith.addi %mul3A_4, %add3A_44 : i32
    %dma_start3A_46 = arith.constant 0 : i32
    %dma_start3A_47 = arith.constant 0 : i32
    %dma_start3A_48 = tpu.memref_slice %arg2[%shift_right_arithmetic3A_1, %dma_start3A_46, %add3A_45, %dma_start3A_47] : memref<16x1x512x512xf32, #tpu.memory_space<hbm>> -> memref<1x1x16x512xf32, #tpu.memory_space<hbm>>
    %dma_start3A_49 = tpu.memref_squeeze %dma_start3A_48 : memref<1x1x16x512xf32, #tpu.memory_space<hbm>> -> memref<16x512xf32, #tpu.memory_space<hbm>>
    %dma_start3A_50 = arith.constant 0 : i32
    %dma_start3A_51 = tpu.memref_slice %arg2[%shift_right_arithmetic3A_1, %dma_start3A_46, %add3A_45, %dma_start3A_50] : memref<16x1x512x512xf32, #tpu.memory_space<hbm>> -> memref<1x1x16x512xf32, #tpu.memory_space<hbm>>
    %dma_start3A_52 = tpu.memref_squeeze %dma_start3A_51 : memref<1x1x16x512xf32, #tpu.memory_space<hbm>> -> memref<16x512xf32, #tpu.memory_space<hbm>>
    tpu.enqueue_dma source(%dma_start3A_52 : memref<16x512xf32, #tpu.memory_space<hbm>>) target(%arg7 : memref<16x512xf32, #tpu.memory_space<vmem>>) target_semaphore(%arg16 : memref<!tpu.dma_semaphore, #tpu.memory_space<semaphore_mem>>)
    %dma_start3A_53 = arith.constant 0 : i32
    %dma_start3A_54 = arith.constant 0 : i32
    %dma_start3A_55 = tpu.memref_slice %arg3[%shift_right_arithmetic3A_1, %dma_start3A_53, %add3A_45, %dma_start3A_54] : memref<16x1x512x512xf32, #tpu.memory_space<hbm>> -> memref<1x1x16x512xf32, #tpu.memory_space<hbm>>
    %dma_start3A_56 = tpu.memref_squeeze %dma_start3A_55 : memref<1x1x16x512xf32, #tpu.memory_space<hbm>> -> memref<16x512xf32, #tpu.memory_space<hbm>>
    %dma_start3A_57 = arith.constant 0 : i32
    %dma_start3A_58 = tpu.memref_slice %arg3[%shift_right_arithmetic3A_1, %dma_start3A_53, %add3A_45, %dma_start3A_57] : memref<16x1x512x512xf32, #tpu.memory_space<hbm>> -> memref<1x1x16x512xf32, #tpu.memory_space<hbm>>
    %dma_start3A_59 = tpu.memref_squeeze %dma_start3A_58 : memref<1x1x16x512xf32, #tpu.memory_space<hbm>> -> memref<16x512xf32, #tpu.memory_space<hbm>>
    tpu.enqueue_dma source(%dma_start3A_59 : memref<16x512xf32, #tpu.memory_space<hbm>>) target(%arg11 : memref<16x512xf32, #tpu.memory_space<vmem>>) target_semaphore(%arg20 : memref<!tpu.dma_semaphore, #tpu.memory_space<semaphore_mem>>)
    %scan3A_60 = arith.constant 0 : i32
    %scan3A_61 = arith.constant 0 : i32
    %scan3A_62 = arith.constant 4 : i32
    %scan3A_63 = arith.addi %scan3A_61, %scan3A_62 : i32
    %scan3A_64 = arith.constant 1 : i32
    scf.for %scan3A_68 = %scan3A_61 to %scan3A_63 step %scan3A_64  : i32 {
      %mul3A_69 = arith.constant 4 : i32
      %mul3A_70 = arith.muli %scan3A_68, %mul3A_69 : i32
      %add3A_71 = arith.constant 0 : i32
      %add3A_72 = arith.addi %mul3A_70, %add3A_71 : i32
      %add3A_73 = arith.constant 4 : i32
      %add3A_74 = arith.addi %add3A_72, %add3A_73 : i32
      %sub3A = arith.constant 1 : i32
      %sub3A_75 = arith.subi %add3A_74, %sub3A : i32
      %lt3A = arith.constant 16 : i32
      %lt3A_76 = arith.cmpi slt, %sub3A_75, %lt3A : i32
      %convert_element_type3A = arith.extui %lt3A_76 : i1 to i32
      %cond3A = arith.constant 0 : i32
      %cond3A_77 = arith.cmpi ne, %convert_element_type3A, %cond3A : i32
      scf.if %cond3A_77 {
        %add3A_220 = arith.constant 4 : i32
        %add3A_221 = arith.addi %add3A_72, %add3A_220 : i32
        %sub3A_222 = arith.constant 1 : i32
        %sub3A_223 = arith.subi %add3A_221, %sub3A_222 : i32
        %mul3A_224 = arith.constant 16 : i32
        %mul3A_225 = arith.muli %sub3A_223, %mul3A_224 : i32
        %add3A_226 = arith.addi %mul3A_4, %mul3A_225 : i32
        %dma_start3A_227 = arith.constant 0 : i32
        %dma_start3A_228 = arith.constant 0 : i32
        %dma_start3A_229 = tpu.memref_slice %arg2[%shift_right_arithmetic3A_1, %dma_start3A_227, %add3A_226, %dma_start3A_228] : memref<16x1x512x512xf32, #tpu.memory_space<hbm>> -> memref<1x1x16x512xf32, #tpu.memory_space<hbm>>
        %dma_start3A_230 = tpu.memref_squeeze %dma_start3A_229 : memref<1x1x16x512xf32, #tpu.memory_space<hbm>> -> memref<16x512xf32, #tpu.memory_space<hbm>>
        %dma_start3A_231 = arith.constant 0 : i32
        %dma_start3A_232 = tpu.memref_slice %arg2[%shift_right_arithmetic3A_1, %dma_start3A_227, %add3A_226, %dma_start3A_231] : memref<16x1x512x512xf32, #tpu.memory_space<hbm>> -> memref<1x1x16x512xf32, #tpu.memory_space<hbm>>
        %dma_start3A_233 = tpu.memref_squeeze %dma_start3A_232 : memref<1x1x16x512xf32, #tpu.memory_space<hbm>> -> memref<16x512xf32, #tpu.memory_space<hbm>>
        tpu.enqueue_dma source(%dma_start3A_233 : memref<16x512xf32, #tpu.memory_space<hbm>>) target(%arg8 : memref<16x512xf32, #tpu.memory_space<vmem>>) target_semaphore(%arg17 : memref<!tpu.dma_semaphore, #tpu.memory_space<semaphore_mem>>)
        %dma_start3A_234 = arith.constant 0 : i32
        %dma_start3A_235 = arith.constant 0 : i32
        %dma_start3A_236 = tpu.memref_slice %arg3[%shift_right_arithmetic3A_1, %dma_start3A_234, %add3A_226, %dma_start3A_235] : memref<16x1x512x512xf32, #tpu.memory_space<hbm>> -> memref<1x1x16x512xf32, #tpu.memory_space<hbm>>
        %dma_start3A_237 = tpu.memref_squeeze %dma_start3A_236 : memref<1x1x16x512xf32, #tpu.memory_space<hbm>> -> memref<16x512xf32, #tpu.memory_space<hbm>>
        %dma_start3A_238 = arith.constant 0 : i32
        %dma_start3A_239 = tpu.memref_slice %arg3[%shift_right_arithmetic3A_1, %dma_start3A_234, %add3A_226, %dma_start3A_238] : memref<16x1x512x512xf32, #tpu.memory_space<hbm>> -> memref<1x1x16x512xf32, #tpu.memory_space<hbm>>
        %dma_start3A_240 = tpu.memref_squeeze %dma_start3A_239 : memref<1x1x16x512xf32, #tpu.memory_space<hbm>> -> memref<16x512xf32, #tpu.memory_space<hbm>>
        tpu.enqueue_dma source(%dma_start3A_240 : memref<16x512xf32, #tpu.memory_space<hbm>>) target(%arg12 : memref<16x512xf32, #tpu.memory_space<vmem>>) target_semaphore(%arg21 : memref<!tpu.dma_semaphore, #tpu.memory_space<semaphore_mem>>)
      } else {
      }
      %dma_wait3A = arith.constant 0 : i32
      %dma_wait3A_78 = arith.constant 0 : i32
      %dma_wait3A_79 = arith.constant 0 : i32
      %dma_wait3A_80 = arith.constant 0 : i32
      %dma_wait3A_81 = tpu.memref_slice %arg2[%dma_wait3A, %dma_wait3A_78, %dma_wait3A_79, %dma_wait3A_80] : memref<16x1x512x512xf32, #tpu.memory_space<hbm>> -> memref<1x1x16x512xf32, #tpu.memory_space<hbm>>
      %dma_wait3A_82 = tpu.memref_squeeze %dma_wait3A_81 : memref<1x1x16x512xf32, #tpu.memory_space<hbm>> -> memref<16x512xf32, #tpu.memory_space<hbm>>
      %dma_wait3A_83 = arith.constant 0 : i32
      %dma_wait3A_84 = arith.constant 0 : i32
      %dma_wait3A_85 = tpu.memref_slice %arg2[%dma_wait3A, %dma_wait3A_78, %dma_wait3A_83, %dma_wait3A_84] : memref<16x1x512x512xf32, #tpu.memory_space<hbm>> -> memref<1x1x16x512xf32, #tpu.memory_space<hbm>>
      %dma_wait3A_86 = tpu.memref_squeeze %dma_wait3A_85 : memref<1x1x16x512xf32, #tpu.memory_space<hbm>> -> memref<16x512xf32, #tpu.memory_space<hbm>>
      tpu.wait_dma2 semaphore(%arg14 : memref<!tpu.dma_semaphore, #tpu.memory_space<semaphore_mem>>) src(%dma_wait3A_86 : memref<16x512xf32, #tpu.memory_space<hbm>>) dst(%arg5 : memref<16x512xf32, #tpu.memory_space<vmem>>)
      %dma_wait3A_87 = arith.constant 0 : i32
      %dma_wait3A_88 = arith.constant 0 : i32
      %dma_wait3A_89 = arith.constant 0 : i32
      %dma_wait3A_90 = arith.constant 0 : i32
      %dma_wait3A_91 = tpu.memref_slice %arg3[%dma_wait3A_87, %dma_wait3A_88, %dma_wait3A_89, %dma_wait3A_90] : memref<16x1x512x512xf32, #tpu.memory_space<hbm>> -> memref<1x1x16x512xf32, #tpu.memory_space<hbm>>
      %dma_wait3A_92 = tpu.memref_squeeze %dma_wait3A_91 : memref<1x1x16x512xf32, #tpu.memory_space<hbm>> -> memref<16x512xf32, #tpu.memory_space<hbm>>
      %dma_wait3A_93 = arith.constant 0 : i32
      %dma_wait3A_94 = arith.constant 0 : i32
      %dma_wait3A_95 = tpu.memref_slice %arg3[%dma_wait3A_87, %dma_wait3A_88, %dma_wait3A_93, %dma_wait3A_94] : memref<16x1x512x512xf32, #tpu.memory_space<hbm>> -> memref<1x1x16x512xf32, #tpu.memory_space<hbm>>
      %dma_wait3A_96 = tpu.memref_squeeze %dma_wait3A_95 : memref<1x1x16x512xf32, #tpu.memory_space<hbm>> -> memref<16x512xf32, #tpu.memory_space<hbm>>
      tpu.wait_dma2 semaphore(%arg18 : memref<!tpu.dma_semaphore, #tpu.memory_space<semaphore_mem>>) src(%dma_wait3A_96 : memref<16x512xf32, #tpu.memory_space<hbm>>) dst(%arg9 : memref<16x512xf32, #tpu.memory_space<vmem>>)
      %scan3A_97 = arith.constant 0 : i32
      %scan3A_98 = arith.constant 0 : i32
      %scan3A_99 = arith.constant 16 : i32
      %scan3A_100 = arith.addi %scan3A_98, %scan3A_99 : i32
      %scan3A_101 = arith.constant 1 : i32
      scf.for %scan3A_220 = %scan3A_98 to %scan3A_100 step %scan3A_101  : i32 {
        %get3A = arith.index_cast %scan3A_220 : i32 to index
        %get3A_221 = arith.constant 0 : index
        %get3A_222 = tpu.vector_load %arg5[%get3A, %get3A_221] {strides = array<i32>} : memref<16x512xf32, #tpu.memory_space<vmem>>, vector<16xf32>,
        %get3A_223 = arith.index_cast %scan3A_220 : i32 to index
        %get3A_224 = arith.constant 16 : index
        %get3A_225 = tpu.vector_load %arg5[%get3A_223, %get3A_224] {strides = array<i32>} : memref<16x512xf32, #tpu.memory_space<vmem>>, vector<16xf32>,
        %get3A_226 = arith.index_cast %scan3A_220 : i32 to index
        %get3A_227 = arith.constant 32 : index
        %get3A_228 = tpu.vector_load %arg5[%get3A_226, %get3A_227] {strides = array<i32>} : memref<16x512xf32, #tpu.memory_space<vmem>>, vector<16xf32>,
        %get3A_229 = arith.index_cast %scan3A_220 : i32 to index
        %get3A_230 = arith.constant 48 : index
        %get3A_231 = tpu.vector_load %arg5[%get3A_229, %get3A_230] {strides = array<i32>} : memref<16x512xf32, #tpu.memory_space<vmem>>, vector<16xf32>,
        %get3A_232 = arith.index_cast %scan3A_220 : i32 to index
        %get3A_233 = arith.constant 64 : index
        %get3A_234 = tpu.vector_load %arg5[%get3A_232, %get3A_233] {strides = array<i32>} : memref<16x512xf32, #tpu.memory_space<vmem>>, vector<16xf32>,
        %get3A_235 = arith.index_cast %scan3A_220 : i32 to index
        %get3A_236 = arith.constant 80 : index
        %get3A_237 = tpu.vector_load %arg5[%get3A_235, %get3A_236] {strides = array<i32>} : memref<16x512xf32, #tpu.memory_space<vmem>>, vector<16xf32>,
        %get3A_238 = arith.index_cast %scan3A_220 : i32 to index
        %get3A_239 = arith.constant 96 : index
        %get3A_240 = tpu.vector_load %arg5[%get3A_238, %get3A_239] {strides = array<i32>} : memref<16x512xf32, #tpu.memory_space<vmem>>, vector<16xf32>,
        %get3A_241 = arith.index_cast %scan3A_220 : i32 to index
        %get3A_242 = arith.constant 112 : index
        %get3A_243 = tpu.vector_load %arg5[%get3A_241, %get3A_242] {strides = array<i32>} : memref<16x512xf32, #tpu.memory_space<vmem>>, vector<16xf32>,
        %get3A_244 = arith.index_cast %scan3A_220 : i32 to index
        %get3A_245 = arith.constant 0 : index
        %get3A_246 = tpu.vector_load %arg9[%get3A_244, %get3A_245] {strides = array<i32>} : memref<16x512xf32, #tpu.memory_space<vmem>>, vector<16xf32>,
        %get3A_247 = arith.index_cast %scan3A_220 : i32 to index
        %get3A_248 = arith.constant 16 : index
        %get3A_249 = tpu.vector_load %arg9[%get3A_247, %get3A_248] {strides = array<i32>} : memref<16x512xf32, #tpu.memory_space<vmem>>, vector<16xf32>,
        %get3A_250 = arith.index_cast %scan3A_220 : i32 to index
        %get3A_251 = arith.constant 32 : index
        %get3A_252 = tpu.vector_load %arg9[%get3A_250, %get3A_251] {strides = array<i32>} : memref<16x512xf32, #tpu.memory_space<vmem>>, vector<16xf32>,
        %get3A_253 = arith.index_cast %scan3A_220 : i32 to index
        %get3A_254 = arith.constant 48 : index
        %get3A_255 = tpu.vector_load %arg9[%get3A_253, %get3A_254] {strides = array<i32>} : memref<16x512xf32, #tpu.memory_space<vmem>>, vector<16xf32>,
        %get3A_256 = arith.index_cast %scan3A_220 : i32 to index
        %get3A_257 = arith.constant 64 : index
        %get3A_258 = tpu.vector_load %arg9[%get3A_256, %get3A_257] {strides = array<i32>} : memref<16x512xf32, #tpu.memory_space<vmem>>, vector<16xf32>,
        %get3A_259 = arith.index_cast %scan3A_220 : i32 to index
        %get3A_260 = arith.constant 80 : index
        %get3A_261 = tpu.vector_load %arg9[%get3A_259, %get3A_260] {strides = array<i32>} : memref<16x512xf32, #tpu.memory_space<vmem>>, vector<16xf32>,
        %get3A_262 = arith.index_cast %scan3A_220 : i32 to index
        %get3A_263 = arith.constant 96 : index
        %get3A_264 = tpu.vector_load %arg9[%get3A_262, %get3A_263] {strides = array<i32>} : memref<16x512xf32, #tpu.memory_space<vmem>>, vector<16xf32>,
        %get3A_265 = arith.index_cast %scan3A_220 : i32 to index
        %get3A_266 = arith.constant 112 : index
        %get3A_267 = tpu.vector_load %arg9[%get3A_265, %get3A_266] {strides = array<i32>} : memref<16x512xf32, #tpu.memory_space<vmem>>, vector<16xf32>,
        %sub3A_268 = arith.constant 1.000000e+00 : f32
        %sub3A_269 = vector.broadcast %sub3A_268 : f32 to vector<16xf32>
        %sub3A_270 = arith.subf %sub3A_269, %get3A_222 : vector<16xf32>
        %max3A = arith.maximumf %sub3A_270, %get3A_246 : vector<16xf32>
        %bitcast3A = vector.bitcast %max3A : vector<16xf32> to vector<16xi32>
        %shift_right_arithmetic3A_271 = arith.constant 17 : i32
        %shift_right_arithmetic3A_272 = vector.broadcast %shift_right_arithmetic3A_271 : i32 to vector<16xi32>
        %shift_right_arithmetic3A_273 = arith.shrsi %bitcast3A, %shift_right_arithmetic3A_272 : vector<16xi32>
        %sub3A_274 = arith.constant 8128 : i32
        %sub3A_275 = vector.broadcast %sub3A_274 : i32 to vector<16xi32>
        %sub3A_276 = arith.subi %sub3A_275, %shift_right_arithmetic3A_273 : vector<16xi32>
        %min3A = arith.constant 2047 : i32
        %min3A_277 = vector.broadcast %min3A : i32 to vector<16xi32>
        %min3A_278 = arith.minui %sub3A_276, %min3A_277 : vector<16xi32>
        %shift_right_arithmetic3A_279 = arith.constant 3 : i32
        %shift_right_arithmetic3A_280 = vector.broadcast %shift_right_arithmetic3A_279 : i32 to vector<16xi32>
        %shift_right_arithmetic3A_281 = arith.shrsi %min3A_278, %shift_right_arithmetic3A_280 : vector<16xi32>
        %and3A_282 = arith.constant 7 : i32
        %and3A_283 = vector.broadcast %and3A_282 : i32 to vector<16xi32>
        %and3A_284 = arith.andi %min3A_278, %and3A_283 : vector<16xi32>
        %shift_left3A = arith.constant 4 : i32
        %shift_left3A_285 = vector.broadcast %shift_left3A : i32 to vector<16xi32>
        %shift_left3A_286 = arith.shli %and3A_284, %shift_left3A_285 : vector<16xi32>
        %add3A_287 = arith.addi %shift_left3A_286, %iota3A : vector<16xi32>
        %sub3A_288 = arith.constant 1.000000e+00 : f32
        %sub3A_289 = vector.broadcast %sub3A_288 : f32 to vector<16xf32>
        %sub3A_290 = arith.subf %sub3A_289, %get3A_225 : vector<16xf32>
        %max3A_291 = arith.maximumf %sub3A_290, %get3A_249 : vector<16xf32>
        %bitcast3A_292 = vector.bitcast %max3A_291 : vector<16xf32> to vector<16xi32>
        %shift_right_arithmetic3A_293 = arith.constant 17 : i32
        %shift_right_arithmetic3A_294 = vector.broadcast %shift_right_arithmetic3A_293 : i32 to vector<16xi32>
        %shift_right_arithmetic3A_295 = arith.shrsi %bitcast3A_292, %shift_right_arithmetic3A_294 : vector<16xi32>
        %sub3A_296 = arith.constant 8128 : i32
        %sub3A_297 = vector.broadcast %sub3A_296 : i32 to vector<16xi32>
        %sub3A_298 = arith.subi %sub3A_297, %shift_right_arithmetic3A_295 : vector<16xi32>
        %min3A_299 = arith.constant 2047 : i32
        %min3A_300 = vector.broadcast %min3A_299 : i32 to vector<16xi32>
        %min3A_301 = arith.minui %sub3A_298, %min3A_300 : vector<16xi32>
        %shift_right_arithmetic3A_302 = arith.constant 3 : i32
        %shift_right_arithmetic3A_303 = vector.broadcast %shift_right_arithmetic3A_302 : i32 to vector<16xi32>
        %shift_right_arithmetic3A_304 = arith.shrsi %min3A_301, %shift_right_arithmetic3A_303 : vector<16xi32>
        %and3A_305 = arith.constant 7 : i32
        %and3A_306 = vector.broadcast %and3A_305 : i32 to vector<16xi32>
        %and3A_307 = arith.andi %min3A_301, %and3A_306 : vector<16xi32>
        %shift_left3A_308 = arith.constant 4 : i32
        %shift_left3A_309 = vector.broadcast %shift_left3A_308 : i32 to vector<16xi32>
        %shift_left3A_310 = arith.shli %and3A_307, %shift_left3A_309 : vector<16xi32>
        %add3A_311 = arith.addi %shift_left3A_310, %iota3A : vector<16xi32>
        %sub3A_312 = arith.constant 1.000000e+00 : f32
        %sub3A_313 = vector.broadcast %sub3A_312 : f32 to vector<16xf32>
        %sub3A_314 = arith.subf %sub3A_313, %get3A_228 : vector<16xf32>
        %max3A_315 = arith.maximumf %sub3A_314, %get3A_252 : vector<16xf32>
        %bitcast3A_316 = vector.bitcast %max3A_315 : vector<16xf32> to vector<16xi32>
        %shift_right_arithmetic3A_317 = arith.constant 17 : i32
        %shift_right_arithmetic3A_318 = vector.broadcast %shift_right_arithmetic3A_317 : i32 to vector<16xi32>
        %shift_right_arithmetic3A_319 = arith.shrsi %bitcast3A_316, %shift_right_arithmetic3A_318 : vector<16xi32>
        %sub3A_320 = arith.constant 8128 : i32
        %sub3A_321 = vector.broadcast %sub3A_320 : i32 to vector<16xi32>
        %sub3A_322 = arith.subi %sub3A_321, %shift_right_arithmetic3A_319 : vector<16xi32>
        %min3A_323 = arith.constant 2047 : i32
        %min3A_324 = vector.broadcast %min3A_323 : i32 to vector<16xi32>
        %min3A_325 = arith.minui %sub3A_322, %min3A_324 : vector<16xi32>
        %shift_right_arithmetic3A_326 = arith.constant 3 : i32
        %shift_right_arithmetic3A_327 = vector.broadcast %shift_right_arithmetic3A_326 : i32 to vector<16xi32>
        %shift_right_arithmetic3A_328 = arith.shrsi %min3A_325, %shift_right_arithmetic3A_327 : vector<16xi32>
        %and3A_329 = arith.constant 7 : i32
        %and3A_330 = vector.broadcast %and3A_329 : i32 to vector<16xi32>
        %and3A_331 = arith.andi %min3A_325, %and3A_330 : vector<16xi32>
        %shift_left3A_332 = arith.constant 4 : i32
        %shift_left3A_333 = vector.broadcast %shift_left3A_332 : i32 to vector<16xi32>
        %shift_left3A_334 = arith.shli %and3A_331, %shift_left3A_333 : vector<16xi32>
        %add3A_335 = arith.addi %shift_left3A_334, %iota3A : vector<16xi32>
        %sub3A_336 = arith.constant 1.000000e+00 : f32
        %sub3A_337 = vector.broadcast %sub3A_336 : f32 to vector<16xf32>
        %sub3A_338 = arith.subf %sub3A_337, %get3A_231 : vector<16xf32>
        %max3A_339 = arith.maximumf %sub3A_338, %get3A_255 : vector<16xf32>
        %bitcast3A_340 = vector.bitcast %max3A_339 : vector<16xf32> to vector<16xi32>
        %shift_right_arithmetic3A_341 = arith.constant 17 : i32
        %shift_right_arithmetic3A_342 = vector.broadcast %shift_right_arithmetic3A_341 : i32 to vector<16xi32>
        %shift_right_arithmetic3A_343 = arith.shrsi %bitcast3A_340, %shift_right_arithmetic3A_342 : vector<16xi32>
        %sub3A_344 = arith.constant 8128 : i32
        %sub3A_345 = vector.broadcast %sub3A_344 : i32 to vector<16xi32>
        %sub3A_346 = arith.subi %sub3A_345, %shift_right_arithmetic3A_343 : vector<16xi32>
        %min3A_347 = arith.constant 2047 : i32
        %min3A_348 = vector.broadcast %min3A_347 : i32 to vector<16xi32>
        %min3A_349 = arith.minui %sub3A_346, %min3A_348 : vector<16xi32>
        %shift_right_arithmetic3A_350 = arith.constant 3 : i32
        %shift_right_arithmetic3A_351 = vector.broadcast %shift_right_arithmetic3A_350 : i32 to vector<16xi32>
        %shift_right_arithmetic3A_352 = arith.shrsi %min3A_349, %shift_right_arithmetic3A_351 : vector<16xi32>
        %and3A_353 = arith.constant 7 : i32
        %and3A_354 = vector.broadcast %and3A_353 : i32 to vector<16xi32>
        %and3A_355 = arith.andi %min3A_349, %and3A_354 : vector<16xi32>
        %shift_left3A_356 = arith.constant 4 : i32
        %shift_left3A_357 = vector.broadcast %shift_left3A_356 : i32 to vector<16xi32>
        %shift_left3A_358 = arith.shli %and3A_355, %shift_left3A_357 : vector<16xi32>
        %add3A_359 = arith.addi %shift_left3A_358, %iota3A : vector<16xi32>
        %sub3A_360 = arith.constant 1.000000e+00 : f32
        %sub3A_361 = vector.broadcast %sub3A_360 : f32 to vector<16xf32>
        %sub3A_362 = arith.subf %sub3A_361, %get3A_234 : vector<16xf32>
        %max3A_363 = arith.maximumf %sub3A_362, %get3A_258 : vector<16xf32>
        %bitcast3A_364 = vector.bitcast %max3A_363 : vector<16xf32> to vector<16xi32>
        %shift_right_arithmetic3A_365 = arith.constant 17 : i32
        %shift_right_arithmetic3A_366 = vector.broadcast %shift_right_arithmetic3A_365 : i32 to vector<16xi32>
        %shift_right_arithmetic3A_367 = arith.shrsi %bitcast3A_364, %shift_right_arithmetic3A_366 : vector<16xi32>
        %sub3A_368 = arith.constant 8128 : i32
        %sub3A_369 = vector.broadcast %sub3A_368 : i32 to vector<16xi32>
        %sub3A_370 = arith.subi %sub3A_369, %shift_right_arithmetic3A_367 : vector<16xi32>
        %min3A_371 = arith.constant 2047 : i32
        %min3A_372 = vector.broadcast %min3A_371 : i32 to vector<16xi32>
        %min3A_373 = arith.minui %sub3A_370, %min3A_372 : vector<16xi32>
        %shift_right_arithmetic3A_374 = arith.constant 3 : i32
        %shift_right_arithmetic3A_375 = vector.broadcast %shift_right_arithmetic3A_374 : i32 to vector<16xi32>
        %shift_right_arithmetic3A_376 = arith.shrsi %min3A_373, %shift_right_arithmetic3A_375 : vector<16xi32>
        %and3A_377 = arith.constant 7 : i32
        %and3A_378 = vector.broadcast %and3A_377 : i32 to vector<16xi32>
        %and3A_379 = arith.andi %min3A_373, %and3A_378 : vector<16xi32>
        %shift_left3A_380 = arith.constant 4 : i32
        %shift_left3A_381 = vector.broadcast %shift_left3A_380 : i32 to vector<16xi32>
        %shift_left3A_382 = arith.shli %and3A_379, %shift_left3A_381 : vector<16xi32>
        %add3A_383 = arith.addi %shift_left3A_382, %iota3A : vector<16xi32>
        %sub3A_384 = arith.constant 1.000000e+00 : f32
        %sub3A_385 = vector.broadcast %sub3A_384 : f32 to vector<16xf32>
        %sub3A_386 = arith.subf %sub3A_385, %get3A_237 : vector<16xf32>
        %max3A_387 = arith.maximumf %sub3A_386, %get3A_261 : vector<16xf32>
        %bitcast3A_388 = vector.bitcast %max3A_387 : vector<16xf32> to vector<16xi32>
        %shift_right_arithmetic3A_389 = arith.constant 17 : i32
        %shift_right_arithmetic3A_390 = vector.broadcast %shift_right_arithmetic3A_389 : i32 to vector<16xi32>
        %shift_right_arithmetic3A_391 = arith.shrsi %bitcast3A_388, %shift_right_arithmetic3A_390 : vector<16xi32>
        %sub3A_392 = arith.constant 8128 : i32
        %sub3A_393 = vector.broadcast %sub3A_392 : i32 to vector<16xi32>
        %sub3A_394 = arith.subi %sub3A_393, %shift_right_arithmetic3A_391 : vector<16xi32>
        %min3A_395 = arith.constant 2047 : i32
        %min3A_396 = vector.broadcast %min3A_395 : i32 to vector<16xi32>
        %min3A_397 = arith.minui %sub3A_394, %min3A_396 : vector<16xi32>
        %shift_right_arithmetic3A_398 = arith.constant 3 : i32
        %shift_right_arithmetic3A_399 = vector.broadcast %shift_right_arithmetic3A_398 : i32 to vector<16xi32>
        %shift_right_arithmetic3A_400 = arith.shrsi %min3A_397, %shift_right_arithmetic3A_399 : vector<16xi32>
        %and3A_401 = arith.constant 7 : i32
        %and3A_402 = vector.broadcast %and3A_401 : i32 to vector<16xi32>
        %and3A_403 = arith.andi %min3A_397, %and3A_402 : vector<16xi32>
        %shift_left3A_404 = arith.constant 4 : i32
        %shift_left3A_405 = vector.broadcast %shift_left3A_404 : i32 to vector<16xi32>
        %shift_left3A_406 = arith.shli %and3A_403, %shift_left3A_405 : vector<16xi32>
        %add3A_407 = arith.addi %shift_left3A_406, %iota3A : vector<16xi32>
        %sub3A_408 = arith.constant 1.000000e+00 : f32
        %sub3A_409 = vector.broadcast %sub3A_408 : f32 to vector<16xf32>
        %sub3A_410 = arith.subf %sub3A_409, %get3A_240 : vector<16xf32>
        %max3A_411 = arith.maximumf %sub3A_410, %get3A_264 : vector<16xf32>
        %bitcast3A_412 = vector.bitcast %max3A_411 : vector<16xf32> to vector<16xi32>
        %shift_right_arithmetic3A_413 = arith.constant 17 : i32
        %shift_right_arithmetic3A_414 = vector.broadcast %shift_right_arithmetic3A_413 : i32 to vector<16xi32>
        %shift_right_arithmetic3A_415 = arith.shrsi %bitcast3A_412, %shift_right_arithmetic3A_414 : vector<16xi32>
        %sub3A_416 = arith.constant 8128 : i32
        %sub3A_417 = vector.broadcast %sub3A_416 : i32 to vector<16xi32>
        %sub3A_418 = arith.subi %sub3A_417, %shift_right_arithmetic3A_415 : vector<16xi32>
        %min3A_419 = arith.constant 2047 : i32
        %min3A_420 = vector.broadcast %min3A_419 : i32 to vector<16xi32>
        %min3A_421 = arith.minui %sub3A_418, %min3A_420 : vector<16xi32>
        %shift_right_arithmetic3A_422 = arith.constant 3 : i32
        %shift_right_arithmetic3A_423 = vector.broadcast %shift_right_arithmetic3A_422 : i32 to vector<16xi32>
        %shift_right_arithmetic3A_424 = arith.shrsi %min3A_421, %shift_right_arithmetic3A_423 : vector<16xi32>
        %and3A_425 = arith.constant 7 : i32
        %and3A_426 = vector.broadcast %and3A_425 : i32 to vector<16xi32>
        %and3A_427 = arith.andi %min3A_421, %and3A_426 : vector<16xi32>
        %shift_left3A_428 = arith.constant 4 : i32
        %shift_left3A_429 = vector.broadcast %shift_left3A_428 : i32 to vector<16xi32>
        %shift_left3A_430 = arith.shli %and3A_427, %shift_left3A_429 : vector<16xi32>
        %add3A_431 = arith.addi %shift_left3A_430, %iota3A : vector<16xi32>
        %sub3A_432 = arith.constant 1.000000e+00 : f32
        %sub3A_433 = vector.broadcast %sub3A_432 : f32 to vector<16xf32>
        %sub3A_434 = arith.subf %sub3A_433, %get3A_243 : vector<16xf32>
        %max3A_435 = arith.maximumf %sub3A_434, %get3A_267 : vector<16xf32>
        %bitcast3A_436 = vector.bitcast %max3A_435 : vector<16xf32> to vector<16xi32>
        %shift_right_arithmetic3A_437 = arith.constant 17 : i32
        %shift_right_arithmetic3A_438 = vector.broadcast %shift_right_arithmetic3A_437 : i32 to vector<16xi32>
        %shift_right_arithmetic3A_439 = arith.shrsi %bitcast3A_436, %shift_right_arithmetic3A_438 : vector<16xi32>
        %sub3A_440 = arith.constant 8128 : i32
        %sub3A_441 = vector.broadcast %sub3A_440 : i32 to vector<16xi32>
        %sub3A_442 = arith.subi %sub3A_441, %shift_right_arithmetic3A_439 : vector<16xi32>
        %min3A_443 = arith.constant 2047 : i32
        %min3A_444 = vector.broadcast %min3A_443 : i32 to vector<16xi32>
        %min3A_445 = arith.minui %sub3A_442, %min3A_444 : vector<16xi32>
        %shift_right_arithmetic3A_446 = arith.constant 3 : i32
        %shift_right_arithmetic3A_447 = vector.broadcast %shift_right_arithmetic3A_446 : i32 to vector<16xi32>
        %shift_right_arithmetic3A_448 = arith.shrsi %min3A_445, %shift_right_arithmetic3A_447 : vector<16xi32>
        %and3A_449 = arith.constant 7 : i32
        %and3A_450 = vector.broadcast %and3A_449 : i32 to vector<16xi32>
        %and3A_451 = arith.andi %min3A_445, %and3A_450 : vector<16xi32>
        %shift_left3A_452 = arith.constant 4 : i32
        %shift_left3A_453 = vector.broadcast %shift_left3A_452 : i32 to vector<16xi32>
        %shift_left3A_454 = arith.shli %and3A_451, %shift_left3A_453 : vector<16xi32>
        %add3A_455 = arith.addi %shift_left3A_454, %iota3A : vector<16xi32>
        tpu.vector_store_idx %arg13[%shift_right_arithmetic3A_281, %add3A_287], %broadcast_in_dim3A_7 {add = true} : memref<256x128xf32, #tpu.memory_space<vmem>>[vector<16xi32>, vector<16xi32>], vector<16xf32>,
        tpu.vector_store_idx %arg13[%shift_right_arithmetic3A_304, %add3A_311], %broadcast_in_dim3A_7 {add = true} : memref<256x128xf32, #tpu.memory_space<vmem>>[vector<16xi32>, vector<16xi32>], vector<16xf32>,
        tpu.vector_store_idx %arg13[%shift_right_arithmetic3A_328, %add3A_335], %broadcast_in_dim3A_7 {add = true} : memref<256x128xf32, #tpu.memory_space<vmem>>[vector<16xi32>, vector<16xi32>], vector<16xf32>,
        tpu.vector_store_idx %arg13[%shift_right_arithmetic3A_352, %add3A_359], %broadcast_in_dim3A_7 {add = true} : memref<256x128xf32, #tpu.memory_space<vmem>>[vector<16xi32>, vector<16xi32>], vector<16xf32>,
        tpu.vector_store_idx %arg13[%shift_right_arithmetic3A_376, %add3A_383], %broadcast_in_dim3A_7 {add = true} : memref<256x128xf32, #tpu.memory_space<vmem>>[vector<16xi32>, vector<16xi32>], vector<16xf32>,
        tpu.vector_store_idx %arg13[%shift_right_arithmetic3A_400, %add3A_407], %broadcast_in_dim3A_7 {add = true} : memref<256x128xf32, #tpu.memory_space<vmem>>[vector<16xi32>, vector<16xi32>], vector<16xf32>,
        tpu.vector_store_idx %arg13[%shift_right_arithmetic3A_424, %add3A_431], %broadcast_in_dim3A_7 {add = true} : memref<256x128xf32, #tpu.memory_space<vmem>>[vector<16xi32>, vector<16xi32>], vector<16xf32>,
        tpu.vector_store_idx %arg13[%shift_right_arithmetic3A_448, %add3A_455], %broadcast_in_dim3A_7 {add = true} : memref<256x128xf32, #tpu.memory_space<vmem>>[vector<16xi32>, vector<16xi32>], vector<16xf32>,
        %get3A_456 = arith.index_cast %scan3A_220 : i32 to index
        %get3A_457 = arith.constant 128 : index
        %get3A_458 = tpu.vector_load %arg5[%get3A_456, %get3A_457] {strides = array<i32>} : memref<16x512xf32, #tpu.memory_space<vmem>>, vector<16xf32>,
        %get3A_459 = arith.index_cast %scan3A_220 : i32 to index
        %get3A_460 = arith.constant 144 : index
        %get3A_461 = tpu.vector_load %arg5[%get3A_459, %get3A_460] {strides = array<i32>} : memref<16x512xf32, #tpu.memory_space<vmem>>, vector<16xf32>,
        %get3A_462 = arith.index_cast %scan3A_220 : i32 to index
        %get3A_463 = arith.constant 160 : index
        %get3A_464 = tpu.vector_load %arg5[%get3A_462, %get3A_463] {strides = array<i32>} : memref<16x512xf32, #tpu.memory_space<vmem>>, vector<16xf32>,
        %get3A_465 = arith.index_cast %scan3A_220 : i32 to index
        %get3A_466 = arith.constant 176 : index
        %get3A_467 = tpu.vector_load %arg5[%get3A_465, %get3A_466] {strides = array<i32>} : memref<16x512xf32, #tpu.memory_space<vmem>>, vector<16xf32>,
        %get3A_468 = arith.index_cast %scan3A_220 : i32 to index
        %get3A_469 = arith.constant 192 : index
        %get3A_470 = tpu.vector_load %arg5[%get3A_468, %get3A_469] {strides = array<i32>} : memref<16x512xf32, #tpu.memory_space<vmem>>, vector<16xf32>,
        %get3A_471 = arith.index_cast %scan3A_220 : i32 to index
        %get3A_472 = arith.constant 208 : index
        %get3A_473 = tpu.vector_load %arg5[%get3A_471, %get3A_472] {strides = array<i32>} : memref<16x512xf32, #tpu.memory_space<vmem>>, vector<16xf32>,
        %get3A_474 = arith.index_cast %scan3A_220 : i32 to index
        %get3A_475 = arith.constant 224 : index
        %get3A_476 = tpu.vector_load %arg5[%get3A_474, %get3A_475] {strides = array<i32>} : memref<16x512xf32, #tpu.memory_space<vmem>>, vector<16xf32>,
        %get3A_477 = arith.index_cast %scan3A_220 : i32 to index
        %get3A_478 = arith.constant 240 : index
        %get3A_479 = tpu.vector_load %arg5[%get3A_477, %get3A_478] {strides = array<i32>} : memref<16x512xf32, #tpu.memory_space<vmem>>, vector<16xf32>,
        %get3A_480 = arith.index_cast %scan3A_220 : i32 to index
        %get3A_481 = arith.constant 128 : index
        %get3A_482 = tpu.vector_load %arg9[%get3A_480, %get3A_481] {strides = array<i32>} : memref<16x512xf32, #tpu.memory_space<vmem>>, vector<16xf32>,
        %get3A_483 = arith.index_cast %scan3A_220 : i32 to index
        %get3A_484 = arith.constant 144 : index
        %get3A_485 = tpu.vector_load %arg9[%get3A_483, %get3A_484] {strides = array<i32>} : memref<16x512xf32, #tpu.memory_space<vmem>>, vector<16xf32>,
        %get3A_486 = arith.index_cast %scan3A_220 : i32 to index
        %get3A_487 = arith.constant 160 : index
        %get3A_488 = tpu.vector_load %arg9[%get3A_486, %get3A_487] {strides = array<i32>} : memref<16x512xf32, #tpu.memory_space<vmem>>, vector<16xf32>,
        %get3A_489 = arith.index_cast %scan3A_220 : i32 to index
        %get3A_490 = arith.constant 176 : index
        %get3A_491 = tpu.vector_load %arg9[%get3A_489, %get3A_490] {strides = array<i32>} : memref<16x512xf32, #tpu.memory_space<vmem>>, vector<16xf32>,
        %get3A_492 = arith.index_cast %scan3A_220 : i32 to index
        %get3A_493 = arith.constant 192 : index
        %get3A_494 = tpu.vector_load %arg9[%get3A_492, %get3A_493] {strides = array<i32>} : memref<16x512xf32, #tpu.memory_space<vmem>>, vector<16xf32>,
        %get3A_495 = arith.index_cast %scan3A_220 : i32 to index
        %get3A_496 = arith.constant 208 : index
        %get3A_497 = tpu.vector_load %arg9[%get3A_495, %get3A_496] {strides = array<i32>} : memref<16x512xf32, #tpu.memory_space<vmem>>, vector<16xf32>,
        %get3A_498 = arith.index_cast %scan3A_220 : i32 to index
        %get3A_499 = arith.constant 224 : index
        %get3A_500 = tpu.vector_load %arg9[%get3A_498, %get3A_499] {strides = array<i32>} : memref<16x512xf32, #tpu.memory_space<vmem>>, vector<16xf32>,
        %get3A_501 = arith.index_cast %scan3A_220 : i32 to index
        %get3A_502 = arith.constant 240 : index
        %get3A_503 = tpu.vector_load %arg9[%get3A_501, %get3A_502] {strides = array<i32>} : memref<16x512xf32, #tpu.memory_space<vmem>>, vector<16xf32>,
        %sub3A_504 = arith.constant 1.000000e+00 : f32
        %sub3A_505 = vector.broadcast %sub3A_504 : f32 to vector<16xf32>
        %sub3A_506 = arith.subf %sub3A_505, %get3A_458 : vector<16xf32>
        %max3A_507 = arith.maximumf %sub3A_506, %get3A_482 : vector<16xf32>
        %bitcast3A_508 = vector.bitcast %max3A_507 : vector<16xf32> to vector<16xi32>
        %shift_right_arithmetic3A_509 = arith.constant 17 : i32
        %shift_right_arithmetic3A_510 = vector.broadcast %shift_right_arithmetic3A_509 : i32 to vector<16xi32>
        %shift_right_arithmetic3A_511 = arith.shrsi %bitcast3A_508, %shift_right_arithmetic3A_510 : vector<16xi32>
        %sub3A_512 = arith.constant 8128 : i32
        %sub3A_513 = vector.broadcast %sub3A_512 : i32 to vector<16xi32>
        %sub3A_514 = arith.subi %sub3A_513, %shift_right_arithmetic3A_511 : vector<16xi32>
        %min3A_515 = arith.constant 2047 : i32
        %min3A_516 = vector.broadcast %min3A_515 : i32 to vector<16xi32>
        %min3A_517 = arith.minui %sub3A_514, %min3A_516 : vector<16xi32>
        %shift_right_arithmetic3A_518 = arith.constant 3 : i32
        %shift_right_arithmetic3A_519 = vector.broadcast %shift_right_arithmetic3A_518 : i32 to vector<16xi32>
        %shift_right_arithmetic3A_520 = arith.shrsi %min3A_517, %shift_right_arithmetic3A_519 : vector<16xi32>
        %and3A_521 = arith.constant 7 : i32
        %and3A_522 = vector.broadcast %and3A_521 : i32 to vector<16xi32>
        %and3A_523 = arith.andi %min3A_517, %and3A_522 : vector<16xi32>
        %shift_left3A_524 = arith.constant 4 : i32
        %shift_left3A_525 = vector.broadcast %shift_left3A_524 : i32 to vector<16xi32>
        %shift_left3A_526 = arith.shli %and3A_523, %shift_left3A_525 : vector<16xi32>
        %add3A_527 = arith.addi %shift_left3A_526, %iota3A : vector<16xi32>
        %sub3A_528 = arith.constant 1.000000e+00 : f32
        %sub3A_529 = vector.broadcast %sub3A_528 : f32 to vector<16xf32>
        %sub3A_530 = arith.subf %sub3A_529, %get3A_461 : vector<16xf32>
        %max3A_531 = arith.maximumf %sub3A_530, %get3A_485 : vector<16xf32>
        %bitcast3A_532 = vector.bitcast %max3A_531 : vector<16xf32> to vector<16xi32>
        %shift_right_arithmetic3A_533 = arith.constant 17 : i32
        %shift_right_arithmetic3A_534 = vector.broadcast %shift_right_arithmetic3A_533 : i32 to vector<16xi32>
        %shift_right_arithmetic3A_535 = arith.shrsi %bitcast3A_532, %shift_right_arithmetic3A_534 : vector<16xi32>
        %sub3A_536 = arith.constant 8128 : i32
        %sub3A_537 = vector.broadcast %sub3A_536 : i32 to vector<16xi32>
        %sub3A_538 = arith.subi %sub3A_537, %shift_right_arithmetic3A_535 : vector<16xi32>
        %min3A_539 = arith.constant 2047 : i32
        %min3A_540 = vector.broadcast %min3A_539 : i32 to vector<16xi32>
        %min3A_541 = arith.minui %sub3A_538, %min3A_540 : vector<16xi32>
        %shift_right_arithmetic3A_542 = arith.constant 3 : i32
        %shift_right_arithmetic3A_543 = vector.broadcast %shift_right_arithmetic3A_542 : i32 to vector<16xi32>
        %shift_right_arithmetic3A_544 = arith.shrsi %min3A_541, %shift_right_arithmetic3A_543 : vector<16xi32>
        %and3A_545 = arith.constant 7 : i32
        %and3A_546 = vector.broadcast %and3A_545 : i32 to vector<16xi32>
        %and3A_547 = arith.andi %min3A_541, %and3A_546 : vector<16xi32>
        %shift_left3A_548 = arith.constant 4 : i32
        %shift_left3A_549 = vector.broadcast %shift_left3A_548 : i32 to vector<16xi32>
        %shift_left3A_550 = arith.shli %and3A_547, %shift_left3A_549 : vector<16xi32>
        %add3A_551 = arith.addi %shift_left3A_550, %iota3A : vector<16xi32>
        %sub3A_552 = arith.constant 1.000000e+00 : f32
        %sub3A_553 = vector.broadcast %sub3A_552 : f32 to vector<16xf32>
        %sub3A_554 = arith.subf %sub3A_553, %get3A_464 : vector<16xf32>
        %max3A_555 = arith.maximumf %sub3A_554, %get3A_488 : vector<16xf32>
        %bitcast3A_556 = vector.bitcast %max3A_555 : vector<16xf32> to vector<16xi32>
        %shift_right_arithmetic3A_557 = arith.constant 17 : i32
        %shift_right_arithmetic3A_558 = vector.broadcast %shift_right_arithmetic3A_557 : i32 to vector<16xi32>
        %shift_right_arithmetic3A_559 = arith.shrsi %bitcast3A_556, %shift_right_arithmetic3A_558 : vector<16xi32>
        %sub3A_560 = arith.constant 8128 : i32
        %sub3A_561 = vector.broadcast %sub3A_560 : i32 to vector<16xi32>
        %sub3A_562 = arith.subi %sub3A_561, %shift_right_arithmetic3A_559 : vector<16xi32>
        %min3A_563 = arith.constant 2047 : i32
        %min3A_564 = vector.broadcast %min3A_563 : i32 to vector<16xi32>
        %min3A_565 = arith.minui %sub3A_562, %min3A_564 : vector<16xi32>
        %shift_right_arithmetic3A_566 = arith.constant 3 : i32
        %shift_right_arithmetic3A_567 = vector.broadcast %shift_right_arithmetic3A_566 : i32 to vector<16xi32>
        %shift_right_arithmetic3A_568 = arith.shrsi %min3A_565, %shift_right_arithmetic3A_567 : vector<16xi32>
        %and3A_569 = arith.constant 7 : i32
        %and3A_570 = vector.broadcast %and3A_569 : i32 to vector<16xi32>
        %and3A_571 = arith.andi %min3A_565, %and3A_570 : vector<16xi32>
        %shift_left3A_572 = arith.constant 4 : i32
        %shift_left3A_573 = vector.broadcast %shift_left3A_572 : i32 to vector<16xi32>
        %shift_left3A_574 = arith.shli %and3A_571, %shift_left3A_573 : vector<16xi32>
        %add3A_575 = arith.addi %shift_left3A_574, %iota3A : vector<16xi32>
        %sub3A_576 = arith.constant 1.000000e+00 : f32
        %sub3A_577 = vector.broadcast %sub3A_576 : f32 to vector<16xf32>
        %sub3A_578 = arith.subf %sub3A_577, %get3A_467 : vector<16xf32>
        %max3A_579 = arith.maximumf %sub3A_578, %get3A_491 : vector<16xf32>
        %bitcast3A_580 = vector.bitcast %max3A_579 : vector<16xf32> to vector<16xi32>
        %shift_right_arithmetic3A_581 = arith.constant 17 : i32
        %shift_right_arithmetic3A_582 = vector.broadcast %shift_right_arithmetic3A_581 : i32 to vector<16xi32>
        %shift_right_arithmetic3A_583 = arith.shrsi %bitcast3A_580, %shift_right_arithmetic3A_582 : vector<16xi32>
        %sub3A_584 = arith.constant 8128 : i32
        %sub3A_585 = vector.broadcast %sub3A_584 : i32 to vector<16xi32>
        %sub3A_586 = arith.subi %sub3A_585, %shift_right_arithmetic3A_583 : vector<16xi32>
        %min3A_587 = arith.constant 2047 : i32
        %min3A_588 = vector.broadcast %min3A_587 : i32 to vector<16xi32>
        %min3A_589 = arith.minui %sub3A_586, %min3A_588 : vector<16xi32>
        %shift_right_arithmetic3A_590 = arith.constant 3 : i32
        %shift_right_arithmetic3A_591 = vector.broadcast %shift_right_arithmetic3A_590 : i32 to vector<16xi32>
        %shift_right_arithmetic3A_592 = arith.shrsi %min3A_589, %shift_right_arithmetic3A_591 : vector<16xi32>
        %and3A_593 = arith.constant 7 : i32
        %and3A_594 = vector.broadcast %and3A_593 : i32 to vector<16xi32>
        %and3A_595 = arith.andi %min3A_589, %and3A_594 : vector<16xi32>
        %shift_left3A_596 = arith.constant 4 : i32
        %shift_left3A_597 = vector.broadcast %shift_left3A_596 : i32 to vector<16xi32>
        %shift_left3A_598 = arith.shli %and3A_595, %shift_left3A_597 : vector<16xi32>
        %add3A_599 = arith.addi %shift_left3A_598, %iota3A : vector<16xi32>
        %sub3A_600 = arith.constant 1.000000e+00 : f32
        %sub3A_601 = vector.broadcast %sub3A_600 : f32 to vector<16xf32>
        %sub3A_602 = arith.subf %sub3A_601, %get3A_470 : vector<16xf32>
        %max3A_603 = arith.maximumf %sub3A_602, %get3A_494 : vector<16xf32>
        %bitcast3A_604 = vector.bitcast %max3A_603 : vector<16xf32> to vector<16xi32>
        %shift_right_arithmetic3A_605 = arith.constant 17 : i32
        %shift_right_arithmetic3A_606 = vector.broadcast %shift_right_arithmetic3A_605 : i32 to vector<16xi32>
        %shift_right_arithmetic3A_607 = arith.shrsi %bitcast3A_604, %shift_right_arithmetic3A_606 : vector<16xi32>
        %sub3A_608 = arith.constant 8128 : i32
        %sub3A_609 = vector.broadcast %sub3A_608 : i32 to vector<16xi32>
        %sub3A_610 = arith.subi %sub3A_609, %shift_right_arithmetic3A_607 : vector<16xi32>
        %min3A_611 = arith.constant 2047 : i32
        %min3A_612 = vector.broadcast %min3A_611 : i32 to vector<16xi32>
        %min3A_613 = arith.minui %sub3A_610, %min3A_612 : vector<16xi32>
        %shift_right_arithmetic3A_614 = arith.constant 3 : i32
        %shift_right_arithmetic3A_615 = vector.broadcast %shift_right_arithmetic3A_614 : i32 to vector<16xi32>
        %shift_right_arithmetic3A_616 = arith.shrsi %min3A_613, %shift_right_arithmetic3A_615 : vector<16xi32>
        %and3A_617 = arith.constant 7 : i32
        %and3A_618 = vector.broadcast %and3A_617 : i32 to vector<16xi32>
        %and3A_619 = arith.andi %min3A_613, %and3A_618 : vector<16xi32>
        %shift_left3A_620 = arith.constant 4 : i32
        %shift_left3A_621 = vector.broadcast %shift_left3A_620 : i32 to vector<16xi32>
        %shift_left3A_622 = arith.shli %and3A_619, %shift_left3A_621 : vector<16xi32>
        %add3A_623 = arith.addi %shift_left3A_622, %iota3A : vector<16xi32>
        %sub3A_624 = arith.constant 1.000000e+00 : f32
        %sub3A_625 = vector.broadcast %sub3A_624 : f32 to vector<16xf32>
        %sub3A_626 = arith.subf %sub3A_625, %get3A_473 : vector<16xf32>
        %max3A_627 = arith.maximumf %sub3A_626, %get3A_497 : vector<16xf32>
        %bitcast3A_628 = vector.bitcast %max3A_627 : vector<16xf32> to vector<16xi32>
        %shift_right_arithmetic3A_629 = arith.constant 17 : i32
        %shift_right_arithmetic3A_630 = vector.broadcast %shift_right_arithmetic3A_629 : i32 to vector<16xi32>
        %shift_right_arithmetic3A_631 = arith.shrsi %bitcast3A_628, %shift_right_arithmetic3A_630 : vector<16xi32>
        %sub3A_632 = arith.constant 8128 : i32
        %sub3A_633 = vector.broadcast %sub3A_632 : i32 to vector<16xi32>
        %sub3A_634 = arith.subi %sub3A_633, %shift_right_arithmetic3A_631 : vector<16xi32>
        %min3A_635 = arith.constant 2047 : i32
        %min3A_636 = vector.broadcast %min3A_635 : i32 to vector<16xi32>
        %min3A_637 = arith.minui %sub3A_634, %min3A_636 : vector<16xi32>
        %shift_right_arithmetic3A_638 = arith.constant 3 : i32
        %shift_right_arithmetic3A_639 = vector.broadcast %shift_right_arithmetic3A_638 : i32 to vector<16xi32>
        %shift_right_arithmetic3A_640 = arith.shrsi %min3A_637, %shift_right_arithmetic3A_639 : vector<16xi32>
        %and3A_641 = arith.constant 7 : i32
        %and3A_642 = vector.broadcast %and3A_641 : i32 to vector<16xi32>
        %and3A_643 = arith.andi %min3A_637, %and3A_642 : vector<16xi32>
        %shift_left3A_644 = arith.constant 4 : i32
        %shift_left3A_645 = vector.broadcast %shift_left3A_644 : i32 to vector<16xi32>
        %shift_left3A_646 = arith.shli %and3A_643, %shift_left3A_645 : vector<16xi32>
        %add3A_647 = arith.addi %shift_left3A_646, %iota3A : vector<16xi32>
        %sub3A_648 = arith.constant 1.000000e+00 : f32
        %sub3A_649 = vector.broadcast %sub3A_648 : f32 to vector<16xf32>
        %sub3A_650 = arith.subf %sub3A_649, %get3A_476 : vector<16xf32>
        %max3A_651 = arith.maximumf %sub3A_650, %get3A_500 : vector<16xf32>
        %bitcast3A_652 = vector.bitcast %max3A_651 : vector<16xf32> to vector<16xi32>
        %shift_right_arithmetic3A_653 = arith.constant 17 : i32
        %shift_right_arithmetic3A_654 = vector.broadcast %shift_right_arithmetic3A_653 : i32 to vector<16xi32>
        %shift_right_arithmetic3A_655 = arith.shrsi %bitcast3A_652, %shift_right_arithmetic3A_654 : vector<16xi32>
        %sub3A_656 = arith.constant 8128 : i32
        %sub3A_657 = vector.broadcast %sub3A_656 : i32 to vector<16xi32>
        %sub3A_658 = arith.subi %sub3A_657, %shift_right_arithmetic3A_655 : vector<16xi32>
        %min3A_659 = arith.constant 2047 : i32
        %min3A_660 = vector.broadcast %min3A_659 : i32 to vector<16xi32>
        %min3A_661 = arith.minui %sub3A_658, %min3A_660 : vector<16xi32>
        %shift_right_arithmetic3A_662 = arith.constant 3 : i32
        %shift_right_arithmetic3A_663 = vector.broadcast %shift_right_arithmetic3A_662 : i32 to vector<16xi32>
        %shift_right_arithmetic3A_664 = arith.shrsi %min3A_661, %shift_right_arithmetic3A_663 : vector<16xi32>
        %and3A_665 = arith.constant 7 : i32
        %and3A_666 = vector.broadcast %and3A_665 : i32 to vector<16xi32>
        %and3A_667 = arith.andi %min3A_661, %and3A_666 : vector<16xi32>
        %shift_left3A_668 = arith.constant 4 : i32
        %shift_left3A_669 = vector.broadcast %shift_left3A_668 : i32 to vector<16xi32>
        %shift_left3A_670 = arith.shli %and3A_667, %shift_left3A_669 : vector<16xi32>
        %add3A_671 = arith.addi %shift_left3A_670, %iota3A : vector<16xi32>
        %sub3A_672 = arith.constant 1.000000e+00 : f32
        %sub3A_673 = vector.broadcast %sub3A_672 : f32 to vector<16xf32>
        %sub3A_674 = arith.subf %sub3A_673, %get3A_479 : vector<16xf32>
        %max3A_675 = arith.maximumf %sub3A_674, %get3A_503 : vector<16xf32>
        %bitcast3A_676 = vector.bitcast %max3A_675 : vector<16xf32> to vector<16xi32>
        %shift_right_arithmetic3A_677 = arith.constant 17 : i32
        %shift_right_arithmetic3A_678 = vector.broadcast %shift_right_arithmetic3A_677 : i32 to vector<16xi32>
        %shift_right_arithmetic3A_679 = arith.shrsi %bitcast3A_676, %shift_right_arithmetic3A_678 : vector<16xi32>
        %sub3A_680 = arith.constant 8128 : i32
        %sub3A_681 = vector.broadcast %sub3A_680 : i32 to vector<16xi32>
        %sub3A_682 = arith.subi %sub3A_681, %shift_right_arithmetic3A_679 : vector<16xi32>
        %min3A_683 = arith.constant 2047 : i32
        %min3A_684 = vector.broadcast %min3A_683 : i32 to vector<16xi32>
        %min3A_685 = arith.minui %sub3A_682, %min3A_684 : vector<16xi32>
        %shift_right_arithmetic3A_686 = arith.constant 3 : i32
        %shift_right_arithmetic3A_687 = vector.broadcast %shift_right_arithmetic3A_686 : i32 to vector<16xi32>
        %shift_right_arithmetic3A_688 = arith.shrsi %min3A_685, %shift_right_arithmetic3A_687 : vector<16xi32>
        %and3A_689 = arith.constant 7 : i32
        %and3A_690 = vector.broadcast %and3A_689 : i32 to vector<16xi32>
        %and3A_691 = arith.andi %min3A_685, %and3A_690 : vector<16xi32>
        %shift_left3A_692 = arith.constant 4 : i32
        %shift_left3A_693 = vector.broadcast %shift_left3A_692 : i32 to vector<16xi32>
        %shift_left3A_694 = arith.shli %and3A_691, %shift_left3A_693 : vector<16xi32>
        %add3A_695 = arith.addi %shift_left3A_694, %iota3A : vector<16xi32>
        tpu.vector_store_idx %arg13[%shift_right_arithmetic3A_520, %add3A_527], %broadcast_in_dim3A_7 {add = true} : memref<256x128xf32, #tpu.memory_space<vmem>>[vector<16xi32>, vector<16xi32>], vector<16xf32>,
        tpu.vector_store_idx %arg13[%shift_right_arithmetic3A_544, %add3A_551], %broadcast_in_dim3A_7 {add = true} : memref<256x128xf32, #tpu.memory_space<vmem>>[vector<16xi32>, vector<16xi32>], vector<16xf32>,
        tpu.vector_store_idx %arg13[%shift_right_arithmetic3A_568, %add3A_575], %broadcast_in_dim3A_7 {add = true} : memref<256x128xf32, #tpu.memory_space<vmem>>[vector<16xi32>, vector<16xi32>], vector<16xf32>,
        tpu.vector_store_idx %arg13[%shift_right_arithmetic3A_592, %add3A_599], %broadcast_in_dim3A_7 {add = true} : memref<256x128xf32, #tpu.memory_space<vmem>>[vector<16xi32>, vector<16xi32>], vector<16xf32>,
        tpu.vector_store_idx %arg13[%shift_right_arithmetic3A_616, %add3A_623], %broadcast_in_dim3A_7 {add = true} : memref<256x128xf32, #tpu.memory_space<vmem>>[vector<16xi32>, vector<16xi32>], vector<16xf32>,
        tpu.vector_store_idx %arg13[%shift_right_arithmetic3A_640, %add3A_647], %broadcast_in_dim3A_7 {add = true} : memref<256x128xf32, #tpu.memory_space<vmem>>[vector<16xi32>, vector<16xi32>], vector<16xf32>,
        tpu.vector_store_idx %arg13[%shift_right_arithmetic3A_664, %add3A_671], %broadcast_in_dim3A_7 {add = true} : memref<256x128xf32, #tpu.memory_space<vmem>>[vector<16xi32>, vector<16xi32>], vector<16xf32>,
        tpu.vector_store_idx %arg13[%shift_right_arithmetic3A_688, %add3A_695], %broadcast_in_dim3A_7 {add = true} : memref<256x128xf32, #tpu.memory_space<vmem>>[vector<16xi32>, vector<16xi32>], vector<16xf32>,
        %get3A_696 = arith.index_cast %scan3A_220 : i32 to index
        %get3A_697 = arith.constant 256 : index
        %get3A_698 = tpu.vector_load %arg5[%get3A_696, %get3A_697] {strides = array<i32>} : memref<16x512xf32, #tpu.memory_space<vmem>>, vector<16xf32>,
        %get3A_699 = arith.index_cast %scan3A_220 : i32 to index
        %get3A_700 = arith.constant 272 : index
        %get3A_701 = tpu.vector_load %arg5[%get3A_699, %get3A_700] {strides = array<i32>} : memref<16x512xf32, #tpu.memory_space<vmem>>, vector<16xf32>,
        %get3A_702 = arith.index_cast %scan3A_220 : i32 to index
        %get3A_703 = arith.constant 288 : index
        %get3A_704 = tpu.vector_load %arg5[%get3A_702, %get3A_703] {strides = array<i32>} : memref<16x512xf32, #tpu.memory_space<vmem>>, vector<16xf32>,
        %get3A_705 = arith.index_cast %scan3A_220 : i32 to index
        %get3A_706 = arith.constant 304 : index
        %get3A_707 = tpu.vector_load %arg5[%get3A_705, %get3A_706] {strides = array<i32>} : memref<16x512xf32, #tpu.memory_space<vmem>>, vector<16xf32>,
        %get3A_708 = arith.index_cast %scan3A_220 : i32 to index
        %get3A_709 = arith.constant 320 : index
        %get3A_710 = tpu.vector_load %arg5[%get3A_708, %get3A_709] {strides = array<i32>} : memref<16x512xf32, #tpu.memory_space<vmem>>, vector<16xf32>,
        %get3A_711 = arith.index_cast %scan3A_220 : i32 to index
        %get3A_712 = arith.constant 336 : index
        %get3A_713 = tpu.vector_load %arg5[%get3A_711, %get3A_712] {strides = array<i32>} : memref<16x512xf32, #tpu.memory_space<vmem>>, vector<16xf32>,
        %get3A_714 = arith.index_cast %scan3A_220 : i32 to index
        %get3A_715 = arith.constant 352 : index
        %get3A_716 = tpu.vector_load %arg5[%get3A_714, %get3A_715] {strides = array<i32>} : memref<16x512xf32, #tpu.memory_space<vmem>>, vector<16xf32>,
        %get3A_717 = arith.index_cast %scan3A_220 : i32 to index
        %get3A_718 = arith.constant 368 : index
        %get3A_719 = tpu.vector_load %arg5[%get3A_717, %get3A_718] {strides = array<i32>} : memref<16x512xf32, #tpu.memory_space<vmem>>, vector<16xf32>,
        %get3A_720 = arith.index_cast %scan3A_220 : i32 to index
        %get3A_721 = arith.constant 256 : index
        %get3A_722 = tpu.vector_load %arg9[%get3A_720, %get3A_721] {strides = array<i32>} : memref<16x512xf32, #tpu.memory_space<vmem>>, vector<16xf32>,
        %get3A_723 = arith.index_cast %scan3A_220 : i32 to index
        %get3A_724 = arith.constant 272 : index
        %get3A_725 = tpu.vector_load %arg9[%get3A_723, %get3A_724] {strides = array<i32>} : memref<16x512xf32, #tpu.memory_space<vmem>>, vector<16xf32>,
        %get3A_726 = arith.index_cast %scan3A_220 : i32 to index
        %get3A_727 = arith.constant 288 : index
        %get3A_728 = tpu.vector_load %arg9[%get3A_726, %get3A_727] {strides = array<i32>} : memref<16x512xf32, #tpu.memory_space<vmem>>, vector<16xf32>,
        %get3A_729 = arith.index_cast %scan3A_220 : i32 to index
        %get3A_730 = arith.constant 304 : index
        %get3A_731 = tpu.vector_load %arg9[%get3A_729, %get3A_730] {strides = array<i32>} : memref<16x512xf32, #tpu.memory_space<vmem>>, vector<16xf32>,
        %get3A_732 = arith.index_cast %scan3A_220 : i32 to index
        %get3A_733 = arith.constant 320 : index
        %get3A_734 = tpu.vector_load %arg9[%get3A_732, %get3A_733] {strides = array<i32>} : memref<16x512xf32, #tpu.memory_space<vmem>>, vector<16xf32>,
        %get3A_735 = arith.index_cast %scan3A_220 : i32 to index
        %get3A_736 = arith.constant 336 : index
        %get3A_737 = tpu.vector_load %arg9[%get3A_735, %get3A_736] {strides = array<i32>} : memref<16x512xf32, #tpu.memory_space<vmem>>, vector<16xf32>,
        %get3A_738 = arith.index_cast %scan3A_220 : i32 to index
        %get3A_739 = arith.constant 352 : index
        %get3A_740 = tpu.vector_load %arg9[%get3A_738, %get3A_739] {strides = array<i32>} : memref<16x512xf32, #tpu.memory_space<vmem>>, vector<16xf32>,
        %get3A_741 = arith.index_cast %scan3A_220 : i32 to index
        %get3A_742 = arith.constant 368 : index
        %get3A_743 = tpu.vector_load %arg9[%get3A_741, %get3A_742] {strides = array<i32>} : memref<16x512xf32, #tpu.memory_space<vmem>>, vector<16xf32>,
        %sub3A_744 = arith.constant 1.000000e+00 : f32
        %sub3A_745 = vector.broadcast %sub3A_744 : f32 to vector<16xf32>
        %sub3A_746 = arith.subf %sub3A_745, %get3A_698 : vector<16xf32>
        %max3A_747 = arith.maximumf %sub3A_746, %get3A_722 : vector<16xf32>
        %bitcast3A_748 = vector.bitcast %max3A_747 : vector<16xf32> to vector<16xi32>
        %shift_right_arithmetic3A_749 = arith.constant 17 : i32
        %shift_right_arithmetic3A_750 = vector.broadcast %shift_right_arithmetic3A_749 : i32 to vector<16xi32>
        %shift_right_arithmetic3A_751 = arith.shrsi %bitcast3A_748, %shift_right_arithmetic3A_750 : vector<16xi32>
        %sub3A_752 = arith.constant 8128 : i32
        %sub3A_753 = vector.broadcast %sub3A_752 : i32 to vector<16xi32>
        %sub3A_754 = arith.subi %sub3A_753, %shift_right_arithmetic3A_751 : vector<16xi32>
        %min3A_755 = arith.constant 2047 : i32
        %min3A_756 = vector.broadcast %min3A_755 : i32 to vector<16xi32>
        %min3A_757 = arith.minui %sub3A_754, %min3A_756 : vector<16xi32>
        %shift_right_arithmetic3A_758 = arith.constant 3 : i32
        %shift_right_arithmetic3A_759 = vector.broadcast %shift_right_arithmetic3A_758 : i32 to vector<16xi32>
        %shift_right_arithmetic3A_760 = arith.shrsi %min3A_757, %shift_right_arithmetic3A_759 : vector<16xi32>
        %and3A_761 = arith.constant 7 : i32
        %and3A_762 = vector.broadcast %and3A_761 : i32 to vector<16xi32>
        %and3A_763 = arith.andi %min3A_757, %and3A_762 : vector<16xi32>
        %shift_left3A_764 = arith.constant 4 : i32
        %shift_left3A_765 = vector.broadcast %shift_left3A_764 : i32 to vector<16xi32>
        %shift_left3A_766 = arith.shli %and3A_763, %shift_left3A_765 : vector<16xi32>
        %add3A_767 = arith.addi %shift_left3A_766, %iota3A : vector<16xi32>
        %sub3A_768 = arith.constant 1.000000e+00 : f32
        %sub3A_769 = vector.broadcast %sub3A_768 : f32 to vector<16xf32>
        %sub3A_770 = arith.subf %sub3A_769, %get3A_701 : vector<16xf32>
        %max3A_771 = arith.maximumf %sub3A_770, %get3A_725 : vector<16xf32>
        %bitcast3A_772 = vector.bitcast %max3A_771 : vector<16xf32> to vector<16xi32>
        %shift_right_arithmetic3A_773 = arith.constant 17 : i32
        %shift_right_arithmetic3A_774 = vector.broadcast %shift_right_arithmetic3A_773 : i32 to vector<16xi32>
        %shift_right_arithmetic3A_775 = arith.shrsi %bitcast3A_772, %shift_right_arithmetic3A_774 : vector<16xi32>
        %sub3A_776 = arith.constant 8128 : i32
        %sub3A_777 = vector.broadcast %sub3A_776 : i32 to vector<16xi32>
        %sub3A_778 = arith.subi %sub3A_777, %shift_right_arithmetic3A_775 : vector<16xi32>
        %min3A_779 = arith.constant 2047 : i32
        %min3A_780 = vector.broadcast %min3A_779 : i32 to vector<16xi32>
        %min3A_781 = arith.minui %sub3A_778, %min3A_780 : vector<16xi32>
        %shift_right_arithmetic3A_782 = arith.constant 3 : i32
        %shift_right_arithmetic3A_783 = vector.broadcast %shift_right_arithmetic3A_782 : i32 to vector<16xi32>
        %shift_right_arithmetic3A_784 = arith.shrsi %min3A_781, %shift_right_arithmetic3A_783 : vector<16xi32>
        %and3A_785 = arith.constant 7 : i32
        %and3A_786 = vector.broadcast %and3A_785 : i32 to vector<16xi32>
        %and3A_787 = arith.andi %min3A_781, %and3A_786 : vector<16xi32>
        %shift_left3A_788 = arith.constant 4 : i32
        %shift_left3A_789 = vector.broadcast %shift_left3A_788 : i32 to vector<16xi32>
        %shift_left3A_790 = arith.shli %and3A_787, %shift_left3A_789 : vector<16xi32>
        %add3A_791 = arith.addi %shift_left3A_790, %iota3A : vector<16xi32>
        %sub3A_792 = arith.constant 1.000000e+00 : f32
        %sub3A_793 = vector.broadcast %sub3A_792 : f32 to vector<16xf32>
        %sub3A_794 = arith.subf %sub3A_793, %get3A_704 : vector<16xf32>
        %max3A_795 = arith.maximumf %sub3A_794, %get3A_728 : vector<16xf32>
        %bitcast3A_796 = vector.bitcast %max3A_795 : vector<16xf32> to vector<16xi32>
        %shift_right_arithmetic3A_797 = arith.constant 17 : i32
        %shift_right_arithmetic3A_798 = vector.broadcast %shift_right_arithmetic3A_797 : i32 to vector<16xi32>
        %shift_right_arithmetic3A_799 = arith.shrsi %bitcast3A_796, %shift_right_arithmetic3A_798 : vector<16xi32>
        %sub3A_800 = arith.constant 8128 : i32
        %sub3A_801 = vector.broadcast %sub3A_800 : i32 to vector<16xi32>
        %sub3A_802 = arith.subi %sub3A_801, %shift_right_arithmetic3A_799 : vector<16xi32>
        %min3A_803 = arith.constant 2047 : i32
        %min3A_804 = vector.broadcast %min3A_803 : i32 to vector<16xi32>
        %min3A_805 = arith.minui %sub3A_802, %min3A_804 : vector<16xi32>
        %shift_right_arithmetic3A_806 = arith.constant 3 : i32
        %shift_right_arithmetic3A_807 = vector.broadcast %shift_right_arithmetic3A_806 : i32 to vector<16xi32>
        %shift_right_arithmetic3A_808 = arith.shrsi %min3A_805, %shift_right_arithmetic3A_807 : vector<16xi32>
        %and3A_809 = arith.constant 7 : i32
        %and3A_810 = vector.broadcast %and3A_809 : i32 to vector<16xi32>
        %and3A_811 = arith.andi %min3A_805, %and3A_810 : vector<16xi32>
        %shift_left3A_812 = arith.constant 4 : i32
        %shift_left3A_813 = vector.broadcast %shift_left3A_812 : i32 to vector<16xi32>
        %shift_left3A_814 = arith.shli %and3A_811, %shift_left3A_813 : vector<16xi32>
        %add3A_815 = arith.addi %shift_left3A_814, %iota3A : vector<16xi32>
        %sub3A_816 = arith.constant 1.000000e+00 : f32
        %sub3A_817 = vector.broadcast %sub3A_816 : f32 to vector<16xf32>
        %sub3A_818 = arith.subf %sub3A_817, %get3A_707 : vector<16xf32>
        %max3A_819 = arith.maximumf %sub3A_818, %get3A_731 : vector<16xf32>
        %bitcast3A_820 = vector.bitcast %max3A_819 : vector<16xf32> to vector<16xi32>
        %shift_right_arithmetic3A_821 = arith.constant 17 : i32
        %shift_right_arithmetic3A_822 = vector.broadcast %shift_right_arithmetic3A_821 : i32 to vector<16xi32>
        %shift_right_arithmetic3A_823 = arith.shrsi %bitcast3A_820, %shift_right_arithmetic3A_822 : vector<16xi32>
        %sub3A_824 = arith.constant 8128 : i32
        %sub3A_825 = vector.broadcast %sub3A_824 : i32 to vector<16xi32>
        %sub3A_826 = arith.subi %sub3A_825, %shift_right_arithmetic3A_823 : vector<16xi32>
        %min3A_827 = arith.constant 2047 : i32
        %min3A_828 = vector.broadcast %min3A_827 : i32 to vector<16xi32>
        %min3A_829 = arith.minui %sub3A_826, %min3A_828 : vector<16xi32>
        %shift_right_arithmetic3A_830 = arith.constant 3 : i32
        %shift_right_arithmetic3A_831 = vector.broadcast %shift_right_arithmetic3A_830 : i32 to vector<16xi32>
        %shift_right_arithmetic3A_832 = arith.shrsi %min3A_829, %shift_right_arithmetic3A_831 : vector<16xi32>
        %and3A_833 = arith.constant 7 : i32
        %and3A_834 = vector.broadcast %and3A_833 : i32 to vector<16xi32>
        %and3A_835 = arith.andi %min3A_829, %and3A_834 : vector<16xi32>
        %shift_left3A_836 = arith.constant 4 : i32
        %shift_left3A_837 = vector.broadcast %shift_left3A_836 : i32 to vector<16xi32>
        %shift_left3A_838 = arith.shli %and3A_835, %shift_left3A_837 : vector<16xi32>
        %add3A_839 = arith.addi %shift_left3A_838, %iota3A : vector<16xi32>
        %sub3A_840 = arith.constant 1.000000e+00 : f32
        %sub3A_841 = vector.broadcast %sub3A_840 : f32 to vector<16xf32>
        %sub3A_842 = arith.subf %sub3A_841, %get3A_710 : vector<16xf32>
        %max3A_843 = arith.maximumf %sub3A_842, %get3A_734 : vector<16xf32>
        %bitcast3A_844 = vector.bitcast %max3A_843 : vector<16xf32> to vector<16xi32>
        %shift_right_arithmetic3A_845 = arith.constant 17 : i32
        %shift_right_arithmetic3A_846 = vector.broadcast %shift_right_arithmetic3A_845 : i32 to vector<16xi32>
        %shift_right_arithmetic3A_847 = arith.shrsi %bitcast3A_844, %shift_right_arithmetic3A_846 : vector<16xi32>
        %sub3A_848 = arith.constant 8128 : i32
        %sub3A_849 = vector.broadcast %sub3A_848 : i32 to vector<16xi32>
        %sub3A_850 = arith.subi %sub3A_849, %shift_right_arithmetic3A_847 : vector<16xi32>
        %min3A_851 = arith.constant 2047 : i32
        %min3A_852 = vector.broadcast %min3A_851 : i32 to vector<16xi32>
        %min3A_853 = arith.minui %sub3A_850, %min3A_852 : vector<16xi32>
        %shift_right_arithmetic3A_854 = arith.constant 3 : i32
        %shift_right_arithmetic3A_855 = vector.broadcast %shift_right_arithmetic3A_854 : i32 to vector<16xi32>
        %shift_right_arithmetic3A_856 = arith.shrsi %min3A_853, %shift_right_arithmetic3A_855 : vector<16xi32>
        %and3A_857 = arith.constant 7 : i32
        %and3A_858 = vector.broadcast %and3A_857 : i32 to vector<16xi32>
        %and3A_859 = arith.andi %min3A_853, %and3A_858 : vector<16xi32>
        %shift_left3A_860 = arith.constant 4 : i32
        %shift_left3A_861 = vector.broadcast %shift_left3A_860 : i32 to vector<16xi32>
        %shift_left3A_862 = arith.shli %and3A_859, %shift_left3A_861 : vector<16xi32>
        %add3A_863 = arith.addi %shift_left3A_862, %iota3A : vector<16xi32>
        %sub3A_864 = arith.constant 1.000000e+00 : f32
        %sub3A_865 = vector.broadcast %sub3A_864 : f32 to vector<16xf32>
        %sub3A_866 = arith.subf %sub3A_865, %get3A_713 : vector<16xf32>
        %max3A_867 = arith.maximumf %sub3A_866, %get3A_737 : vector<16xf32>
        %bitcast3A_868 = vector.bitcast %max3A_867 : vector<16xf32> to vector<16xi32>
        %shift_right_arithmetic3A_869 = arith.constant 17 : i32
        %shift_right_arithmetic3A_870 = vector.broadcast %shift_right_arithmetic3A_869 : i32 to vector<16xi32>
        %shift_right_arithmetic3A_871 = arith.shrsi %bitcast3A_868, %shift_right_arithmetic3A_870 : vector<16xi32>
        %sub3A_872 = arith.constant 8128 : i32
        %sub3A_873 = vector.broadcast %sub3A_872 : i32 to vector<16xi32>
        %sub3A_874 = arith.subi %sub3A_873, %shift_right_arithmetic3A_871 : vector<16xi32>
        %min3A_875 = arith.constant 2047 : i32
        %min3A_876 = vector.broadcast %min3A_875 : i32 to vector<16xi32>
        %min3A_877 = arith.minui %sub3A_874, %min3A_876 : vector<16xi32>
        %shift_right_arithmetic3A_878 = arith.constant 3 : i32
        %shift_right_arithmetic3A_879 = vector.broadcast %shift_right_arithmetic3A_878 : i32 to vector<16xi32>
        %shift_right_arithmetic3A_880 = arith.shrsi %min3A_877, %shift_right_arithmetic3A_879 : vector<16xi32>
        %and3A_881 = arith.constant 7 : i32
        %and3A_882 = vector.broadcast %and3A_881 : i32 to vector<16xi32>
        %and3A_883 = arith.andi %min3A_877, %and3A_882 : vector<16xi32>
        %shift_left3A_884 = arith.constant 4 : i32
        %shift_left3A_885 = vector.broadcast %shift_left3A_884 : i32 to vector<16xi32>
        %shift_left3A_886 = arith.shli %and3A_883, %shift_left3A_885 : vector<16xi32>
        %add3A_887 = arith.addi %shift_left3A_886, %iota3A : vector<16xi32>
        %sub3A_888 = arith.constant 1.000000e+00 : f32
        %sub3A_889 = vector.broadcast %sub3A_888 : f32 to vector<16xf32>
        %sub3A_890 = arith.subf %sub3A_889, %get3A_716 : vector<16xf32>
        %max3A_891 = arith.maximumf %sub3A_890, %get3A_740 : vector<16xf32>
        %bitcast3A_892 = vector.bitcast %max3A_891 : vector<16xf32> to vector<16xi32>
        %shift_right_arithmetic3A_893 = arith.constant 17 : i32
        %shift_right_arithmetic3A_894 = vector.broadcast %shift_right_arithmetic3A_893 : i32 to vector<16xi32>
        %shift_right_arithmetic3A_895 = arith.shrsi %bitcast3A_892, %shift_right_arithmetic3A_894 : vector<16xi32>
        %sub3A_896 = arith.constant 8128 : i32
        %sub3A_897 = vector.broadcast %sub3A_896 : i32 to vector<16xi32>
        %sub3A_898 = arith.subi %sub3A_897, %shift_right_arithmetic3A_895 : vector<16xi32>
        %min3A_899 = arith.constant 2047 : i32
        %min3A_900 = vector.broadcast %min3A_899 : i32 to vector<16xi32>
        %min3A_901 = arith.minui %sub3A_898, %min3A_900 : vector<16xi32>
        %shift_right_arithmetic3A_902 = arith.constant 3 : i32
        %shift_right_arithmetic3A_903 = vector.broadcast %shift_right_arithmetic3A_902 : i32 to vector<16xi32>
        %shift_right_arithmetic3A_904 = arith.shrsi %min3A_901, %shift_right_arithmetic3A_903 : vector<16xi32>
        %and3A_905 = arith.constant 7 : i32
        %and3A_906 = vector.broadcast %and3A_905 : i32 to vector<16xi32>
        %and3A_907 = arith.andi %min3A_901, %and3A_906 : vector<16xi32>
        %shift_left3A_908 = arith.constant 4 : i32
        %shift_left3A_909 = vector.broadcast %shift_left3A_908 : i32 to vector<16xi32>
        %shift_left3A_910 = arith.shli %and3A_907, %shift_left3A_909 : vector<16xi32>
        %add3A_911 = arith.addi %shift_left3A_910, %iota3A : vector<16xi32>
        %sub3A_912 = arith.constant 1.000000e+00 : f32
        %sub3A_913 = vector.broadcast %sub3A_912 : f32 to vector<16xf32>
        %sub3A_914 = arith.subf %sub3A_913, %get3A_719 : vector<16xf32>
        %max3A_915 = arith.maximumf %sub3A_914, %get3A_743 : vector<16xf32>
        %bitcast3A_916 = vector.bitcast %max3A_915 : vector<16xf32> to vector<16xi32>
        %shift_right_arithmetic3A_917 = arith.constant 17 : i32
        %shift_right_arithmetic3A_918 = vector.broadcast %shift_right_arithmetic3A_917 : i32 to vector<16xi32>
        %shift_right_arithmetic3A_919 = arith.shrsi %bitcast3A_916, %shift_right_arithmetic3A_918 : vector<16xi32>
        %sub3A_920 = arith.constant 8128 : i32
        %sub3A_921 = vector.broadcast %sub3A_920 : i32 to vector<16xi32>
        %sub3A_922 = arith.subi %sub3A_921, %shift_right_arithmetic3A_919 : vector<16xi32>
        %min3A_923 = arith.constant 2047 : i32
        %min3A_924 = vector.broadcast %min3A_923 : i32 to vector<16xi32>
        %min3A_925 = arith.minui %sub3A_922, %min3A_924 : vector<16xi32>
        %shift_right_arithmetic3A_926 = arith.constant 3 : i32
        %shift_right_arithmetic3A_927 = vector.broadcast %shift_right_arithmetic3A_926 : i32 to vector<16xi32>
        %shift_right_arithmetic3A_928 = arith.shrsi %min3A_925, %shift_right_arithmetic3A_927 : vector<16xi32>
        %and3A_929 = arith.constant 7 : i32
        %and3A_930 = vector.broadcast %and3A_929 : i32 to vector<16xi32>
        %and3A_931 = arith.andi %min3A_925, %and3A_930 : vector<16xi32>
        %shift_left3A_932 = arith.constant 4 : i32
        %shift_left3A_933 = vector.broadcast %shift_left3A_932 : i32 to vector<16xi32>
        %shift_left3A_934 = arith.shli %and3A_931, %shift_left3A_933 : vector<16xi32>
        %add3A_935 = arith.addi %shift_left3A_934, %iota3A : vector<16xi32>
        tpu.vector_store_idx %arg13[%shift_right_arithmetic3A_760, %add3A_767], %broadcast_in_dim3A_7 {add = true} : memref<256x128xf32, #tpu.memory_space<vmem>>[vector<16xi32>, vector<16xi32>], vector<16xf32>,
        tpu.vector_store_idx %arg13[%shift_right_arithmetic3A_784, %add3A_791], %broadcast_in_dim3A_7 {add = true} : memref<256x128xf32, #tpu.memory_space<vmem>>[vector<16xi32>, vector<16xi32>], vector<16xf32>,
        tpu.vector_store_idx %arg13[%shift_right_arithmetic3A_808, %add3A_815], %broadcast_in_dim3A_7 {add = true} : memref<256x128xf32, #tpu.memory_space<vmem>>[vector<16xi32>, vector<16xi32>], vector<16xf32>,
        tpu.vector_store_idx %arg13[%shift_right_arithmetic3A_832, %add3A_839], %broadcast_in_dim3A_7 {add = true} : memref<256x128xf32, #tpu.memory_space<vmem>>[vector<16xi32>, vector<16xi32>], vector<16xf32>,
        tpu.vector_store_idx %arg13[%shift_right_arithmetic3A_856, %add3A_863], %broadcast_in_dim3A_7 {add = true} : memref<256x128xf32, #tpu.memory_space<vmem>>[vector<16xi32>, vector<16xi32>], vector<16xf32>,
        tpu.vector_store_idx %arg13[%shift_right_arithmetic3A_880, %add3A_887], %broadcast_in_dim3A_7 {add = true} : memref<256x128xf32, #tpu.memory_space<vmem>>[vector<16xi32>, vector<16xi32>], vector<16xf32>,
        tpu.vector_store_idx %arg13[%shift_right_arithmetic3A_904, %add3A_911], %broadcast_in_dim3A_7 {add = true} : memref<256x128xf32, #tpu.memory_space<vmem>>[vector<16xi32>, vector<16xi32>], vector<16xf32>,
        tpu.vector_store_idx %arg13[%shift_right_arithmetic3A_928, %add3A_935], %broadcast_in_dim3A_7 {add = true} : memref<256x128xf32, #tpu.memory_space<vmem>>[vector<16xi32>, vector<16xi32>], vector<16xf32>,
        %get3A_936 = arith.index_cast %scan3A_220 : i32 to index
        %get3A_937 = arith.constant 384 : index
        %get3A_938 = tpu.vector_load %arg5[%get3A_936, %get3A_937] {strides = array<i32>} : memref<16x512xf32, #tpu.memory_space<vmem>>, vector<16xf32>,
        %get3A_939 = arith.index_cast %scan3A_220 : i32 to index
        %get3A_940 = arith.constant 400 : index
        %get3A_941 = tpu.vector_load %arg5[%get3A_939, %get3A_940] {strides = array<i32>} : memref<16x512xf32, #tpu.memory_space<vmem>>, vector<16xf32>,
        %get3A_942 = arith.index_cast %scan3A_220 : i32 to index
        %get3A_943 = arith.constant 416 : index
        %get3A_944 = tpu.vector_load %arg5[%get3A_942, %get3A_943] {strides = array<i32>} : memref<16x512xf32, #tpu.memory_space<vmem>>, vector<16xf32>,
        %get3A_945 = arith.index_cast %scan3A_220 : i32 to index
        %get3A_946 = arith.constant 432 : index
        %get3A_947 = tpu.vector_load %arg5[%get3A_945, %get3A_946] {strides = array<i32>} : memref<16x512xf32, #tpu.memory_space<vmem>>, vector<16xf32>,
        %get3A_948 = arith.index_cast %scan3A_220 : i32 to index
        %get3A_949 = arith.constant 448 : index
        %get3A_950 = tpu.vector_load %arg5[%get3A_948, %get3A_949] {strides = array<i32>} : memref<16x512xf32, #tpu.memory_space<vmem>>, vector<16xf32>,
        %get3A_951 = arith.index_cast %scan3A_220 : i32 to index
        %get3A_952 = arith.constant 464 : index
        %get3A_953 = tpu.vector_load %arg5[%get3A_951, %get3A_952] {strides = array<i32>} : memref<16x512xf32, #tpu.memory_space<vmem>>, vector<16xf32>,
        %get3A_954 = arith.index_cast %scan3A_220 : i32 to index
        %get3A_955 = arith.constant 480 : index
        %get3A_956 = tpu.vector_load %arg5[%get3A_954, %get3A_955] {strides = array<i32>} : memref<16x512xf32, #tpu.memory_space<vmem>>, vector<16xf32>,
        %get3A_957 = arith.index_cast %scan3A_220 : i32 to index
        %get3A_958 = arith.constant 496 : index
        %get3A_959 = tpu.vector_load %arg5[%get3A_957, %get3A_958] {strides = array<i32>} : memref<16x512xf32, #tpu.memory_space<vmem>>, vector<16xf32>,
        %get3A_960 = arith.index_cast %scan3A_220 : i32 to index
        %get3A_961 = arith.constant 384 : index
        %get3A_962 = tpu.vector_load %arg9[%get3A_960, %get3A_961] {strides = array<i32>} : memref<16x512xf32, #tpu.memory_space<vmem>>, vector<16xf32>,
        %get3A_963 = arith.index_cast %scan3A_220 : i32 to index
        %get3A_964 = arith.constant 400 : index
        %get3A_965 = tpu.vector_load %arg9[%get3A_963, %get3A_964] {strides = array<i32>} : memref<16x512xf32, #tpu.memory_space<vmem>>, vector<16xf32>,
        %get3A_966 = arith.index_cast %scan3A_220 : i32 to index
        %get3A_967 = arith.constant 416 : index
        %get3A_968 = tpu.vector_load %arg9[%get3A_966, %get3A_967] {strides = array<i32>} : memref<16x512xf32, #tpu.memory_space<vmem>>, vector<16xf32>,
        %get3A_969 = arith.index_cast %scan3A_220 : i32 to index
        %get3A_970 = arith.constant 432 : index
        %get3A_971 = tpu.vector_load %arg9[%get3A_969, %get3A_970] {strides = array<i32>} : memref<16x512xf32, #tpu.memory_space<vmem>>, vector<16xf32>,
        %get3A_972 = arith.index_cast %scan3A_220 : i32 to index
        %get3A_973 = arith.constant 448 : index
        %get3A_974 = tpu.vector_load %arg9[%get3A_972, %get3A_973] {strides = array<i32>} : memref<16x512xf32, #tpu.memory_space<vmem>>, vector<16xf32>,
        %get3A_975 = arith.index_cast %scan3A_220 : i32 to index
        %get3A_976 = arith.constant 464 : index
        %get3A_977 = tpu.vector_load %arg9[%get3A_975, %get3A_976] {strides = array<i32>} : memref<16x512xf32, #tpu.memory_space<vmem>>, vector<16xf32>,
        %get3A_978 = arith.index_cast %scan3A_220 : i32 to index
        %get3A_979 = arith.constant 480 : index
        %get3A_980 = tpu.vector_load %arg9[%get3A_978, %get3A_979] {strides = array<i32>} : memref<16x512xf32, #tpu.memory_space<vmem>>, vector<16xf32>,
        %get3A_981 = arith.index_cast %scan3A_220 : i32 to index
        %get3A_982 = arith.constant 496 : index
        %get3A_983 = tpu.vector_load %arg9[%get3A_981, %get3A_982] {strides = array<i32>} : memref<16x512xf32, #tpu.memory_space<vmem>>, vector<16xf32>,
        %sub3A_984 = arith.constant 1.000000e+00 : f32
        %sub3A_985 = vector.broadcast %sub3A_984 : f32 to vector<16xf32>
        %sub3A_986 = arith.subf %sub3A_985, %get3A_938 : vector<16xf32>
        %max3A_987 = arith.maximumf %sub3A_986, %get3A_962 : vector<16xf32>
        %bitcast3A_988 = vector.bitcast %max3A_987 : vector<16xf32> to vector<16xi32>
        %shift_right_arithmetic3A_989 = arith.constant 17 : i32
        %shift_right_arithmetic3A_990 = vector.broadcast %shift_right_arithmetic3A_989 : i32 to vector<16xi32>
        %shift_right_arithmetic3A_991 = arith.shrsi %bitcast3A_988, %shift_right_arithmetic3A_990 : vector<16xi32>
        %sub3A_992 = arith.constant 8128 : i32
        %sub3A_993 = vector.broadcast %sub3A_992 : i32 to vector<16xi32>
        %sub3A_994 = arith.subi %sub3A_993, %shift_right_arithmetic3A_991 : vector<16xi32>
        %min3A_995 = arith.constant 2047 : i32
        %min3A_996 = vector.broadcast %min3A_995 : i32 to vector<16xi32>
        %min3A_997 = arith.minui %sub3A_994, %min3A_996 : vector<16xi32>
        %shift_right_arithmetic3A_998 = arith.constant 3 : i32
        %shift_right_arithmetic3A_999 = vector.broadcast %shift_right_arithmetic3A_998 : i32 to vector<16xi32>
        %shift_right_arithmetic3A_1000 = arith.shrsi %min3A_997, %shift_right_arithmetic3A_999 : vector<16xi32>
        %and3A_1001 = arith.constant 7 : i32
        %and3A_1002 = vector.broadcast %and3A_1001 : i32 to vector<16xi32>
        %and3A_1003 = arith.andi %min3A_997, %and3A_1002 : vector<16xi32>
        %shift_left3A_1004 = arith.constant 4 : i32
        %shift_left3A_1005 = vector.broadcast %shift_left3A_1004 : i32 to vector<16xi32>
        %shift_left3A_1006 = arith.shli %and3A_1003, %shift_left3A_1005 : vector<16xi32>
        %add3A_1007 = arith.addi %shift_left3A_1006, %iota3A : vector<16xi32>
        %sub3A_1008 = arith.constant 1.000000e+00 : f32
        %sub3A_1009 = vector.broadcast %sub3A_1008 : f32 to vector<16xf32>
        %sub3A_1010 = arith.subf %sub3A_1009, %get3A_941 : vector<16xf32>
        %max3A_1011 = arith.maximumf %sub3A_1010, %get3A_965 : vector<16xf32>
        %bitcast3A_1012 = vector.bitcast %max3A_1011 : vector<16xf32> to vector<16xi32>
        %shift_right_arithmetic3A_1013 = arith.constant 17 : i32
        %shift_right_arithmetic3A_1014 = vector.broadcast %shift_right_arithmetic3A_1013 : i32 to vector<16xi32>
        %shift_right_arithmetic3A_1015 = arith.shrsi %bitcast3A_1012, %shift_right_arithmetic3A_1014 : vector<16xi32>
        %sub3A_1016 = arith.constant 8128 : i32
        %sub3A_1017 = vector.broadcast %sub3A_1016 : i32 to vector<16xi32>
        %sub3A_1018 = arith.subi %sub3A_1017, %shift_right_arithmetic3A_1015 : vector<16xi32>
        %min3A_1019 = arith.constant 2047 : i32
        %min3A_1020 = vector.broadcast %min3A_1019 : i32 to vector<16xi32>
        %min3A_1021 = arith.minui %sub3A_1018, %min3A_1020 : vector<16xi32>
        %shift_right_arithmetic3A_1022 = arith.constant 3 : i32
        %shift_right_arithmetic3A_1023 = vector.broadcast %shift_right_arithmetic3A_1022 : i32 to vector<16xi32>
        %shift_right_arithmetic3A_1024 = arith.shrsi %min3A_1021, %shift_right_arithmetic3A_1023 : vector<16xi32>
        %and3A_1025 = arith.constant 7 : i32
        %and3A_1026 = vector.broadcast %and3A_1025 : i32 to vector<16xi32>
        %and3A_1027 = arith.andi %min3A_1021, %and3A_1026 : vector<16xi32>
        %shift_left3A_1028 = arith.constant 4 : i32
        %shift_left3A_1029 = vector.broadcast %shift_left3A_1028 : i32 to vector<16xi32>
        %shift_left3A_1030 = arith.shli %and3A_1027, %shift_left3A_1029 : vector<16xi32>
        %add3A_1031 = arith.addi %shift_left3A_1030, %iota3A : vector<16xi32>
        %sub3A_1032 = arith.constant 1.000000e+00 : f32
        %sub3A_1033 = vector.broadcast %sub3A_1032 : f32 to vector<16xf32>
        %sub3A_1034 = arith.subf %sub3A_1033, %get3A_944 : vector<16xf32>
        %max3A_1035 = arith.maximumf %sub3A_1034, %get3A_968 : vector<16xf32>
        %bitcast3A_1036 = vector.bitcast %max3A_1035 : vector<16xf32> to vector<16xi32>
        %shift_right_arithmetic3A_1037 = arith.constant 17 : i32
        %shift_right_arithmetic3A_1038 = vector.broadcast %shift_right_arithmetic3A_1037 : i32 to vector<16xi32>
        %shift_right_arithmetic3A_1039 = arith.shrsi %bitcast3A_1036, %shift_right_arithmetic3A_1038 : vector<16xi32>
        %sub3A_1040 = arith.constant 8128 : i32
        %sub3A_1041 = vector.broadcast %sub3A_1040 : i32 to vector<16xi32>
        %sub3A_1042 = arith.subi %sub3A_1041, %shift_right_arithmetic3A_1039 : vector<16xi32>
        %min3A_1043 = arith.constant 2047 : i32
        %min3A_1044 = vector.broadcast %min3A_1043 : i32 to vector<16xi32>
        %min3A_1045 = arith.minui %sub3A_1042, %min3A_1044 : vector<16xi32>
        %shift_right_arithmetic3A_1046 = arith.constant 3 : i32
        %shift_right_arithmetic3A_1047 = vector.broadcast %shift_right_arithmetic3A_1046 : i32 to vector<16xi32>
        %shift_right_arithmetic3A_1048 = arith.shrsi %min3A_1045, %shift_right_arithmetic3A_1047 : vector<16xi32>
        %and3A_1049 = arith.constant 7 : i32
        %and3A_1050 = vector.broadcast %and3A_1049 : i32 to vector<16xi32>
        %and3A_1051 = arith.andi %min3A_1045, %and3A_1050 : vector<16xi32>
        %shift_left3A_1052 = arith.constant 4 : i32
        %shift_left3A_1053 = vector.broadcast %shift_left3A_1052 : i32 to vector<16xi32>
        %shift_left3A_1054 = arith.shli %and3A_1051, %shift_left3A_1053 : vector<16xi32>
        %add3A_1055 = arith.addi %shift_left3A_1054, %iota3A : vector<16xi32>
        %sub3A_1056 = arith.constant 1.000000e+00 : f32
        %sub3A_1057 = vector.broadcast %sub3A_1056 : f32 to vector<16xf32>
        %sub3A_1058 = arith.subf %sub3A_1057, %get3A_947 : vector<16xf32>
        %max3A_1059 = arith.maximumf %sub3A_1058, %get3A_971 : vector<16xf32>
        %bitcast3A_1060 = vector.bitcast %max3A_1059 : vector<16xf32> to vector<16xi32>
        %shift_right_arithmetic3A_1061 = arith.constant 17 : i32
        %shift_right_arithmetic3A_1062 = vector.broadcast %shift_right_arithmetic3A_1061 : i32 to vector<16xi32>
        %shift_right_arithmetic3A_1063 = arith.shrsi %bitcast3A_1060, %shift_right_arithmetic3A_1062 : vector<16xi32>
        %sub3A_1064 = arith.constant 8128 : i32
        %sub3A_1065 = vector.broadcast %sub3A_1064 : i32 to vector<16xi32>
        %sub3A_1066 = arith.subi %sub3A_1065, %shift_right_arithmetic3A_1063 : vector<16xi32>
        %min3A_1067 = arith.constant 2047 : i32
        %min3A_1068 = vector.broadcast %min3A_1067 : i32 to vector<16xi32>
        %min3A_1069 = arith.minui %sub3A_1066, %min3A_1068 : vector<16xi32>
        %shift_right_arithmetic3A_1070 = arith.constant 3 : i32
        %shift_right_arithmetic3A_1071 = vector.broadcast %shift_right_arithmetic3A_1070 : i32 to vector<16xi32>
        %shift_right_arithmetic3A_1072 = arith.shrsi %min3A_1069, %shift_right_arithmetic3A_1071 : vector<16xi32>
        %and3A_1073 = arith.constant 7 : i32
        %and3A_1074 = vector.broadcast %and3A_1073 : i32 to vector<16xi32>
        %and3A_1075 = arith.andi %min3A_1069, %and3A_1074 : vector<16xi32>
        %shift_left3A_1076 = arith.constant 4 : i32
        %shift_left3A_1077 = vector.broadcast %shift_left3A_1076 : i32 to vector<16xi32>
        %shift_left3A_1078 = arith.shli %and3A_1075, %shift_left3A_1077 : vector<16xi32>
        %add3A_1079 = arith.addi %shift_left3A_1078, %iota3A : vector<16xi32>
        %sub3A_1080 = arith.constant 1.000000e+00 : f32
        %sub3A_1081 = vector.broadcast %sub3A_1080 : f32 to vector<16xf32>
        %sub3A_1082 = arith.subf %sub3A_1081, %get3A_950 : vector<16xf32>
        %max3A_1083 = arith.maximumf %sub3A_1082, %get3A_974 : vector<16xf32>
        %bitcast3A_1084 = vector.bitcast %max3A_1083 : vector<16xf32> to vector<16xi32>
        %shift_right_arithmetic3A_1085 = arith.constant 17 : i32
        %shift_right_arithmetic3A_1086 = vector.broadcast %shift_right_arithmetic3A_1085 : i32 to vector<16xi32>
        %shift_right_arithmetic3A_1087 = arith.shrsi %bitcast3A_1084, %shift_right_arithmetic3A_1086 : vector<16xi32>
        %sub3A_1088 = arith.constant 8128 : i32
        %sub3A_1089 = vector.broadcast %sub3A_1088 : i32 to vector<16xi32>
        %sub3A_1090 = arith.subi %sub3A_1089, %shift_right_arithmetic3A_1087 : vector<16xi32>
        %min3A_1091 = arith.constant 2047 : i32
        %min3A_1092 = vector.broadcast %min3A_1091 : i32 to vector<16xi32>
        %min3A_1093 = arith.minui %sub3A_1090, %min3A_1092 : vector<16xi32>
        %shift_right_arithmetic3A_1094 = arith.constant 3 : i32
        %shift_right_arithmetic3A_1095 = vector.broadcast %shift_right_arithmetic3A_1094 : i32 to vector<16xi32>
        %shift_right_arithmetic3A_1096 = arith.shrsi %min3A_1093, %shift_right_arithmetic3A_1095 : vector<16xi32>
        %and3A_1097 = arith.constant 7 : i32
        %and3A_1098 = vector.broadcast %and3A_1097 : i32 to vector<16xi32>
        %and3A_1099 = arith.andi %min3A_1093, %and3A_1098 : vector<16xi32>
        %shift_left3A_1100 = arith.constant 4 : i32
        %shift_left3A_1101 = vector.broadcast %shift_left3A_1100 : i32 to vector<16xi32>
        %shift_left3A_1102 = arith.shli %and3A_1099, %shift_left3A_1101 : vector<16xi32>
        %add3A_1103 = arith.addi %shift_left3A_1102, %iota3A : vector<16xi32>
        %sub3A_1104 = arith.constant 1.000000e+00 : f32
        %sub3A_1105 = vector.broadcast %sub3A_1104 : f32 to vector<16xf32>
        %sub3A_1106 = arith.subf %sub3A_1105, %get3A_953 : vector<16xf32>
        %max3A_1107 = arith.maximumf %sub3A_1106, %get3A_977 : vector<16xf32>
        %bitcast3A_1108 = vector.bitcast %max3A_1107 : vector<16xf32> to vector<16xi32>
        %shift_right_arithmetic3A_1109 = arith.constant 17 : i32
        %shift_right_arithmetic3A_1110 = vector.broadcast %shift_right_arithmetic3A_1109 : i32 to vector<16xi32>
        %shift_right_arithmetic3A_1111 = arith.shrsi %bitcast3A_1108, %shift_right_arithmetic3A_1110 : vector<16xi32>
        %sub3A_1112 = arith.constant 8128 : i32
        %sub3A_1113 = vector.broadcast %sub3A_1112 : i32 to vector<16xi32>
        %sub3A_1114 = arith.subi %sub3A_1113, %shift_right_arithmetic3A_1111 : vector<16xi32>
        %min3A_1115 = arith.constant 2047 : i32
        %min3A_1116 = vector.broadcast %min3A_1115 : i32 to vector<16xi32>
        %min3A_1117 = arith.minui %sub3A_1114, %min3A_1116 : vector<16xi32>
        %shift_right_arithmetic3A_1118 = arith.constant 3 : i32
        %shift_right_arithmetic3A_1119 = vector.broadcast %shift_right_arithmetic3A_1118 : i32 to vector<16xi32>
        %shift_right_arithmetic3A_1120 = arith.shrsi %min3A_1117, %shift_right_arithmetic3A_1119 : vector<16xi32>
        %and3A_1121 = arith.constant 7 : i32
        %and3A_1122 = vector.broadcast %and3A_1121 : i32 to vector<16xi32>
        %and3A_1123 = arith.andi %min3A_1117, %and3A_1122 : vector<16xi32>
        %shift_left3A_1124 = arith.constant 4 : i32
        %shift_left3A_1125 = vector.broadcast %shift_left3A_1124 : i32 to vector<16xi32>
        %shift_left3A_1126 = arith.shli %and3A_1123, %shift_left3A_1125 : vector<16xi32>
        %add3A_1127 = arith.addi %shift_left3A_1126, %iota3A : vector<16xi32>
        %sub3A_1128 = arith.constant 1.000000e+00 : f32
        %sub3A_1129 = vector.broadcast %sub3A_1128 : f32 to vector<16xf32>
        %sub3A_1130 = arith.subf %sub3A_1129, %get3A_956 : vector<16xf32>
        %max3A_1131 = arith.maximumf %sub3A_1130, %get3A_980 : vector<16xf32>
        %bitcast3A_1132 = vector.bitcast %max3A_1131 : vector<16xf32> to vector<16xi32>
        %shift_right_arithmetic3A_1133 = arith.constant 17 : i32
        %shift_right_arithmetic3A_1134 = vector.broadcast %shift_right_arithmetic3A_1133 : i32 to vector<16xi32>
        %shift_right_arithmetic3A_1135 = arith.shrsi %bitcast3A_1132, %shift_right_arithmetic3A_1134 : vector<16xi32>
        %sub3A_1136 = arith.constant 8128 : i32
        %sub3A_1137 = vector.broadcast %sub3A_1136 : i32 to vector<16xi32>
        %sub3A_1138 = arith.subi %sub3A_1137, %shift_right_arithmetic3A_1135 : vector<16xi32>
        %min3A_1139 = arith.constant 2047 : i32
        %min3A_1140 = vector.broadcast %min3A_1139 : i32 to vector<16xi32>
        %min3A_1141 = arith.minui %sub3A_1138, %min3A_1140 : vector<16xi32>
        %shift_right_arithmetic3A_1142 = arith.constant 3 : i32
        %shift_right_arithmetic3A_1143 = vector.broadcast %shift_right_arithmetic3A_1142 : i32 to vector<16xi32>
        %shift_right_arithmetic3A_1144 = arith.shrsi %min3A_1141, %shift_right_arithmetic3A_1143 : vector<16xi32>
        %and3A_1145 = arith.constant 7 : i32
        %and3A_1146 = vector.broadcast %and3A_1145 : i32 to vector<16xi32>
        %and3A_1147 = arith.andi %min3A_1141, %and3A_1146 : vector<16xi32>
        %shift_left3A_1148 = arith.constant 4 : i32
        %shift_left3A_1149 = vector.broadcast %shift_left3A_1148 : i32 to vector<16xi32>
        %shift_left3A_1150 = arith.shli %and3A_1147, %shift_left3A_1149 : vector<16xi32>
        %add3A_1151 = arith.addi %shift_left3A_1150, %iota3A : vector<16xi32>
        %sub3A_1152 = arith.constant 1.000000e+00 : f32
        %sub3A_1153 = vector.broadcast %sub3A_1152 : f32 to vector<16xf32>
        %sub3A_1154 = arith.subf %sub3A_1153, %get3A_959 : vector<16xf32>
        %max3A_1155 = arith.maximumf %sub3A_1154, %get3A_983 : vector<16xf32>
        %bitcast3A_1156 = vector.bitcast %max3A_1155 : vector<16xf32> to vector<16xi32>
        %shift_right_arithmetic3A_1157 = arith.constant 17 : i32
        %shift_right_arithmetic3A_1158 = vector.broadcast %shift_right_arithmetic3A_1157 : i32 to vector<16xi32>
        %shift_right_arithmetic3A_1159 = arith.shrsi %bitcast3A_1156, %shift_right_arithmetic3A_1158 : vector<16xi32>
        %sub3A_1160 = arith.constant 8128 : i32
        %sub3A_1161 = vector.broadcast %sub3A_1160 : i32 to vector<16xi32>
        %sub3A_1162 = arith.subi %sub3A_1161, %shift_right_arithmetic3A_1159 : vector<16xi32>
        %min3A_1163 = arith.constant 2047 : i32
        %min3A_1164 = vector.broadcast %min3A_1163 : i32 to vector<16xi32>
        %min3A_1165 = arith.minui %sub3A_1162, %min3A_1164 : vector<16xi32>
        %shift_right_arithmetic3A_1166 = arith.constant 3 : i32
        %shift_right_arithmetic3A_1167 = vector.broadcast %shift_right_arithmetic3A_1166 : i32 to vector<16xi32>
        %shift_right_arithmetic3A_1168 = arith.shrsi %min3A_1165, %shift_right_arithmetic3A_1167 : vector<16xi32>
        %and3A_1169 = arith.constant 7 : i32
        %and3A_1170 = vector.broadcast %and3A_1169 : i32 to vector<16xi32>
        %and3A_1171 = arith.andi %min3A_1165, %and3A_1170 : vector<16xi32>
        %shift_left3A_1172 = arith.constant 4 : i32
        %shift_left3A_1173 = vector.broadcast %shift_left3A_1172 : i32 to vector<16xi32>
        %shift_left3A_1174 = arith.shli %and3A_1171, %shift_left3A_1173 : vector<16xi32>
        %add3A_1175 = arith.addi %shift_left3A_1174, %iota3A : vector<16xi32>
        tpu.vector_store_idx %arg13[%shift_right_arithmetic3A_1000, %add3A_1007], %broadcast_in_dim3A_7 {add = true} : memref<256x128xf32, #tpu.memory_space<vmem>>[vector<16xi32>, vector<16xi32>], vector<16xf32>,
        tpu.vector_store_idx %arg13[%shift_right_arithmetic3A_1024, %add3A_1031], %broadcast_in_dim3A_7 {add = true} : memref<256x128xf32, #tpu.memory_space<vmem>>[vector<16xi32>, vector<16xi32>], vector<16xf32>,
        tpu.vector_store_idx %arg13[%shift_right_arithmetic3A_1048, %add3A_1055], %broadcast_in_dim3A_7 {add = true} : memref<256x128xf32, #tpu.memory_space<vmem>>[vector<16xi32>, vector<16xi32>], vector<16xf32>,
        tpu.vector_store_idx %arg13[%shift_right_arithmetic3A_1072, %add3A_1079], %broadcast_in_dim3A_7 {add = true} : memref<256x128xf32, #tpu.memory_space<vmem>>[vector<16xi32>, vector<16xi32>], vector<16xf32>,
        tpu.vector_store_idx %arg13[%shift_right_arithmetic3A_1096, %add3A_1103], %broadcast_in_dim3A_7 {add = true} : memref<256x128xf32, #tpu.memory_space<vmem>>[vector<16xi32>, vector<16xi32>], vector<16xf32>,
        tpu.vector_store_idx %arg13[%shift_right_arithmetic3A_1120, %add3A_1127], %broadcast_in_dim3A_7 {add = true} : memref<256x128xf32, #tpu.memory_space<vmem>>[vector<16xi32>, vector<16xi32>], vector<16xf32>,
        tpu.vector_store_idx %arg13[%shift_right_arithmetic3A_1144, %add3A_1151], %broadcast_in_dim3A_7 {add = true} : memref<256x128xf32, #tpu.memory_space<vmem>>[vector<16xi32>, vector<16xi32>], vector<16xf32>,
        tpu.vector_store_idx %arg13[%shift_right_arithmetic3A_1168, %add3A_1175], %broadcast_in_dim3A_7 {add = true} : memref<256x128xf32, #tpu.memory_space<vmem>>[vector<16xi32>, vector<16xi32>], vector<16xf32>,
      }
      %scan3A_102 = arith.constant 16 : i32
      %mul3A_103 = arith.constant 4 : i32
      %mul3A_104 = arith.muli %scan3A_68, %mul3A_103 : i32
      %add3A_105 = arith.constant 1 : i32
      %add3A_106 = arith.addi %mul3A_104, %add3A_105 : i32
      %add3A_107 = arith.constant 4 : i32
      %add3A_108 = arith.addi %add3A_106, %add3A_107 : i32
      %sub3A_109 = arith.constant 1 : i32
      %sub3A_110 = arith.subi %add3A_108, %sub3A_109 : i32
      %lt3A_111 = arith.constant 16 : i32
      %lt3A_112 = arith.cmpi slt, %sub3A_110, %lt3A_111 : i32
      %convert_element_type3A_113 = arith.extui %lt3A_112 : i1 to i32
      %cond3A_114 = arith.constant 0 : i32
      %cond3A_115 = arith.cmpi ne, %convert_element_type3A_113, %cond3A_114 : i32
      scf.if %cond3A_115 {
        %add3A_220 = arith.constant 4 : i32
        %add3A_221 = arith.addi %add3A_106, %add3A_220 : i32
        %sub3A_222 = arith.constant 1 : i32
        %sub3A_223 = arith.subi %add3A_221, %sub3A_222 : i32
        %mul3A_224 = arith.constant 16 : i32
        %mul3A_225 = arith.muli %sub3A_223, %mul3A_224 : i32
        %add3A_226 = arith.addi %mul3A_4, %mul3A_225 : i32
        %dma_start3A_227 = arith.constant 0 : i32
        %dma_start3A_228 = arith.constant 0 : i32
        %dma_start3A_229 = tpu.memref_slice %arg2[%shift_right_arithmetic3A_1, %dma_start3A_227, %add3A_226, %dma_start3A_228] : memref<16x1x512x512xf32, #tpu.memory_space<hbm>> -> memref<1x1x16x512xf32, #tpu.memory_space<hbm>>
        %dma_start3A_230 = tpu.memref_squeeze %dma_start3A_229 : memref<1x1x16x512xf32, #tpu.memory_space<hbm>> -> memref<16x512xf32, #tpu.memory_space<hbm>>
        %dma_start3A_231 = arith.constant 0 : i32
        %dma_start3A_232 = tpu.memref_slice %arg2[%shift_right_arithmetic3A_1, %dma_start3A_227, %add3A_226, %dma_start3A_231] : memref<16x1x512x512xf32, #tpu.memory_space<hbm>> -> memref<1x1x16x512xf32, #tpu.memory_space<hbm>>
        %dma_start3A_233 = tpu.memref_squeeze %dma_start3A_232 : memref<1x1x16x512xf32, #tpu.memory_space<hbm>> -> memref<16x512xf32, #tpu.memory_space<hbm>>
        tpu.enqueue_dma source(%dma_start3A_233 : memref<16x512xf32, #tpu.memory_space<hbm>>) target(%arg5 : memref<16x512xf32, #tpu.memory_space<vmem>>) target_semaphore(%arg14 : memref<!tpu.dma_semaphore, #tpu.memory_space<semaphore_mem>>)
        %dma_start3A_234 = arith.constant 0 : i32
        %dma_start3A_235 = arith.constant 0 : i32
        %dma_start3A_236 = tpu.memref_slice %arg3[%shift_right_arithmetic3A_1, %dma_start3A_234, %add3A_226, %dma_start3A_235] : memref<16x1x512x512xf32, #tpu.memory_space<hbm>> -> memref<1x1x16x512xf32, #tpu.memory_space<hbm>>
        %dma_start3A_237 = tpu.memref_squeeze %dma_start3A_236 : memref<1x1x16x512xf32, #tpu.memory_space<hbm>> -> memref<16x512xf32, #tpu.memory_space<hbm>>
        %dma_start3A_238 = arith.constant 0 : i32
        %dma_start3A_239 = tpu.memref_slice %arg3[%shift_right_arithmetic3A_1, %dma_start3A_234, %add3A_226, %dma_start3A_238] : memref<16x1x512x512xf32, #tpu.memory_space<hbm>> -> memref<1x1x16x512xf32, #tpu.memory_space<hbm>>
        %dma_start3A_240 = tpu.memref_squeeze %dma_start3A_239 : memref<1x1x16x512xf32, #tpu.memory_space<hbm>> -> memref<16x512xf32, #tpu.memory_space<hbm>>
        tpu.enqueue_dma source(%dma_start3A_240 : memref<16x512xf32, #tpu.memory_space<hbm>>) target(%arg9 : memref<16x512xf32, #tpu.memory_space<vmem>>) target_semaphore(%arg18 : memref<!tpu.dma_semaphore, #tpu.memory_space<semaphore_mem>>)
      } else {
      }
      %dma_wait3A_116 = arith.constant 0 : i32
      %dma_wait3A_117 = arith.constant 0 : i32
      %dma_wait3A_118 = arith.constant 0 : i32
      %dma_wait3A_119 = arith.constant 0 : i32
      %dma_wait3A_120 = tpu.memref_slice %arg2[%dma_wait3A_116, %dma_wait3A_117, %dma_wait3A_118, %dma_wait3A_119] : memref<16x1x512x512xf32, #tpu.memory_space<hbm>> -> memref<1x1x16x512xf32, #tpu.memory_space<hbm>>
      %dma_wait3A_121 = tpu.memref_squeeze %dma_wait3A_120 : memref<1x1x16x512xf32, #tpu.memory_space<hbm>> -> memref<16x512xf32, #tpu.memory_space<hbm>>
      %dma_wait3A_122 = arith.constant 0 : i32
      %dma_wait3A_123 = arith.constant 0 : i32
      %dma_wait3A_124 = tpu.memref_slice %arg2[%dma_wait3A_116, %dma_wait3A_117, %dma_wait3A_122, %dma_wait3A_123] : memref<16x1x512x512xf32, #tpu.memory_space<hbm>> -> memref<1x1x16x512xf32, #tpu.memory_space<hbm>>
      %dma_wait3A_125 = tpu.memref_squeeze %dma_wait3A_124 : memref<1x1x16x512xf32, #tpu.memory_space<hbm>> -> memref<16x512xf32, #tpu.memory_space<hbm>>
      tpu.wait_dma2 semaphore(%arg15 : memref<!tpu.dma_semaphore, #tpu.memory_space<semaphore_mem>>) src(%dma_wait3A_125 : memref<16x512xf32, #tpu.memory_space<hbm>>) dst(%arg6 : memref<16x512xf32, #tpu.memory_space<vmem>>)
      %dma_wait3A_126 = arith.constant 0 : i32
      %dma_wait3A_127 = arith.constant 0 : i32
      %dma_wait3A_128 = arith.constant 0 : i32
      %dma_wait3A_129 = arith.constant 0 : i32
      %dma_wait3A_130 = tpu.memref_slice %arg3[%dma_wait3A_126, %dma_wait3A_127, %dma_wait3A_128, %dma_wait3A_129] : memref<16x1x512x512xf32, #tpu.memory_space<hbm>> -> memref<1x1x16x512xf32, #tpu.memory_space<hbm>>
      %dma_wait3A_131 = tpu.memref_squeeze %dma_wait3A_130 : memref<1x1x16x512xf32, #tpu.memory_space<hbm>> -> memref<16x512xf32, #tpu.memory_space<hbm>>
      %dma_wait3A_132 = arith.constant 0 : i32
      %dma_wait3A_133 = arith.constant 0 : i32
      %dma_wait3A_134 = tpu.memref_slice %arg3[%dma_wait3A_126, %dma_wait3A_127, %dma_wait3A_132, %dma_wait3A_133] : memref<16x1x512x512xf32, #tpu.memory_space<hbm>> -> memref<1x1x16x512xf32, #tpu.memory_space<hbm>>
      %dma_wait3A_135 = tpu.memref_squeeze %dma_wait3A_134 : memref<1x1x16x512xf32, #tpu.memory_space<hbm>> -> memref<16x512xf32, #tpu.memory_space<hbm>>
      tpu.wait_dma2 semaphore(%arg19 : memref<!tpu.dma_semaphore, #tpu.memory_space<semaphore_mem>>) src(%dma_wait3A_135 : memref<16x512xf32, #tpu.memory_space<hbm>>) dst(%arg10 : memref<16x512xf32, #tpu.memory_space<vmem>>)
      %scan3A_136 = arith.constant 0 : i32
      %scan3A_137 = arith.constant 0 : i32
      %scan3A_138 = arith.constant 16 : i32
      %scan3A_139 = arith.addi %scan3A_137, %scan3A_138 : i32
      %scan3A_140 = arith.constant 1 : i32
      scf.for %scan3A_220 = %scan3A_137 to %scan3A_139 step %scan3A_140  : i32 {
        %get3A = arith.index_cast %scan3A_220 : i32 to index
        %get3A_221 = arith.constant 0 : index
        %get3A_222 = tpu.vector_load %arg6[%get3A, %get3A_221] {strides = array<i32>} : memref<16x512xf32, #tpu.memory_space<vmem>>, vector<16xf32>,
        %get3A_223 = arith.index_cast %scan3A_220 : i32 to index
        %get3A_224 = arith.constant 16 : index
        %get3A_225 = tpu.vector_load %arg6[%get3A_223, %get3A_224] {strides = array<i32>} : memref<16x512xf32, #tpu.memory_space<vmem>>, vector<16xf32>,
        %get3A_226 = arith.index_cast %scan3A_220 : i32 to index
        %get3A_227 = arith.constant 32 : index
        %get3A_228 = tpu.vector_load %arg6[%get3A_226, %get3A_227] {strides = array<i32>} : memref<16x512xf32, #tpu.memory_space<vmem>>, vector<16xf32>,
        %get3A_229 = arith.index_cast %scan3A_220 : i32 to index
        %get3A_230 = arith.constant 48 : index
        %get3A_231 = tpu.vector_load %arg6[%get3A_229, %get3A_230] {strides = array<i32>} : memref<16x512xf32, #tpu.memory_space<vmem>>, vector<16xf32>,
        %get3A_232 = arith.index_cast %scan3A_220 : i32 to index
        %get3A_233 = arith.constant 64 : index
        %get3A_234 = tpu.vector_load %arg6[%get3A_232, %get3A_233] {strides = array<i32>} : memref<16x512xf32, #tpu.memory_space<vmem>>, vector<16xf32>,
        %get3A_235 = arith.index_cast %scan3A_220 : i32 to index
        %get3A_236 = arith.constant 80 : index
        %get3A_237 = tpu.vector_load %arg6[%get3A_235, %get3A_236] {strides = array<i32>} : memref<16x512xf32, #tpu.memory_space<vmem>>, vector<16xf32>,
        %get3A_238 = arith.index_cast %scan3A_220 : i32 to index
        %get3A_239 = arith.constant 96 : index
        %get3A_240 = tpu.vector_load %arg6[%get3A_238, %get3A_239] {strides = array<i32>} : memref<16x512xf32, #tpu.memory_space<vmem>>, vector<16xf32>,
        %get3A_241 = arith.index_cast %scan3A_220 : i32 to index
        %get3A_242 = arith.constant 112 : index
        %get3A_243 = tpu.vector_load %arg6[%get3A_241, %get3A_242] {strides = array<i32>} : memref<16x512xf32, #tpu.memory_space<vmem>>, vector<16xf32>,
        %get3A_244 = arith.index_cast %scan3A_220 : i32 to index
        %get3A_245 = arith.constant 0 : index
        %get3A_246 = tpu.vector_load %arg10[%get3A_244, %get3A_245] {strides = array<i32>} : memref<16x512xf32, #tpu.memory_space<vmem>>, vector<16xf32>,
        %get3A_247 = arith.index_cast %scan3A_220 : i32 to index
        %get3A_248 = arith.constant 16 : index
        %get3A_249 = tpu.vector_load %arg10[%get3A_247, %get3A_248] {strides = array<i32>} : memref<16x512xf32, #tpu.memory_space<vmem>>, vector<16xf32>,
        %get3A_250 = arith.index_cast %scan3A_220 : i32 to index
        %get3A_251 = arith.constant 32 : index
        %get3A_252 = tpu.vector_load %arg10[%get3A_250, %get3A_251] {strides = array<i32>} : memref<16x512xf32, #tpu.memory_space<vmem>>, vector<16xf32>,
        %get3A_253 = arith.index_cast %scan3A_220 : i32 to index
        %get3A_254 = arith.constant 48 : index
        %get3A_255 = tpu.vector_load %arg10[%get3A_253, %get3A_254] {strides = array<i32>} : memref<16x512xf32, #tpu.memory_space<vmem>>, vector<16xf32>,
        %get3A_256 = arith.index_cast %scan3A_220 : i32 to index
        %get3A_257 = arith.constant 64 : index
        %get3A_258 = tpu.vector_load %arg10[%get3A_256, %get3A_257] {strides = array<i32>} : memref<16x512xf32, #tpu.memory_space<vmem>>, vector<16xf32>,
        %get3A_259 = arith.index_cast %scan3A_220 : i32 to index
        %get3A_260 = arith.constant 80 : index
        %get3A_261 = tpu.vector_load %arg10[%get3A_259, %get3A_260] {strides = array<i32>} : memref<16x512xf32, #tpu.memory_space<vmem>>, vector<16xf32>,
        %get3A_262 = arith.index_cast %scan3A_220 : i32 to index
        %get3A_263 = arith.constant 96 : index
        %get3A_264 = tpu.vector_load %arg10[%get3A_262, %get3A_263] {strides = array<i32>} : memref<16x512xf32, #tpu.memory_space<vmem>>, vector<16xf32>,
        %get3A_265 = arith.index_cast %scan3A_220 : i32 to index
        %get3A_266 = arith.constant 112 : index
        %get3A_267 = tpu.vector_load %arg10[%get3A_265, %get3A_266] {strides = array<i32>} : memref<16x512xf32, #tpu.memory_space<vmem>>, vector<16xf32>,
        %sub3A_268 = arith.constant 1.000000e+00 : f32
        %sub3A_269 = vector.broadcast %sub3A_268 : f32 to vector<16xf32>
        %sub3A_270 = arith.subf %sub3A_269, %get3A_222 : vector<16xf32>
        %max3A = arith.maximumf %sub3A_270, %get3A_246 : vector<16xf32>
        %bitcast3A = vector.bitcast %max3A : vector<16xf32> to vector<16xi32>
        %shift_right_arithmetic3A_271 = arith.constant 17 : i32
        %shift_right_arithmetic3A_272 = vector.broadcast %shift_right_arithmetic3A_271 : i32 to vector<16xi32>
        %shift_right_arithmetic3A_273 = arith.shrsi %bitcast3A, %shift_right_arithmetic3A_272 : vector<16xi32>
        %sub3A_274 = arith.constant 8128 : i32
        %sub3A_275 = vector.broadcast %sub3A_274 : i32 to vector<16xi32>
        %sub3A_276 = arith.subi %sub3A_275, %shift_right_arithmetic3A_273 : vector<16xi32>
        %min3A = arith.constant 2047 : i32
        %min3A_277 = vector.broadcast %min3A : i32 to vector<16xi32>
        %min3A_278 = arith.minui %sub3A_276, %min3A_277 : vector<16xi32>
        %shift_right_arithmetic3A_279 = arith.constant 3 : i32
        %shift_right_arithmetic3A_280 = vector.broadcast %shift_right_arithmetic3A_279 : i32 to vector<16xi32>
        %shift_right_arithmetic3A_281 = arith.shrsi %min3A_278, %shift_right_arithmetic3A_280 : vector<16xi32>
        %and3A_282 = arith.constant 7 : i32
        %and3A_283 = vector.broadcast %and3A_282 : i32 to vector<16xi32>
        %and3A_284 = arith.andi %min3A_278, %and3A_283 : vector<16xi32>
        %shift_left3A = arith.constant 4 : i32
        %shift_left3A_285 = vector.broadcast %shift_left3A : i32 to vector<16xi32>
        %shift_left3A_286 = arith.shli %and3A_284, %shift_left3A_285 : vector<16xi32>
        %add3A_287 = arith.addi %shift_left3A_286, %iota3A : vector<16xi32>
        %sub3A_288 = arith.constant 1.000000e+00 : f32
        %sub3A_289 = vector.broadcast %sub3A_288 : f32 to vector<16xf32>
        %sub3A_290 = arith.subf %sub3A_289, %get3A_225 : vector<16xf32>
        %max3A_291 = arith.maximumf %sub3A_290, %get3A_249 : vector<16xf32>
        %bitcast3A_292 = vector.bitcast %max3A_291 : vector<16xf32> to vector<16xi32>
        %shift_right_arithmetic3A_293 = arith.constant 17 : i32
        %shift_right_arithmetic3A_294 = vector.broadcast %shift_right_arithmetic3A_293 : i32 to vector<16xi32>
        %shift_right_arithmetic3A_295 = arith.shrsi %bitcast3A_292, %shift_right_arithmetic3A_294 : vector<16xi32>
        %sub3A_296 = arith.constant 8128 : i32
        %sub3A_297 = vector.broadcast %sub3A_296 : i32 to vector<16xi32>
        %sub3A_298 = arith.subi %sub3A_297, %shift_right_arithmetic3A_295 : vector<16xi32>
        %min3A_299 = arith.constant 2047 : i32
        %min3A_300 = vector.broadcast %min3A_299 : i32 to vector<16xi32>
        %min3A_301 = arith.minui %sub3A_298, %min3A_300 : vector<16xi32>
        %shift_right_arithmetic3A_302 = arith.constant 3 : i32
        %shift_right_arithmetic3A_303 = vector.broadcast %shift_right_arithmetic3A_302 : i32 to vector<16xi32>
        %shift_right_arithmetic3A_304 = arith.shrsi %min3A_301, %shift_right_arithmetic3A_303 : vector<16xi32>
        %and3A_305 = arith.constant 7 : i32
        %and3A_306 = vector.broadcast %and3A_305 : i32 to vector<16xi32>
        %and3A_307 = arith.andi %min3A_301, %and3A_306 : vector<16xi32>
        %shift_left3A_308 = arith.constant 4 : i32
        %shift_left3A_309 = vector.broadcast %shift_left3A_308 : i32 to vector<16xi32>
        %shift_left3A_310 = arith.shli %and3A_307, %shift_left3A_309 : vector<16xi32>
        %add3A_311 = arith.addi %shift_left3A_310, %iota3A : vector<16xi32>
        %sub3A_312 = arith.constant 1.000000e+00 : f32
        %sub3A_313 = vector.broadcast %sub3A_312 : f32 to vector<16xf32>
        %sub3A_314 = arith.subf %sub3A_313, %get3A_228 : vector<16xf32>
        %max3A_315 = arith.maximumf %sub3A_314, %get3A_252 : vector<16xf32>
        %bitcast3A_316 = vector.bitcast %max3A_315 : vector<16xf32> to vector<16xi32>
        %shift_right_arithmetic3A_317 = arith.constant 17 : i32
        %shift_right_arithmetic3A_318 = vector.broadcast %shift_right_arithmetic3A_317 : i32 to vector<16xi32>
        %shift_right_arithmetic3A_319 = arith.shrsi %bitcast3A_316, %shift_right_arithmetic3A_318 : vector<16xi32>
        %sub3A_320 = arith.constant 8128 : i32
        %sub3A_321 = vector.broadcast %sub3A_320 : i32 to vector<16xi32>
        %sub3A_322 = arith.subi %sub3A_321, %shift_right_arithmetic3A_319 : vector<16xi32>
        %min3A_323 = arith.constant 2047 : i32
        %min3A_324 = vector.broadcast %min3A_323 : i32 to vector<16xi32>
        %min3A_325 = arith.minui %sub3A_322, %min3A_324 : vector<16xi32>
        %shift_right_arithmetic3A_326 = arith.constant 3 : i32
        %shift_right_arithmetic3A_327 = vector.broadcast %shift_right_arithmetic3A_326 : i32 to vector<16xi32>
        %shift_right_arithmetic3A_328 = arith.shrsi %min3A_325, %shift_right_arithmetic3A_327 : vector<16xi32>
        %and3A_329 = arith.constant 7 : i32
        %and3A_330 = vector.broadcast %and3A_329 : i32 to vector<16xi32>
        %and3A_331 = arith.andi %min3A_325, %and3A_330 : vector<16xi32>
        %shift_left3A_332 = arith.constant 4 : i32
        %shift_left3A_333 = vector.broadcast %shift_left3A_332 : i32 to vector<16xi32>
        %shift_left3A_334 = arith.shli %and3A_331, %shift_left3A_333 : vector<16xi32>
        %add3A_335 = arith.addi %shift_left3A_334, %iota3A : vector<16xi32>
        %sub3A_336 = arith.constant 1.000000e+00 : f32
        %sub3A_337 = vector.broadcast %sub3A_336 : f32 to vector<16xf32>
        %sub3A_338 = arith.subf %sub3A_337, %get3A_231 : vector<16xf32>
        %max3A_339 = arith.maximumf %sub3A_338, %get3A_255 : vector<16xf32>
        %bitcast3A_340 = vector.bitcast %max3A_339 : vector<16xf32> to vector<16xi32>
        %shift_right_arithmetic3A_341 = arith.constant 17 : i32
        %shift_right_arithmetic3A_342 = vector.broadcast %shift_right_arithmetic3A_341 : i32 to vector<16xi32>
        %shift_right_arithmetic3A_343 = arith.shrsi %bitcast3A_340, %shift_right_arithmetic3A_342 : vector<16xi32>
        %sub3A_344 = arith.constant 8128 : i32
        %sub3A_345 = vector.broadcast %sub3A_344 : i32 to vector<16xi32>
        %sub3A_346 = arith.subi %sub3A_345, %shift_right_arithmetic3A_343 : vector<16xi32>
        %min3A_347 = arith.constant 2047 : i32
        %min3A_348 = vector.broadcast %min3A_347 : i32 to vector<16xi32>
        %min3A_349 = arith.minui %sub3A_346, %min3A_348 : vector<16xi32>
        %shift_right_arithmetic3A_350 = arith.constant 3 : i32
        %shift_right_arithmetic3A_351 = vector.broadcast %shift_right_arithmetic3A_350 : i32 to vector<16xi32>
        %shift_right_arithmetic3A_352 = arith.shrsi %min3A_349, %shift_right_arithmetic3A_351 : vector<16xi32>
        %and3A_353 = arith.constant 7 : i32
        %and3A_354 = vector.broadcast %and3A_353 : i32 to vector<16xi32>
        %and3A_355 = arith.andi %min3A_349, %and3A_354 : vector<16xi32>
        %shift_left3A_356 = arith.constant 4 : i32
        %shift_left3A_357 = vector.broadcast %shift_left3A_356 : i32 to vector<16xi32>
        %shift_left3A_358 = arith.shli %and3A_355, %shift_left3A_357 : vector<16xi32>
        %add3A_359 = arith.addi %shift_left3A_358, %iota3A : vector<16xi32>
        %sub3A_360 = arith.constant 1.000000e+00 : f32
        %sub3A_361 = vector.broadcast %sub3A_360 : f32 to vector<16xf32>
        %sub3A_362 = arith.subf %sub3A_361, %get3A_234 : vector<16xf32>
        %max3A_363 = arith.maximumf %sub3A_362, %get3A_258 : vector<16xf32>
        %bitcast3A_364 = vector.bitcast %max3A_363 : vector<16xf32> to vector<16xi32>
        %shift_right_arithmetic3A_365 = arith.constant 17 : i32
        %shift_right_arithmetic3A_366 = vector.broadcast %shift_right_arithmetic3A_365 : i32 to vector<16xi32>
        %shift_right_arithmetic3A_367 = arith.shrsi %bitcast3A_364, %shift_right_arithmetic3A_366 : vector<16xi32>
        %sub3A_368 = arith.constant 8128 : i32
        %sub3A_369 = vector.broadcast %sub3A_368 : i32 to vector<16xi32>
        %sub3A_370 = arith.subi %sub3A_369, %shift_right_arithmetic3A_367 : vector<16xi32>
        %min3A_371 = arith.constant 2047 : i32
        %min3A_372 = vector.broadcast %min3A_371 : i32 to vector<16xi32>
        %min3A_373 = arith.minui %sub3A_370, %min3A_372 : vector<16xi32>
        %shift_right_arithmetic3A_374 = arith.constant 3 : i32
        %shift_right_arithmetic3A_375 = vector.broadcast %shift_right_arithmetic3A_374 : i32 to vector<16xi32>
        %shift_right_arithmetic3A_376 = arith.shrsi %min3A_373, %shift_right_arithmetic3A_375 : vector<16xi32>
        %and3A_377 = arith.constant 7 : i32
        %and3A_378 = vector.broadcast %and3A_377 : i32 to vector<16xi32>
        %and3A_379 = arith.andi %min3A_373, %and3A_378 : vector<16xi32>
        %shift_left3A_380 = arith.constant 4 : i32
        %shift_left3A_381 = vector.broadcast %shift_left3A_380 : i32 to vector<16xi32>
        %shift_left3A_382 = arith.shli %and3A_379, %shift_left3A_381 : vector<16xi32>
        %add3A_383 = arith.addi %shift_left3A_382, %iota3A : vector<16xi32>
        %sub3A_384 = arith.constant 1.000000e+00 : f32
        %sub3A_385 = vector.broadcast %sub3A_384 : f32 to vector<16xf32>
        %sub3A_386 = arith.subf %sub3A_385, %get3A_237 : vector<16xf32>
        %max3A_387 = arith.maximumf %sub3A_386, %get3A_261 : vector<16xf32>
        %bitcast3A_388 = vector.bitcast %max3A_387 : vector<16xf32> to vector<16xi32>
        %shift_right_arithmetic3A_389 = arith.constant 17 : i32
        %shift_right_arithmetic3A_390 = vector.broadcast %shift_right_arithmetic3A_389 : i32 to vector<16xi32>
        %shift_right_arithmetic3A_391 = arith.shrsi %bitcast3A_388, %shift_right_arithmetic3A_390 : vector<16xi32>
        %sub3A_392 = arith.constant 8128 : i32
        %sub3A_393 = vector.broadcast %sub3A_392 : i32 to vector<16xi32>
        %sub3A_394 = arith.subi %sub3A_393, %shift_right_arithmetic3A_391 : vector<16xi32>
        %min3A_395 = arith.constant 2047 : i32
        %min3A_396 = vector.broadcast %min3A_395 : i32 to vector<16xi32>
        %min3A_397 = arith.minui %sub3A_394, %min3A_396 : vector<16xi32>
        %shift_right_arithmetic3A_398 = arith.constant 3 : i32
        %shift_right_arithmetic3A_399 = vector.broadcast %shift_right_arithmetic3A_398 : i32 to vector<16xi32>
        %shift_right_arithmetic3A_400 = arith.shrsi %min3A_397, %shift_right_arithmetic3A_399 : vector<16xi32>
        %and3A_401 = arith.constant 7 : i32
        %and3A_402 = vector.broadcast %and3A_401 : i32 to vector<16xi32>
        %and3A_403 = arith.andi %min3A_397, %and3A_402 : vector<16xi32>
        %shift_left3A_404 = arith.constant 4 : i32
        %shift_left3A_405 = vector.broadcast %shift_left3A_404 : i32 to vector<16xi32>
        %shift_left3A_406 = arith.shli %and3A_403, %shift_left3A_405 : vector<16xi32>
        %add3A_407 = arith.addi %shift_left3A_406, %iota3A : vector<16xi32>
        %sub3A_408 = arith.constant 1.000000e+00 : f32
        %sub3A_409 = vector.broadcast %sub3A_408 : f32 to vector<16xf32>
        %sub3A_410 = arith.subf %sub3A_409, %get3A_240 : vector<16xf32>
        %max3A_411 = arith.maximumf %sub3A_410, %get3A_264 : vector<16xf32>
        %bitcast3A_412 = vector.bitcast %max3A_411 : vector<16xf32> to vector<16xi32>
        %shift_right_arithmetic3A_413 = arith.constant 17 : i32
        %shift_right_arithmetic3A_414 = vector.broadcast %shift_right_arithmetic3A_413 : i32 to vector<16xi32>
        %shift_right_arithmetic3A_415 = arith.shrsi %bitcast3A_412, %shift_right_arithmetic3A_414 : vector<16xi32>
        %sub3A_416 = arith.constant 8128 : i32
        %sub3A_417 = vector.broadcast %sub3A_416 : i32 to vector<16xi32>
        %sub3A_418 = arith.subi %sub3A_417, %shift_right_arithmetic3A_415 : vector<16xi32>
        %min3A_419 = arith.constant 2047 : i32
        %min3A_420 = vector.broadcast %min3A_419 : i32 to vector<16xi32>
        %min3A_421 = arith.minui %sub3A_418, %min3A_420 : vector<16xi32>
        %shift_right_arithmetic3A_422 = arith.constant 3 : i32
        %shift_right_arithmetic3A_423 = vector.broadcast %shift_right_arithmetic3A_422 : i32 to vector<16xi32>
        %shift_right_arithmetic3A_424 = arith.shrsi %min3A_421, %shift_right_arithmetic3A_423 : vector<16xi32>
        %and3A_425 = arith.constant 7 : i32
        %and3A_426 = vector.broadcast %and3A_425 : i32 to vector<16xi32>
        %and3A_427 = arith.andi %min3A_421, %and3A_426 : vector<16xi32>
        %shift_left3A_428 = arith.constant 4 : i32
        %shift_left3A_429 = vector.broadcast %shift_left3A_428 : i32 to vector<16xi32>
        %shift_left3A_430 = arith.shli %and3A_427, %shift_left3A_429 : vector<16xi32>
        %add3A_431 = arith.addi %shift_left3A_430, %iota3A : vector<16xi32>
        %sub3A_432 = arith.constant 1.000000e+00 : f32
        %sub3A_433 = vector.broadcast %sub3A_432 : f32 to vector<16xf32>
        %sub3A_434 = arith.subf %sub3A_433, %get3A_243 : vector<16xf32>
        %max3A_435 = arith.maximumf %sub3A_434, %get3A_267 : vector<16xf32>
        %bitcast3A_436 = vector.bitcast %max3A_435 : vector<16xf32> to vector<16xi32>
        %shift_right_arithmetic3A_437 = arith.constant 17 : i32
        %shift_right_arithmetic3A_438 = vector.broadcast %shift_right_arithmetic3A_437 : i32 to vector<16xi32>
        %shift_right_arithmetic3A_439 = arith.shrsi %bitcast3A_436, %shift_right_arithmetic3A_438 : vector<16xi32>
        %sub3A_440 = arith.constant 8128 : i32
        %sub3A_441 = vector.broadcast %sub3A_440 : i32 to vector<16xi32>
        %sub3A_442 = arith.subi %sub3A_441, %shift_right_arithmetic3A_439 : vector<16xi32>
        %min3A_443 = arith.constant 2047 : i32
        %min3A_444 = vector.broadcast %min3A_443 : i32 to vector<16xi32>
        %min3A_445 = arith.minui %sub3A_442, %min3A_444 : vector<16xi32>
        %shift_right_arithmetic3A_446 = arith.constant 3 : i32
        %shift_right_arithmetic3A_447 = vector.broadcast %shift_right_arithmetic3A_446 : i32 to vector<16xi32>
        %shift_right_arithmetic3A_448 = arith.shrsi %min3A_445, %shift_right_arithmetic3A_447 : vector<16xi32>
        %and3A_449 = arith.constant 7 : i32
        %and3A_450 = vector.broadcast %and3A_449 : i32 to vector<16xi32>
        %and3A_451 = arith.andi %min3A_445, %and3A_450 : vector<16xi32>
        %shift_left3A_452 = arith.constant 4 : i32
        %shift_left3A_453 = vector.broadcast %shift_left3A_452 : i32 to vector<16xi32>
        %shift_left3A_454 = arith.shli %and3A_451, %shift_left3A_453 : vector<16xi32>
        %add3A_455 = arith.addi %shift_left3A_454, %iota3A : vector<16xi32>
        tpu.vector_store_idx %arg13[%shift_right_arithmetic3A_281, %add3A_287], %broadcast_in_dim3A_7 {add = true} : memref<256x128xf32, #tpu.memory_space<vmem>>[vector<16xi32>, vector<16xi32>], vector<16xf32>,
        tpu.vector_store_idx %arg13[%shift_right_arithmetic3A_304, %add3A_311], %broadcast_in_dim3A_7 {add = true} : memref<256x128xf32, #tpu.memory_space<vmem>>[vector<16xi32>, vector<16xi32>], vector<16xf32>,
        tpu.vector_store_idx %arg13[%shift_right_arithmetic3A_328, %add3A_335], %broadcast_in_dim3A_7 {add = true} : memref<256x128xf32, #tpu.memory_space<vmem>>[vector<16xi32>, vector<16xi32>], vector<16xf32>,
        tpu.vector_store_idx %arg13[%shift_right_arithmetic3A_352, %add3A_359], %broadcast_in_dim3A_7 {add = true} : memref<256x128xf32, #tpu.memory_space<vmem>>[vector<16xi32>, vector<16xi32>], vector<16xf32>,
        tpu.vector_store_idx %arg13[%shift_right_arithmetic3A_376, %add3A_383], %broadcast_in_dim3A_7 {add = true} : memref<256x128xf32, #tpu.memory_space<vmem>>[vector<16xi32>, vector<16xi32>], vector<16xf32>,
        tpu.vector_store_idx %arg13[%shift_right_arithmetic3A_400, %add3A_407], %broadcast_in_dim3A_7 {add = true} : memref<256x128xf32, #tpu.memory_space<vmem>>[vector<16xi32>, vector<16xi32>], vector<16xf32>,
        tpu.vector_store_idx %arg13[%shift_right_arithmetic3A_424, %add3A_431], %broadcast_in_dim3A_7 {add = true} : memref<256x128xf32, #tpu.memory_space<vmem>>[vector<16xi32>, vector<16xi32>], vector<16xf32>,
        tpu.vector_store_idx %arg13[%shift_right_arithmetic3A_448, %add3A_455], %broadcast_in_dim3A_7 {add = true} : memref<256x128xf32, #tpu.memory_space<vmem>>[vector<16xi32>, vector<16xi32>], vector<16xf32>,
        %get3A_456 = arith.index_cast %scan3A_220 : i32 to index
        %get3A_457 = arith.constant 128 : index
        %get3A_458 = tpu.vector_load %arg6[%get3A_456, %get3A_457] {strides = array<i32>} : memref<16x512xf32, #tpu.memory_space<vmem>>, vector<16xf32>,
        %get3A_459 = arith.index_cast %scan3A_220 : i32 to index
        %get3A_460 = arith.constant 144 : index
        %get3A_461 = tpu.vector_load %arg6[%get3A_459, %get3A_460] {strides = array<i32>} : memref<16x512xf32, #tpu.memory_space<vmem>>, vector<16xf32>,
        %get3A_462 = arith.index_cast %scan3A_220 : i32 to index
        %get3A_463 = arith.constant 160 : index
        %get3A_464 = tpu.vector_load %arg6[%get3A_462, %get3A_463] {strides = array<i32>} : memref<16x512xf32, #tpu.memory_space<vmem>>, vector<16xf32>,
        %get3A_465 = arith.index_cast %scan3A_220 : i32 to index
        %get3A_466 = arith.constant 176 : index
        %get3A_467 = tpu.vector_load %arg6[%get3A_465, %get3A_466] {strides = array<i32>} : memref<16x512xf32, #tpu.memory_space<vmem>>, vector<16xf32>,
        %get3A_468 = arith.index_cast %scan3A_220 : i32 to index
        %get3A_469 = arith.constant 192 : index
        %get3A_470 = tpu.vector_load %arg6[%get3A_468, %get3A_469] {strides = array<i32>} : memref<16x512xf32, #tpu.memory_space<vmem>>, vector<16xf32>,
        %get3A_471 = arith.index_cast %scan3A_220 : i32 to index
        %get3A_472 = arith.constant 208 : index
        %get3A_473 = tpu.vector_load %arg6[%get3A_471, %get3A_472] {strides = array<i32>} : memref<16x512xf32, #tpu.memory_space<vmem>>, vector<16xf32>,
        %get3A_474 = arith.index_cast %scan3A_220 : i32 to index
        %get3A_475 = arith.constant 224 : index
        %get3A_476 = tpu.vector_load %arg6[%get3A_474, %get3A_475] {strides = array<i32>} : memref<16x512xf32, #tpu.memory_space<vmem>>, vector<16xf32>,
        %get3A_477 = arith.index_cast %scan3A_220 : i32 to index
        %get3A_478 = arith.constant 240 : index
        %get3A_479 = tpu.vector_load %arg6[%get3A_477, %get3A_478] {strides = array<i32>} : memref<16x512xf32, #tpu.memory_space<vmem>>, vector<16xf32>,
        %get3A_480 = arith.index_cast %scan3A_220 : i32 to index
        %get3A_481 = arith.constant 128 : index
        %get3A_482 = tpu.vector_load %arg10[%get3A_480, %get3A_481] {strides = array<i32>} : memref<16x512xf32, #tpu.memory_space<vmem>>, vector<16xf32>,
        %get3A_483 = arith.index_cast %scan3A_220 : i32 to index
        %get3A_484 = arith.constant 144 : index
        %get3A_485 = tpu.vector_load %arg10[%get3A_483, %get3A_484] {strides = array<i32>} : memref<16x512xf32, #tpu.memory_space<vmem>>, vector<16xf32>,
        %get3A_486 = arith.index_cast %scan3A_220 : i32 to index
        %get3A_487 = arith.constant 160 : index
        %get3A_488 = tpu.vector_load %arg10[%get3A_486, %get3A_487] {strides = array<i32>} : memref<16x512xf32, #tpu.memory_space<vmem>>, vector<16xf32>,
        %get3A_489 = arith.index_cast %scan3A_220 : i32 to index
        %get3A_490 = arith.constant 176 : index
        %get3A_491 = tpu.vector_load %arg10[%get3A_489, %get3A_490] {strides = array<i32>} : memref<16x512xf32, #tpu.memory_space<vmem>>, vector<16xf32>,
        %get3A_492 = arith.index_cast %scan3A_220 : i32 to index
        %get3A_493 = arith.constant 192 : index
        %get3A_494 = tpu.vector_load %arg10[%get3A_492, %get3A_493] {strides = array<i32>} : memref<16x512xf32, #tpu.memory_space<vmem>>, vector<16xf32>,
        %get3A_495 = arith.index_cast %scan3A_220 : i32 to index
        %get3A_496 = arith.constant 208 : index
        %get3A_497 = tpu.vector_load %arg10[%get3A_495, %get3A_496] {strides = array<i32>} : memref<16x512xf32, #tpu.memory_space<vmem>>, vector<16xf32>,
        %get3A_498 = arith.index_cast %scan3A_220 : i32 to index
        %get3A_499 = arith.constant 224 : index
        %get3A_500 = tpu.vector_load %arg10[%get3A_498, %get3A_499] {strides = array<i32>} : memref<16x512xf32, #tpu.memory_space<vmem>>, vector<16xf32>,
        %get3A_501 = arith.index_cast %scan3A_220 : i32 to index
        %get3A_502 = arith.constant 240 : index
        %get3A_503 = tpu.vector_load %arg10[%get3A_501, %get3A_502] {strides = array<i32>} : memref<16x512xf32, #tpu.memory_space<vmem>>, vector<16xf32>,
        %sub3A_504 = arith.constant 1.000000e+00 : f32
        %sub3A_505 = vector.broadcast %sub3A_504 : f32 to vector<16xf32>
        %sub3A_506 = arith.subf %sub3A_505, %get3A_458 : vector<16xf32>
        %max3A_507 = arith.maximumf %sub3A_506, %get3A_482 : vector<16xf32>
        %bitcast3A_508 = vector.bitcast %max3A_507 : vector<16xf32> to vector<16xi32>
        %shift_right_arithmetic3A_509 = arith.constant 17 : i32
        %shift_right_arithmetic3A_510 = vector.broadcast %shift_right_arithmetic3A_509 : i32 to vector<16xi32>
        %shift_right_arithmetic3A_511 = arith.shrsi %bitcast3A_508, %shift_right_arithmetic3A_510 : vector<16xi32>
        %sub3A_512 = arith.constant 8128 : i32
        %sub3A_513 = vector.broadcast %sub3A_512 : i32 to vector<16xi32>
        %sub3A_514 = arith.subi %sub3A_513, %shift_right_arithmetic3A_511 : vector<16xi32>
        %min3A_515 = arith.constant 2047 : i32
        %min3A_516 = vector.broadcast %min3A_515 : i32 to vector<16xi32>
        %min3A_517 = arith.minui %sub3A_514, %min3A_516 : vector<16xi32>
        %shift_right_arithmetic3A_518 = arith.constant 3 : i32
        %shift_right_arithmetic3A_519 = vector.broadcast %shift_right_arithmetic3A_518 : i32 to vector<16xi32>
        %shift_right_arithmetic3A_520 = arith.shrsi %min3A_517, %shift_right_arithmetic3A_519 : vector<16xi32>
        %and3A_521 = arith.constant 7 : i32
        %and3A_522 = vector.broadcast %and3A_521 : i32 to vector<16xi32>
        %and3A_523 = arith.andi %min3A_517, %and3A_522 : vector<16xi32>
        %shift_left3A_524 = arith.constant 4 : i32
        %shift_left3A_525 = vector.broadcast %shift_left3A_524 : i32 to vector<16xi32>
        %shift_left3A_526 = arith.shli %and3A_523, %shift_left3A_525 : vector<16xi32>
        %add3A_527 = arith.addi %shift_left3A_526, %iota3A : vector<16xi32>
        %sub3A_528 = arith.constant 1.000000e+00 : f32
        %sub3A_529 = vector.broadcast %sub3A_528 : f32 to vector<16xf32>
        %sub3A_530 = arith.subf %sub3A_529, %get3A_461 : vector<16xf32>
        %max3A_531 = arith.maximumf %sub3A_530, %get3A_485 : vector<16xf32>
        %bitcast3A_532 = vector.bitcast %max3A_531 : vector<16xf32> to vector<16xi32>
        %shift_right_arithmetic3A_533 = arith.constant 17 : i32
        %shift_right_arithmetic3A_534 = vector.broadcast %shift_right_arithmetic3A_533 : i32 to vector<16xi32>
        %shift_right_arithmetic3A_535 = arith.shrsi %bitcast3A_532, %shift_right_arithmetic3A_534 : vector<16xi32>
        %sub3A_536 = arith.constant 8128 : i32
        %sub3A_537 = vector.broadcast %sub3A_536 : i32 to vector<16xi32>
        %sub3A_538 = arith.subi %sub3A_537, %shift_right_arithmetic3A_535 : vector<16xi32>
        %min3A_539 = arith.constant 2047 : i32
        %min3A_540 = vector.broadcast %min3A_539 : i32 to vector<16xi32>
        %min3A_541 = arith.minui %sub3A_538, %min3A_540 : vector<16xi32>
        %shift_right_arithmetic3A_542 = arith.constant 3 : i32
        %shift_right_arithmetic3A_543 = vector.broadcast %shift_right_arithmetic3A_542 : i32 to vector<16xi32>
        %shift_right_arithmetic3A_544 = arith.shrsi %min3A_541, %shift_right_arithmetic3A_543 : vector<16xi32>
        %and3A_545 = arith.constant 7 : i32
        %and3A_546 = vector.broadcast %and3A_545 : i32 to vector<16xi32>
        %and3A_547 = arith.andi %min3A_541, %and3A_546 : vector<16xi32>
        %shift_left3A_548 = arith.constant 4 : i32
        %shift_left3A_549 = vector.broadcast %shift_left3A_548 : i32 to vector<16xi32>
        %shift_left3A_550 = arith.shli %and3A_547, %shift_left3A_549 : vector<16xi32>
        %add3A_551 = arith.addi %shift_left3A_550, %iota3A : vector<16xi32>
        %sub3A_552 = arith.constant 1.000000e+00 : f32
        %sub3A_553 = vector.broadcast %sub3A_552 : f32 to vector<16xf32>
        %sub3A_554 = arith.subf %sub3A_553, %get3A_464 : vector<16xf32>
        %max3A_555 = arith.maximumf %sub3A_554, %get3A_488 : vector<16xf32>
        %bitcast3A_556 = vector.bitcast %max3A_555 : vector<16xf32> to vector<16xi32>
        %shift_right_arithmetic3A_557 = arith.constant 17 : i32
        %shift_right_arithmetic3A_558 = vector.broadcast %shift_right_arithmetic3A_557 : i32 to vector<16xi32>
        %shift_right_arithmetic3A_559 = arith.shrsi %bitcast3A_556, %shift_right_arithmetic3A_558 : vector<16xi32>
        %sub3A_560 = arith.constant 8128 : i32
        %sub3A_561 = vector.broadcast %sub3A_560 : i32 to vector<16xi32>
        %sub3A_562 = arith.subi %sub3A_561, %shift_right_arithmetic3A_559 : vector<16xi32>
        %min3A_563 = arith.constant 2047 : i32
        %min3A_564 = vector.broadcast %min3A_563 : i32 to vector<16xi32>
        %min3A_565 = arith.minui %sub3A_562, %min3A_564 : vector<16xi32>
        %shift_right_arithmetic3A_566 = arith.constant 3 : i32
        %shift_right_arithmetic3A_567 = vector.broadcast %shift_right_arithmetic3A_566 : i32 to vector<16xi32>
        %shift_right_arithmetic3A_568 = arith.shrsi %min3A_565, %shift_right_arithmetic3A_567 : vector<16xi32>
        %and3A_569 = arith.constant 7 : i32
        %and3A_570 = vector.broadcast %and3A_569 : i32 to vector<16xi32>
        %and3A_571 = arith.andi %min3A_565, %and3A_570 : vector<16xi32>
        %shift_left3A_572 = arith.constant 4 : i32
        %shift_left3A_573 = vector.broadcast %shift_left3A_572 : i32 to vector<16xi32>
        %shift_left3A_574 = arith.shli %and3A_571, %shift_left3A_573 : vector<16xi32>
        %add3A_575 = arith.addi %shift_left3A_574, %iota3A : vector<16xi32>
        %sub3A_576 = arith.constant 1.000000e+00 : f32
        %sub3A_577 = vector.broadcast %sub3A_576 : f32 to vector<16xf32>
        %sub3A_578 = arith.subf %sub3A_577, %get3A_467 : vector<16xf32>
        %max3A_579 = arith.maximumf %sub3A_578, %get3A_491 : vector<16xf32>
        %bitcast3A_580 = vector.bitcast %max3A_579 : vector<16xf32> to vector<16xi32>
        %shift_right_arithmetic3A_581 = arith.constant 17 : i32
        %shift_right_arithmetic3A_582 = vector.broadcast %shift_right_arithmetic3A_581 : i32 to vector<16xi32>
        %shift_right_arithmetic3A_583 = arith.shrsi %bitcast3A_580, %shift_right_arithmetic3A_582 : vector<16xi32>
        %sub3A_584 = arith.constant 8128 : i32
        %sub3A_585 = vector.broadcast %sub3A_584 : i32 to vector<16xi32>
        %sub3A_586 = arith.subi %sub3A_585, %shift_right_arithmetic3A_583 : vector<16xi32>
        %min3A_587 = arith.constant 2047 : i32
        %min3A_588 = vector.broadcast %min3A_587 : i32 to vector<16xi32>
        %min3A_589 = arith.minui %sub3A_586, %min3A_588 : vector<16xi32>
        %shift_right_arithmetic3A_590 = arith.constant 3 : i32
        %shift_right_arithmetic3A_591 = vector.broadcast %shift_right_arithmetic3A_590 : i32 to vector<16xi32>
        %shift_right_arithmetic3A_592 = arith.shrsi %min3A_589, %shift_right_arithmetic3A_591 : vector<16xi32>
        %and3A_593 = arith.constant 7 : i32
        %and3A_594 = vector.broadcast %and3A_593 : i32 to vector<16xi32>
        %and3A_595 = arith.andi %min3A_589, %and3A_594 : vector<16xi32>
        %shift_left3A_596 = arith.constant 4 : i32
        %shift_left3A_597 = vector.broadcast %shift_left3A_596 : i32 to vector<16xi32>
        %shift_left3A_598 = arith.shli %and3A_595, %shift_left3A_597 : vector<16xi32>
        %add3A_599 = arith.addi %shift_left3A_598, %iota3A : vector<16xi32>
        %sub3A_600 = arith.constant 1.000000e+00 : f32
        %sub3A_601 = vector.broadcast %sub3A_600 : f32 to vector<16xf32>
        %sub3A_602 = arith.subf %sub3A_601, %get3A_470 : vector<16xf32>
        %max3A_603 = arith.maximumf %sub3A_602, %get3A_494 : vector<16xf32>
        %bitcast3A_604 = vector.bitcast %max3A_603 : vector<16xf32> to vector<16xi32>
        %shift_right_arithmetic3A_605 = arith.constant 17 : i32
        %shift_right_arithmetic3A_606 = vector.broadcast %shift_right_arithmetic3A_605 : i32 to vector<16xi32>
        %shift_right_arithmetic3A_607 = arith.shrsi %bitcast3A_604, %shift_right_arithmetic3A_606 : vector<16xi32>
        %sub3A_608 = arith.constant 8128 : i32
        %sub3A_609 = vector.broadcast %sub3A_608 : i32 to vector<16xi32>
        %sub3A_610 = arith.subi %sub3A_609, %shift_right_arithmetic3A_607 : vector<16xi32>
        %min3A_611 = arith.constant 2047 : i32
        %min3A_612 = vector.broadcast %min3A_611 : i32 to vector<16xi32>
        %min3A_613 = arith.minui %sub3A_610, %min3A_612 : vector<16xi32>
        %shift_right_arithmetic3A_614 = arith.constant 3 : i32
        %shift_right_arithmetic3A_615 = vector.broadcast %shift_right_arithmetic3A_614 : i32 to vector<16xi32>
        %shift_right_arithmetic3A_616 = arith.shrsi %min3A_613, %shift_right_arithmetic3A_615 : vector<16xi32>
        %and3A_617 = arith.constant 7 : i32
        %and3A_618 = vector.broadcast %and3A_617 : i32 to vector<16xi32>
        %and3A_619 = arith.andi %min3A_613, %and3A_618 : vector<16xi32>
        %shift_left3A_620 = arith.constant 4 : i32
        %shift_left3A_621 = vector.broadcast %shift_left3A_620 : i32 to vector<16xi32>
        %shift_left3A_622 = arith.shli %and3A_619, %shift_left3A_621 : vector<16xi32>
        %add3A_623 = arith.addi %shift_left3A_622, %iota3A : vector<16xi32>
        %sub3A_624 = arith.constant 1.000000e+00 : f32
        %sub3A_625 = vector.broadcast %sub3A_624 : f32 to vector<16xf32>
        %sub3A_626 = arith.subf %sub3A_625, %get3A_473 : vector<16xf32>
        %max3A_627 = arith.maximumf %sub3A_626, %get3A_497 : vector<16xf32>
        %bitcast3A_628 = vector.bitcast %max3A_627 : vector<16xf32> to vector<16xi32>
        %shift_right_arithmetic3A_629 = arith.constant 17 : i32
        %shift_right_arithmetic3A_630 = vector.broadcast %shift_right_arithmetic3A_629 : i32 to vector<16xi32>
        %shift_right_arithmetic3A_631 = arith.shrsi %bitcast3A_628, %shift_right_arithmetic3A_630 : vector<16xi32>
        %sub3A_632 = arith.constant 8128 : i32
        %sub3A_633 = vector.broadcast %sub3A_632 : i32 to vector<16xi32>
        %sub3A_634 = arith.subi %sub3A_633, %shift_right_arithmetic3A_631 : vector<16xi32>
        %min3A_635 = arith.constant 2047 : i32
        %min3A_636 = vector.broadcast %min3A_635 : i32 to vector<16xi32>
        %min3A_637 = arith.minui %sub3A_634, %min3A_636 : vector<16xi32>
        %shift_right_arithmetic3A_638 = arith.constant 3 : i32
        %shift_right_arithmetic3A_639 = vector.broadcast %shift_right_arithmetic3A_638 : i32 to vector<16xi32>
        %shift_right_arithmetic3A_640 = arith.shrsi %min3A_637, %shift_right_arithmetic3A_639 : vector<16xi32>
        %and3A_641 = arith.constant 7 : i32
        %and3A_642 = vector.broadcast %and3A_641 : i32 to vector<16xi32>
        %and3A_643 = arith.andi %min3A_637, %and3A_642 : vector<16xi32>
        %shift_left3A_644 = arith.constant 4 : i32
        %shift_left3A_645 = vector.broadcast %shift_left3A_644 : i32 to vector<16xi32>
        %shift_left3A_646 = arith.shli %and3A_643, %shift_left3A_645 : vector<16xi32>
        %add3A_647 = arith.addi %shift_left3A_646, %iota3A : vector<16xi32>
        %sub3A_648 = arith.constant 1.000000e+00 : f32
        %sub3A_649 = vector.broadcast %sub3A_648 : f32 to vector<16xf32>
        %sub3A_650 = arith.subf %sub3A_649, %get3A_476 : vector<16xf32>
        %max3A_651 = arith.maximumf %sub3A_650, %get3A_500 : vector<16xf32>
        %bitcast3A_652 = vector.bitcast %max3A_651 : vector<16xf32> to vector<16xi32>
        %shift_right_arithmetic3A_653 = arith.constant 17 : i32
        %shift_right_arithmetic3A_654 = vector.broadcast %shift_right_arithmetic3A_653 : i32 to vector<16xi32>
        %shift_right_arithmetic3A_655 = arith.shrsi %bitcast3A_652, %shift_right_arithmetic3A_654 : vector<16xi32>
        %sub3A_656 = arith.constant 8128 : i32
        %sub3A_657 = vector.broadcast %sub3A_656 : i32 to vector<16xi32>
        %sub3A_658 = arith.subi %sub3A_657, %shift_right_arithmetic3A_655 : vector<16xi32>
        %min3A_659 = arith.constant 2047 : i32
        %min3A_660 = vector.broadcast %min3A_659 : i32 to vector<16xi32>
        %min3A_661 = arith.minui %sub3A_658, %min3A_660 : vector<16xi32>
        %shift_right_arithmetic3A_662 = arith.constant 3 : i32
        %shift_right_arithmetic3A_663 = vector.broadcast %shift_right_arithmetic3A_662 : i32 to vector<16xi32>
        %shift_right_arithmetic3A_664 = arith.shrsi %min3A_661, %shift_right_arithmetic3A_663 : vector<16xi32>
        %and3A_665 = arith.constant 7 : i32
        %and3A_666 = vector.broadcast %and3A_665 : i32 to vector<16xi32>
        %and3A_667 = arith.andi %min3A_661, %and3A_666 : vector<16xi32>
        %shift_left3A_668 = arith.constant 4 : i32
        %shift_left3A_669 = vector.broadcast %shift_left3A_668 : i32 to vector<16xi32>
        %shift_left3A_670 = arith.shli %and3A_667, %shift_left3A_669 : vector<16xi32>
        %add3A_671 = arith.addi %shift_left3A_670, %iota3A : vector<16xi32>
        %sub3A_672 = arith.constant 1.000000e+00 : f32
        %sub3A_673 = vector.broadcast %sub3A_672 : f32 to vector<16xf32>
        %sub3A_674 = arith.subf %sub3A_673, %get3A_479 : vector<16xf32>
        %max3A_675 = arith.maximumf %sub3A_674, %get3A_503 : vector<16xf32>
        %bitcast3A_676 = vector.bitcast %max3A_675 : vector<16xf32> to vector<16xi32>
        %shift_right_arithmetic3A_677 = arith.constant 17 : i32
        %shift_right_arithmetic3A_678 = vector.broadcast %shift_right_arithmetic3A_677 : i32 to vector<16xi32>
        %shift_right_arithmetic3A_679 = arith.shrsi %bitcast3A_676, %shift_right_arithmetic3A_678 : vector<16xi32>
        %sub3A_680 = arith.constant 8128 : i32
        %sub3A_681 = vector.broadcast %sub3A_680 : i32 to vector<16xi32>
        %sub3A_682 = arith.subi %sub3A_681, %shift_right_arithmetic3A_679 : vector<16xi32>
        %min3A_683 = arith.constant 2047 : i32
        %min3A_684 = vector.broadcast %min3A_683 : i32 to vector<16xi32>
        %min3A_685 = arith.minui %sub3A_682, %min3A_684 : vector<16xi32>
        %shift_right_arithmetic3A_686 = arith.constant 3 : i32
        %shift_right_arithmetic3A_687 = vector.broadcast %shift_right_arithmetic3A_686 : i32 to vector<16xi32>
        %shift_right_arithmetic3A_688 = arith.shrsi %min3A_685, %shift_right_arithmetic3A_687 : vector<16xi32>
        %and3A_689 = arith.constant 7 : i32
        %and3A_690 = vector.broadcast %and3A_689 : i32 to vector<16xi32>
        %and3A_691 = arith.andi %min3A_685, %and3A_690 : vector<16xi32>
        %shift_left3A_692 = arith.constant 4 : i32
        %shift_left3A_693 = vector.broadcast %shift_left3A_692 : i32 to vector<16xi32>
        %shift_left3A_694 = arith.shli %and3A_691, %shift_left3A_693 : vector<16xi32>
        %add3A_695 = arith.addi %shift_left3A_694, %iota3A : vector<16xi32>
        tpu.vector_store_idx %arg13[%shift_right_arithmetic3A_520, %add3A_527], %broadcast_in_dim3A_7 {add = true} : memref<256x128xf32, #tpu.memory_space<vmem>>[vector<16xi32>, vector<16xi32>], vector<16xf32>,
        tpu.vector_store_idx %arg13[%shift_right_arithmetic3A_544, %add3A_551], %broadcast_in_dim3A_7 {add = true} : memref<256x128xf32, #tpu.memory_space<vmem>>[vector<16xi32>, vector<16xi32>], vector<16xf32>,
        tpu.vector_store_idx %arg13[%shift_right_arithmetic3A_568, %add3A_575], %broadcast_in_dim3A_7 {add = true} : memref<256x128xf32, #tpu.memory_space<vmem>>[vector<16xi32>, vector<16xi32>], vector<16xf32>,
        tpu.vector_store_idx %arg13[%shift_right_arithmetic3A_592, %add3A_599], %broadcast_in_dim3A_7 {add = true} : memref<256x128xf32, #tpu.memory_space<vmem>>[vector<16xi32>, vector<16xi32>], vector<16xf32>,
        tpu.vector_store_idx %arg13[%shift_right_arithmetic3A_616, %add3A_623], %broadcast_in_dim3A_7 {add = true} : memref<256x128xf32, #tpu.memory_space<vmem>>[vector<16xi32>, vector<16xi32>], vector<16xf32>,
        tpu.vector_store_idx %arg13[%shift_right_arithmetic3A_640, %add3A_647], %broadcast_in_dim3A_7 {add = true} : memref<256x128xf32, #tpu.memory_space<vmem>>[vector<16xi32>, vector<16xi32>], vector<16xf32>,
        tpu.vector_store_idx %arg13[%shift_right_arithmetic3A_664, %add3A_671], %broadcast_in_dim3A_7 {add = true} : memref<256x128xf32, #tpu.memory_space<vmem>>[vector<16xi32>, vector<16xi32>], vector<16xf32>,
        tpu.vector_store_idx %arg13[%shift_right_arithmetic3A_688, %add3A_695], %broadcast_in_dim3A_7 {add = true} : memref<256x128xf32, #tpu.memory_space<vmem>>[vector<16xi32>, vector<16xi32>], vector<16xf32>,
        %get3A_696 = arith.index_cast %scan3A_220 : i32 to index
        %get3A_697 = arith.constant 256 : index
        %get3A_698 = tpu.vector_load %arg6[%get3A_696, %get3A_697] {strides = array<i32>} : memref<16x512xf32, #tpu.memory_space<vmem>>, vector<16xf32>,
        %get3A_699 = arith.index_cast %scan3A_220 : i32 to index
        %get3A_700 = arith.constant 272 : index
        %get3A_701 = tpu.vector_load %arg6[%get3A_699, %get3A_700] {strides = array<i32>} : memref<16x512xf32, #tpu.memory_space<vmem>>, vector<16xf32>,
        %get3A_702 = arith.index_cast %scan3A_220 : i32 to index
        %get3A_703 = arith.constant 288 : index
        %get3A_704 = tpu.vector_load %arg6[%get3A_702, %get3A_703] {strides = array<i32>} : memref<16x512xf32, #tpu.memory_space<vmem>>, vector<16xf32>,
        %get3A_705 = arith.index_cast %scan3A_220 : i32 to index
        %get3A_706 = arith.constant 304 : index
        %get3A_707 = tpu.vector_load %arg6[%get3A_705, %get3A_706] {strides = array<i32>} : memref<16x512xf32, #tpu.memory_space<vmem>>, vector<16xf32>,
        %get3A_708 = arith.index_cast %scan3A_220 : i32 to index
        %get3A_709 = arith.constant 320 : index
        %get3A_710 = tpu.vector_load %arg6[%get3A_708, %get3A_709] {strides = array<i32>} : memref<16x512xf32, #tpu.memory_space<vmem>>, vector<16xf32>,
        %get3A_711 = arith.index_cast %scan3A_220 : i32 to index
        %get3A_712 = arith.constant 336 : index
        %get3A_713 = tpu.vector_load %arg6[%get3A_711, %get3A_712] {strides = array<i32>} : memref<16x512xf32, #tpu.memory_space<vmem>>, vector<16xf32>,
        %get3A_714 = arith.index_cast %scan3A_220 : i32 to index
        %get3A_715 = arith.constant 352 : index
        %get3A_716 = tpu.vector_load %arg6[%get3A_714, %get3A_715] {strides = array<i32>} : memref<16x512xf32, #tpu.memory_space<vmem>>, vector<16xf32>,
        %get3A_717 = arith.index_cast %scan3A_220 : i32 to index
        %get3A_718 = arith.constant 368 : index
        %get3A_719 = tpu.vector_load %arg6[%get3A_717, %get3A_718] {strides = array<i32>} : memref<16x512xf32, #tpu.memory_space<vmem>>, vector<16xf32>,
        %get3A_720 = arith.index_cast %scan3A_220 : i32 to index
        %get3A_721 = arith.constant 256 : index
        %get3A_722 = tpu.vector_load %arg10[%get3A_720, %get3A_721] {strides = array<i32>} : memref<16x512xf32, #tpu.memory_space<vmem>>, vector<16xf32>,
        %get3A_723 = arith.index_cast %scan3A_220 : i32 to index
        %get3A_724 = arith.constant 272 : index
        %get3A_725 = tpu.vector_load %arg10[%get3A_723, %get3A_724] {strides = array<i32>} : memref<16x512xf32, #tpu.memory_space<vmem>>, vector<16xf32>,
        %get3A_726 = arith.index_cast %scan3A_220 : i32 to index
        %get3A_727 = arith.constant 288 : index
        %get3A_728 = tpu.vector_load %arg10[%get3A_726, %get3A_727] {strides = array<i32>} : memref<16x512xf32, #tpu.memory_space<vmem>>, vector<16xf32>,
        %get3A_729 = arith.index_cast %scan3A_220 : i32 to index
        %get3A_730 = arith.constant 304 : index
        %get3A_731 = tpu.vector_load %arg10[%get3A_729, %get3A_730] {strides = array<i32>} : memref<16x512xf32, #tpu.memory_space<vmem>>, vector<16xf32>,
        %get3A_732 = arith.index_cast %scan3A_220 : i32 to index
        %get3A_733 = arith.constant 320 : index
        %get3A_734 = tpu.vector_load %arg10[%get3A_732, %get3A_733] {strides = array<i32>} : memref<16x512xf32, #tpu.memory_space<vmem>>, vector<16xf32>,
        %get3A_735 = arith.index_cast %scan3A_220 : i32 to index
        %get3A_736 = arith.constant 336 : index
        %get3A_737 = tpu.vector_load %arg10[%get3A_735, %get3A_736] {strides = array<i32>} : memref<16x512xf32, #tpu.memory_space<vmem>>, vector<16xf32>,
        %get3A_738 = arith.index_cast %scan3A_220 : i32 to index
        %get3A_739 = arith.constant 352 : index
        %get3A_740 = tpu.vector_load %arg10[%get3A_738, %get3A_739] {strides = array<i32>} : memref<16x512xf32, #tpu.memory_space<vmem>>, vector<16xf32>,
        %get3A_741 = arith.index_cast %scan3A_220 : i32 to index
        %get3A_742 = arith.constant 368 : index
        %get3A_743 = tpu.vector_load %arg10[%get3A_741, %get3A_742] {strides = array<i32>} : memref<16x512xf32, #tpu.memory_space<vmem>>, vector<16xf32>,
        %sub3A_744 = arith.constant 1.000000e+00 : f32
        %sub3A_745 = vector.broadcast %sub3A_744 : f32 to vector<16xf32>
        %sub3A_746 = arith.subf %sub3A_745, %get3A_698 : vector<16xf32>
        %max3A_747 = arith.maximumf %sub3A_746, %get3A_722 : vector<16xf32>
        %bitcast3A_748 = vector.bitcast %max3A_747 : vector<16xf32> to vector<16xi32>
        %shift_right_arithmetic3A_749 = arith.constant 17 : i32
        %shift_right_arithmetic3A_750 = vector.broadcast %shift_right_arithmetic3A_749 : i32 to vector<16xi32>
        %shift_right_arithmetic3A_751 = arith.shrsi %bitcast3A_748, %shift_right_arithmetic3A_750 : vector<16xi32>
        %sub3A_752 = arith.constant 8128 : i32
        %sub3A_753 = vector.broadcast %sub3A_752 : i32 to vector<16xi32>
        %sub3A_754 = arith.subi %sub3A_753, %shift_right_arithmetic3A_751 : vector<16xi32>
        %min3A_755 = arith.constant 2047 : i32
        %min3A_756 = vector.broadcast %min3A_755 : i32 to vector<16xi32>
        %min3A_757 = arith.minui %sub3A_754, %min3A_756 : vector<16xi32>
        %shift_right_arithmetic3A_758 = arith.constant 3 : i32
        %shift_right_arithmetic3A_759 = vector.broadcast %shift_right_arithmetic3A_758 : i32 to vector<16xi32>
        %shift_right_arithmetic3A_760 = arith.shrsi %min3A_757, %shift_right_arithmetic3A_759 : vector<16xi32>
        %and3A_761 = arith.constant 7 : i32
        %and3A_762 = vector.broadcast %and3A_761 : i32 to vector<16xi32>
        %and3A_763 = arith.andi %min3A_757, %and3A_762 : vector<16xi32>
        %shift_left3A_764 = arith.constant 4 : i32
        %shift_left3A_765 = vector.broadcast %shift_left3A_764 : i32 to vector<16xi32>
        %shift_left3A_766 = arith.shli %and3A_763, %shift_left3A_765 : vector<16xi32>
        %add3A_767 = arith.addi %shift_left3A_766, %iota3A : vector<16xi32>
        %sub3A_768 = arith.constant 1.000000e+00 : f32
        %sub3A_769 = vector.broadcast %sub3A_768 : f32 to vector<16xf32>
        %sub3A_770 = arith.subf %sub3A_769, %get3A_701 : vector<16xf32>
        %max3A_771 = arith.maximumf %sub3A_770, %get3A_725 : vector<16xf32>
        %bitcast3A_772 = vector.bitcast %max3A_771 : vector<16xf32> to vector<16xi32>
        %shift_right_arithmetic3A_773 = arith.constant 17 : i32
        %shift_right_arithmetic3A_774 = vector.broadcast %shift_right_arithmetic3A_773 : i32 to vector<16xi32>
        %shift_right_arithmetic3A_775 = arith.shrsi %bitcast3A_772, %shift_right_arithmetic3A_774 : vector<16xi32>
        %sub3A_776 = arith.constant 8128 : i32
        %sub3A_777 = vector.broadcast %sub3A_776 : i32 to vector<16xi32>
        %sub3A_778 = arith.subi %sub3A_777, %shift_right_arithmetic3A_775 : vector<16xi32>
        %min3A_779 = arith.constant 2047 : i32
        %min3A_780 = vector.broadcast %min3A_779 : i32 to vector<16xi32>
        %min3A_781 = arith.minui %sub3A_778, %min3A_780 : vector<16xi32>
        %shift_right_arithmetic3A_782 = arith.constant 3 : i32
        %shift_right_arithmetic3A_783 = vector.broadcast %shift_right_arithmetic3A_782 : i32 to vector<16xi32>
        %shift_right_arithmetic3A_784 = arith.shrsi %min3A_781, %shift_right_arithmetic3A_783 : vector<16xi32>
        %and3A_785 = arith.constant 7 : i32
        %and3A_786 = vector.broadcast %and3A_785 : i32 to vector<16xi32>
        %and3A_787 = arith.andi %min3A_781, %and3A_786 : vector<16xi32>
        %shift_left3A_788 = arith.constant 4 : i32
        %shift_left3A_789 = vector.broadcast %shift_left3A_788 : i32 to vector<16xi32>
        %shift_left3A_790 = arith.shli %and3A_787, %shift_left3A_789 : vector<16xi32>
        %add3A_791 = arith.addi %shift_left3A_790, %iota3A : vector<16xi32>
        %sub3A_792 = arith.constant 1.000000e+00 : f32
        %sub3A_793 = vector.broadcast %sub3A_792 : f32 to vector<16xf32>
        %sub3A_794 = arith.subf %sub3A_793, %get3A_704 : vector<16xf32>
        %max3A_795 = arith.maximumf %sub3A_794, %get3A_728 : vector<16xf32>
        %bitcast3A_796 = vector.bitcast %max3A_795 : vector<16xf32> to vector<16xi32>
        %shift_right_arithmetic3A_797 = arith.constant 17 : i32
        %shift_right_arithmetic3A_798 = vector.broadcast %shift_right_arithmetic3A_797 : i32 to vector<16xi32>
        %shift_right_arithmetic3A_799 = arith.shrsi %bitcast3A_796, %shift_right_arithmetic3A_798 : vector<16xi32>
        %sub3A_800 = arith.constant 8128 : i32
        %sub3A_801 = vector.broadcast %sub3A_800 : i32 to vector<16xi32>
        %sub3A_802 = arith.subi %sub3A_801, %shift_right_arithmetic3A_799 : vector<16xi32>
        %min3A_803 = arith.constant 2047 : i32
        %min3A_804 = vector.broadcast %min3A_803 : i32 to vector<16xi32>
        %min3A_805 = arith.minui %sub3A_802, %min3A_804 : vector<16xi32>
        %shift_right_arithmetic3A_806 = arith.constant 3 : i32
        %shift_right_arithmetic3A_807 = vector.broadcast %shift_right_arithmetic3A_806 : i32 to vector<16xi32>
        %shift_right_arithmetic3A_808 = arith.shrsi %min3A_805, %shift_right_arithmetic3A_807 : vector<16xi32>
        %and3A_809 = arith.constant 7 : i32
        %and3A_810 = vector.broadcast %and3A_809 : i32 to vector<16xi32>
        %and3A_811 = arith.andi %min3A_805, %and3A_810 : vector<16xi32>
        %shift_left3A_812 = arith.constant 4 : i32
        %shift_left3A_813 = vector.broadcast %shift_left3A_812 : i32 to vector<16xi32>
        %shift_left3A_814 = arith.shli %and3A_811, %shift_left3A_813 : vector<16xi32>
        %add3A_815 = arith.addi %shift_left3A_814, %iota3A : vector<16xi32>
        %sub3A_816 = arith.constant 1.000000e+00 : f32
        %sub3A_817 = vector.broadcast %sub3A_816 : f32 to vector<16xf32>
        %sub3A_818 = arith.subf %sub3A_817, %get3A_707 : vector<16xf32>
        %max3A_819 = arith.maximumf %sub3A_818, %get3A_731 : vector<16xf32>
        %bitcast3A_820 = vector.bitcast %max3A_819 : vector<16xf32> to vector<16xi32>
        %shift_right_arithmetic3A_821 = arith.constant 17 : i32
        %shift_right_arithmetic3A_822 = vector.broadcast %shift_right_arithmetic3A_821 : i32 to vector<16xi32>
        %shift_right_arithmetic3A_823 = arith.shrsi %bitcast3A_820, %shift_right_arithmetic3A_822 : vector<16xi32>
        %sub3A_824 = arith.constant 8128 : i32
        %sub3A_825 = vector.broadcast %sub3A_824 : i32 to vector<16xi32>
        %sub3A_826 = arith.subi %sub3A_825, %shift_right_arithmetic3A_823 : vector<16xi32>
        %min3A_827 = arith.constant 2047 : i32
        %min3A_828 = vector.broadcast %min3A_827 : i32 to vector<16xi32>
        %min3A_829 = arith.minui %sub3A_826, %min3A_828 : vector<16xi32>
        %shift_right_arithmetic3A_830 = arith.constant 3 : i32
        %shift_right_arithmetic3A_831 = vector.broadcast %shift_right_arithmetic3A_830 : i32 to vector<16xi32>
        %shift_right_arithmetic3A_832 = arith.shrsi %min3A_829, %shift_right_arithmetic3A_831 : vector<16xi32>
        %and3A_833 = arith.constant 7 : i32
        %and3A_834 = vector.broadcast %and3A_833 : i32 to vector<16xi32>
        %and3A_835 = arith.andi %min3A_829, %and3A_834 : vector<16xi32>
        %shift_left3A_836 = arith.constant 4 : i32
        %shift_left3A_837 = vector.broadcast %shift_left3A_836 : i32 to vector<16xi32>
        %shift_left3A_838 = arith.shli %and3A_835, %shift_left3A_837 : vector<16xi32>
        %add3A_839 = arith.addi %shift_left3A_838, %iota3A : vector<16xi32>
        %sub3A_840 = arith.constant 1.000000e+00 : f32
        %sub3A_841 = vector.broadcast %sub3A_840 : f32 to vector<16xf32>
        %sub3A_842 = arith.subf %sub3A_841, %get3A_710 : vector<16xf32>
        %max3A_843 = arith.maximumf %sub3A_842, %get3A_734 : vector<16xf32>
        %bitcast3A_844 = vector.bitcast %max3A_843 : vector<16xf32> to vector<16xi32>
        %shift_right_arithmetic3A_845 = arith.constant 17 : i32
        %shift_right_arithmetic3A_846 = vector.broadcast %shift_right_arithmetic3A_845 : i32 to vector<16xi32>
        %shift_right_arithmetic3A_847 = arith.shrsi %bitcast3A_844, %shift_right_arithmetic3A_846 : vector<16xi32>
        %sub3A_848 = arith.constant 8128 : i32
        %sub3A_849 = vector.broadcast %sub3A_848 : i32 to vector<16xi32>
        %sub3A_850 = arith.subi %sub3A_849, %shift_right_arithmetic3A_847 : vector<16xi32>
        %min3A_851 = arith.constant 2047 : i32
        %min3A_852 = vector.broadcast %min3A_851 : i32 to vector<16xi32>
        %min3A_853 = arith.minui %sub3A_850, %min3A_852 : vector<16xi32>
        %shift_right_arithmetic3A_854 = arith.constant 3 : i32
        %shift_right_arithmetic3A_855 = vector.broadcast %shift_right_arithmetic3A_854 : i32 to vector<16xi32>
        %shift_right_arithmetic3A_856 = arith.shrsi %min3A_853, %shift_right_arithmetic3A_855 : vector<16xi32>
        %and3A_857 = arith.constant 7 : i32
        %and3A_858 = vector.broadcast %and3A_857 : i32 to vector<16xi32>
        %and3A_859 = arith.andi %min3A_853, %and3A_858 : vector<16xi32>
        %shift_left3A_860 = arith.constant 4 : i32
        %shift_left3A_861 = vector.broadcast %shift_left3A_860 : i32 to vector<16xi32>
        %shift_left3A_862 = arith.shli %and3A_859, %shift_left3A_861 : vector<16xi32>
        %add3A_863 = arith.addi %shift_left3A_862, %iota3A : vector<16xi32>
        %sub3A_864 = arith.constant 1.000000e+00 : f32
        %sub3A_865 = vector.broadcast %sub3A_864 : f32 to vector<16xf32>
        %sub3A_866 = arith.subf %sub3A_865, %get3A_713 : vector<16xf32>
        %max3A_867 = arith.maximumf %sub3A_866, %get3A_737 : vector<16xf32>
        %bitcast3A_868 = vector.bitcast %max3A_867 : vector<16xf32> to vector<16xi32>
        %shift_right_arithmetic3A_869 = arith.constant 17 : i32
        %shift_right_arithmetic3A_870 = vector.broadcast %shift_right_arithmetic3A_869 : i32 to vector<16xi32>
        %shift_right_arithmetic3A_871 = arith.shrsi %bitcast3A_868, %shift_right_arithmetic3A_870 : vector<16xi32>
        %sub3A_872 = arith.constant 8128 : i32
        %sub3A_873 = vector.broadcast %sub3A_872 : i32 to vector<16xi32>
        %sub3A_874 = arith.subi %sub3A_873, %shift_right_arithmetic3A_871 : vector<16xi32>
        %min3A_875 = arith.constant 2047 : i32
        %min3A_876 = vector.broadcast %min3A_875 : i32 to vector<16xi32>
        %min3A_877 = arith.minui %sub3A_874, %min3A_876 : vector<16xi32>
        %shift_right_arithmetic3A_878 = arith.constant 3 : i32
        %shift_right_arithmetic3A_879 = vector.broadcast %shift_right_arithmetic3A_878 : i32 to vector<16xi32>
        %shift_right_arithmetic3A_880 = arith.shrsi %min3A_877, %shift_right_arithmetic3A_879 : vector<16xi32>
        %and3A_881 = arith.constant 7 : i32
        %and3A_882 = vector.broadcast %and3A_881 : i32 to vector<16xi32>
        %and3A_883 = arith.andi %min3A_877, %and3A_882 : vector<16xi32>
        %shift_left3A_884 = arith.constant 4 : i32
        %shift_left3A_885 = vector.broadcast %shift_left3A_884 : i32 to vector<16xi32>
        %shift_left3A_886 = arith.shli %and3A_883, %shift_left3A_885 : vector<16xi32>
        %add3A_887 = arith.addi %shift_left3A_886, %iota3A : vector<16xi32>
        %sub3A_888 = arith.constant 1.000000e+00 : f32
        %sub3A_889 = vector.broadcast %sub3A_888 : f32 to vector<16xf32>
        %sub3A_890 = arith.subf %sub3A_889, %get3A_716 : vector<16xf32>
        %max3A_891 = arith.maximumf %sub3A_890, %get3A_740 : vector<16xf32>
        %bitcast3A_892 = vector.bitcast %max3A_891 : vector<16xf32> to vector<16xi32>
        %shift_right_arithmetic3A_893 = arith.constant 17 : i32
        %shift_right_arithmetic3A_894 = vector.broadcast %shift_right_arithmetic3A_893 : i32 to vector<16xi32>
        %shift_right_arithmetic3A_895 = arith.shrsi %bitcast3A_892, %shift_right_arithmetic3A_894 : vector<16xi32>
        %sub3A_896 = arith.constant 8128 : i32
        %sub3A_897 = vector.broadcast %sub3A_896 : i32 to vector<16xi32>
        %sub3A_898 = arith.subi %sub3A_897, %shift_right_arithmetic3A_895 : vector<16xi32>
        %min3A_899 = arith.constant 2047 : i32
        %min3A_900 = vector.broadcast %min3A_899 : i32 to vector<16xi32>
        %min3A_901 = arith.minui %sub3A_898, %min3A_900 : vector<16xi32>
        %shift_right_arithmetic3A_902 = arith.constant 3 : i32
        %shift_right_arithmetic3A_903 = vector.broadcast %shift_right_arithmetic3A_902 : i32 to vector<16xi32>
        %shift_right_arithmetic3A_904 = arith.shrsi %min3A_901, %shift_right_arithmetic3A_903 : vector<16xi32>
        %and3A_905 = arith.constant 7 : i32
        %and3A_906 = vector.broadcast %and3A_905 : i32 to vector<16xi32>
        %and3A_907 = arith.andi %min3A_901, %and3A_906 : vector<16xi32>
        %shift_left3A_908 = arith.constant 4 : i32
        %shift_left3A_909 = vector.broadcast %shift_left3A_908 : i32 to vector<16xi32>
        %shift_left3A_910 = arith.shli %and3A_907, %shift_left3A_909 : vector<16xi32>
        %add3A_911 = arith.addi %shift_left3A_910, %iota3A : vector<16xi32>
        %sub3A_912 = arith.constant 1.000000e+00 : f32
        %sub3A_913 = vector.broadcast %sub3A_912 : f32 to vector<16xf32>
        %sub3A_914 = arith.subf %sub3A_913, %get3A_719 : vector<16xf32>
        %max3A_915 = arith.maximumf %sub3A_914, %get3A_743 : vector<16xf32>
        %bitcast3A_916 = vector.bitcast %max3A_915 : vector<16xf32> to vector<16xi32>
        %shift_right_arithmetic3A_917 = arith.constant 17 : i32
        %shift_right_arithmetic3A_918 = vector.broadcast %shift_right_arithmetic3A_917 : i32 to vector<16xi32>
        %shift_right_arithmetic3A_919 = arith.shrsi %bitcast3A_916, %shift_right_arithmetic3A_918 : vector<16xi32>
        %sub3A_920 = arith.constant 8128 : i32
        %sub3A_921 = vector.broadcast %sub3A_920 : i32 to vector<16xi32>
        %sub3A_922 = arith.subi %sub3A_921, %shift_right_arithmetic3A_919 : vector<16xi32>
        %min3A_923 = arith.constant 2047 : i32
        %min3A_924 = vector.broadcast %min3A_923 : i32 to vector<16xi32>
        %min3A_925 = arith.minui %sub3A_922, %min3A_924 : vector<16xi32>
        %shift_right_arithmetic3A_926 = arith.constant 3 : i32
        %shift_right_arithmetic3A_927 = vector.broadcast %shift_right_arithmetic3A_926 : i32 to vector<16xi32>
        %shift_right_arithmetic3A_928 = arith.shrsi %min3A_925, %shift_right_arithmetic3A_927 : vector<16xi32>
        %and3A_929 = arith.constant 7 : i32
        %and3A_930 = vector.broadcast %and3A_929 : i32 to vector<16xi32>
        %and3A_931 = arith.andi %min3A_925, %and3A_930 : vector<16xi32>
        %shift_left3A_932 = arith.constant 4 : i32
        %shift_left3A_933 = vector.broadcast %shift_left3A_932 : i32 to vector<16xi32>
        %shift_left3A_934 = arith.shli %and3A_931, %shift_left3A_933 : vector<16xi32>
        %add3A_935 = arith.addi %shift_left3A_934, %iota3A : vector<16xi32>
        tpu.vector_store_idx %arg13[%shift_right_arithmetic3A_760, %add3A_767], %broadcast_in_dim3A_7 {add = true} : memref<256x128xf32, #tpu.memory_space<vmem>>[vector<16xi32>, vector<16xi32>], vector<16xf32>,
        tpu.vector_store_idx %arg13[%shift_right_arithmetic3A_784, %add3A_791], %broadcast_in_dim3A_7 {add = true} : memref<256x128xf32, #tpu.memory_space<vmem>>[vector<16xi32>, vector<16xi32>], vector<16xf32>,
        tpu.vector_store_idx %arg13[%shift_right_arithmetic3A_808, %add3A_815], %broadcast_in_dim3A_7 {add = true} : memref<256x128xf32, #tpu.memory_space<vmem>>[vector<16xi32>, vector<16xi32>], vector<16xf32>,
        tpu.vector_store_idx %arg13[%shift_right_arithmetic3A_832, %add3A_839], %broadcast_in_dim3A_7 {add = true} : memref<256x128xf32, #tpu.memory_space<vmem>>[vector<16xi32>, vector<16xi32>], vector<16xf32>,
        tpu.vector_store_idx %arg13[%shift_right_arithmetic3A_856, %add3A_863], %broadcast_in_dim3A_7 {add = true} : memref<256x128xf32, #tpu.memory_space<vmem>>[vector<16xi32>, vector<16xi32>], vector<16xf32>,
        tpu.vector_store_idx %arg13[%shift_right_arithmetic3A_880, %add3A_887], %broadcast_in_dim3A_7 {add = true} : memref<256x128xf32, #tpu.memory_space<vmem>>[vector<16xi32>, vector<16xi32>], vector<16xf32>,
        tpu.vector_store_idx %arg13[%shift_right_arithmetic3A_904, %add3A_911], %broadcast_in_dim3A_7 {add = true} : memref<256x128xf32, #tpu.memory_space<vmem>>[vector<16xi32>, vector<16xi32>], vector<16xf32>,
        tpu.vector_store_idx %arg13[%shift_right_arithmetic3A_928, %add3A_935], %broadcast_in_dim3A_7 {add = true} : memref<256x128xf32, #tpu.memory_space<vmem>>[vector<16xi32>, vector<16xi32>], vector<16xf32>,
        %get3A_936 = arith.index_cast %scan3A_220 : i32 to index
        %get3A_937 = arith.constant 384 : index
        %get3A_938 = tpu.vector_load %arg6[%get3A_936, %get3A_937] {strides = array<i32>} : memref<16x512xf32, #tpu.memory_space<vmem>>, vector<16xf32>,
        %get3A_939 = arith.index_cast %scan3A_220 : i32 to index
        %get3A_940 = arith.constant 400 : index
        %get3A_941 = tpu.vector_load %arg6[%get3A_939, %get3A_940] {strides = array<i32>} : memref<16x512xf32, #tpu.memory_space<vmem>>, vector<16xf32>,
        %get3A_942 = arith.index_cast %scan3A_220 : i32 to index
        %get3A_943 = arith.constant 416 : index
        %get3A_944 = tpu.vector_load %arg6[%get3A_942, %get3A_943] {strides = array<i32>} : memref<16x512xf32, #tpu.memory_space<vmem>>, vector<16xf32>,
        %get3A_945 = arith.index_cast %scan3A_220 : i32 to index
        %get3A_946 = arith.constant 432 : index
        %get3A_947 = tpu.vector_load %arg6[%get3A_945, %get3A_946] {strides = array<i32>} : memref<16x512xf32, #tpu.memory_space<vmem>>, vector<16xf32>,
        %get3A_948 = arith.index_cast %scan3A_220 : i32 to index
        %get3A_949 = arith.constant 448 : index
        %get3A_950 = tpu.vector_load %arg6[%get3A_948, %get3A_949] {strides = array<i32>} : memref<16x512xf32, #tpu.memory_space<vmem>>, vector<16xf32>,
        %get3A_951 = arith.index_cast %scan3A_220 : i32 to index
        %get3A_952 = arith.constant 464 : index
        %get3A_953 = tpu.vector_load %arg6[%get3A_951, %get3A_952] {strides = array<i32>} : memref<16x512xf32, #tpu.memory_space<vmem>>, vector<16xf32>,
        %get3A_954 = arith.index_cast %scan3A_220 : i32 to index
        %get3A_955 = arith.constant 480 : index
        %get3A_956 = tpu.vector_load %arg6[%get3A_954, %get3A_955] {strides = array<i32>} : memref<16x512xf32, #tpu.memory_space<vmem>>, vector<16xf32>,
        %get3A_957 = arith.index_cast %scan3A_220 : i32 to index
        %get3A_958 = arith.constant 496 : index
        %get3A_959 = tpu.vector_load %arg6[%get3A_957, %get3A_958] {strides = array<i32>} : memref<16x512xf32, #tpu.memory_space<vmem>>, vector<16xf32>,
        %get3A_960 = arith.index_cast %scan3A_220 : i32 to index
        %get3A_961 = arith.constant 384 : index
        %get3A_962 = tpu.vector_load %arg10[%get3A_960, %get3A_961] {strides = array<i32>} : memref<16x512xf32, #tpu.memory_space<vmem>>, vector<16xf32>,
        %get3A_963 = arith.index_cast %scan3A_220 : i32 to index
        %get3A_964 = arith.constant 400 : index
        %get3A_965 = tpu.vector_load %arg10[%get3A_963, %get3A_964] {strides = array<i32>} : memref<16x512xf32, #tpu.memory_space<vmem>>, vector<16xf32>,
        %get3A_966 = arith.index_cast %scan3A_220 : i32 to index
        %get3A_967 = arith.constant 416 : index
        %get3A_968 = tpu.vector_load %arg10[%get3A_966, %get3A_967] {strides = array<i32>} : memref<16x512xf32, #tpu.memory_space<vmem>>, vector<16xf32>,
        %get3A_969 = arith.index_cast %scan3A_220 : i32 to index
        %get3A_970 = arith.constant 432 : index
        %get3A_971 = tpu.vector_load %arg10[%get3A_969, %get3A_970] {strides = array<i32>} : memref<16x512xf32, #tpu.memory_space<vmem>>, vector<16xf32>,
        %get3A_972 = arith.index_cast %scan3A_220 : i32 to index
        %get3A_973 = arith.constant 448 : index
        %get3A_974 = tpu.vector_load %arg10[%get3A_972, %get3A_973] {strides = array<i32>} : memref<16x512xf32, #tpu.memory_space<vmem>>, vector<16xf32>,
        %get3A_975 = arith.index_cast %scan3A_220 : i32 to index
        %get3A_976 = arith.constant 464 : index
        %get3A_977 = tpu.vector_load %arg10[%get3A_975, %get3A_976] {strides = array<i32>} : memref<16x512xf32, #tpu.memory_space<vmem>>, vector<16xf32>,
        %get3A_978 = arith.index_cast %scan3A_220 : i32 to index
        %get3A_979 = arith.constant 480 : index
        %get3A_980 = tpu.vector_load %arg10[%get3A_978, %get3A_979] {strides = array<i32>} : memref<16x512xf32, #tpu.memory_space<vmem>>, vector<16xf32>,
        %get3A_981 = arith.index_cast %scan3A_220 : i32 to index
        %get3A_982 = arith.constant 496 : index
        %get3A_983 = tpu.vector_load %arg10[%get3A_981, %get3A_982] {strides = array<i32>} : memref<16x512xf32, #tpu.memory_space<vmem>>, vector<16xf32>,
        %sub3A_984 = arith.constant 1.000000e+00 : f32
        %sub3A_985 = vector.broadcast %sub3A_984 : f32 to vector<16xf32>
        %sub3A_986 = arith.subf %sub3A_985, %get3A_938 : vector<16xf32>
        %max3A_987 = arith.maximumf %sub3A_986, %get3A_962 : vector<16xf32>
        %bitcast3A_988 = vector.bitcast %max3A_987 : vector<16xf32> to vector<16xi32>
        %shift_right_arithmetic3A_989 = arith.constant 17 : i32
        %shift_right_arithmetic3A_990 = vector.broadcast %shift_right_arithmetic3A_989 : i32 to vector<16xi32>
        %shift_right_arithmetic3A_991 = arith.shrsi %bitcast3A_988, %shift_right_arithmetic3A_990 : vector<16xi32>
        %sub3A_992 = arith.constant 8128 : i32
        %sub3A_993 = vector.broadcast %sub3A_992 : i32 to vector<16xi32>
        %sub3A_994 = arith.subi %sub3A_993, %shift_right_arithmetic3A_991 : vector<16xi32>
        %min3A_995 = arith.constant 2047 : i32
        %min3A_996 = vector.broadcast %min3A_995 : i32 to vector<16xi32>
        %min3A_997 = arith.minui %sub3A_994, %min3A_996 : vector<16xi32>
        %shift_right_arithmetic3A_998 = arith.constant 3 : i32
        %shift_right_arithmetic3A_999 = vector.broadcast %shift_right_arithmetic3A_998 : i32 to vector<16xi32>
        %shift_right_arithmetic3A_1000 = arith.shrsi %min3A_997, %shift_right_arithmetic3A_999 : vector<16xi32>
        %and3A_1001 = arith.constant 7 : i32
        %and3A_1002 = vector.broadcast %and3A_1001 : i32 to vector<16xi32>
        %and3A_1003 = arith.andi %min3A_997, %and3A_1002 : vector<16xi32>
        %shift_left3A_1004 = arith.constant 4 : i32
        %shift_left3A_1005 = vector.broadcast %shift_left3A_1004 : i32 to vector<16xi32>
        %shift_left3A_1006 = arith.shli %and3A_1003, %shift_left3A_1005 : vector<16xi32>
        %add3A_1007 = arith.addi %shift_left3A_1006, %iota3A : vector<16xi32>
        %sub3A_1008 = arith.constant 1.000000e+00 : f32
        %sub3A_1009 = vector.broadcast %sub3A_1008 : f32 to vector<16xf32>
        %sub3A_1010 = arith.subf %sub3A_1009, %get3A_941 : vector<16xf32>
        %max3A_1011 = arith.maximumf %sub3A_1010, %get3A_965 : vector<16xf32>
        %bitcast3A_1012 = vector.bitcast %max3A_1011 : vector<16xf32> to vector<16xi32>
        %shift_right_arithmetic3A_1013 = arith.constant 17 : i32
        %shift_right_arithmetic3A_1014 = vector.broadcast %shift_right_arithmetic3A_1013 : i32 to vector<16xi32>
        %shift_right_arithmetic3A_1015 = arith.shrsi %bitcast3A_1012, %shift_right_arithmetic3A_1014 : vector<16xi32>
        %sub3A_1016 = arith.constant 8128 : i32
        %sub3A_1017 = vector.broadcast %sub3A_1016 : i32 to vector<16xi32>
        %sub3A_1018 = arith.subi %sub3A_1017, %shift_right_arithmetic3A_1015 : vector<16xi32>
        %min3A_1019 = arith.constant 2047 : i32
        %min3A_1020 = vector.broadcast %min3A_1019 : i32 to vector<16xi32>
        %min3A_1021 = arith.minui %sub3A_1018, %min3A_1020 : vector<16xi32>
        %shift_right_arithmetic3A_1022 = arith.constant 3 : i32
        %shift_right_arithmetic3A_1023 = vector.broadcast %shift_right_arithmetic3A_1022 : i32 to vector<16xi32>
        %shift_right_arithmetic3A_1024 = arith.shrsi %min3A_1021, %shift_right_arithmetic3A_1023 : vector<16xi32>
        %and3A_1025 = arith.constant 7 : i32
        %and3A_1026 = vector.broadcast %and3A_1025 : i32 to vector<16xi32>
        %and3A_1027 = arith.andi %min3A_1021, %and3A_1026 : vector<16xi32>
        %shift_left3A_1028 = arith.constant 4 : i32
        %shift_left3A_1029 = vector.broadcast %shift_left3A_1028 : i32 to vector<16xi32>
        %shift_left3A_1030 = arith.shli %and3A_1027, %shift_left3A_1029 : vector<16xi32>
        %add3A_1031 = arith.addi %shift_left3A_1030, %iota3A : vector<16xi32>
        %sub3A_1032 = arith.constant 1.000000e+00 : f32
        %sub3A_1033 = vector.broadcast %sub3A_1032 : f32 to vector<16xf32>
        %sub3A_1034 = arith.subf %sub3A_1033, %get3A_944 : vector<16xf32>
        %max3A_1035 = arith.maximumf %sub3A_1034, %get3A_968 : vector<16xf32>
        %bitcast3A_1036 = vector.bitcast %max3A_1035 : vector<16xf32> to vector<16xi32>
        %shift_right_arithmetic3A_1037 = arith.constant 17 : i32
        %shift_right_arithmetic3A_1038 = vector.broadcast %shift_right_arithmetic3A_1037 : i32 to vector<16xi32>
        %shift_right_arithmetic3A_1039 = arith.shrsi %bitcast3A_1036, %shift_right_arithmetic3A_1038 : vector<16xi32>
        %sub3A_1040 = arith.constant 8128 : i32
        %sub3A_1041 = vector.broadcast %sub3A_1040 : i32 to vector<16xi32>
        %sub3A_1042 = arith.subi %sub3A_1041, %shift_right_arithmetic3A_1039 : vector<16xi32>
        %min3A_1043 = arith.constant 2047 : i32
        %min3A_1044 = vector.broadcast %min3A_1043 : i32 to vector<16xi32>
        %min3A_1045 = arith.minui %sub3A_1042, %min3A_1044 : vector<16xi32>
        %shift_right_arithmetic3A_1046 = arith.constant 3 : i32
        %shift_right_arithmetic3A_1047 = vector.broadcast %shift_right_arithmetic3A_1046 : i32 to vector<16xi32>
        %shift_right_arithmetic3A_1048 = arith.shrsi %min3A_1045, %shift_right_arithmetic3A_1047 : vector<16xi32>
        %and3A_1049 = arith.constant 7 : i32
        %and3A_1050 = vector.broadcast %and3A_1049 : i32 to vector<16xi32>
        %and3A_1051 = arith.andi %min3A_1045, %and3A_1050 : vector<16xi32>
        %shift_left3A_1052 = arith.constant 4 : i32
        %shift_left3A_1053 = vector.broadcast %shift_left3A_1052 : i32 to vector<16xi32>
        %shift_left3A_1054 = arith.shli %and3A_1051, %shift_left3A_1053 : vector<16xi32>
        %add3A_1055 = arith.addi %shift_left3A_1054, %iota3A : vector<16xi32>
        %sub3A_1056 = arith.constant 1.000000e+00 : f32
        %sub3A_1057 = vector.broadcast %sub3A_1056 : f32 to vector<16xf32>
        %sub3A_1058 = arith.subf %sub3A_1057, %get3A_947 : vector<16xf32>
        %max3A_1059 = arith.maximumf %sub3A_1058, %get3A_971 : vector<16xf32>
        %bitcast3A_1060 = vector.bitcast %max3A_1059 : vector<16xf32> to vector<16xi32>
        %shift_right_arithmetic3A_1061 = arith.constant 17 : i32
        %shift_right_arithmetic3A_1062 = vector.broadcast %shift_right_arithmetic3A_1061 : i32 to vector<16xi32>
        %shift_right_arithmetic3A_1063 = arith.shrsi %bitcast3A_1060, %shift_right_arithmetic3A_1062 : vector<16xi32>
        %sub3A_1064 = arith.constant 8128 : i32
        %sub3A_1065 = vector.broadcast %sub3A_1064 : i32 to vector<16xi32>
        %sub3A_1066 = arith.subi %sub3A_1065, %shift_right_arithmetic3A_1063 : vector<16xi32>
        %min3A_1067 = arith.constant 2047 : i32
        %min3A_1068 = vector.broadcast %min3A_1067 : i32 to vector<16xi32>
        %min3A_1069 = arith.minui %sub3A_1066, %min3A_1068 : vector<16xi32>
        %shift_right_arithmetic3A_1070 = arith.constant 3 : i32
        %shift_right_arithmetic3A_1071 = vector.broadcast %shift_right_arithmetic3A_1070 : i32 to vector<16xi32>
        %shift_right_arithmetic3A_1072 = arith.shrsi %min3A_1069, %shift_right_arithmetic3A_1071 : vector<16xi32>
        %and3A_1073 = arith.constant 7 : i32
        %and3A_1074 = vector.broadcast %and3A_1073 : i32 to vector<16xi32>
        %and3A_1075 = arith.andi %min3A_1069, %and3A_1074 : vector<16xi32>
        %shift_left3A_1076 = arith.constant 4 : i32
        %shift_left3A_1077 = vector.broadcast %shift_left3A_1076 : i32 to vector<16xi32>
        %shift_left3A_1078 = arith.shli %and3A_1075, %shift_left3A_1077 : vector<16xi32>
        %add3A_1079 = arith.addi %shift_left3A_1078, %iota3A : vector<16xi32>
        %sub3A_1080 = arith.constant 1.000000e+00 : f32
        %sub3A_1081 = vector.broadcast %sub3A_1080 : f32 to vector<16xf32>
        %sub3A_1082 = arith.subf %sub3A_1081, %get3A_950 : vector<16xf32>
        %max3A_1083 = arith.maximumf %sub3A_1082, %get3A_974 : vector<16xf32>
        %bitcast3A_1084 = vector.bitcast %max3A_1083 : vector<16xf32> to vector<16xi32>
        %shift_right_arithmetic3A_1085 = arith.constant 17 : i32
        %shift_right_arithmetic3A_1086 = vector.broadcast %shift_right_arithmetic3A_1085 : i32 to vector<16xi32>
        %shift_right_arithmetic3A_1087 = arith.shrsi %bitcast3A_1084, %shift_right_arithmetic3A_1086 : vector<16xi32>
        %sub3A_1088 = arith.constant 8128 : i32
        %sub3A_1089 = vector.broadcast %sub3A_1088 : i32 to vector<16xi32>
        %sub3A_1090 = arith.subi %sub3A_1089, %shift_right_arithmetic3A_1087 : vector<16xi32>
        %min3A_1091 = arith.constant 2047 : i32
        %min3A_1092 = vector.broadcast %min3A_1091 : i32 to vector<16xi32>
        %min3A_1093 = arith.minui %sub3A_1090, %min3A_1092 : vector<16xi32>
        %shift_right_arithmetic3A_1094 = arith.constant 3 : i32
        %shift_right_arithmetic3A_1095 = vector.broadcast %shift_right_arithmetic3A_1094 : i32 to vector<16xi32>
        %shift_right_arithmetic3A_1096 = arith.shrsi %min3A_1093, %shift_right_arithmetic3A_1095 : vector<16xi32>
        %and3A_1097 = arith.constant 7 : i32
        %and3A_1098 = vector.broadcast %and3A_1097 : i32 to vector<16xi32>
        %and3A_1099 = arith.andi %min3A_1093, %and3A_1098 : vector<16xi32>
        %shift_left3A_1100 = arith.constant 4 : i32
        %shift_left3A_1101 = vector.broadcast %shift_left3A_1100 : i32 to vector<16xi32>
        %shift_left3A_1102 = arith.shli %and3A_1099, %shift_left3A_1101 : vector<16xi32>
        %add3A_1103 = arith.addi %shift_left3A_1102, %iota3A : vector<16xi32>
        %sub3A_1104 = arith.constant 1.000000e+00 : f32
        %sub3A_1105 = vector.broadcast %sub3A_1104 : f32 to vector<16xf32>
        %sub3A_1106 = arith.subf %sub3A_1105, %get3A_953 : vector<16xf32>
        %max3A_1107 = arith.maximumf %sub3A_1106, %get3A_977 : vector<16xf32>
        %bitcast3A_1108 = vector.bitcast %max3A_1107 : vector<16xf32> to vector<16xi32>
        %shift_right_arithmetic3A_1109 = arith.constant 17 : i32
        %shift_right_arithmetic3A_1110 = vector.broadcast %shift_right_arithmetic3A_1109 : i32 to vector<16xi32>
        %shift_right_arithmetic3A_1111 = arith.shrsi %bitcast3A_1108, %shift_right_arithmetic3A_1110 : vector<16xi32>
        %sub3A_1112 = arith.constant 8128 : i32
        %sub3A_1113 = vector.broadcast %sub3A_1112 : i32 to vector<16xi32>
        %sub3A_1114 = arith.subi %sub3A_1113, %shift_right_arithmetic3A_1111 : vector<16xi32>
        %min3A_1115 = arith.constant 2047 : i32
        %min3A_1116 = vector.broadcast %min3A_1115 : i32 to vector<16xi32>
        %min3A_1117 = arith.minui %sub3A_1114, %min3A_1116 : vector<16xi32>
        %shift_right_arithmetic3A_1118 = arith.constant 3 : i32
        %shift_right_arithmetic3A_1119 = vector.broadcast %shift_right_arithmetic3A_1118 : i32 to vector<16xi32>
        %shift_right_arithmetic3A_1120 = arith.shrsi %min3A_1117, %shift_right_arithmetic3A_1119 : vector<16xi32>
        %and3A_1121 = arith.constant 7 : i32
        %and3A_1122 = vector.broadcast %and3A_1121 : i32 to vector<16xi32>
        %and3A_1123 = arith.andi %min3A_1117, %and3A_1122 : vector<16xi32>
        %shift_left3A_1124 = arith.constant 4 : i32
        %shift_left3A_1125 = vector.broadcast %shift_left3A_1124 : i32 to vector<16xi32>
        %shift_left3A_1126 = arith.shli %and3A_1123, %shift_left3A_1125 : vector<16xi32>
        %add3A_1127 = arith.addi %shift_left3A_1126, %iota3A : vector<16xi32>
        %sub3A_1128 = arith.constant 1.000000e+00 : f32
        %sub3A_1129 = vector.broadcast %sub3A_1128 : f32 to vector<16xf32>
        %sub3A_1130 = arith.subf %sub3A_1129, %get3A_956 : vector<16xf32>
        %max3A_1131 = arith.maximumf %sub3A_1130, %get3A_980 : vector<16xf32>
        %bitcast3A_1132 = vector.bitcast %max3A_1131 : vector<16xf32> to vector<16xi32>
        %shift_right_arithmetic3A_1133 = arith.constant 17 : i32
        %shift_right_arithmetic3A_1134 = vector.broadcast %shift_right_arithmetic3A_1133 : i32 to vector<16xi32>
        %shift_right_arithmetic3A_1135 = arith.shrsi %bitcast3A_1132, %shift_right_arithmetic3A_1134 : vector<16xi32>
        %sub3A_1136 = arith.constant 8128 : i32
        %sub3A_1137 = vector.broadcast %sub3A_1136 : i32 to vector<16xi32>
        %sub3A_1138 = arith.subi %sub3A_1137, %shift_right_arithmetic3A_1135 : vector<16xi32>
        %min3A_1139 = arith.constant 2047 : i32
        %min3A_1140 = vector.broadcast %min3A_1139 : i32 to vector<16xi32>
        %min3A_1141 = arith.minui %sub3A_1138, %min3A_1140 : vector<16xi32>
        %shift_right_arithmetic3A_1142 = arith.constant 3 : i32
        %shift_right_arithmetic3A_1143 = vector.broadcast %shift_right_arithmetic3A_1142 : i32 to vector<16xi32>
        %shift_right_arithmetic3A_1144 = arith.shrsi %min3A_1141, %shift_right_arithmetic3A_1143 : vector<16xi32>
        %and3A_1145 = arith.constant 7 : i32
        %and3A_1146 = vector.broadcast %and3A_1145 : i32 to vector<16xi32>
        %and3A_1147 = arith.andi %min3A_1141, %and3A_1146 : vector<16xi32>
        %shift_left3A_1148 = arith.constant 4 : i32
        %shift_left3A_1149 = vector.broadcast %shift_left3A_1148 : i32 to vector<16xi32>
        %shift_left3A_1150 = arith.shli %and3A_1147, %shift_left3A_1149 : vector<16xi32>
        %add3A_1151 = arith.addi %shift_left3A_1150, %iota3A : vector<16xi32>
        %sub3A_1152 = arith.constant 1.000000e+00 : f32
        %sub3A_1153 = vector.broadcast %sub3A_1152 : f32 to vector<16xf32>
        %sub3A_1154 = arith.subf %sub3A_1153, %get3A_959 : vector<16xf32>
        %max3A_1155 = arith.maximumf %sub3A_1154, %get3A_983 : vector<16xf32>
        %bitcast3A_1156 = vector.bitcast %max3A_1155 : vector<16xf32> to vector<16xi32>
        %shift_right_arithmetic3A_1157 = arith.constant 17 : i32
        %shift_right_arithmetic3A_1158 = vector.broadcast %shift_right_arithmetic3A_1157 : i32 to vector<16xi32>
        %shift_right_arithmetic3A_1159 = arith.shrsi %bitcast3A_1156, %shift_right_arithmetic3A_1158 : vector<16xi32>
        %sub3A_1160 = arith.constant 8128 : i32
        %sub3A_1161 = vector.broadcast %sub3A_1160 : i32 to vector<16xi32>
        %sub3A_1162 = arith.subi %sub3A_1161, %shift_right_arithmetic3A_1159 : vector<16xi32>
        %min3A_1163 = arith.constant 2047 : i32
        %min3A_1164 = vector.broadcast %min3A_1163 : i32 to vector<16xi32>
        %min3A_1165 = arith.minui %sub3A_1162, %min3A_1164 : vector<16xi32>
        %shift_right_arithmetic3A_1166 = arith.constant 3 : i32
        %shift_right_arithmetic3A_1167 = vector.broadcast %shift_right_arithmetic3A_1166 : i32 to vector<16xi32>
        %shift_right_arithmetic3A_1168 = arith.shrsi %min3A_1165, %shift_right_arithmetic3A_1167 : vector<16xi32>
        %and3A_1169 = arith.constant 7 : i32
        %and3A_1170 = vector.broadcast %and3A_1169 : i32 to vector<16xi32>
        %and3A_1171 = arith.andi %min3A_1165, %and3A_1170 : vector<16xi32>
        %shift_left3A_1172 = arith.constant 4 : i32
        %shift_left3A_1173 = vector.broadcast %shift_left3A_1172 : i32 to vector<16xi32>
        %shift_left3A_1174 = arith.shli %and3A_1171, %shift_left3A_1173 : vector<16xi32>
        %add3A_1175 = arith.addi %shift_left3A_1174, %iota3A : vector<16xi32>
        tpu.vector_store_idx %arg13[%shift_right_arithmetic3A_1000, %add3A_1007], %broadcast_in_dim3A_7 {add = true} : memref<256x128xf32, #tpu.memory_space<vmem>>[vector<16xi32>, vector<16xi32>], vector<16xf32>,
        tpu.vector_store_idx %arg13[%shift_right_arithmetic3A_1024, %add3A_1031], %broadcast_in_dim3A_7 {add = true} : memref<256x128xf32, #tpu.memory_space<vmem>>[vector<16xi32>, vector<16xi32>], vector<16xf32>,
        tpu.vector_store_idx %arg13[%shift_right_arithmetic3A_1048, %add3A_1055], %broadcast_in_dim3A_7 {add = true} : memref<256x128xf32, #tpu.memory_space<vmem>>[vector<16xi32>, vector<16xi32>], vector<16xf32>,
        tpu.vector_store_idx %arg13[%shift_right_arithmetic3A_1072, %add3A_1079], %broadcast_in_dim3A_7 {add = true} : memref<256x128xf32, #tpu.memory_space<vmem>>[vector<16xi32>, vector<16xi32>], vector<16xf32>,
        tpu.vector_store_idx %arg13[%shift_right_arithmetic3A_1096, %add3A_1103], %broadcast_in_dim3A_7 {add = true} : memref<256x128xf32, #tpu.memory_space<vmem>>[vector<16xi32>, vector<16xi32>], vector<16xf32>,
        tpu.vector_store_idx %arg13[%shift_right_arithmetic3A_1120, %add3A_1127], %broadcast_in_dim3A_7 {add = true} : memref<256x128xf32, #tpu.memory_space<vmem>>[vector<16xi32>, vector<16xi32>], vector<16xf32>,
        tpu.vector_store_idx %arg13[%shift_right_arithmetic3A_1144, %add3A_1151], %broadcast_in_dim3A_7 {add = true} : memref<256x128xf32, #tpu.memory_space<vmem>>[vector<16xi32>, vector<16xi32>], vector<16xf32>,
        tpu.vector_store_idx %arg13[%shift_right_arithmetic3A_1168, %add3A_1175], %broadcast_in_dim3A_7 {add = true} : memref<256x128xf32, #tpu.memory_space<vmem>>[vector<16xi32>, vector<16xi32>], vector<16xf32>,
      }
      %scan3A_141 = arith.constant 16 : i32
      %mul3A_142 = arith.constant 4 : i32
      %mul3A_143 = arith.muli %scan3A_68, %mul3A_142 : i32
      %add3A_144 = arith.constant 2 : i32
      %add3A_145 = arith.addi %mul3A_143, %add3A_144 : i32
      %add3A_146 = arith.constant 4 : i32
      %add3A_147 = arith.addi %add3A_145, %add3A_146 : i32
      %sub3A_148 = arith.constant 1 : i32
      %sub3A_149 = arith.subi %add3A_147, %sub3A_148 : i32
      %lt3A_150 = arith.constant 16 : i32
      %lt3A_151 = arith.cmpi slt, %sub3A_149, %lt3A_150 : i32
      %convert_element_type3A_152 = arith.extui %lt3A_151 : i1 to i32
      %cond3A_153 = arith.constant 0 : i32
      %cond3A_154 = arith.cmpi ne, %convert_element_type3A_152, %cond3A_153 : i32
      scf.if %cond3A_154 {
        %add3A_220 = arith.constant 4 : i32
        %add3A_221 = arith.addi %add3A_145, %add3A_220 : i32
        %sub3A_222 = arith.constant 1 : i32
        %sub3A_223 = arith.subi %add3A_221, %sub3A_222 : i32
        %mul3A_224 = arith.constant 16 : i32
        %mul3A_225 = arith.muli %sub3A_223, %mul3A_224 : i32
        %add3A_226 = arith.addi %mul3A_4, %mul3A_225 : i32
        %dma_start3A_227 = arith.constant 0 : i32
        %dma_start3A_228 = arith.constant 0 : i32
        %dma_start3A_229 = tpu.memref_slice %arg2[%shift_right_arithmetic3A_1, %dma_start3A_227, %add3A_226, %dma_start3A_228] : memref<16x1x512x512xf32, #tpu.memory_space<hbm>> -> memref<1x1x16x512xf32, #tpu.memory_space<hbm>>
        %dma_start3A_230 = tpu.memref_squeeze %dma_start3A_229 : memref<1x1x16x512xf32, #tpu.memory_space<hbm>> -> memref<16x512xf32, #tpu.memory_space<hbm>>
        %dma_start3A_231 = arith.constant 0 : i32
        %dma_start3A_232 = tpu.memref_slice %arg2[%shift_right_arithmetic3A_1, %dma_start3A_227, %add3A_226, %dma_start3A_231] : memref<16x1x512x512xf32, #tpu.memory_space<hbm>> -> memref<1x1x16x512xf32, #tpu.memory_space<hbm>>
        %dma_start3A_233 = tpu.memref_squeeze %dma_start3A_232 : memref<1x1x16x512xf32, #tpu.memory_space<hbm>> -> memref<16x512xf32, #tpu.memory_space<hbm>>
        tpu.enqueue_dma source(%dma_start3A_233 : memref<16x512xf32, #tpu.memory_space<hbm>>) target(%arg6 : memref<16x512xf32, #tpu.memory_space<vmem>>) target_semaphore(%arg15 : memref<!tpu.dma_semaphore, #tpu.memory_space<semaphore_mem>>)
        %dma_start3A_234 = arith.constant 0 : i32
        %dma_start3A_235 = arith.constant 0 : i32
        %dma_start3A_236 = tpu.memref_slice %arg3[%shift_right_arithmetic3A_1, %dma_start3A_234, %add3A_226, %dma_start3A_235] : memref<16x1x512x512xf32, #tpu.memory_space<hbm>> -> memref<1x1x16x512xf32, #tpu.memory_space<hbm>>
        %dma_start3A_237 = tpu.memref_squeeze %dma_start3A_236 : memref<1x1x16x512xf32, #tpu.memory_space<hbm>> -> memref<16x512xf32, #tpu.memory_space<hbm>>
        %dma_start3A_238 = arith.constant 0 : i32
        %dma_start3A_239 = tpu.memref_slice %arg3[%shift_right_arithmetic3A_1, %dma_start3A_234, %add3A_226, %dma_start3A_238] : memref<16x1x512x512xf32, #tpu.memory_space<hbm>> -> memref<1x1x16x512xf32, #tpu.memory_space<hbm>>
        %dma_start3A_240 = tpu.memref_squeeze %dma_start3A_239 : memref<1x1x16x512xf32, #tpu.memory_space<hbm>> -> memref<16x512xf32, #tpu.memory_space<hbm>>
        tpu.enqueue_dma source(%dma_start3A_240 : memref<16x512xf32, #tpu.memory_space<hbm>>) target(%arg10 : memref<16x512xf32, #tpu.memory_space<vmem>>) target_semaphore(%arg19 : memref<!tpu.dma_semaphore, #tpu.memory_space<semaphore_mem>>)
      } else {
      }
      %dma_wait3A_155 = arith.constant 0 : i32
      %dma_wait3A_156 = arith.constant 0 : i32
      %dma_wait3A_157 = arith.constant 0 : i32
      %dma_wait3A_158 = arith.constant 0 : i32
      %dma_wait3A_159 = tpu.memref_slice %arg2[%dma_wait3A_155, %dma_wait3A_156, %dma_wait3A_157, %dma_wait3A_158] : memref<16x1x512x512xf32, #tpu.memory_space<hbm>> -> memref<1x1x16x512xf32, #tpu.memory_space<hbm>>
      %dma_wait3A_160 = tpu.memref_squeeze %dma_wait3A_159 : memref<1x1x16x512xf32, #tpu.memory_space<hbm>> -> memref<16x512xf32, #tpu.memory_space<hbm>>
      %dma_wait3A_161 = arith.constant 0 : i32
      %dma_wait3A_162 = arith.constant 0 : i32
      %dma_wait3A_163 = tpu.memref_slice %arg2[%dma_wait3A_155, %dma_wait3A_156, %dma_wait3A_161, %dma_wait3A_162] : memref<16x1x512x512xf32, #tpu.memory_space<hbm>> -> memref<1x1x16x512xf32, #tpu.memory_space<hbm>>
      %dma_wait3A_164 = tpu.memref_squeeze %dma_wait3A_163 : memref<1x1x16x512xf32, #tpu.memory_space<hbm>> -> memref<16x512xf32, #tpu.memory_space<hbm>>
      tpu.wait_dma2 semaphore(%arg16 : memref<!tpu.dma_semaphore, #tpu.memory_space<semaphore_mem>>) src(%dma_wait3A_164 : memref<16x512xf32, #tpu.memory_space<hbm>>) dst(%arg7 : memref<16x512xf32, #tpu.memory_space<vmem>>)
      %dma_wait3A_165 = arith.constant 0 : i32
      %dma_wait3A_166 = arith.constant 0 : i32
      %dma_wait3A_167 = arith.constant 0 : i32
      %dma_wait3A_168 = arith.constant 0 : i32
      %dma_wait3A_169 = tpu.memref_slice %arg3[%dma_wait3A_165, %dma_wait3A_166, %dma_wait3A_167, %dma_wait3A_168] : memref<16x1x512x512xf32, #tpu.memory_space<hbm>> -> memref<1x1x16x512xf32, #tpu.memory_space<hbm>>
      %dma_wait3A_170 = tpu.memref_squeeze %dma_wait3A_169 : memref<1x1x16x512xf32, #tpu.memory_space<hbm>> -> memref<16x512xf32, #tpu.memory_space<hbm>>
      %dma_wait3A_171 = arith.constant 0 : i32
      %dma_wait3A_172 = arith.constant 0 : i32
      %dma_wait3A_173 = tpu.memref_slice %arg3[%dma_wait3A_165, %dma_wait3A_166, %dma_wait3A_171, %dma_wait3A_172] : memref<16x1x512x512xf32, #tpu.memory_space<hbm>> -> memref<1x1x16x512xf32, #tpu.memory_space<hbm>>
      %dma_wait3A_174 = tpu.memref_squeeze %dma_wait3A_173 : memref<1x1x16x512xf32, #tpu.memory_space<hbm>> -> memref<16x512xf32, #tpu.memory_space<hbm>>
      tpu.wait_dma2 semaphore(%arg20 : memref<!tpu.dma_semaphore, #tpu.memory_space<semaphore_mem>>) src(%dma_wait3A_174 : memref<16x512xf32, #tpu.memory_space<hbm>>) dst(%arg11 : memref<16x512xf32, #tpu.memory_space<vmem>>)
      %scan3A_175 = arith.constant 0 : i32
      %scan3A_176 = arith.constant 0 : i32
      %scan3A_177 = arith.constant 16 : i32
      %scan3A_178 = arith.addi %scan3A_176, %scan3A_177 : i32
      %scan3A_179 = arith.constant 1 : i32
      scf.for %scan3A_220 = %scan3A_176 to %scan3A_178 step %scan3A_179  : i32 {
        %get3A = arith.index_cast %scan3A_220 : i32 to index
        %get3A_221 = arith.constant 0 : index
        %get3A_222 = tpu.vector_load %arg7[%get3A, %get3A_221] {strides = array<i32>} : memref<16x512xf32, #tpu.memory_space<vmem>>, vector<16xf32>,
        %get3A_223 = arith.index_cast %scan3A_220 : i32 to index
        %get3A_224 = arith.constant 16 : index
        %get3A_225 = tpu.vector_load %arg7[%get3A_223, %get3A_224] {strides = array<i32>} : memref<16x512xf32, #tpu.memory_space<vmem>>, vector<16xf32>,
        %get3A_226 = arith.index_cast %scan3A_220 : i32 to index
        %get3A_227 = arith.constant 32 : index
        %get3A_228 = tpu.vector_load %arg7[%get3A_226, %get3A_227] {strides = array<i32>} : memref<16x512xf32, #tpu.memory_space<vmem>>, vector<16xf32>,
        %get3A_229 = arith.index_cast %scan3A_220 : i32 to index
        %get3A_230 = arith.constant 48 : index
        %get3A_231 = tpu.vector_load %arg7[%get3A_229, %get3A_230] {strides = array<i32>} : memref<16x512xf32, #tpu.memory_space<vmem>>, vector<16xf32>,
        %get3A_232 = arith.index_cast %scan3A_220 : i32 to index
        %get3A_233 = arith.constant 64 : index
        %get3A_234 = tpu.vector_load %arg7[%get3A_232, %get3A_233] {strides = array<i32>} : memref<16x512xf32, #tpu.memory_space<vmem>>, vector<16xf32>,
        %get3A_235 = arith.index_cast %scan3A_220 : i32 to index
        %get3A_236 = arith.constant 80 : index
        %get3A_237 = tpu.vector_load %arg7[%get3A_235, %get3A_236] {strides = array<i32>} : memref<16x512xf32, #tpu.memory_space<vmem>>, vector<16xf32>,
        %get3A_238 = arith.index_cast %scan3A_220 : i32 to index
        %get3A_239 = arith.constant 96 : index
        %get3A_240 = tpu.vector_load %arg7[%get3A_238, %get3A_239] {strides = array<i32>} : memref<16x512xf32, #tpu.memory_space<vmem>>, vector<16xf32>,
        %get3A_241 = arith.index_cast %scan3A_220 : i32 to index
        %get3A_242 = arith.constant 112 : index
        %get3A_243 = tpu.vector_load %arg7[%get3A_241, %get3A_242] {strides = array<i32>} : memref<16x512xf32, #tpu.memory_space<vmem>>, vector<16xf32>,
        %get3A_244 = arith.index_cast %scan3A_220 : i32 to index
        %get3A_245 = arith.constant 0 : index
        %get3A_246 = tpu.vector_load %arg11[%get3A_244, %get3A_245] {strides = array<i32>} : memref<16x512xf32, #tpu.memory_space<vmem>>, vector<16xf32>,
        %get3A_247 = arith.index_cast %scan3A_220 : i32 to index
        %get3A_248 = arith.constant 16 : index
        %get3A_249 = tpu.vector_load %arg11[%get3A_247, %get3A_248] {strides = array<i32>} : memref<16x512xf32, #tpu.memory_space<vmem>>, vector<16xf32>,
        %get3A_250 = arith.index_cast %scan3A_220 : i32 to index
        %get3A_251 = arith.constant 32 : index
        %get3A_252 = tpu.vector_load %arg11[%get3A_250, %get3A_251] {strides = array<i32>} : memref<16x512xf32, #tpu.memory_space<vmem>>, vector<16xf32>,
        %get3A_253 = arith.index_cast %scan3A_220 : i32 to index
        %get3A_254 = arith.constant 48 : index
        %get3A_255 = tpu.vector_load %arg11[%get3A_253, %get3A_254] {strides = array<i32>} : memref<16x512xf32, #tpu.memory_space<vmem>>, vector<16xf32>,
        %get3A_256 = arith.index_cast %scan3A_220 : i32 to index
        %get3A_257 = arith.constant 64 : index
        %get3A_258 = tpu.vector_load %arg11[%get3A_256, %get3A_257] {strides = array<i32>} : memref<16x512xf32, #tpu.memory_space<vmem>>, vector<16xf32>,
        %get3A_259 = arith.index_cast %scan3A_220 : i32 to index
        %get3A_260 = arith.constant 80 : index
        %get3A_261 = tpu.vector_load %arg11[%get3A_259, %get3A_260] {strides = array<i32>} : memref<16x512xf32, #tpu.memory_space<vmem>>, vector<16xf32>,
        %get3A_262 = arith.index_cast %scan3A_220 : i32 to index
        %get3A_263 = arith.constant 96 : index
        %get3A_264 = tpu.vector_load %arg11[%get3A_262, %get3A_263] {strides = array<i32>} : memref<16x512xf32, #tpu.memory_space<vmem>>, vector<16xf32>,
        %get3A_265 = arith.index_cast %scan3A_220 : i32 to index
        %get3A_266 = arith.constant 112 : index
        %get3A_267 = tpu.vector_load %arg11[%get3A_265, %get3A_266] {strides = array<i32>} : memref<16x512xf32, #tpu.memory_space<vmem>>, vector<16xf32>,
        %sub3A_268 = arith.constant 1.000000e+00 : f32
        %sub3A_269 = vector.broadcast %sub3A_268 : f32 to vector<16xf32>
        %sub3A_270 = arith.subf %sub3A_269, %get3A_222 : vector<16xf32>
        %max3A = arith.maximumf %sub3A_270, %get3A_246 : vector<16xf32>
        %bitcast3A = vector.bitcast %max3A : vector<16xf32> to vector<16xi32>
        %shift_right_arithmetic3A_271 = arith.constant 17 : i32
        %shift_right_arithmetic3A_272 = vector.broadcast %shift_right_arithmetic3A_271 : i32 to vector<16xi32>
        %shift_right_arithmetic3A_273 = arith.shrsi %bitcast3A, %shift_right_arithmetic3A_272 : vector<16xi32>
        %sub3A_274 = arith.constant 8128 : i32
        %sub3A_275 = vector.broadcast %sub3A_274 : i32 to vector<16xi32>
        %sub3A_276 = arith.subi %sub3A_275, %shift_right_arithmetic3A_273 : vector<16xi32>
        %min3A = arith.constant 2047 : i32
        %min3A_277 = vector.broadcast %min3A : i32 to vector<16xi32>
        %min3A_278 = arith.minui %sub3A_276, %min3A_277 : vector<16xi32>
        %shift_right_arithmetic3A_279 = arith.constant 3 : i32
        %shift_right_arithmetic3A_280 = vector.broadcast %shift_right_arithmetic3A_279 : i32 to vector<16xi32>
        %shift_right_arithmetic3A_281 = arith.shrsi %min3A_278, %shift_right_arithmetic3A_280 : vector<16xi32>
        %and3A_282 = arith.constant 7 : i32
        %and3A_283 = vector.broadcast %and3A_282 : i32 to vector<16xi32>
        %and3A_284 = arith.andi %min3A_278, %and3A_283 : vector<16xi32>
        %shift_left3A = arith.constant 4 : i32
        %shift_left3A_285 = vector.broadcast %shift_left3A : i32 to vector<16xi32>
        %shift_left3A_286 = arith.shli %and3A_284, %shift_left3A_285 : vector<16xi32>
        %add3A_287 = arith.addi %shift_left3A_286, %iota3A : vector<16xi32>
        %sub3A_288 = arith.constant 1.000000e+00 : f32
        %sub3A_289 = vector.broadcast %sub3A_288 : f32 to vector<16xf32>
        %sub3A_290 = arith.subf %sub3A_289, %get3A_225 : vector<16xf32>
        %max3A_291 = arith.maximumf %sub3A_290, %get3A_249 : vector<16xf32>
        %bitcast3A_292 = vector.bitcast %max3A_291 : vector<16xf32> to vector<16xi32>
        %shift_right_arithmetic3A_293 = arith.constant 17 : i32
        %shift_right_arithmetic3A_294 = vector.broadcast %shift_right_arithmetic3A_293 : i32 to vector<16xi32>
        %shift_right_arithmetic3A_295 = arith.shrsi %bitcast3A_292, %shift_right_arithmetic3A_294 : vector<16xi32>
        %sub3A_296 = arith.constant 8128 : i32
        %sub3A_297 = vector.broadcast %sub3A_296 : i32 to vector<16xi32>
        %sub3A_298 = arith.subi %sub3A_297, %shift_right_arithmetic3A_295 : vector<16xi32>
        %min3A_299 = arith.constant 2047 : i32
        %min3A_300 = vector.broadcast %min3A_299 : i32 to vector<16xi32>
        %min3A_301 = arith.minui %sub3A_298, %min3A_300 : vector<16xi32>
        %shift_right_arithmetic3A_302 = arith.constant 3 : i32
        %shift_right_arithmetic3A_303 = vector.broadcast %shift_right_arithmetic3A_302 : i32 to vector<16xi32>
        %shift_right_arithmetic3A_304 = arith.shrsi %min3A_301, %shift_right_arithmetic3A_303 : vector<16xi32>
        %and3A_305 = arith.constant 7 : i32
        %and3A_306 = vector.broadcast %and3A_305 : i32 to vector<16xi32>
        %and3A_307 = arith.andi %min3A_301, %and3A_306 : vector<16xi32>
        %shift_left3A_308 = arith.constant 4 : i32
        %shift_left3A_309 = vector.broadcast %shift_left3A_308 : i32 to vector<16xi32>
        %shift_left3A_310 = arith.shli %and3A_307, %shift_left3A_309 : vector<16xi32>
        %add3A_311 = arith.addi %shift_left3A_310, %iota3A : vector<16xi32>
        %sub3A_312 = arith.constant 1.000000e+00 : f32
        %sub3A_313 = vector.broadcast %sub3A_312 : f32 to vector<16xf32>
        %sub3A_314 = arith.subf %sub3A_313, %get3A_228 : vector<16xf32>
        %max3A_315 = arith.maximumf %sub3A_314, %get3A_252 : vector<16xf32>
        %bitcast3A_316 = vector.bitcast %max3A_315 : vector<16xf32> to vector<16xi32>
        %shift_right_arithmetic3A_317 = arith.constant 17 : i32
        %shift_right_arithmetic3A_318 = vector.broadcast %shift_right_arithmetic3A_317 : i32 to vector<16xi32>
        %shift_right_arithmetic3A_319 = arith.shrsi %bitcast3A_316, %shift_right_arithmetic3A_318 : vector<16xi32>
        %sub3A_320 = arith.constant 8128 : i32
        %sub3A_321 = vector.broadcast %sub3A_320 : i32 to vector<16xi32>
        %sub3A_322 = arith.subi %sub3A_321, %shift_right_arithmetic3A_319 : vector<16xi32>
        %min3A_323 = arith.constant 2047 : i32
        %min3A_324 = vector.broadcast %min3A_323 : i32 to vector<16xi32>
        %min3A_325 = arith.minui %sub3A_322, %min3A_324 : vector<16xi32>
        %shift_right_arithmetic3A_326 = arith.constant 3 : i32
        %shift_right_arithmetic3A_327 = vector.broadcast %shift_right_arithmetic3A_326 : i32 to vector<16xi32>
        %shift_right_arithmetic3A_328 = arith.shrsi %min3A_325, %shift_right_arithmetic3A_327 : vector<16xi32>
        %and3A_329 = arith.constant 7 : i32
        %and3A_330 = vector.broadcast %and3A_329 : i32 to vector<16xi32>
        %and3A_331 = arith.andi %min3A_325, %and3A_330 : vector<16xi32>
        %shift_left3A_332 = arith.constant 4 : i32
        %shift_left3A_333 = vector.broadcast %shift_left3A_332 : i32 to vector<16xi32>
        %shift_left3A_334 = arith.shli %and3A_331, %shift_left3A_333 : vector<16xi32>
        %add3A_335 = arith.addi %shift_left3A_334, %iota3A : vector<16xi32>
        %sub3A_336 = arith.constant 1.000000e+00 : f32
        %sub3A_337 = vector.broadcast %sub3A_336 : f32 to vector<16xf32>
        %sub3A_338 = arith.subf %sub3A_337, %get3A_231 : vector<16xf32>
        %max3A_339 = arith.maximumf %sub3A_338, %get3A_255 : vector<16xf32>
        %bitcast3A_340 = vector.bitcast %max3A_339 : vector<16xf32> to vector<16xi32>
        %shift_right_arithmetic3A_341 = arith.constant 17 : i32
        %shift_right_arithmetic3A_342 = vector.broadcast %shift_right_arithmetic3A_341 : i32 to vector<16xi32>
        %shift_right_arithmetic3A_343 = arith.shrsi %bitcast3A_340, %shift_right_arithmetic3A_342 : vector<16xi32>
        %sub3A_344 = arith.constant 8128 : i32
        %sub3A_345 = vector.broadcast %sub3A_344 : i32 to vector<16xi32>
        %sub3A_346 = arith.subi %sub3A_345, %shift_right_arithmetic3A_343 : vector<16xi32>
        %min3A_347 = arith.constant 2047 : i32
        %min3A_348 = vector.broadcast %min3A_347 : i32 to vector<16xi32>
        %min3A_349 = arith.minui %sub3A_346, %min3A_348 : vector<16xi32>
        %shift_right_arithmetic3A_350 = arith.constant 3 : i32
        %shift_right_arithmetic3A_351 = vector.broadcast %shift_right_arithmetic3A_350 : i32 to vector<16xi32>
        %shift_right_arithmetic3A_352 = arith.shrsi %min3A_349, %shift_right_arithmetic3A_351 : vector<16xi32>
        %and3A_353 = arith.constant 7 : i32
        %and3A_354 = vector.broadcast %and3A_353 : i32 to vector<16xi32>
        %and3A_355 = arith.andi %min3A_349, %and3A_354 : vector<16xi32>
        %shift_left3A_356 = arith.constant 4 : i32
        %shift_left3A_357 = vector.broadcast %shift_left3A_356 : i32 to vector<16xi32>
        %shift_left3A_358 = arith.shli %and3A_355, %shift_left3A_357 : vector<16xi32>
        %add3A_359 = arith.addi %shift_left3A_358, %iota3A : vector<16xi32>
        %sub3A_360 = arith.constant 1.000000e+00 : f32
        %sub3A_361 = vector.broadcast %sub3A_360 : f32 to vector<16xf32>
        %sub3A_362 = arith.subf %sub3A_361, %get3A_234 : vector<16xf32>
        %max3A_363 = arith.maximumf %sub3A_362, %get3A_258 : vector<16xf32>
        %bitcast3A_364 = vector.bitcast %max3A_363 : vector<16xf32> to vector<16xi32>
        %shift_right_arithmetic3A_365 = arith.constant 17 : i32
        %shift_right_arithmetic3A_366 = vector.broadcast %shift_right_arithmetic3A_365 : i32 to vector<16xi32>
        %shift_right_arithmetic3A_367 = arith.shrsi %bitcast3A_364, %shift_right_arithmetic3A_366 : vector<16xi32>
        %sub3A_368 = arith.constant 8128 : i32
        %sub3A_369 = vector.broadcast %sub3A_368 : i32 to vector<16xi32>
        %sub3A_370 = arith.subi %sub3A_369, %shift_right_arithmetic3A_367 : vector<16xi32>
        %min3A_371 = arith.constant 2047 : i32
        %min3A_372 = vector.broadcast %min3A_371 : i32 to vector<16xi32>
        %min3A_373 = arith.minui %sub3A_370, %min3A_372 : vector<16xi32>
        %shift_right_arithmetic3A_374 = arith.constant 3 : i32
        %shift_right_arithmetic3A_375 = vector.broadcast %shift_right_arithmetic3A_374 : i32 to vector<16xi32>
        %shift_right_arithmetic3A_376 = arith.shrsi %min3A_373, %shift_right_arithmetic3A_375 : vector<16xi32>
        %and3A_377 = arith.constant 7 : i32
        %and3A_378 = vector.broadcast %and3A_377 : i32 to vector<16xi32>
        %and3A_379 = arith.andi %min3A_373, %and3A_378 : vector<16xi32>
        %shift_left3A_380 = arith.constant 4 : i32
        %shift_left3A_381 = vector.broadcast %shift_left3A_380 : i32 to vector<16xi32>
        %shift_left3A_382 = arith.shli %and3A_379, %shift_left3A_381 : vector<16xi32>
        %add3A_383 = arith.addi %shift_left3A_382, %iota3A : vector<16xi32>
        %sub3A_384 = arith.constant 1.000000e+00 : f32
        %sub3A_385 = vector.broadcast %sub3A_384 : f32 to vector<16xf32>
        %sub3A_386 = arith.subf %sub3A_385, %get3A_237 : vector<16xf32>
        %max3A_387 = arith.maximumf %sub3A_386, %get3A_261 : vector<16xf32>
        %bitcast3A_388 = vector.bitcast %max3A_387 : vector<16xf32> to vector<16xi32>
        %shift_right_arithmetic3A_389 = arith.constant 17 : i32
        %shift_right_arithmetic3A_390 = vector.broadcast %shift_right_arithmetic3A_389 : i32 to vector<16xi32>
        %shift_right_arithmetic3A_391 = arith.shrsi %bitcast3A_388, %shift_right_arithmetic3A_390 : vector<16xi32>
        %sub3A_392 = arith.constant 8128 : i32
        %sub3A_393 = vector.broadcast %sub3A_392 : i32 to vector<16xi32>
        %sub3A_394 = arith.subi %sub3A_393, %shift_right_arithmetic3A_391 : vector<16xi32>
        %min3A_395 = arith.constant 2047 : i32
        %min3A_396 = vector.broadcast %min3A_395 : i32 to vector<16xi32>
        %min3A_397 = arith.minui %sub3A_394, %min3A_396 : vector<16xi32>
        %shift_right_arithmetic3A_398 = arith.constant 3 : i32
        %shift_right_arithmetic3A_399 = vector.broadcast %shift_right_arithmetic3A_398 : i32 to vector<16xi32>
        %shift_right_arithmetic3A_400 = arith.shrsi %min3A_397, %shift_right_arithmetic3A_399 : vector<16xi32>
        %and3A_401 = arith.constant 7 : i32
        %and3A_402 = vector.broadcast %and3A_401 : i32 to vector<16xi32>
        %and3A_403 = arith.andi %min3A_397, %and3A_402 : vector<16xi32>
        %shift_left3A_404 = arith.constant 4 : i32
        %shift_left3A_405 = vector.broadcast %shift_left3A_404 : i32 to vector<16xi32>
        %shift_left3A_406 = arith.shli %and3A_403, %shift_left3A_405 : vector<16xi32>
        %add3A_407 = arith.addi %shift_left3A_406, %iota3A : vector<16xi32>
        %sub3A_408 = arith.constant 1.000000e+00 : f32
        %sub3A_409 = vector.broadcast %sub3A_408 : f32 to vector<16xf32>
        %sub3A_410 = arith.subf %sub3A_409, %get3A_240 : vector<16xf32>
        %max3A_411 = arith.maximumf %sub3A_410, %get3A_264 : vector<16xf32>
        %bitcast3A_412 = vector.bitcast %max3A_411 : vector<16xf32> to vector<16xi32>
        %shift_right_arithmetic3A_413 = arith.constant 17 : i32
        %shift_right_arithmetic3A_414 = vector.broadcast %shift_right_arithmetic3A_413 : i32 to vector<16xi32>
        %shift_right_arithmetic3A_415 = arith.shrsi %bitcast3A_412, %shift_right_arithmetic3A_414 : vector<16xi32>
        %sub3A_416 = arith.constant 8128 : i32
        %sub3A_417 = vector.broadcast %sub3A_416 : i32 to vector<16xi32>
        %sub3A_418 = arith.subi %sub3A_417, %shift_right_arithmetic3A_415 : vector<16xi32>
        %min3A_419 = arith.constant 2047 : i32
        %min3A_420 = vector.broadcast %min3A_419 : i32 to vector<16xi32>
        %min3A_421 = arith.minui %sub3A_418, %min3A_420 : vector<16xi32>
        %shift_right_arithmetic3A_422 = arith.constant 3 : i32
        %shift_right_arithmetic3A_423 = vector.broadcast %shift_right_arithmetic3A_422 : i32 to vector<16xi32>
        %shift_right_arithmetic3A_424 = arith.shrsi %min3A_421, %shift_right_arithmetic3A_423 : vector<16xi32>
        %and3A_425 = arith.constant 7 : i32
        %and3A_426 = vector.broadcast %and3A_425 : i32 to vector<16xi32>
        %and3A_427 = arith.andi %min3A_421, %and3A_426 : vector<16xi32>
        %shift_left3A_428 = arith.constant 4 : i32
        %shift_left3A_429 = vector.broadcast %shift_left3A_428 : i32 to vector<16xi32>
        %shift_left3A_430 = arith.shli %and3A_427, %shift_left3A_429 : vector<16xi32>
        %add3A_431 = arith.addi %shift_left3A_430, %iota3A : vector<16xi32>
        %sub3A_432 = arith.constant 1.000000e+00 : f32
        %sub3A_433 = vector.broadcast %sub3A_432 : f32 to vector<16xf32>
        %sub3A_434 = arith.subf %sub3A_433, %get3A_243 : vector<16xf32>
        %max3A_435 = arith.maximumf %sub3A_434, %get3A_267 : vector<16xf32>
        %bitcast3A_436 = vector.bitcast %max3A_435 : vector<16xf32> to vector<16xi32>
        %shift_right_arithmetic3A_437 = arith.constant 17 : i32
        %shift_right_arithmetic3A_438 = vector.broadcast %shift_right_arithmetic3A_437 : i32 to vector<16xi32>
        %shift_right_arithmetic3A_439 = arith.shrsi %bitcast3A_436, %shift_right_arithmetic3A_438 : vector<16xi32>
        %sub3A_440 = arith.constant 8128 : i32
        %sub3A_441 = vector.broadcast %sub3A_440 : i32 to vector<16xi32>
        %sub3A_442 = arith.subi %sub3A_441, %shift_right_arithmetic3A_439 : vector<16xi32>
        %min3A_443 = arith.constant 2047 : i32
        %min3A_444 = vector.broadcast %min3A_443 : i32 to vector<16xi32>
        %min3A_445 = arith.minui %sub3A_442, %min3A_444 : vector<16xi32>
        %shift_right_arithmetic3A_446 = arith.constant 3 : i32
        %shift_right_arithmetic3A_447 = vector.broadcast %shift_right_arithmetic3A_446 : i32 to vector<16xi32>
        %shift_right_arithmetic3A_448 = arith.shrsi %min3A_445, %shift_right_arithmetic3A_447 : vector<16xi32>
        %and3A_449 = arith.constant 7 : i32
        %and3A_450 = vector.broadcast %and3A_449 : i32 to vector<16xi32>
        %and3A_451 = arith.andi %min3A_445, %and3A_450 : vector<16xi32>
        %shift_left3A_452 = arith.constant 4 : i32
        %shift_left3A_453 = vector.broadcast %shift_left3A_452 : i32 to vector<16xi32>
        %shift_left3A_454 = arith.shli %and3A_451, %shift_left3A_453 : vector<16xi32>
        %add3A_455 = arith.addi %shift_left3A_454, %iota3A : vector<16xi32>
        tpu.vector_store_idx %arg13[%shift_right_arithmetic3A_281, %add3A_287], %broadcast_in_dim3A_7 {add = true} : memref<256x128xf32, #tpu.memory_space<vmem>>[vector<16xi32>, vector<16xi32>], vector<16xf32>,
        tpu.vector_store_idx %arg13[%shift_right_arithmetic3A_304, %add3A_311], %broadcast_in_dim3A_7 {add = true} : memref<256x128xf32, #tpu.memory_space<vmem>>[vector<16xi32>, vector<16xi32>], vector<16xf32>,
        tpu.vector_store_idx %arg13[%shift_right_arithmetic3A_328, %add3A_335], %broadcast_in_dim3A_7 {add = true} : memref<256x128xf32, #tpu.memory_space<vmem>>[vector<16xi32>, vector<16xi32>], vector<16xf32>,
        tpu.vector_store_idx %arg13[%shift_right_arithmetic3A_352, %add3A_359], %broadcast_in_dim3A_7 {add = true} : memref<256x128xf32, #tpu.memory_space<vmem>>[vector<16xi32>, vector<16xi32>], vector<16xf32>,
        tpu.vector_store_idx %arg13[%shift_right_arithmetic3A_376, %add3A_383], %broadcast_in_dim3A_7 {add = true} : memref<256x128xf32, #tpu.memory_space<vmem>>[vector<16xi32>, vector<16xi32>], vector<16xf32>,
        tpu.vector_store_idx %arg13[%shift_right_arithmetic3A_400, %add3A_407], %broadcast_in_dim3A_7 {add = true} : memref<256x128xf32, #tpu.memory_space<vmem>>[vector<16xi32>, vector<16xi32>], vector<16xf32>,
        tpu.vector_store_idx %arg13[%shift_right_arithmetic3A_424, %add3A_431], %broadcast_in_dim3A_7 {add = true} : memref<256x128xf32, #tpu.memory_space<vmem>>[vector<16xi32>, vector<16xi32>], vector<16xf32>,
        tpu.vector_store_idx %arg13[%shift_right_arithmetic3A_448, %add3A_455], %broadcast_in_dim3A_7 {add = true} : memref<256x128xf32, #tpu.memory_space<vmem>>[vector<16xi32>, vector<16xi32>], vector<16xf32>,
        %get3A_456 = arith.index_cast %scan3A_220 : i32 to index
        %get3A_457 = arith.constant 128 : index
        %get3A_458 = tpu.vector_load %arg7[%get3A_456, %get3A_457] {strides = array<i32>} : memref<16x512xf32, #tpu.memory_space<vmem>>, vector<16xf32>,
        %get3A_459 = arith.index_cast %scan3A_220 : i32 to index
        %get3A_460 = arith.constant 144 : index
        %get3A_461 = tpu.vector_load %arg7[%get3A_459, %get3A_460] {strides = array<i32>} : memref<16x512xf32, #tpu.memory_space<vmem>>, vector<16xf32>,
        %get3A_462 = arith.index_cast %scan3A_220 : i32 to index
        %get3A_463 = arith.constant 160 : index
        %get3A_464 = tpu.vector_load %arg7[%get3A_462, %get3A_463] {strides = array<i32>} : memref<16x512xf32, #tpu.memory_space<vmem>>, vector<16xf32>,
        %get3A_465 = arith.index_cast %scan3A_220 : i32 to index
        %get3A_466 = arith.constant 176 : index
        %get3A_467 = tpu.vector_load %arg7[%get3A_465, %get3A_466] {strides = array<i32>} : memref<16x512xf32, #tpu.memory_space<vmem>>, vector<16xf32>,
        %get3A_468 = arith.index_cast %scan3A_220 : i32 to index
        %get3A_469 = arith.constant 192 : index
        %get3A_470 = tpu.vector_load %arg7[%get3A_468, %get3A_469] {strides = array<i32>} : memref<16x512xf32, #tpu.memory_space<vmem>>, vector<16xf32>,
        %get3A_471 = arith.index_cast %scan3A_220 : i32 to index
        %get3A_472 = arith.constant 208 : index
        %get3A_473 = tpu.vector_load %arg7[%get3A_471, %get3A_472] {strides = array<i32>} : memref<16x512xf32, #tpu.memory_space<vmem>>, vector<16xf32>,
        %get3A_474 = arith.index_cast %scan3A_220 : i32 to index
        %get3A_475 = arith.constant 224 : index
        %get3A_476 = tpu.vector_load %arg7[%get3A_474, %get3A_475] {strides = array<i32>} : memref<16x512xf32, #tpu.memory_space<vmem>>, vector<16xf32>,
        %get3A_477 = arith.index_cast %scan3A_220 : i32 to index
        %get3A_478 = arith.constant 240 : index
        %get3A_479 = tpu.vector_load %arg7[%get3A_477, %get3A_478] {strides = array<i32>} : memref<16x512xf32, #tpu.memory_space<vmem>>, vector<16xf32>,
        %get3A_480 = arith.index_cast %scan3A_220 : i32 to index
        %get3A_481 = arith.constant 128 : index
        %get3A_482 = tpu.vector_load %arg11[%get3A_480, %get3A_481] {strides = array<i32>} : memref<16x512xf32, #tpu.memory_space<vmem>>, vector<16xf32>,
        %get3A_483 = arith.index_cast %scan3A_220 : i32 to index
        %get3A_484 = arith.constant 144 : index
        %get3A_485 = tpu.vector_load %arg11[%get3A_483, %get3A_484] {strides = array<i32>} : memref<16x512xf32, #tpu.memory_space<vmem>>, vector<16xf32>,
        %get3A_486 = arith.index_cast %scan3A_220 : i32 to index
        %get3A_487 = arith.constant 160 : index
        %get3A_488 = tpu.vector_load %arg11[%get3A_486, %get3A_487] {strides = array<i32>} : memref<16x512xf32, #tpu.memory_space<vmem>>, vector<16xf32>,
        %get3A_489 = arith.index_cast %scan3A_220 : i32 to index
        %get3A_490 = arith.constant 176 : index
        %get3A_491 = tpu.vector_load %arg11[%get3A_489, %get3A_490] {strides = array<i32>} : memref<16x512xf32, #tpu.memory_space<vmem>>, vector<16xf32>,
        %get3A_492 = arith.index_cast %scan3A_220 : i32 to index
        %get3A_493 = arith.constant 192 : index
        %get3A_494 = tpu.vector_load %arg11[%get3A_492, %get3A_493] {strides = array<i32>} : memref<16x512xf32, #tpu.memory_space<vmem>>, vector<16xf32>,
        %get3A_495 = arith.index_cast %scan3A_220 : i32 to index
        %get3A_496 = arith.constant 208 : index
        %get3A_497 = tpu.vector_load %arg11[%get3A_495, %get3A_496] {strides = array<i32>} : memref<16x512xf32, #tpu.memory_space<vmem>>, vector<16xf32>,
        %get3A_498 = arith.index_cast %scan3A_220 : i32 to index
        %get3A_499 = arith.constant 224 : index
        %get3A_500 = tpu.vector_load %arg11[%get3A_498, %get3A_499] {strides = array<i32>} : memref<16x512xf32, #tpu.memory_space<vmem>>, vector<16xf32>,
        %get3A_501 = arith.index_cast %scan3A_220 : i32 to index
        %get3A_502 = arith.constant 240 : index
        %get3A_503 = tpu.vector_load %arg11[%get3A_501, %get3A_502] {strides = array<i32>} : memref<16x512xf32, #tpu.memory_space<vmem>>, vector<16xf32>,
        %sub3A_504 = arith.constant 1.000000e+00 : f32
        %sub3A_505 = vector.broadcast %sub3A_504 : f32 to vector<16xf32>
        %sub3A_506 = arith.subf %sub3A_505, %get3A_458 : vector<16xf32>
        %max3A_507 = arith.maximumf %sub3A_506, %get3A_482 : vector<16xf32>
        %bitcast3A_508 = vector.bitcast %max3A_507 : vector<16xf32> to vector<16xi32>
        %shift_right_arithmetic3A_509 = arith.constant 17 : i32
        %shift_right_arithmetic3A_510 = vector.broadcast %shift_right_arithmetic3A_509 : i32 to vector<16xi32>
        %shift_right_arithmetic3A_511 = arith.shrsi %bitcast3A_508, %shift_right_arithmetic3A_510 : vector<16xi32>
        %sub3A_512 = arith.constant 8128 : i32
        %sub3A_513 = vector.broadcast %sub3A_512 : i32 to vector<16xi32>
        %sub3A_514 = arith.subi %sub3A_513, %shift_right_arithmetic3A_511 : vector<16xi32>
        %min3A_515 = arith.constant 2047 : i32
        %min3A_516 = vector.broadcast %min3A_515 : i32 to vector<16xi32>
        %min3A_517 = arith.minui %sub3A_514, %min3A_516 : vector<16xi32>
        %shift_right_arithmetic3A_518 = arith.constant 3 : i32
        %shift_right_arithmetic3A_519 = vector.broadcast %shift_right_arithmetic3A_518 : i32 to vector<16xi32>
        %shift_right_arithmetic3A_520 = arith.shrsi %min3A_517, %shift_right_arithmetic3A_519 : vector<16xi32>
        %and3A_521 = arith.constant 7 : i32
        %and3A_522 = vector.broadcast %and3A_521 : i32 to vector<16xi32>
        %and3A_523 = arith.andi %min3A_517, %and3A_522 : vector<16xi32>
        %shift_left3A_524 = arith.constant 4 : i32
        %shift_left3A_525 = vector.broadcast %shift_left3A_524 : i32 to vector<16xi32>
        %shift_left3A_526 = arith.shli %and3A_523, %shift_left3A_525 : vector<16xi32>
        %add3A_527 = arith.addi %shift_left3A_526, %iota3A : vector<16xi32>
        %sub3A_528 = arith.constant 1.000000e+00 : f32
        %sub3A_529 = vector.broadcast %sub3A_528 : f32 to vector<16xf32>
        %sub3A_530 = arith.subf %sub3A_529, %get3A_461 : vector<16xf32>
        %max3A_531 = arith.maximumf %sub3A_530, %get3A_485 : vector<16xf32>
        %bitcast3A_532 = vector.bitcast %max3A_531 : vector<16xf32> to vector<16xi32>
        %shift_right_arithmetic3A_533 = arith.constant 17 : i32
        %shift_right_arithmetic3A_534 = vector.broadcast %shift_right_arithmetic3A_533 : i32 to vector<16xi32>
        %shift_right_arithmetic3A_535 = arith.shrsi %bitcast3A_532, %shift_right_arithmetic3A_534 : vector<16xi32>
        %sub3A_536 = arith.constant 8128 : i32
        %sub3A_537 = vector.broadcast %sub3A_536 : i32 to vector<16xi32>
        %sub3A_538 = arith.subi %sub3A_537, %shift_right_arithmetic3A_535 : vector<16xi32>
        %min3A_539 = arith.constant 2047 : i32
        %min3A_540 = vector.broadcast %min3A_539 : i32 to vector<16xi32>
        %min3A_541 = arith.minui %sub3A_538, %min3A_540 : vector<16xi32>
        %shift_right_arithmetic3A_542 = arith.constant 3 : i32
        %shift_right_arithmetic3A_543 = vector.broadcast %shift_right_arithmetic3A_542 : i32 to vector<16xi32>
        %shift_right_arithmetic3A_544 = arith.shrsi %min3A_541, %shift_right_arithmetic3A_543 : vector<16xi32>
        %and3A_545 = arith.constant 7 : i32
        %and3A_546 = vector.broadcast %and3A_545 : i32 to vector<16xi32>
        %and3A_547 = arith.andi %min3A_541, %and3A_546 : vector<16xi32>
        %shift_left3A_548 = arith.constant 4 : i32
        %shift_left3A_549 = vector.broadcast %shift_left3A_548 : i32 to vector<16xi32>
        %shift_left3A_550 = arith.shli %and3A_547, %shift_left3A_549 : vector<16xi32>
        %add3A_551 = arith.addi %shift_left3A_550, %iota3A : vector<16xi32>
        %sub3A_552 = arith.constant 1.000000e+00 : f32
        %sub3A_553 = vector.broadcast %sub3A_552 : f32 to vector<16xf32>
        %sub3A_554 = arith.subf %sub3A_553, %get3A_464 : vector<16xf32>
        %max3A_555 = arith.maximumf %sub3A_554, %get3A_488 : vector<16xf32>
        %bitcast3A_556 = vector.bitcast %max3A_555 : vector<16xf32> to vector<16xi32>
        %shift_right_arithmetic3A_557 = arith.constant 17 : i32
        %shift_right_arithmetic3A_558 = vector.broadcast %shift_right_arithmetic3A_557 : i32 to vector<16xi32>
        %shift_right_arithmetic3A_559 = arith.shrsi %bitcast3A_556, %shift_right_arithmetic3A_558 : vector<16xi32>
        %sub3A_560 = arith.constant 8128 : i32
        %sub3A_561 = vector.broadcast %sub3A_560 : i32 to vector<16xi32>
        %sub3A_562 = arith.subi %sub3A_561, %shift_right_arithmetic3A_559 : vector<16xi32>
        %min3A_563 = arith.constant 2047 : i32
        %min3A_564 = vector.broadcast %min3A_563 : i32 to vector<16xi32>
        %min3A_565 = arith.minui %sub3A_562, %min3A_564 : vector<16xi32>
        %shift_right_arithmetic3A_566 = arith.constant 3 : i32
        %shift_right_arithmetic3A_567 = vector.broadcast %shift_right_arithmetic3A_566 : i32 to vector<16xi32>
        %shift_right_arithmetic3A_568 = arith.shrsi %min3A_565, %shift_right_arithmetic3A_567 : vector<16xi32>
        %and3A_569 = arith.constant 7 : i32
        %and3A_570 = vector.broadcast %and3A_569 : i32 to vector<16xi32>
        %and3A_571 = arith.andi %min3A_565, %and3A_570 : vector<16xi32>
        %shift_left3A_572 = arith.constant 4 : i32
        %shift_left3A_573 = vector.broadcast %shift_left3A_572 : i32 to vector<16xi32>
        %shift_left3A_574 = arith.shli %and3A_571, %shift_left3A_573 : vector<16xi32>
        %add3A_575 = arith.addi %shift_left3A_574, %iota3A : vector<16xi32>
        %sub3A_576 = arith.constant 1.000000e+00 : f32
        %sub3A_577 = vector.broadcast %sub3A_576 : f32 to vector<16xf32>
        %sub3A_578 = arith.subf %sub3A_577, %get3A_467 : vector<16xf32>
        %max3A_579 = arith.maximumf %sub3A_578, %get3A_491 : vector<16xf32>
        %bitcast3A_580 = vector.bitcast %max3A_579 : vector<16xf32> to vector<16xi32>
        %shift_right_arithmetic3A_581 = arith.constant 17 : i32
        %shift_right_arithmetic3A_582 = vector.broadcast %shift_right_arithmetic3A_581 : i32 to vector<16xi32>
        %shift_right_arithmetic3A_583 = arith.shrsi %bitcast3A_580, %shift_right_arithmetic3A_582 : vector<16xi32>
        %sub3A_584 = arith.constant 8128 : i32
        %sub3A_585 = vector.broadcast %sub3A_584 : i32 to vector<16xi32>
        %sub3A_586 = arith.subi %sub3A_585, %shift_right_arithmetic3A_583 : vector<16xi32>
        %min3A_587 = arith.constant 2047 : i32
        %min3A_588 = vector.broadcast %min3A_587 : i32 to vector<16xi32>
        %min3A_589 = arith.minui %sub3A_586, %min3A_588 : vector<16xi32>
        %shift_right_arithmetic3A_590 = arith.constant 3 : i32
        %shift_right_arithmetic3A_591 = vector.broadcast %shift_right_arithmetic3A_590 : i32 to vector<16xi32>
        %shift_right_arithmetic3A_592 = arith.shrsi %min3A_589, %shift_right_arithmetic3A_591 : vector<16xi32>
        %and3A_593 = arith.constant 7 : i32
        %and3A_594 = vector.broadcast %and3A_593 : i32 to vector<16xi32>
        %and3A_595 = arith.andi %min3A_589, %and3A_594 : vector<16xi32>
        %shift_left3A_596 = arith.constant 4 : i32
        %shift_left3A_597 = vector.broadcast %shift_left3A_596 : i32 to vector<16xi32>
        %shift_left3A_598 = arith.shli %and3A_595, %shift_left3A_597 : vector<16xi32>
        %add3A_599 = arith.addi %shift_left3A_598, %iota3A : vector<16xi32>
        %sub3A_600 = arith.constant 1.000000e+00 : f32
        %sub3A_601 = vector.broadcast %sub3A_600 : f32 to vector<16xf32>
        %sub3A_602 = arith.subf %sub3A_601, %get3A_470 : vector<16xf32>
        %max3A_603 = arith.maximumf %sub3A_602, %get3A_494 : vector<16xf32>
        %bitcast3A_604 = vector.bitcast %max3A_603 : vector<16xf32> to vector<16xi32>
        %shift_right_arithmetic3A_605 = arith.constant 17 : i32
        %shift_right_arithmetic3A_606 = vector.broadcast %shift_right_arithmetic3A_605 : i32 to vector<16xi32>
        %shift_right_arithmetic3A_607 = arith.shrsi %bitcast3A_604, %shift_right_arithmetic3A_606 : vector<16xi32>
        %sub3A_608 = arith.constant 8128 : i32
        %sub3A_609 = vector.broadcast %sub3A_608 : i32 to vector<16xi32>
        %sub3A_610 = arith.subi %sub3A_609, %shift_right_arithmetic3A_607 : vector<16xi32>
        %min3A_611 = arith.constant 2047 : i32
        %min3A_612 = vector.broadcast %min3A_611 : i32 to vector<16xi32>
        %min3A_613 = arith.minui %sub3A_610, %min3A_612 : vector<16xi32>
        %shift_right_arithmetic3A_614 = arith.constant 3 : i32
        %shift_right_arithmetic3A_615 = vector.broadcast %shift_right_arithmetic3A_614 : i32 to vector<16xi32>
        %shift_right_arithmetic3A_616 = arith.shrsi %min3A_613, %shift_right_arithmetic3A_615 : vector<16xi32>
        %and3A_617 = arith.constant 7 : i32
        %and3A_618 = vector.broadcast %and3A_617 : i32 to vector<16xi32>
        %and3A_619 = arith.andi %min3A_613, %and3A_618 : vector<16xi32>
        %shift_left3A_620 = arith.constant 4 : i32
        %shift_left3A_621 = vector.broadcast %shift_left3A_620 : i32 to vector<16xi32>
        %shift_left3A_622 = arith.shli %and3A_619, %shift_left3A_621 : vector<16xi32>
        %add3A_623 = arith.addi %shift_left3A_622, %iota3A : vector<16xi32>
        %sub3A_624 = arith.constant 1.000000e+00 : f32
        %sub3A_625 = vector.broadcast %sub3A_624 : f32 to vector<16xf32>
        %sub3A_626 = arith.subf %sub3A_625, %get3A_473 : vector<16xf32>
        %max3A_627 = arith.maximumf %sub3A_626, %get3A_497 : vector<16xf32>
        %bitcast3A_628 = vector.bitcast %max3A_627 : vector<16xf32> to vector<16xi32>
        %shift_right_arithmetic3A_629 = arith.constant 17 : i32
        %shift_right_arithmetic3A_630 = vector.broadcast %shift_right_arithmetic3A_629 : i32 to vector<16xi32>
        %shift_right_arithmetic3A_631 = arith.shrsi %bitcast3A_628, %shift_right_arithmetic3A_630 : vector<16xi32>
        %sub3A_632 = arith.constant 8128 : i32
        %sub3A_633 = vector.broadcast %sub3A_632 : i32 to vector<16xi32>
        %sub3A_634 = arith.subi %sub3A_633, %shift_right_arithmetic3A_631 : vector<16xi32>
        %min3A_635 = arith.constant 2047 : i32
        %min3A_636 = vector.broadcast %min3A_635 : i32 to vector<16xi32>
        %min3A_637 = arith.minui %sub3A_634, %min3A_636 : vector<16xi32>
        %shift_right_arithmetic3A_638 = arith.constant 3 : i32
        %shift_right_arithmetic3A_639 = vector.broadcast %shift_right_arithmetic3A_638 : i32 to vector<16xi32>
        %shift_right_arithmetic3A_640 = arith.shrsi %min3A_637, %shift_right_arithmetic3A_639 : vector<16xi32>
        %and3A_641 = arith.constant 7 : i32
        %and3A_642 = vector.broadcast %and3A_641 : i32 to vector<16xi32>
        %and3A_643 = arith.andi %min3A_637, %and3A_642 : vector<16xi32>
        %shift_left3A_644 = arith.constant 4 : i32
        %shift_left3A_645 = vector.broadcast %shift_left3A_644 : i32 to vector<16xi32>
        %shift_left3A_646 = arith.shli %and3A_643, %shift_left3A_645 : vector<16xi32>
        %add3A_647 = arith.addi %shift_left3A_646, %iota3A : vector<16xi32>
        %sub3A_648 = arith.constant 1.000000e+00 : f32
        %sub3A_649 = vector.broadcast %sub3A_648 : f32 to vector<16xf32>
        %sub3A_650 = arith.subf %sub3A_649, %get3A_476 : vector<16xf32>
        %max3A_651 = arith.maximumf %sub3A_650, %get3A_500 : vector<16xf32>
        %bitcast3A_652 = vector.bitcast %max3A_651 : vector<16xf32> to vector<16xi32>
        %shift_right_arithmetic3A_653 = arith.constant 17 : i32
        %shift_right_arithmetic3A_654 = vector.broadcast %shift_right_arithmetic3A_653 : i32 to vector<16xi32>
        %shift_right_arithmetic3A_655 = arith.shrsi %bitcast3A_652, %shift_right_arithmetic3A_654 : vector<16xi32>
        %sub3A_656 = arith.constant 8128 : i32
        %sub3A_657 = vector.broadcast %sub3A_656 : i32 to vector<16xi32>
        %sub3A_658 = arith.subi %sub3A_657, %shift_right_arithmetic3A_655 : vector<16xi32>
        %min3A_659 = arith.constant 2047 : i32
        %min3A_660 = vector.broadcast %min3A_659 : i32 to vector<16xi32>
        %min3A_661 = arith.minui %sub3A_658, %min3A_660 : vector<16xi32>
        %shift_right_arithmetic3A_662 = arith.constant 3 : i32
        %shift_right_arithmetic3A_663 = vector.broadcast %shift_right_arithmetic3A_662 : i32 to vector<16xi32>
        %shift_right_arithmetic3A_664 = arith.shrsi %min3A_661, %shift_right_arithmetic3A_663 : vector<16xi32>
        %and3A_665 = arith.constant 7 : i32
        %and3A_666 = vector.broadcast %and3A_665 : i32 to vector<16xi32>
        %and3A_667 = arith.andi %min3A_661, %and3A_666 : vector<16xi32>
        %shift_left3A_668 = arith.constant 4 : i32
        %shift_left3A_669 = vector.broadcast %shift_left3A_668 : i32 to vector<16xi32>
        %shift_left3A_670 = arith.shli %and3A_667, %shift_left3A_669 : vector<16xi32>
        %add3A_671 = arith.addi %shift_left3A_670, %iota3A : vector<16xi32>
        %sub3A_672 = arith.constant 1.000000e+00 : f32
        %sub3A_673 = vector.broadcast %sub3A_672 : f32 to vector<16xf32>
        %sub3A_674 = arith.subf %sub3A_673, %get3A_479 : vector<16xf32>
        %max3A_675 = arith.maximumf %sub3A_674, %get3A_503 : vector<16xf32>
        %bitcast3A_676 = vector.bitcast %max3A_675 : vector<16xf32> to vector<16xi32>
        %shift_right_arithmetic3A_677 = arith.constant 17 : i32
        %shift_right_arithmetic3A_678 = vector.broadcast %shift_right_arithmetic3A_677 : i32 to vector<16xi32>
        %shift_right_arithmetic3A_679 = arith.shrsi %bitcast3A_676, %shift_right_arithmetic3A_678 : vector<16xi32>
        %sub3A_680 = arith.constant 8128 : i32
        %sub3A_681 = vector.broadcast %sub3A_680 : i32 to vector<16xi32>
        %sub3A_682 = arith.subi %sub3A_681, %shift_right_arithmetic3A_679 : vector<16xi32>
        %min3A_683 = arith.constant 2047 : i32
        %min3A_684 = vector.broadcast %min3A_683 : i32 to vector<16xi32>
        %min3A_685 = arith.minui %sub3A_682, %min3A_684 : vector<16xi32>
        %shift_right_arithmetic3A_686 = arith.constant 3 : i32
        %shift_right_arithmetic3A_687 = vector.broadcast %shift_right_arithmetic3A_686 : i32 to vector<16xi32>
        %shift_right_arithmetic3A_688 = arith.shrsi %min3A_685, %shift_right_arithmetic3A_687 : vector<16xi32>
        %and3A_689 = arith.constant 7 : i32
        %and3A_690 = vector.broadcast %and3A_689 : i32 to vector<16xi32>
        %and3A_691 = arith.andi %min3A_685, %and3A_690 : vector<16xi32>
        %shift_left3A_692 = arith.constant 4 : i32
        %shift_left3A_693 = vector.broadcast %shift_left3A_692 : i32 to vector<16xi32>
        %shift_left3A_694 = arith.shli %and3A_691, %shift_left3A_693 : vector<16xi32>
        %add3A_695 = arith.addi %shift_left3A_694, %iota3A : vector<16xi32>
        tpu.vector_store_idx %arg13[%shift_right_arithmetic3A_520, %add3A_527], %broadcast_in_dim3A_7 {add = true} : memref<256x128xf32, #tpu.memory_space<vmem>>[vector<16xi32>, vector<16xi32>], vector<16xf32>,
        tpu.vector_store_idx %arg13[%shift_right_arithmetic3A_544, %add3A_551], %broadcast_in_dim3A_7 {add = true} : memref<256x128xf32, #tpu.memory_space<vmem>>[vector<16xi32>, vector<16xi32>], vector<16xf32>,
        tpu.vector_store_idx %arg13[%shift_right_arithmetic3A_568, %add3A_575], %broadcast_in_dim3A_7 {add = true} : memref<256x128xf32, #tpu.memory_space<vmem>>[vector<16xi32>, vector<16xi32>], vector<16xf32>,
        tpu.vector_store_idx %arg13[%shift_right_arithmetic3A_592, %add3A_599], %broadcast_in_dim3A_7 {add = true} : memref<256x128xf32, #tpu.memory_space<vmem>>[vector<16xi32>, vector<16xi32>], vector<16xf32>,
        tpu.vector_store_idx %arg13[%shift_right_arithmetic3A_616, %add3A_623], %broadcast_in_dim3A_7 {add = true} : memref<256x128xf32, #tpu.memory_space<vmem>>[vector<16xi32>, vector<16xi32>], vector<16xf32>,
        tpu.vector_store_idx %arg13[%shift_right_arithmetic3A_640, %add3A_647], %broadcast_in_dim3A_7 {add = true} : memref<256x128xf32, #tpu.memory_space<vmem>>[vector<16xi32>, vector<16xi32>], vector<16xf32>,
        tpu.vector_store_idx %arg13[%shift_right_arithmetic3A_664, %add3A_671], %broadcast_in_dim3A_7 {add = true} : memref<256x128xf32, #tpu.memory_space<vmem>>[vector<16xi32>, vector<16xi32>], vector<16xf32>,
        tpu.vector_store_idx %arg13[%shift_right_arithmetic3A_688, %add3A_695], %broadcast_in_dim3A_7 {add = true} : memref<256x128xf32, #tpu.memory_space<vmem>>[vector<16xi32>, vector<16xi32>], vector<16xf32>,
        %get3A_696 = arith.index_cast %scan3A_220 : i32 to index
        %get3A_697 = arith.constant 256 : index
        %get3A_698 = tpu.vector_load %arg7[%get3A_696, %get3A_697] {strides = array<i32>} : memref<16x512xf32, #tpu.memory_space<vmem>>, vector<16xf32>,
        %get3A_699 = arith.index_cast %scan3A_220 : i32 to index
        %get3A_700 = arith.constant 272 : index
        %get3A_701 = tpu.vector_load %arg7[%get3A_699, %get3A_700] {strides = array<i32>} : memref<16x512xf32, #tpu.memory_space<vmem>>, vector<16xf32>,
        %get3A_702 = arith.index_cast %scan3A_220 : i32 to index
        %get3A_703 = arith.constant 288 : index
        %get3A_704 = tpu.vector_load %arg7[%get3A_702, %get3A_703] {strides = array<i32>} : memref<16x512xf32, #tpu.memory_space<vmem>>, vector<16xf32>,
        %get3A_705 = arith.index_cast %scan3A_220 : i32 to index
        %get3A_706 = arith.constant 304 : index
        %get3A_707 = tpu.vector_load %arg7[%get3A_705, %get3A_706] {strides = array<i32>} : memref<16x512xf32, #tpu.memory_space<vmem>>, vector<16xf32>,
        %get3A_708 = arith.index_cast %scan3A_220 : i32 to index
        %get3A_709 = arith.constant 320 : index
        %get3A_710 = tpu.vector_load %arg7[%get3A_708, %get3A_709] {strides = array<i32>} : memref<16x512xf32, #tpu.memory_space<vmem>>, vector<16xf32>,
        %get3A_711 = arith.index_cast %scan3A_220 : i32 to index
        %get3A_712 = arith.constant 336 : index
        %get3A_713 = tpu.vector_load %arg7[%get3A_711, %get3A_712] {strides = array<i32>} : memref<16x512xf32, #tpu.memory_space<vmem>>, vector<16xf32>,
        %get3A_714 = arith.index_cast %scan3A_220 : i32 to index
        %get3A_715 = arith.constant 352 : index
        %get3A_716 = tpu.vector_load %arg7[%get3A_714, %get3A_715] {strides = array<i32>} : memref<16x512xf32, #tpu.memory_space<vmem>>, vector<16xf32>,
        %get3A_717 = arith.index_cast %scan3A_220 : i32 to index
        %get3A_718 = arith.constant 368 : index
        %get3A_719 = tpu.vector_load %arg7[%get3A_717, %get3A_718] {strides = array<i32>} : memref<16x512xf32, #tpu.memory_space<vmem>>, vector<16xf32>,
        %get3A_720 = arith.index_cast %scan3A_220 : i32 to index
        %get3A_721 = arith.constant 256 : index
        %get3A_722 = tpu.vector_load %arg11[%get3A_720, %get3A_721] {strides = array<i32>} : memref<16x512xf32, #tpu.memory_space<vmem>>, vector<16xf32>,
        %get3A_723 = arith.index_cast %scan3A_220 : i32 to index
        %get3A_724 = arith.constant 272 : index
        %get3A_725 = tpu.vector_load %arg11[%get3A_723, %get3A_724] {strides = array<i32>} : memref<16x512xf32, #tpu.memory_space<vmem>>, vector<16xf32>,
        %get3A_726 = arith.index_cast %scan3A_220 : i32 to index
        %get3A_727 = arith.constant 288 : index
        %get3A_728 = tpu.vector_load %arg11[%get3A_726, %get3A_727] {strides = array<i32>} : memref<16x512xf32, #tpu.memory_space<vmem>>, vector<16xf32>,
        %get3A_729 = arith.index_cast %scan3A_220 : i32 to index
        %get3A_730 = arith.constant 304 : index
        %get3A_731 = tpu.vector_load %arg11[%get3A_729, %get3A_730] {strides = array<i32>} : memref<16x512xf32, #tpu.memory_space<vmem>>, vector<16xf32>,
        %get3A_732 = arith.index_cast %scan3A_220 : i32 to index
        %get3A_733 = arith.constant 320 : index
        %get3A_734 = tpu.vector_load %arg11[%get3A_732, %get3A_733] {strides = array<i32>} : memref<16x512xf32, #tpu.memory_space<vmem>>, vector<16xf32>,
        %get3A_735 = arith.index_cast %scan3A_220 : i32 to index
        %get3A_736 = arith.constant 336 : index
        %get3A_737 = tpu.vector_load %arg11[%get3A_735, %get3A_736] {strides = array<i32>} : memref<16x512xf32, #tpu.memory_space<vmem>>, vector<16xf32>,
        %get3A_738 = arith.index_cast %scan3A_220 : i32 to index
        %get3A_739 = arith.constant 352 : index
        %get3A_740 = tpu.vector_load %arg11[%get3A_738, %get3A_739] {strides = array<i32>} : memref<16x512xf32, #tpu.memory_space<vmem>>, vector<16xf32>,
        %get3A_741 = arith.index_cast %scan3A_220 : i32 to index
        %get3A_742 = arith.constant 368 : index
        %get3A_743 = tpu.vector_load %arg11[%get3A_741, %get3A_742] {strides = array<i32>} : memref<16x512xf32, #tpu.memory_space<vmem>>, vector<16xf32>,
        %sub3A_744 = arith.constant 1.000000e+00 : f32
        %sub3A_745 = vector.broadcast %sub3A_744 : f32 to vector<16xf32>
        %sub3A_746 = arith.subf %sub3A_745, %get3A_698 : vector<16xf32>
        %max3A_747 = arith.maximumf %sub3A_746, %get3A_722 : vector<16xf32>
        %bitcast3A_748 = vector.bitcast %max3A_747 : vector<16xf32> to vector<16xi32>
        %shift_right_arithmetic3A_749 = arith.constant 17 : i32
        %shift_right_arithmetic3A_750 = vector.broadcast %shift_right_arithmetic3A_749 : i32 to vector<16xi32>
        %shift_right_arithmetic3A_751 = arith.shrsi %bitcast3A_748, %shift_right_arithmetic3A_750 : vector<16xi32>
        %sub3A_752 = arith.constant 8128 : i32
        %sub3A_753 = vector.broadcast %sub3A_752 : i32 to vector<16xi32>
        %sub3A_754 = arith.subi %sub3A_753, %shift_right_arithmetic3A_751 : vector<16xi32>
        %min3A_755 = arith.constant 2047 : i32
        %min3A_756 = vector.broadcast %min3A_755 : i32 to vector<16xi32>
        %min3A_757 = arith.minui %sub3A_754, %min3A_756 : vector<16xi32>
        %shift_right_arithmetic3A_758 = arith.constant 3 : i32
        %shift_right_arithmetic3A_759 = vector.broadcast %shift_right_arithmetic3A_758 : i32 to vector<16xi32>
        %shift_right_arithmetic3A_760 = arith.shrsi %min3A_757, %shift_right_arithmetic3A_759 : vector<16xi32>
        %and3A_761 = arith.constant 7 : i32
        %and3A_762 = vector.broadcast %and3A_761 : i32 to vector<16xi32>
        %and3A_763 = arith.andi %min3A_757, %and3A_762 : vector<16xi32>
        %shift_left3A_764 = arith.constant 4 : i32
        %shift_left3A_765 = vector.broadcast %shift_left3A_764 : i32 to vector<16xi32>
        %shift_left3A_766 = arith.shli %and3A_763, %shift_left3A_765 : vector<16xi32>
        %add3A_767 = arith.addi %shift_left3A_766, %iota3A : vector<16xi32>
        %sub3A_768 = arith.constant 1.000000e+00 : f32
        %sub3A_769 = vector.broadcast %sub3A_768 : f32 to vector<16xf32>
        %sub3A_770 = arith.subf %sub3A_769, %get3A_701 : vector<16xf32>
        %max3A_771 = arith.maximumf %sub3A_770, %get3A_725 : vector<16xf32>
        %bitcast3A_772 = vector.bitcast %max3A_771 : vector<16xf32> to vector<16xi32>
        %shift_right_arithmetic3A_773 = arith.constant 17 : i32
        %shift_right_arithmetic3A_774 = vector.broadcast %shift_right_arithmetic3A_773 : i32 to vector<16xi32>
        %shift_right_arithmetic3A_775 = arith.shrsi %bitcast3A_772, %shift_right_arithmetic3A_774 : vector<16xi32>
        %sub3A_776 = arith.constant 8128 : i32
        %sub3A_777 = vector.broadcast %sub3A_776 : i32 to vector<16xi32>
        %sub3A_778 = arith.subi %sub3A_777, %shift_right_arithmetic3A_775 : vector<16xi32>
        %min3A_779 = arith.constant 2047 : i32
        %min3A_780 = vector.broadcast %min3A_779 : i32 to vector<16xi32>
        %min3A_781 = arith.minui %sub3A_778, %min3A_780 : vector<16xi32>
        %shift_right_arithmetic3A_782 = arith.constant 3 : i32
        %shift_right_arithmetic3A_783 = vector.broadcast %shift_right_arithmetic3A_782 : i32 to vector<16xi32>
        %shift_right_arithmetic3A_784 = arith.shrsi %min3A_781, %shift_right_arithmetic3A_783 : vector<16xi32>
        %and3A_785 = arith.constant 7 : i32
        %and3A_786 = vector.broadcast %and3A_785 : i32 to vector<16xi32>
        %and3A_787 = arith.andi %min3A_781, %and3A_786 : vector<16xi32>
        %shift_left3A_788 = arith.constant 4 : i32
        %shift_left3A_789 = vector.broadcast %shift_left3A_788 : i32 to vector<16xi32>
        %shift_left3A_790 = arith.shli %and3A_787, %shift_left3A_789 : vector<16xi32>
        %add3A_791 = arith.addi %shift_left3A_790, %iota3A : vector<16xi32>
        %sub3A_792 = arith.constant 1.000000e+00 : f32
        %sub3A_793 = vector.broadcast %sub3A_792 : f32 to vector<16xf32>
        %sub3A_794 = arith.subf %sub3A_793, %get3A_704 : vector<16xf32>
        %max3A_795 = arith.maximumf %sub3A_794, %get3A_728 : vector<16xf32>
        %bitcast3A_796 = vector.bitcast %max3A_795 : vector<16xf32> to vector<16xi32>
        %shift_right_arithmetic3A_797 = arith.constant 17 : i32
        %shift_right_arithmetic3A_798 = vector.broadcast %shift_right_arithmetic3A_797 : i32 to vector<16xi32>
        %shift_right_arithmetic3A_799 = arith.shrsi %bitcast3A_796, %shift_right_arithmetic3A_798 : vector<16xi32>
        %sub3A_800 = arith.constant 8128 : i32
        %sub3A_801 = vector.broadcast %sub3A_800 : i32 to vector<16xi32>
        %sub3A_802 = arith.subi %sub3A_801, %shift_right_arithmetic3A_799 : vector<16xi32>
        %min3A_803 = arith.constant 2047 : i32
        %min3A_804 = vector.broadcast %min3A_803 : i32 to vector<16xi32>
        %min3A_805 = arith.minui %sub3A_802, %min3A_804 : vector<16xi32>
        %shift_right_arithmetic3A_806 = arith.constant 3 : i32
        %shift_right_arithmetic3A_807 = vector.broadcast %shift_right_arithmetic3A_806 : i32 to vector<16xi32>
        %shift_right_arithmetic3A_808 = arith.shrsi %min3A_805, %shift_right_arithmetic3A_807 : vector<16xi32>
        %and3A_809 = arith.constant 7 : i32
        %and3A_810 = vector.broadcast %and3A_809 : i32 to vector<16xi32>
        %and3A_811 = arith.andi %min3A_805, %and3A_810 : vector<16xi32>
        %shift_left3A_812 = arith.constant 4 : i32
        %shift_left3A_813 = vector.broadcast %shift_left3A_812 : i32 to vector<16xi32>
        %shift_left3A_814 = arith.shli %and3A_811, %shift_left3A_813 : vector<16xi32>
        %add3A_815 = arith.addi %shift_left3A_814, %iota3A : vector<16xi32>
        %sub3A_816 = arith.constant 1.000000e+00 : f32
        %sub3A_817 = vector.broadcast %sub3A_816 : f32 to vector<16xf32>
        %sub3A_818 = arith.subf %sub3A_817, %get3A_707 : vector<16xf32>
        %max3A_819 = arith.maximumf %sub3A_818, %get3A_731 : vector<16xf32>
        %bitcast3A_820 = vector.bitcast %max3A_819 : vector<16xf32> to vector<16xi32>
        %shift_right_arithmetic3A_821 = arith.constant 17 : i32
        %shift_right_arithmetic3A_822 = vector.broadcast %shift_right_arithmetic3A_821 : i32 to vector<16xi32>
        %shift_right_arithmetic3A_823 = arith.shrsi %bitcast3A_820, %shift_right_arithmetic3A_822 : vector<16xi32>
        %sub3A_824 = arith.constant 8128 : i32
        %sub3A_825 = vector.broadcast %sub3A_824 : i32 to vector<16xi32>
        %sub3A_826 = arith.subi %sub3A_825, %shift_right_arithmetic3A_823 : vector<16xi32>
        %min3A_827 = arith.constant 2047 : i32
        %min3A_828 = vector.broadcast %min3A_827 : i32 to vector<16xi32>
        %min3A_829 = arith.minui %sub3A_826, %min3A_828 : vector<16xi32>
        %shift_right_arithmetic3A_830 = arith.constant 3 : i32
        %shift_right_arithmetic3A_831 = vector.broadcast %shift_right_arithmetic3A_830 : i32 to vector<16xi32>
        %shift_right_arithmetic3A_832 = arith.shrsi %min3A_829, %shift_right_arithmetic3A_831 : vector<16xi32>
        %and3A_833 = arith.constant 7 : i32
        %and3A_834 = vector.broadcast %and3A_833 : i32 to vector<16xi32>
        %and3A_835 = arith.andi %min3A_829, %and3A_834 : vector<16xi32>
        %shift_left3A_836 = arith.constant 4 : i32
        %shift_left3A_837 = vector.broadcast %shift_left3A_836 : i32 to vector<16xi32>
        %shift_left3A_838 = arith.shli %and3A_835, %shift_left3A_837 : vector<16xi32>
        %add3A_839 = arith.addi %shift_left3A_838, %iota3A : vector<16xi32>
        %sub3A_840 = arith.constant 1.000000e+00 : f32
        %sub3A_841 = vector.broadcast %sub3A_840 : f32 to vector<16xf32>
        %sub3A_842 = arith.subf %sub3A_841, %get3A_710 : vector<16xf32>
        %max3A_843 = arith.maximumf %sub3A_842, %get3A_734 : vector<16xf32>
        %bitcast3A_844 = vector.bitcast %max3A_843 : vector<16xf32> to vector<16xi32>
        %shift_right_arithmetic3A_845 = arith.constant 17 : i32
        %shift_right_arithmetic3A_846 = vector.broadcast %shift_right_arithmetic3A_845 : i32 to vector<16xi32>
        %shift_right_arithmetic3A_847 = arith.shrsi %bitcast3A_844, %shift_right_arithmetic3A_846 : vector<16xi32>
        %sub3A_848 = arith.constant 8128 : i32
        %sub3A_849 = vector.broadcast %sub3A_848 : i32 to vector<16xi32>
        %sub3A_850 = arith.subi %sub3A_849, %shift_right_arithmetic3A_847 : vector<16xi32>
        %min3A_851 = arith.constant 2047 : i32
        %min3A_852 = vector.broadcast %min3A_851 : i32 to vector<16xi32>
        %min3A_853 = arith.minui %sub3A_850, %min3A_852 : vector<16xi32>
        %shift_right_arithmetic3A_854 = arith.constant 3 : i32
        %shift_right_arithmetic3A_855 = vector.broadcast %shift_right_arithmetic3A_854 : i32 to vector<16xi32>
        %shift_right_arithmetic3A_856 = arith.shrsi %min3A_853, %shift_right_arithmetic3A_855 : vector<16xi32>
        %and3A_857 = arith.constant 7 : i32
        %and3A_858 = vector.broadcast %and3A_857 : i32 to vector<16xi32>
        %and3A_859 = arith.andi %min3A_853, %and3A_858 : vector<16xi32>
        %shift_left3A_860 = arith.constant 4 : i32
        %shift_left3A_861 = vector.broadcast %shift_left3A_860 : i32 to vector<16xi32>
        %shift_left3A_862 = arith.shli %and3A_859, %shift_left3A_861 : vector<16xi32>
        %add3A_863 = arith.addi %shift_left3A_862, %iota3A : vector<16xi32>
        %sub3A_864 = arith.constant 1.000000e+00 : f32
        %sub3A_865 = vector.broadcast %sub3A_864 : f32 to vector<16xf32>
        %sub3A_866 = arith.subf %sub3A_865, %get3A_713 : vector<16xf32>
        %max3A_867 = arith.maximumf %sub3A_866, %get3A_737 : vector<16xf32>
        %bitcast3A_868 = vector.bitcast %max3A_867 : vector<16xf32> to vector<16xi32>
        %shift_right_arithmetic3A_869 = arith.constant 17 : i32
        %shift_right_arithmetic3A_870 = vector.broadcast %shift_right_arithmetic3A_869 : i32 to vector<16xi32>
        %shift_right_arithmetic3A_871 = arith.shrsi %bitcast3A_868, %shift_right_arithmetic3A_870 : vector<16xi32>
        %sub3A_872 = arith.constant 8128 : i32
        %sub3A_873 = vector.broadcast %sub3A_872 : i32 to vector<16xi32>
        %sub3A_874 = arith.subi %sub3A_873, %shift_right_arithmetic3A_871 : vector<16xi32>
        %min3A_875 = arith.constant 2047 : i32
        %min3A_876 = vector.broadcast %min3A_875 : i32 to vector<16xi32>
        %min3A_877 = arith.minui %sub3A_874, %min3A_876 : vector<16xi32>
        %shift_right_arithmetic3A_878 = arith.constant 3 : i32
        %shift_right_arithmetic3A_879 = vector.broadcast %shift_right_arithmetic3A_878 : i32 to vector<16xi32>
        %shift_right_arithmetic3A_880 = arith.shrsi %min3A_877, %shift_right_arithmetic3A_879 : vector<16xi32>
        %and3A_881 = arith.constant 7 : i32
        %and3A_882 = vector.broadcast %and3A_881 : i32 to vector<16xi32>
        %and3A_883 = arith.andi %min3A_877, %and3A_882 : vector<16xi32>
        %shift_left3A_884 = arith.constant 4 : i32
        %shift_left3A_885 = vector.broadcast %shift_left3A_884 : i32 to vector<16xi32>
        %shift_left3A_886 = arith.shli %and3A_883, %shift_left3A_885 : vector<16xi32>
        %add3A_887 = arith.addi %shift_left3A_886, %iota3A : vector<16xi32>
        %sub3A_888 = arith.constant 1.000000e+00 : f32
        %sub3A_889 = vector.broadcast %sub3A_888 : f32 to vector<16xf32>
        %sub3A_890 = arith.subf %sub3A_889, %get3A_716 : vector<16xf32>
        %max3A_891 = arith.maximumf %sub3A_890, %get3A_740 : vector<16xf32>
        %bitcast3A_892 = vector.bitcast %max3A_891 : vector<16xf32> to vector<16xi32>
        %shift_right_arithmetic3A_893 = arith.constant 17 : i32
        %shift_right_arithmetic3A_894 = vector.broadcast %shift_right_arithmetic3A_893 : i32 to vector<16xi32>
        %shift_right_arithmetic3A_895 = arith.shrsi %bitcast3A_892, %shift_right_arithmetic3A_894 : vector<16xi32>
        %sub3A_896 = arith.constant 8128 : i32
        %sub3A_897 = vector.broadcast %sub3A_896 : i32 to vector<16xi32>
        %sub3A_898 = arith.subi %sub3A_897, %shift_right_arithmetic3A_895 : vector<16xi32>
        %min3A_899 = arith.constant 2047 : i32
        %min3A_900 = vector.broadcast %min3A_899 : i32 to vector<16xi32>
        %min3A_901 = arith.minui %sub3A_898, %min3A_900 : vector<16xi32>
        %shift_right_arithmetic3A_902 = arith.constant 3 : i32
        %shift_right_arithmetic3A_903 = vector.broadcast %shift_right_arithmetic3A_902 : i32 to vector<16xi32>
        %shift_right_arithmetic3A_904 = arith.shrsi %min3A_901, %shift_right_arithmetic3A_903 : vector<16xi32>
        %and3A_905 = arith.constant 7 : i32
        %and3A_906 = vector.broadcast %and3A_905 : i32 to vector<16xi32>
        %and3A_907 = arith.andi %min3A_901, %and3A_906 : vector<16xi32>
        %shift_left3A_908 = arith.constant 4 : i32
        %shift_left3A_909 = vector.broadcast %shift_left3A_908 : i32 to vector<16xi32>
        %shift_left3A_910 = arith.shli %and3A_907, %shift_left3A_909 : vector<16xi32>
        %add3A_911 = arith.addi %shift_left3A_910, %iota3A : vector<16xi32>
        %sub3A_912 = arith.constant 1.000000e+00 : f32
        %sub3A_913 = vector.broadcast %sub3A_912 : f32 to vector<16xf32>
        %sub3A_914 = arith.subf %sub3A_913, %get3A_719 : vector<16xf32>
        %max3A_915 = arith.maximumf %sub3A_914, %get3A_743 : vector<16xf32>
        %bitcast3A_916 = vector.bitcast %max3A_915 : vector<16xf32> to vector<16xi32>
        %shift_right_arithmetic3A_917 = arith.constant 17 : i32
        %shift_right_arithmetic3A_918 = vector.broadcast %shift_right_arithmetic3A_917 : i32 to vector<16xi32>
        %shift_right_arithmetic3A_919 = arith.shrsi %bitcast3A_916, %shift_right_arithmetic3A_918 : vector<16xi32>
        %sub3A_920 = arith.constant 8128 : i32
        %sub3A_921 = vector.broadcast %sub3A_920 : i32 to vector<16xi32>
        %sub3A_922 = arith.subi %sub3A_921, %shift_right_arithmetic3A_919 : vector<16xi32>
        %min3A_923 = arith.constant 2047 : i32
        %min3A_924 = vector.broadcast %min3A_923 : i32 to vector<16xi32>
        %min3A_925 = arith.minui %sub3A_922, %min3A_924 : vector<16xi32>
        %shift_right_arithmetic3A_926 = arith.constant 3 : i32
        %shift_right_arithmetic3A_927 = vector.broadcast %shift_right_arithmetic3A_926 : i32 to vector<16xi32>
        %shift_right_arithmetic3A_928 = arith.shrsi %min3A_925, %shift_right_arithmetic3A_927 : vector<16xi32>
        %and3A_929 = arith.constant 7 : i32
        %and3A_930 = vector.broadcast %and3A_929 : i32 to vector<16xi32>
        %and3A_931 = arith.andi %min3A_925, %and3A_930 : vector<16xi32>
        %shift_left3A_932 = arith.constant 4 : i32
        %shift_left3A_933 = vector.broadcast %shift_left3A_932 : i32 to vector<16xi32>
        %shift_left3A_934 = arith.shli %and3A_931, %shift_left3A_933 : vector<16xi32>
        %add3A_935 = arith.addi %shift_left3A_934, %iota3A : vector<16xi32>
        tpu.vector_store_idx %arg13[%shift_right_arithmetic3A_760, %add3A_767], %broadcast_in_dim3A_7 {add = true} : memref<256x128xf32, #tpu.memory_space<vmem>>[vector<16xi32>, vector<16xi32>], vector<16xf32>,
        tpu.vector_store_idx %arg13[%shift_right_arithmetic3A_784, %add3A_791], %broadcast_in_dim3A_7 {add = true} : memref<256x128xf32, #tpu.memory_space<vmem>>[vector<16xi32>, vector<16xi32>], vector<16xf32>,
        tpu.vector_store_idx %arg13[%shift_right_arithmetic3A_808, %add3A_815], %broadcast_in_dim3A_7 {add = true} : memref<256x128xf32, #tpu.memory_space<vmem>>[vector<16xi32>, vector<16xi32>], vector<16xf32>,
        tpu.vector_store_idx %arg13[%shift_right_arithmetic3A_832, %add3A_839], %broadcast_in_dim3A_7 {add = true} : memref<256x128xf32, #tpu.memory_space<vmem>>[vector<16xi32>, vector<16xi32>], vector<16xf32>,
        tpu.vector_store_idx %arg13[%shift_right_arithmetic3A_856, %add3A_863], %broadcast_in_dim3A_7 {add = true} : memref<256x128xf32, #tpu.memory_space<vmem>>[vector<16xi32>, vector<16xi32>], vector<16xf32>,
        tpu.vector_store_idx %arg13[%shift_right_arithmetic3A_880, %add3A_887], %broadcast_in_dim3A_7 {add = true} : memref<256x128xf32, #tpu.memory_space<vmem>>[vector<16xi32>, vector<16xi32>], vector<16xf32>,
        tpu.vector_store_idx %arg13[%shift_right_arithmetic3A_904, %add3A_911], %broadcast_in_dim3A_7 {add = true} : memref<256x128xf32, #tpu.memory_space<vmem>>[vector<16xi32>, vector<16xi32>], vector<16xf32>,
        tpu.vector_store_idx %arg13[%shift_right_arithmetic3A_928, %add3A_935], %broadcast_in_dim3A_7 {add = true} : memref<256x128xf32, #tpu.memory_space<vmem>>[vector<16xi32>, vector<16xi32>], vector<16xf32>,
        %get3A_936 = arith.index_cast %scan3A_220 : i32 to index
        %get3A_937 = arith.constant 384 : index
        %get3A_938 = tpu.vector_load %arg7[%get3A_936, %get3A_937] {strides = array<i32>} : memref<16x512xf32, #tpu.memory_space<vmem>>, vector<16xf32>,
        %get3A_939 = arith.index_cast %scan3A_220 : i32 to index
        %get3A_940 = arith.constant 400 : index
        %get3A_941 = tpu.vector_load %arg7[%get3A_939, %get3A_940] {strides = array<i32>} : memref<16x512xf32, #tpu.memory_space<vmem>>, vector<16xf32>,
        %get3A_942 = arith.index_cast %scan3A_220 : i32 to index
        %get3A_943 = arith.constant 416 : index
        %get3A_944 = tpu.vector_load %arg7[%get3A_942, %get3A_943] {strides = array<i32>} : memref<16x512xf32, #tpu.memory_space<vmem>>, vector<16xf32>,
        %get3A_945 = arith.index_cast %scan3A_220 : i32 to index
        %get3A_946 = arith.constant 432 : index
        %get3A_947 = tpu.vector_load %arg7[%get3A_945, %get3A_946] {strides = array<i32>} : memref<16x512xf32, #tpu.memory_space<vmem>>, vector<16xf32>,
        %get3A_948 = arith.index_cast %scan3A_220 : i32 to index
        %get3A_949 = arith.constant 448 : index
        %get3A_950 = tpu.vector_load %arg7[%get3A_948, %get3A_949] {strides = array<i32>} : memref<16x512xf32, #tpu.memory_space<vmem>>, vector<16xf32>,
        %get3A_951 = arith.index_cast %scan3A_220 : i32 to index
        %get3A_952 = arith.constant 464 : index
        %get3A_953 = tpu.vector_load %arg7[%get3A_951, %get3A_952] {strides = array<i32>} : memref<16x512xf32, #tpu.memory_space<vmem>>, vector<16xf32>,
        %get3A_954 = arith.index_cast %scan3A_220 : i32 to index
        %get3A_955 = arith.constant 480 : index
        %get3A_956 = tpu.vector_load %arg7[%get3A_954, %get3A_955] {strides = array<i32>} : memref<16x512xf32, #tpu.memory_space<vmem>>, vector<16xf32>,
        %get3A_957 = arith.index_cast %scan3A_220 : i32 to index
        %get3A_958 = arith.constant 496 : index
        %get3A_959 = tpu.vector_load %arg7[%get3A_957, %get3A_958] {strides = array<i32>} : memref<16x512xf32, #tpu.memory_space<vmem>>, vector<16xf32>,
        %get3A_960 = arith.index_cast %scan3A_220 : i32 to index
        %get3A_961 = arith.constant 384 : index
        %get3A_962 = tpu.vector_load %arg11[%get3A_960, %get3A_961] {strides = array<i32>} : memref<16x512xf32, #tpu.memory_space<vmem>>, vector<16xf32>,
        %get3A_963 = arith.index_cast %scan3A_220 : i32 to index
        %get3A_964 = arith.constant 400 : index
        %get3A_965 = tpu.vector_load %arg11[%get3A_963, %get3A_964] {strides = array<i32>} : memref<16x512xf32, #tpu.memory_space<vmem>>, vector<16xf32>,
        %get3A_966 = arith.index_cast %scan3A_220 : i32 to index
        %get3A_967 = arith.constant 416 : index
        %get3A_968 = tpu.vector_load %arg11[%get3A_966, %get3A_967] {strides = array<i32>} : memref<16x512xf32, #tpu.memory_space<vmem>>, vector<16xf32>,
        %get3A_969 = arith.index_cast %scan3A_220 : i32 to index
        %get3A_970 = arith.constant 432 : index
        %get3A_971 = tpu.vector_load %arg11[%get3A_969, %get3A_970] {strides = array<i32>} : memref<16x512xf32, #tpu.memory_space<vmem>>, vector<16xf32>,
        %get3A_972 = arith.index_cast %scan3A_220 : i32 to index
        %get3A_973 = arith.constant 448 : index
        %get3A_974 = tpu.vector_load %arg11[%get3A_972, %get3A_973] {strides = array<i32>} : memref<16x512xf32, #tpu.memory_space<vmem>>, vector<16xf32>,
        %get3A_975 = arith.index_cast %scan3A_220 : i32 to index
        %get3A_976 = arith.constant 464 : index
        %get3A_977 = tpu.vector_load %arg11[%get3A_975, %get3A_976] {strides = array<i32>} : memref<16x512xf32, #tpu.memory_space<vmem>>, vector<16xf32>,
        %get3A_978 = arith.index_cast %scan3A_220 : i32 to index
        %get3A_979 = arith.constant 480 : index
        %get3A_980 = tpu.vector_load %arg11[%get3A_978, %get3A_979] {strides = array<i32>} : memref<16x512xf32, #tpu.memory_space<vmem>>, vector<16xf32>,
        %get3A_981 = arith.index_cast %scan3A_220 : i32 to index
        %get3A_982 = arith.constant 496 : index
        %get3A_983 = tpu.vector_load %arg11[%get3A_981, %get3A_982] {strides = array<i32>} : memref<16x512xf32, #tpu.memory_space<vmem>>, vector<16xf32>,
        %sub3A_984 = arith.constant 1.000000e+00 : f32
        %sub3A_985 = vector.broadcast %sub3A_984 : f32 to vector<16xf32>
        %sub3A_986 = arith.subf %sub3A_985, %get3A_938 : vector<16xf32>
        %max3A_987 = arith.maximumf %sub3A_986, %get3A_962 : vector<16xf32>
        %bitcast3A_988 = vector.bitcast %max3A_987 : vector<16xf32> to vector<16xi32>
        %shift_right_arithmetic3A_989 = arith.constant 17 : i32
        %shift_right_arithmetic3A_990 = vector.broadcast %shift_right_arithmetic3A_989 : i32 to vector<16xi32>
        %shift_right_arithmetic3A_991 = arith.shrsi %bitcast3A_988, %shift_right_arithmetic3A_990 : vector<16xi32>
        %sub3A_992 = arith.constant 8128 : i32
        %sub3A_993 = vector.broadcast %sub3A_992 : i32 to vector<16xi32>
        %sub3A_994 = arith.subi %sub3A_993, %shift_right_arithmetic3A_991 : vector<16xi32>
        %min3A_995 = arith.constant 2047 : i32
        %min3A_996 = vector.broadcast %min3A_995 : i32 to vector<16xi32>
        %min3A_997 = arith.minui %sub3A_994, %min3A_996 : vector<16xi32>
        %shift_right_arithmetic3A_998 = arith.constant 3 : i32
        %shift_right_arithmetic3A_999 = vector.broadcast %shift_right_arithmetic3A_998 : i32 to vector<16xi32>
        %shift_right_arithmetic3A_1000 = arith.shrsi %min3A_997, %shift_right_arithmetic3A_999 : vector<16xi32>
        %and3A_1001 = arith.constant 7 : i32
        %and3A_1002 = vector.broadcast %and3A_1001 : i32 to vector<16xi32>
        %and3A_1003 = arith.andi %min3A_997, %and3A_1002 : vector<16xi32>
        %shift_left3A_1004 = arith.constant 4 : i32
        %shift_left3A_1005 = vector.broadcast %shift_left3A_1004 : i32 to vector<16xi32>
        %shift_left3A_1006 = arith.shli %and3A_1003, %shift_left3A_1005 : vector<16xi32>
        %add3A_1007 = arith.addi %shift_left3A_1006, %iota3A : vector<16xi32>
        %sub3A_1008 = arith.constant 1.000000e+00 : f32
        %sub3A_1009 = vector.broadcast %sub3A_1008 : f32 to vector<16xf32>
        %sub3A_1010 = arith.subf %sub3A_1009, %get3A_941 : vector<16xf32>
        %max3A_1011 = arith.maximumf %sub3A_1010, %get3A_965 : vector<16xf32>
        %bitcast3A_1012 = vector.bitcast %max3A_1011 : vector<16xf32> to vector<16xi32>
        %shift_right_arithmetic3A_1013 = arith.constant 17 : i32
        %shift_right_arithmetic3A_1014 = vector.broadcast %shift_right_arithmetic3A_1013 : i32 to vector<16xi32>
        %shift_right_arithmetic3A_1015 = arith.shrsi %bitcast3A_1012, %shift_right_arithmetic3A_1014 : vector<16xi32>
        %sub3A_1016 = arith.constant 8128 : i32
        %sub3A_1017 = vector.broadcast %sub3A_1016 : i32 to vector<16xi32>
        %sub3A_1018 = arith.subi %sub3A_1017, %shift_right_arithmetic3A_1015 : vector<16xi32>
        %min3A_1019 = arith.constant 2047 : i32
        %min3A_1020 = vector.broadcast %min3A_1019 : i32 to vector<16xi32>
        %min3A_1021 = arith.minui %sub3A_1018, %min3A_1020 : vector<16xi32>
        %shift_right_arithmetic3A_1022 = arith.constant 3 : i32
        %shift_right_arithmetic3A_1023 = vector.broadcast %shift_right_arithmetic3A_1022 : i32 to vector<16xi32>
        %shift_right_arithmetic3A_1024 = arith.shrsi %min3A_1021, %shift_right_arithmetic3A_1023 : vector<16xi32>
        %and3A_1025 = arith.constant 7 : i32
        %and3A_1026 = vector.broadcast %and3A_1025 : i32 to vector<16xi32>
        %and3A_1027 = arith.andi %min3A_1021, %and3A_1026 : vector<16xi32>
        %shift_left3A_1028 = arith.constant 4 : i32
        %shift_left3A_1029 = vector.broadcast %shift_left3A_1028 : i32 to vector<16xi32>
        %shift_left3A_1030 = arith.shli %and3A_1027, %shift_left3A_1029 : vector<16xi32>
        %add3A_1031 = arith.addi %shift_left3A_1030, %iota3A : vector<16xi32>
        %sub3A_1032 = arith.constant 1.000000e+00 : f32
        %sub3A_1033 = vector.broadcast %sub3A_1032 : f32 to vector<16xf32>
        %sub3A_1034 = arith.subf %sub3A_1033, %get3A_944 : vector<16xf32>
        %max3A_1035 = arith.maximumf %sub3A_1034, %get3A_968 : vector<16xf32>
        %bitcast3A_1036 = vector.bitcast %max3A_1035 : vector<16xf32> to vector<16xi32>
        %shift_right_arithmetic3A_1037 = arith.constant 17 : i32
        %shift_right_arithmetic3A_1038 = vector.broadcast %shift_right_arithmetic3A_1037 : i32 to vector<16xi32>
        %shift_right_arithmetic3A_1039 = arith.shrsi %bitcast3A_1036, %shift_right_arithmetic3A_1038 : vector<16xi32>
        %sub3A_1040 = arith.constant 8128 : i32
        %sub3A_1041 = vector.broadcast %sub3A_1040 : i32 to vector<16xi32>
        %sub3A_1042 = arith.subi %sub3A_1041, %shift_right_arithmetic3A_1039 : vector<16xi32>
        %min3A_1043 = arith.constant 2047 : i32
        %min3A_1044 = vector.broadcast %min3A_1043 : i32 to vector<16xi32>
        %min3A_1045 = arith.minui %sub3A_1042, %min3A_1044 : vector<16xi32>
        %shift_right_arithmetic3A_1046 = arith.constant 3 : i32
        %shift_right_arithmetic3A_1047 = vector.broadcast %shift_right_arithmetic3A_1046 : i32 to vector<16xi32>
        %shift_right_arithmetic3A_1048 = arith.shrsi %min3A_1045, %shift_right_arithmetic3A_1047 : vector<16xi32>
        %and3A_1049 = arith.constant 7 : i32
        %and3A_1050 = vector.broadcast %and3A_1049 : i32 to vector<16xi32>
        %and3A_1051 = arith.andi %min3A_1045, %and3A_1050 : vector<16xi32>
        %shift_left3A_1052 = arith.constant 4 : i32
        %shift_left3A_1053 = vector.broadcast %shift_left3A_1052 : i32 to vector<16xi32>
        %shift_left3A_1054 = arith.shli %and3A_1051, %shift_left3A_1053 : vector<16xi32>
        %add3A_1055 = arith.addi %shift_left3A_1054, %iota3A : vector<16xi32>
        %sub3A_1056 = arith.constant 1.000000e+00 : f32
        %sub3A_1057 = vector.broadcast %sub3A_1056 : f32 to vector<16xf32>
        %sub3A_1058 = arith.subf %sub3A_1057, %get3A_947 : vector<16xf32>
        %max3A_1059 = arith.maximumf %sub3A_1058, %get3A_971 : vector<16xf32>
        %bitcast3A_1060 = vector.bitcast %max3A_1059 : vector<16xf32> to vector<16xi32>
        %shift_right_arithmetic3A_1061 = arith.constant 17 : i32
        %shift_right_arithmetic3A_1062 = vector.broadcast %shift_right_arithmetic3A_1061 : i32 to vector<16xi32>
        %shift_right_arithmetic3A_1063 = arith.shrsi %bitcast3A_1060, %shift_right_arithmetic3A_1062 : vector<16xi32>
        %sub3A_1064 = arith.constant 8128 : i32
        %sub3A_1065 = vector.broadcast %sub3A_1064 : i32 to vector<16xi32>
        %sub3A_1066 = arith.subi %sub3A_1065, %shift_right_arithmetic3A_1063 : vector<16xi32>
        %min3A_1067 = arith.constant 2047 : i32
        %min3A_1068 = vector.broadcast %min3A_1067 : i32 to vector<16xi32>
        %min3A_1069 = arith.minui %sub3A_1066, %min3A_1068 : vector<16xi32>
        %shift_right_arithmetic3A_1070 = arith.constant 3 : i32
        %shift_right_arithmetic3A_1071 = vector.broadcast %shift_right_arithmetic3A_1070 : i32 to vector<16xi32>
        %shift_right_arithmetic3A_1072 = arith.shrsi %min3A_1069, %shift_right_arithmetic3A_1071 : vector<16xi32>
        %and3A_1073 = arith.constant 7 : i32
        %and3A_1074 = vector.broadcast %and3A_1073 : i32 to vector<16xi32>
        %and3A_1075 = arith.andi %min3A_1069, %and3A_1074 : vector<16xi32>
        %shift_left3A_1076 = arith.constant 4 : i32
        %shift_left3A_1077 = vector.broadcast %shift_left3A_1076 : i32 to vector<16xi32>
        %shift_left3A_1078 = arith.shli %and3A_1075, %shift_left3A_1077 : vector<16xi32>
        %add3A_1079 = arith.addi %shift_left3A_1078, %iota3A : vector<16xi32>
        %sub3A_1080 = arith.constant 1.000000e+00 : f32
        %sub3A_1081 = vector.broadcast %sub3A_1080 : f32 to vector<16xf32>
        %sub3A_1082 = arith.subf %sub3A_1081, %get3A_950 : vector<16xf32>
        %max3A_1083 = arith.maximumf %sub3A_1082, %get3A_974 : vector<16xf32>
        %bitcast3A_1084 = vector.bitcast %max3A_1083 : vector<16xf32> to vector<16xi32>
        %shift_right_arithmetic3A_1085 = arith.constant 17 : i32
        %shift_right_arithmetic3A_1086 = vector.broadcast %shift_right_arithmetic3A_1085 : i32 to vector<16xi32>
        %shift_right_arithmetic3A_1087 = arith.shrsi %bitcast3A_1084, %shift_right_arithmetic3A_1086 : vector<16xi32>
        %sub3A_1088 = arith.constant 8128 : i32
        %sub3A_1089 = vector.broadcast %sub3A_1088 : i32 to vector<16xi32>
        %sub3A_1090 = arith.subi %sub3A_1089, %shift_right_arithmetic3A_1087 : vector<16xi32>
        %min3A_1091 = arith.constant 2047 : i32
        %min3A_1092 = vector.broadcast %min3A_1091 : i32 to vector<16xi32>
        %min3A_1093 = arith.minui %sub3A_1090, %min3A_1092 : vector<16xi32>
        %shift_right_arithmetic3A_1094 = arith.constant 3 : i32
        %shift_right_arithmetic3A_1095 = vector.broadcast %shift_right_arithmetic3A_1094 : i32 to vector<16xi32>
        %shift_right_arithmetic3A_1096 = arith.shrsi %min3A_1093, %shift_right_arithmetic3A_1095 : vector<16xi32>
        %and3A_1097 = arith.constant 7 : i32
        %and3A_1098 = vector.broadcast %and3A_1097 : i32 to vector<16xi32>
        %and3A_1099 = arith.andi %min3A_1093, %and3A_1098 : vector<16xi32>
        %shift_left3A_1100 = arith.constant 4 : i32
        %shift_left3A_1101 = vector.broadcast %shift_left3A_1100 : i32 to vector<16xi32>
        %shift_left3A_1102 = arith.shli %and3A_1099, %shift_left3A_1101 : vector<16xi32>
        %add3A_1103 = arith.addi %shift_left3A_1102, %iota3A : vector<16xi32>
        %sub3A_1104 = arith.constant 1.000000e+00 : f32
        %sub3A_1105 = vector.broadcast %sub3A_1104 : f32 to vector<16xf32>
        %sub3A_1106 = arith.subf %sub3A_1105, %get3A_953 : vector<16xf32>
        %max3A_1107 = arith.maximumf %sub3A_1106, %get3A_977 : vector<16xf32>
        %bitcast3A_1108 = vector.bitcast %max3A_1107 : vector<16xf32> to vector<16xi32>
        %shift_right_arithmetic3A_1109 = arith.constant 17 : i32
        %shift_right_arithmetic3A_1110 = vector.broadcast %shift_right_arithmetic3A_1109 : i32 to vector<16xi32>
        %shift_right_arithmetic3A_1111 = arith.shrsi %bitcast3A_1108, %shift_right_arithmetic3A_1110 : vector<16xi32>
        %sub3A_1112 = arith.constant 8128 : i32
        %sub3A_1113 = vector.broadcast %sub3A_1112 : i32 to vector<16xi32>
        %sub3A_1114 = arith.subi %sub3A_1113, %shift_right_arithmetic3A_1111 : vector<16xi32>
        %min3A_1115 = arith.constant 2047 : i32
        %min3A_1116 = vector.broadcast %min3A_1115 : i32 to vector<16xi32>
        %min3A_1117 = arith.minui %sub3A_1114, %min3A_1116 : vector<16xi32>
        %shift_right_arithmetic3A_1118 = arith.constant 3 : i32
        %shift_right_arithmetic3A_1119 = vector.broadcast %shift_right_arithmetic3A_1118 : i32 to vector<16xi32>
        %shift_right_arithmetic3A_1120 = arith.shrsi %min3A_1117, %shift_right_arithmetic3A_1119 : vector<16xi32>
        %and3A_1121 = arith.constant 7 : i32
        %and3A_1122 = vector.broadcast %and3A_1121 : i32 to vector<16xi32>
        %and3A_1123 = arith.andi %min3A_1117, %and3A_1122 : vector<16xi32>
        %shift_left3A_1124 = arith.constant 4 : i32
        %shift_left3A_1125 = vector.broadcast %shift_left3A_1124 : i32 to vector<16xi32>
        %shift_left3A_1126 = arith.shli %and3A_1123, %shift_left3A_1125 : vector<16xi32>
        %add3A_1127 = arith.addi %shift_left3A_1126, %iota3A : vector<16xi32>
        %sub3A_1128 = arith.constant 1.000000e+00 : f32
        %sub3A_1129 = vector.broadcast %sub3A_1128 : f32 to vector<16xf32>
        %sub3A_1130 = arith.subf %sub3A_1129, %get3A_956 : vector<16xf32>
        %max3A_1131 = arith.maximumf %sub3A_1130, %get3A_980 : vector<16xf32>
        %bitcast3A_1132 = vector.bitcast %max3A_1131 : vector<16xf32> to vector<16xi32>
        %shift_right_arithmetic3A_1133 = arith.constant 17 : i32
        %shift_right_arithmetic3A_1134 = vector.broadcast %shift_right_arithmetic3A_1133 : i32 to vector<16xi32>
        %shift_right_arithmetic3A_1135 = arith.shrsi %bitcast3A_1132, %shift_right_arithmetic3A_1134 : vector<16xi32>
        %sub3A_1136 = arith.constant 8128 : i32
        %sub3A_1137 = vector.broadcast %sub3A_1136 : i32 to vector<16xi32>
        %sub3A_1138 = arith.subi %sub3A_1137, %shift_right_arithmetic3A_1135 : vector<16xi32>
        %min3A_1139 = arith.constant 2047 : i32
        %min3A_1140 = vector.broadcast %min3A_1139 : i32 to vector<16xi32>
        %min3A_1141 = arith.minui %sub3A_1138, %min3A_1140 : vector<16xi32>
        %shift_right_arithmetic3A_1142 = arith.constant 3 : i32
        %shift_right_arithmetic3A_1143 = vector.broadcast %shift_right_arithmetic3A_1142 : i32 to vector<16xi32>
        %shift_right_arithmetic3A_1144 = arith.shrsi %min3A_1141, %shift_right_arithmetic3A_1143 : vector<16xi32>
        %and3A_1145 = arith.constant 7 : i32
        %and3A_1146 = vector.broadcast %and3A_1145 : i32 to vector<16xi32>
        %and3A_1147 = arith.andi %min3A_1141, %and3A_1146 : vector<16xi32>
        %shift_left3A_1148 = arith.constant 4 : i32
        %shift_left3A_1149 = vector.broadcast %shift_left3A_1148 : i32 to vector<16xi32>
        %shift_left3A_1150 = arith.shli %and3A_1147, %shift_left3A_1149 : vector<16xi32>
        %add3A_1151 = arith.addi %shift_left3A_1150, %iota3A : vector<16xi32>
        %sub3A_1152 = arith.constant 1.000000e+00 : f32
        %sub3A_1153 = vector.broadcast %sub3A_1152 : f32 to vector<16xf32>
        %sub3A_1154 = arith.subf %sub3A_1153, %get3A_959 : vector<16xf32>
        %max3A_1155 = arith.maximumf %sub3A_1154, %get3A_983 : vector<16xf32>
        %bitcast3A_1156 = vector.bitcast %max3A_1155 : vector<16xf32> to vector<16xi32>
        %shift_right_arithmetic3A_1157 = arith.constant 17 : i32
        %shift_right_arithmetic3A_1158 = vector.broadcast %shift_right_arithmetic3A_1157 : i32 to vector<16xi32>
        %shift_right_arithmetic3A_1159 = arith.shrsi %bitcast3A_1156, %shift_right_arithmetic3A_1158 : vector<16xi32>
        %sub3A_1160 = arith.constant 8128 : i32
        %sub3A_1161 = vector.broadcast %sub3A_1160 : i32 to vector<16xi32>
        %sub3A_1162 = arith.subi %sub3A_1161, %shift_right_arithmetic3A_1159 : vector<16xi32>
        %min3A_1163 = arith.constant 2047 : i32
        %min3A_1164 = vector.broadcast %min3A_1163 : i32 to vector<16xi32>
        %min3A_1165 = arith.minui %sub3A_1162, %min3A_1164 : vector<16xi32>
        %shift_right_arithmetic3A_1166 = arith.constant 3 : i32
        %shift_right_arithmetic3A_1167 = vector.broadcast %shift_right_arithmetic3A_1166 : i32 to vector<16xi32>
        %shift_right_arithmetic3A_1168 = arith.shrsi %min3A_1165, %shift_right_arithmetic3A_1167 : vector<16xi32>
        %and3A_1169 = arith.constant 7 : i32
        %and3A_1170 = vector.broadcast %and3A_1169 : i32 to vector<16xi32>
        %and3A_1171 = arith.andi %min3A_1165, %and3A_1170 : vector<16xi32>
        %shift_left3A_1172 = arith.constant 4 : i32
        %shift_left3A_1173 = vector.broadcast %shift_left3A_1172 : i32 to vector<16xi32>
        %shift_left3A_1174 = arith.shli %and3A_1171, %shift_left3A_1173 : vector<16xi32>
        %add3A_1175 = arith.addi %shift_left3A_1174, %iota3A : vector<16xi32>
        tpu.vector_store_idx %arg13[%shift_right_arithmetic3A_1000, %add3A_1007], %broadcast_in_dim3A_7 {add = true} : memref<256x128xf32, #tpu.memory_space<vmem>>[vector<16xi32>, vector<16xi32>], vector<16xf32>,
        tpu.vector_store_idx %arg13[%shift_right_arithmetic3A_1024, %add3A_1031], %broadcast_in_dim3A_7 {add = true} : memref<256x128xf32, #tpu.memory_space<vmem>>[vector<16xi32>, vector<16xi32>], vector<16xf32>,
        tpu.vector_store_idx %arg13[%shift_right_arithmetic3A_1048, %add3A_1055], %broadcast_in_dim3A_7 {add = true} : memref<256x128xf32, #tpu.memory_space<vmem>>[vector<16xi32>, vector<16xi32>], vector<16xf32>,
        tpu.vector_store_idx %arg13[%shift_right_arithmetic3A_1072, %add3A_1079], %broadcast_in_dim3A_7 {add = true} : memref<256x128xf32, #tpu.memory_space<vmem>>[vector<16xi32>, vector<16xi32>], vector<16xf32>,
        tpu.vector_store_idx %arg13[%shift_right_arithmetic3A_1096, %add3A_1103], %broadcast_in_dim3A_7 {add = true} : memref<256x128xf32, #tpu.memory_space<vmem>>[vector<16xi32>, vector<16xi32>], vector<16xf32>,
        tpu.vector_store_idx %arg13[%shift_right_arithmetic3A_1120, %add3A_1127], %broadcast_in_dim3A_7 {add = true} : memref<256x128xf32, #tpu.memory_space<vmem>>[vector<16xi32>, vector<16xi32>], vector<16xf32>,
        tpu.vector_store_idx %arg13[%shift_right_arithmetic3A_1144, %add3A_1151], %broadcast_in_dim3A_7 {add = true} : memref<256x128xf32, #tpu.memory_space<vmem>>[vector<16xi32>, vector<16xi32>], vector<16xf32>,
        tpu.vector_store_idx %arg13[%shift_right_arithmetic3A_1168, %add3A_1175], %broadcast_in_dim3A_7 {add = true} : memref<256x128xf32, #tpu.memory_space<vmem>>[vector<16xi32>, vector<16xi32>], vector<16xf32>,
      }
      %scan3A_180 = arith.constant 16 : i32
      %mul3A_181 = arith.constant 4 : i32
      %mul3A_182 = arith.muli %scan3A_68, %mul3A_181 : i32
      %add3A_183 = arith.constant 3 : i32
      %add3A_184 = arith.addi %mul3A_182, %add3A_183 : i32
      %add3A_185 = arith.constant 4 : i32
      %add3A_186 = arith.addi %add3A_184, %add3A_185 : i32
      %sub3A_187 = arith.constant 1 : i32
      %sub3A_188 = arith.subi %add3A_186, %sub3A_187 : i32
      %lt3A_189 = arith.constant 16 : i32
      %lt3A_190 = arith.cmpi slt, %sub3A_188, %lt3A_189 : i32
      %convert_element_type3A_191 = arith.extui %lt3A_190 : i1 to i32
      %cond3A_192 = arith.constant 0 : i32
      %cond3A_193 = arith.cmpi ne, %convert_element_type3A_191, %cond3A_192 : i32
      scf.if %cond3A_193 {
        %add3A_220 = arith.constant 4 : i32
        %add3A_221 = arith.addi %add3A_184, %add3A_220 : i32
        %sub3A_222 = arith.constant 1 : i32
        %sub3A_223 = arith.subi %add3A_221, %sub3A_222 : i32
        %mul3A_224 = arith.constant 16 : i32
        %mul3A_225 = arith.muli %sub3A_223, %mul3A_224 : i32
        %add3A_226 = arith.addi %mul3A_4, %mul3A_225 : i32
        %dma_start3A_227 = arith.constant 0 : i32
        %dma_start3A_228 = arith.constant 0 : i32
        %dma_start3A_229 = tpu.memref_slice %arg2[%shift_right_arithmetic3A_1, %dma_start3A_227, %add3A_226, %dma_start3A_228] : memref<16x1x512x512xf32, #tpu.memory_space<hbm>> -> memref<1x1x16x512xf32, #tpu.memory_space<hbm>>
        %dma_start3A_230 = tpu.memref_squeeze %dma_start3A_229 : memref<1x1x16x512xf32, #tpu.memory_space<hbm>> -> memref<16x512xf32, #tpu.memory_space<hbm>>
        %dma_start3A_231 = arith.constant 0 : i32
        %dma_start3A_232 = tpu.memref_slice %arg2[%shift_right_arithmetic3A_1, %dma_start3A_227, %add3A_226, %dma_start3A_231] : memref<16x1x512x512xf32, #tpu.memory_space<hbm>> -> memref<1x1x16x512xf32, #tpu.memory_space<hbm>>
        %dma_start3A_233 = tpu.memref_squeeze %dma_start3A_232 : memref<1x1x16x512xf32, #tpu.memory_space<hbm>> -> memref<16x512xf32, #tpu.memory_space<hbm>>
        tpu.enqueue_dma source(%dma_start3A_233 : memref<16x512xf32, #tpu.memory_space<hbm>>) target(%arg7 : memref<16x512xf32, #tpu.memory_space<vmem>>) target_semaphore(%arg16 : memref<!tpu.dma_semaphore, #tpu.memory_space<semaphore_mem>>)
        %dma_start3A_234 = arith.constant 0 : i32
        %dma_start3A_235 = arith.constant 0 : i32
        %dma_start3A_236 = tpu.memref_slice %arg3[%shift_right_arithmetic3A_1, %dma_start3A_234, %add3A_226, %dma_start3A_235] : memref<16x1x512x512xf32, #tpu.memory_space<hbm>> -> memref<1x1x16x512xf32, #tpu.memory_space<hbm>>
        %dma_start3A_237 = tpu.memref_squeeze %dma_start3A_236 : memref<1x1x16x512xf32, #tpu.memory_space<hbm>> -> memref<16x512xf32, #tpu.memory_space<hbm>>
        %dma_start3A_238 = arith.constant 0 : i32
        %dma_start3A_239 = tpu.memref_slice %arg3[%shift_right_arithmetic3A_1, %dma_start3A_234, %add3A_226, %dma_start3A_238] : memref<16x1x512x512xf32, #tpu.memory_space<hbm>> -> memref<1x1x16x512xf32, #tpu.memory_space<hbm>>
        %dma_start3A_240 = tpu.memref_squeeze %dma_start3A_239 : memref<1x1x16x512xf32, #tpu.memory_space<hbm>> -> memref<16x512xf32, #tpu.memory_space<hbm>>
        tpu.enqueue_dma source(%dma_start3A_240 : memref<16x512xf32, #tpu.memory_space<hbm>>) target(%arg11 : memref<16x512xf32, #tpu.memory_space<vmem>>) target_semaphore(%arg20 : memref<!tpu.dma_semaphore, #tpu.memory_space<semaphore_mem>>)
      } else {
      }
      %dma_wait3A_194 = arith.constant 0 : i32
      %dma_wait3A_195 = arith.constant 0 : i32
      %dma_wait3A_196 = arith.constant 0 : i32
      %dma_wait3A_197 = arith.constant 0 : i32
      %dma_wait3A_198 = tpu.memref_slice %arg2[%dma_wait3A_194, %dma_wait3A_195, %dma_wait3A_196, %dma_wait3A_197] : memref<16x1x512x512xf32, #tpu.memory_space<hbm>> -> memref<1x1x16x512xf32, #tpu.memory_space<hbm>>
      %dma_wait3A_199 = tpu.memref_squeeze %dma_wait3A_198 : memref<1x1x16x512xf32, #tpu.memory_space<hbm>> -> memref<16x512xf32, #tpu.memory_space<hbm>>
      %dma_wait3A_200 = arith.constant 0 : i32
      %dma_wait3A_201 = arith.constant 0 : i32
      %dma_wait3A_202 = tpu.memref_slice %arg2[%dma_wait3A_194, %dma_wait3A_195, %dma_wait3A_200, %dma_wait3A_201] : memref<16x1x512x512xf32, #tpu.memory_space<hbm>> -> memref<1x1x16x512xf32, #tpu.memory_space<hbm>>
      %dma_wait3A_203 = tpu.memref_squeeze %dma_wait3A_202 : memref<1x1x16x512xf32, #tpu.memory_space<hbm>> -> memref<16x512xf32, #tpu.memory_space<hbm>>
      tpu.wait_dma2 semaphore(%arg17 : memref<!tpu.dma_semaphore, #tpu.memory_space<semaphore_mem>>) src(%dma_wait3A_203 : memref<16x512xf32, #tpu.memory_space<hbm>>) dst(%arg8 : memref<16x512xf32, #tpu.memory_space<vmem>>)
      %dma_wait3A_204 = arith.constant 0 : i32
      %dma_wait3A_205 = arith.constant 0 : i32
      %dma_wait3A_206 = arith.constant 0 : i32
      %dma_wait3A_207 = arith.constant 0 : i32
      %dma_wait3A_208 = tpu.memref_slice %arg3[%dma_wait3A_204, %dma_wait3A_205, %dma_wait3A_206, %dma_wait3A_207] : memref<16x1x512x512xf32, #tpu.memory_space<hbm>> -> memref<1x1x16x512xf32, #tpu.memory_space<hbm>>
      %dma_wait3A_209 = tpu.memref_squeeze %dma_wait3A_208 : memref<1x1x16x512xf32, #tpu.memory_space<hbm>> -> memref<16x512xf32, #tpu.memory_space<hbm>>
      %dma_wait3A_210 = arith.constant 0 : i32
      %dma_wait3A_211 = arith.constant 0 : i32
      %dma_wait3A_212 = tpu.memref_slice %arg3[%dma_wait3A_204, %dma_wait3A_205, %dma_wait3A_210, %dma_wait3A_211] : memref<16x1x512x512xf32, #tpu.memory_space<hbm>> -> memref<1x1x16x512xf32, #tpu.memory_space<hbm>>
      %dma_wait3A_213 = tpu.memref_squeeze %dma_wait3A_212 : memref<1x1x16x512xf32, #tpu.memory_space<hbm>> -> memref<16x512xf32, #tpu.memory_space<hbm>>
      tpu.wait_dma2 semaphore(%arg21 : memref<!tpu.dma_semaphore, #tpu.memory_space<semaphore_mem>>) src(%dma_wait3A_213 : memref<16x512xf32, #tpu.memory_space<hbm>>) dst(%arg12 : memref<16x512xf32, #tpu.memory_space<vmem>>)
      %scan3A_214 = arith.constant 0 : i32
      %scan3A_215 = arith.constant 0 : i32
      %scan3A_216 = arith.constant 16 : i32
      %scan3A_217 = arith.addi %scan3A_215, %scan3A_216 : i32
      %scan3A_218 = arith.constant 1 : i32
      scf.for %scan3A_220 = %scan3A_215 to %scan3A_217 step %scan3A_218  : i32 {
        %get3A = arith.index_cast %scan3A_220 : i32 to index
        %get3A_221 = arith.constant 0 : index
        %get3A_222 = tpu.vector_load %arg8[%get3A, %get3A_221] {strides = array<i32>} : memref<16x512xf32, #tpu.memory_space<vmem>>, vector<16xf32>,
        %get3A_223 = arith.index_cast %scan3A_220 : i32 to index
        %get3A_224 = arith.constant 16 : index
        %get3A_225 = tpu.vector_load %arg8[%get3A_223, %get3A_224] {strides = array<i32>} : memref<16x512xf32, #tpu.memory_space<vmem>>, vector<16xf32>,
        %get3A_226 = arith.index_cast %scan3A_220 : i32 to index
        %get3A_227 = arith.constant 32 : index
        %get3A_228 = tpu.vector_load %arg8[%get3A_226, %get3A_227] {strides = array<i32>} : memref<16x512xf32, #tpu.memory_space<vmem>>, vector<16xf32>,
        %get3A_229 = arith.index_cast %scan3A_220 : i32 to index
        %get3A_230 = arith.constant 48 : index
        %get3A_231 = tpu.vector_load %arg8[%get3A_229, %get3A_230] {strides = array<i32>} : memref<16x512xf32, #tpu.memory_space<vmem>>, vector<16xf32>,
        %get3A_232 = arith.index_cast %scan3A_220 : i32 to index
        %get3A_233 = arith.constant 64 : index
        %get3A_234 = tpu.vector_load %arg8[%get3A_232, %get3A_233] {strides = array<i32>} : memref<16x512xf32, #tpu.memory_space<vmem>>, vector<16xf32>,
        %get3A_235 = arith.index_cast %scan3A_220 : i32 to index
        %get3A_236 = arith.constant 80 : index
        %get3A_237 = tpu.vector_load %arg8[%get3A_235, %get3A_236] {strides = array<i32>} : memref<16x512xf32, #tpu.memory_space<vmem>>, vector<16xf32>,
        %get3A_238 = arith.index_cast %scan3A_220 : i32 to index
        %get3A_239 = arith.constant 96 : index
        %get3A_240 = tpu.vector_load %arg8[%get3A_238, %get3A_239] {strides = array<i32>} : memref<16x512xf32, #tpu.memory_space<vmem>>, vector<16xf32>,
        %get3A_241 = arith.index_cast %scan3A_220 : i32 to index
        %get3A_242 = arith.constant 112 : index
        %get3A_243 = tpu.vector_load %arg8[%get3A_241, %get3A_242] {strides = array<i32>} : memref<16x512xf32, #tpu.memory_space<vmem>>, vector<16xf32>,
        %get3A_244 = arith.index_cast %scan3A_220 : i32 to index
        %get3A_245 = arith.constant 0 : index
        %get3A_246 = tpu.vector_load %arg12[%get3A_244, %get3A_245] {strides = array<i32>} : memref<16x512xf32, #tpu.memory_space<vmem>>, vector<16xf32>,
        %get3A_247 = arith.index_cast %scan3A_220 : i32 to index
        %get3A_248 = arith.constant 16 : index
        %get3A_249 = tpu.vector_load %arg12[%get3A_247, %get3A_248] {strides = array<i32>} : memref<16x512xf32, #tpu.memory_space<vmem>>, vector<16xf32>,
        %get3A_250 = arith.index_cast %scan3A_220 : i32 to index
        %get3A_251 = arith.constant 32 : index
        %get3A_252 = tpu.vector_load %arg12[%get3A_250, %get3A_251] {strides = array<i32>} : memref<16x512xf32, #tpu.memory_space<vmem>>, vector<16xf32>,
        %get3A_253 = arith.index_cast %scan3A_220 : i32 to index
        %get3A_254 = arith.constant 48 : index
        %get3A_255 = tpu.vector_load %arg12[%get3A_253, %get3A_254] {strides = array<i32>} : memref<16x512xf32, #tpu.memory_space<vmem>>, vector<16xf32>,
        %get3A_256 = arith.index_cast %scan3A_220 : i32 to index
        %get3A_257 = arith.constant 64 : index
        %get3A_258 = tpu.vector_load %arg12[%get3A_256, %get3A_257] {strides = array<i32>} : memref<16x512xf32, #tpu.memory_space<vmem>>, vector<16xf32>,
        %get3A_259 = arith.index_cast %scan3A_220 : i32 to index
        %get3A_260 = arith.constant 80 : index
        %get3A_261 = tpu.vector_load %arg12[%get3A_259, %get3A_260] {strides = array<i32>} : memref<16x512xf32, #tpu.memory_space<vmem>>, vector<16xf32>,
        %get3A_262 = arith.index_cast %scan3A_220 : i32 to index
        %get3A_263 = arith.constant 96 : index
        %get3A_264 = tpu.vector_load %arg12[%get3A_262, %get3A_263] {strides = array<i32>} : memref<16x512xf32, #tpu.memory_space<vmem>>, vector<16xf32>,
        %get3A_265 = arith.index_cast %scan3A_220 : i32 to index
        %get3A_266 = arith.constant 112 : index
        %get3A_267 = tpu.vector_load %arg12[%get3A_265, %get3A_266] {strides = array<i32>} : memref<16x512xf32, #tpu.memory_space<vmem>>, vector<16xf32>,
        %sub3A_268 = arith.constant 1.000000e+00 : f32
        %sub3A_269 = vector.broadcast %sub3A_268 : f32 to vector<16xf32>
        %sub3A_270 = arith.subf %sub3A_269, %get3A_222 : vector<16xf32>
        %max3A = arith.maximumf %sub3A_270, %get3A_246 : vector<16xf32>
        %bitcast3A = vector.bitcast %max3A : vector<16xf32> to vector<16xi32>
        %shift_right_arithmetic3A_271 = arith.constant 17 : i32
        %shift_right_arithmetic3A_272 = vector.broadcast %shift_right_arithmetic3A_271 : i32 to vector<16xi32>
        %shift_right_arithmetic3A_273 = arith.shrsi %bitcast3A, %shift_right_arithmetic3A_272 : vector<16xi32>
        %sub3A_274 = arith.constant 8128 : i32
        %sub3A_275 = vector.broadcast %sub3A_274 : i32 to vector<16xi32>
        %sub3A_276 = arith.subi %sub3A_275, %shift_right_arithmetic3A_273 : vector<16xi32>
        %min3A = arith.constant 2047 : i32
        %min3A_277 = vector.broadcast %min3A : i32 to vector<16xi32>
        %min3A_278 = arith.minui %sub3A_276, %min3A_277 : vector<16xi32>
        %shift_right_arithmetic3A_279 = arith.constant 3 : i32
        %shift_right_arithmetic3A_280 = vector.broadcast %shift_right_arithmetic3A_279 : i32 to vector<16xi32>
        %shift_right_arithmetic3A_281 = arith.shrsi %min3A_278, %shift_right_arithmetic3A_280 : vector<16xi32>
        %and3A_282 = arith.constant 7 : i32
        %and3A_283 = vector.broadcast %and3A_282 : i32 to vector<16xi32>
        %and3A_284 = arith.andi %min3A_278, %and3A_283 : vector<16xi32>
        %shift_left3A = arith.constant 4 : i32
        %shift_left3A_285 = vector.broadcast %shift_left3A : i32 to vector<16xi32>
        %shift_left3A_286 = arith.shli %and3A_284, %shift_left3A_285 : vector<16xi32>
        %add3A_287 = arith.addi %shift_left3A_286, %iota3A : vector<16xi32>
        %sub3A_288 = arith.constant 1.000000e+00 : f32
        %sub3A_289 = vector.broadcast %sub3A_288 : f32 to vector<16xf32>
        %sub3A_290 = arith.subf %sub3A_289, %get3A_225 : vector<16xf32>
        %max3A_291 = arith.maximumf %sub3A_290, %get3A_249 : vector<16xf32>
        %bitcast3A_292 = vector.bitcast %max3A_291 : vector<16xf32> to vector<16xi32>
        %shift_right_arithmetic3A_293 = arith.constant 17 : i32
        %shift_right_arithmetic3A_294 = vector.broadcast %shift_right_arithmetic3A_293 : i32 to vector<16xi32>
        %shift_right_arithmetic3A_295 = arith.shrsi %bitcast3A_292, %shift_right_arithmetic3A_294 : vector<16xi32>
        %sub3A_296 = arith.constant 8128 : i32
        %sub3A_297 = vector.broadcast %sub3A_296 : i32 to vector<16xi32>
        %sub3A_298 = arith.subi %sub3A_297, %shift_right_arithmetic3A_295 : vector<16xi32>
        %min3A_299 = arith.constant 2047 : i32
        %min3A_300 = vector.broadcast %min3A_299 : i32 to vector<16xi32>
        %min3A_301 = arith.minui %sub3A_298, %min3A_300 : vector<16xi32>
        %shift_right_arithmetic3A_302 = arith.constant 3 : i32
        %shift_right_arithmetic3A_303 = vector.broadcast %shift_right_arithmetic3A_302 : i32 to vector<16xi32>
        %shift_right_arithmetic3A_304 = arith.shrsi %min3A_301, %shift_right_arithmetic3A_303 : vector<16xi32>
        %and3A_305 = arith.constant 7 : i32
        %and3A_306 = vector.broadcast %and3A_305 : i32 to vector<16xi32>
        %and3A_307 = arith.andi %min3A_301, %and3A_306 : vector<16xi32>
        %shift_left3A_308 = arith.constant 4 : i32
        %shift_left3A_309 = vector.broadcast %shift_left3A_308 : i32 to vector<16xi32>
        %shift_left3A_310 = arith.shli %and3A_307, %shift_left3A_309 : vector<16xi32>
        %add3A_311 = arith.addi %shift_left3A_310, %iota3A : vector<16xi32>
        %sub3A_312 = arith.constant 1.000000e+00 : f32
        %sub3A_313 = vector.broadcast %sub3A_312 : f32 to vector<16xf32>
        %sub3A_314 = arith.subf %sub3A_313, %get3A_228 : vector<16xf32>
        %max3A_315 = arith.maximumf %sub3A_314, %get3A_252 : vector<16xf32>
        %bitcast3A_316 = vector.bitcast %max3A_315 : vector<16xf32> to vector<16xi32>
        %shift_right_arithmetic3A_317 = arith.constant 17 : i32
        %shift_right_arithmetic3A_318 = vector.broadcast %shift_right_arithmetic3A_317 : i32 to vector<16xi32>
        %shift_right_arithmetic3A_319 = arith.shrsi %bitcast3A_316, %shift_right_arithmetic3A_318 : vector<16xi32>
        %sub3A_320 = arith.constant 8128 : i32
        %sub3A_321 = vector.broadcast %sub3A_320 : i32 to vector<16xi32>
        %sub3A_322 = arith.subi %sub3A_321, %shift_right_arithmetic3A_319 : vector<16xi32>
        %min3A_323 = arith.constant 2047 : i32
        %min3A_324 = vector.broadcast %min3A_323 : i32 to vector<16xi32>
        %min3A_325 = arith.minui %sub3A_322, %min3A_324 : vector<16xi32>
        %shift_right_arithmetic3A_326 = arith.constant 3 : i32
        %shift_right_arithmetic3A_327 = vector.broadcast %shift_right_arithmetic3A_326 : i32 to vector<16xi32>
        %shift_right_arithmetic3A_328 = arith.shrsi %min3A_325, %shift_right_arithmetic3A_327 : vector<16xi32>
        %and3A_329 = arith.constant 7 : i32
        %and3A_330 = vector.broadcast %and3A_329 : i32 to vector<16xi32>
        %and3A_331 = arith.andi %min3A_325, %and3A_330 : vector<16xi32>
        %shift_left3A_332 = arith.constant 4 : i32
        %shift_left3A_333 = vector.broadcast %shift_left3A_332 : i32 to vector<16xi32>
        %shift_left3A_334 = arith.shli %and3A_331, %shift_left3A_333 : vector<16xi32>
        %add3A_335 = arith.addi %shift_left3A_334, %iota3A : vector<16xi32>
        %sub3A_336 = arith.constant 1.000000e+00 : f32
        %sub3A_337 = vector.broadcast %sub3A_336 : f32 to vector<16xf32>
        %sub3A_338 = arith.subf %sub3A_337, %get3A_231 : vector<16xf32>
        %max3A_339 = arith.maximumf %sub3A_338, %get3A_255 : vector<16xf32>
        %bitcast3A_340 = vector.bitcast %max3A_339 : vector<16xf32> to vector<16xi32>
        %shift_right_arithmetic3A_341 = arith.constant 17 : i32
        %shift_right_arithmetic3A_342 = vector.broadcast %shift_right_arithmetic3A_341 : i32 to vector<16xi32>
        %shift_right_arithmetic3A_343 = arith.shrsi %bitcast3A_340, %shift_right_arithmetic3A_342 : vector<16xi32>
        %sub3A_344 = arith.constant 8128 : i32
        %sub3A_345 = vector.broadcast %sub3A_344 : i32 to vector<16xi32>
        %sub3A_346 = arith.subi %sub3A_345, %shift_right_arithmetic3A_343 : vector<16xi32>
        %min3A_347 = arith.constant 2047 : i32
        %min3A_348 = vector.broadcast %min3A_347 : i32 to vector<16xi32>
        %min3A_349 = arith.minui %sub3A_346, %min3A_348 : vector<16xi32>
        %shift_right_arithmetic3A_350 = arith.constant 3 : i32
        %shift_right_arithmetic3A_351 = vector.broadcast %shift_right_arithmetic3A_350 : i32 to vector<16xi32>
        %shift_right_arithmetic3A_352 = arith.shrsi %min3A_349, %shift_right_arithmetic3A_351 : vector<16xi32>
        %and3A_353 = arith.constant 7 : i32
        %and3A_354 = vector.broadcast %and3A_353 : i32 to vector<16xi32>
        %and3A_355 = arith.andi %min3A_349, %and3A_354 : vector<16xi32>
        %shift_left3A_356 = arith.constant 4 : i32
        %shift_left3A_357 = vector.broadcast %shift_left3A_356 : i32 to vector<16xi32>
        %shift_left3A_358 = arith.shli %and3A_355, %shift_left3A_357 : vector<16xi32>
        %add3A_359 = arith.addi %shift_left3A_358, %iota3A : vector<16xi32>
        %sub3A_360 = arith.constant 1.000000e+00 : f32
        %sub3A_361 = vector.broadcast %sub3A_360 : f32 to vector<16xf32>
        %sub3A_362 = arith.subf %sub3A_361, %get3A_234 : vector<16xf32>
        %max3A_363 = arith.maximumf %sub3A_362, %get3A_258 : vector<16xf32>
        %bitcast3A_364 = vector.bitcast %max3A_363 : vector<16xf32> to vector<16xi32>
        %shift_right_arithmetic3A_365 = arith.constant 17 : i32
        %shift_right_arithmetic3A_366 = vector.broadcast %shift_right_arithmetic3A_365 : i32 to vector<16xi32>
        %shift_right_arithmetic3A_367 = arith.shrsi %bitcast3A_364, %shift_right_arithmetic3A_366 : vector<16xi32>
        %sub3A_368 = arith.constant 8128 : i32
        %sub3A_369 = vector.broadcast %sub3A_368 : i32 to vector<16xi32>
        %sub3A_370 = arith.subi %sub3A_369, %shift_right_arithmetic3A_367 : vector<16xi32>
        %min3A_371 = arith.constant 2047 : i32
        %min3A_372 = vector.broadcast %min3A_371 : i32 to vector<16xi32>
        %min3A_373 = arith.minui %sub3A_370, %min3A_372 : vector<16xi32>
        %shift_right_arithmetic3A_374 = arith.constant 3 : i32
        %shift_right_arithmetic3A_375 = vector.broadcast %shift_right_arithmetic3A_374 : i32 to vector<16xi32>
        %shift_right_arithmetic3A_376 = arith.shrsi %min3A_373, %shift_right_arithmetic3A_375 : vector<16xi32>
        %and3A_377 = arith.constant 7 : i32
        %and3A_378 = vector.broadcast %and3A_377 : i32 to vector<16xi32>
        %and3A_379 = arith.andi %min3A_373, %and3A_378 : vector<16xi32>
        %shift_left3A_380 = arith.constant 4 : i32
        %shift_left3A_381 = vector.broadcast %shift_left3A_380 : i32 to vector<16xi32>
        %shift_left3A_382 = arith.shli %and3A_379, %shift_left3A_381 : vector<16xi32>
        %add3A_383 = arith.addi %shift_left3A_382, %iota3A : vector<16xi32>
        %sub3A_384 = arith.constant 1.000000e+00 : f32
        %sub3A_385 = vector.broadcast %sub3A_384 : f32 to vector<16xf32>
        %sub3A_386 = arith.subf %sub3A_385, %get3A_237 : vector<16xf32>
        %max3A_387 = arith.maximumf %sub3A_386, %get3A_261 : vector<16xf32>
        %bitcast3A_388 = vector.bitcast %max3A_387 : vector<16xf32> to vector<16xi32>
        %shift_right_arithmetic3A_389 = arith.constant 17 : i32
        %shift_right_arithmetic3A_390 = vector.broadcast %shift_right_arithmetic3A_389 : i32 to vector<16xi32>
        %shift_right_arithmetic3A_391 = arith.shrsi %bitcast3A_388, %shift_right_arithmetic3A_390 : vector<16xi32>
        %sub3A_392 = arith.constant 8128 : i32
        %sub3A_393 = vector.broadcast %sub3A_392 : i32 to vector<16xi32>
        %sub3A_394 = arith.subi %sub3A_393, %shift_right_arithmetic3A_391 : vector<16xi32>
        %min3A_395 = arith.constant 2047 : i32
        %min3A_396 = vector.broadcast %min3A_395 : i32 to vector<16xi32>
        %min3A_397 = arith.minui %sub3A_394, %min3A_396 : vector<16xi32>
        %shift_right_arithmetic3A_398 = arith.constant 3 : i32
        %shift_right_arithmetic3A_399 = vector.broadcast %shift_right_arithmetic3A_398 : i32 to vector<16xi32>
        %shift_right_arithmetic3A_400 = arith.shrsi %min3A_397, %shift_right_arithmetic3A_399 : vector<16xi32>
        %and3A_401 = arith.constant 7 : i32
        %and3A_402 = vector.broadcast %and3A_401 : i32 to vector<16xi32>
        %and3A_403 = arith.andi %min3A_397, %and3A_402 : vector<16xi32>
        %shift_left3A_404 = arith.constant 4 : i32
        %shift_left3A_405 = vector.broadcast %shift_left3A_404 : i32 to vector<16xi32>
        %shift_left3A_406 = arith.shli %and3A_403, %shift_left3A_405 : vector<16xi32>
        %add3A_407 = arith.addi %shift_left3A_406, %iota3A : vector<16xi32>
        %sub3A_408 = arith.constant 1.000000e+00 : f32
        %sub3A_409 = vector.broadcast %sub3A_408 : f32 to vector<16xf32>
        %sub3A_410 = arith.subf %sub3A_409, %get3A_240 : vector<16xf32>
        %max3A_411 = arith.maximumf %sub3A_410, %get3A_264 : vector<16xf32>
        %bitcast3A_412 = vector.bitcast %max3A_411 : vector<16xf32> to vector<16xi32>
        %shift_right_arithmetic3A_413 = arith.constant 17 : i32
        %shift_right_arithmetic3A_414 = vector.broadcast %shift_right_arithmetic3A_413 : i32 to vector<16xi32>
        %shift_right_arithmetic3A_415 = arith.shrsi %bitcast3A_412, %shift_right_arithmetic3A_414 : vector<16xi32>
        %sub3A_416 = arith.constant 8128 : i32
        %sub3A_417 = vector.broadcast %sub3A_416 : i32 to vector<16xi32>
        %sub3A_418 = arith.subi %sub3A_417, %shift_right_arithmetic3A_415 : vector<16xi32>
        %min3A_419 = arith.constant 2047 : i32
        %min3A_420 = vector.broadcast %min3A_419 : i32 to vector<16xi32>
        %min3A_421 = arith.minui %sub3A_418, %min3A_420 : vector<16xi32>
        %shift_right_arithmetic3A_422 = arith.constant 3 : i32
        %shift_right_arithmetic3A_423 = vector.broadcast %shift_right_arithmetic3A_422 : i32 to vector<16xi32>
        %shift_right_arithmetic3A_424 = arith.shrsi %min3A_421, %shift_right_arithmetic3A_423 : vector<16xi32>
        %and3A_425 = arith.constant 7 : i32
        %and3A_426 = vector.broadcast %and3A_425 : i32 to vector<16xi32>
        %and3A_427 = arith.andi %min3A_421, %and3A_426 : vector<16xi32>
        %shift_left3A_428 = arith.constant 4 : i32
        %shift_left3A_429 = vector.broadcast %shift_left3A_428 : i32 to vector<16xi32>
        %shift_left3A_430 = arith.shli %and3A_427, %shift_left3A_429 : vector<16xi32>
        %add3A_431 = arith.addi %shift_left3A_430, %iota3A : vector<16xi32>
        %sub3A_432 = arith.constant 1.000000e+00 : f32
        %sub3A_433 = vector.broadcast %sub3A_432 : f32 to vector<16xf32>
        %sub3A_434 = arith.subf %sub3A_433, %get3A_243 : vector<16xf32>
        %max3A_435 = arith.maximumf %sub3A_434, %get3A_267 : vector<16xf32>
        %bitcast3A_436 = vector.bitcast %max3A_435 : vector<16xf32> to vector<16xi32>
        %shift_right_arithmetic3A_437 = arith.constant 17 : i32
        %shift_right_arithmetic3A_438 = vector.broadcast %shift_right_arithmetic3A_437 : i32 to vector<16xi32>
        %shift_right_arithmetic3A_439 = arith.shrsi %bitcast3A_436, %shift_right_arithmetic3A_438 : vector<16xi32>
        %sub3A_440 = arith.constant 8128 : i32
        %sub3A_441 = vector.broadcast %sub3A_440 : i32 to vector<16xi32>
        %sub3A_442 = arith.subi %sub3A_441, %shift_right_arithmetic3A_439 : vector<16xi32>
        %min3A_443 = arith.constant 2047 : i32
        %min3A_444 = vector.broadcast %min3A_443 : i32 to vector<16xi32>
        %min3A_445 = arith.minui %sub3A_442, %min3A_444 : vector<16xi32>
        %shift_right_arithmetic3A_446 = arith.constant 3 : i32
        %shift_right_arithmetic3A_447 = vector.broadcast %shift_right_arithmetic3A_446 : i32 to vector<16xi32>
        %shift_right_arithmetic3A_448 = arith.shrsi %min3A_445, %shift_right_arithmetic3A_447 : vector<16xi32>
        %and3A_449 = arith.constant 7 : i32
        %and3A_450 = vector.broadcast %and3A_449 : i32 to vector<16xi32>
        %and3A_451 = arith.andi %min3A_445, %and3A_450 : vector<16xi32>
        %shift_left3A_452 = arith.constant 4 : i32
        %shift_left3A_453 = vector.broadcast %shift_left3A_452 : i32 to vector<16xi32>
        %shift_left3A_454 = arith.shli %and3A_451, %shift_left3A_453 : vector<16xi32>
        %add3A_455 = arith.addi %shift_left3A_454, %iota3A : vector<16xi32>
        tpu.vector_store_idx %arg13[%shift_right_arithmetic3A_281, %add3A_287], %broadcast_in_dim3A_7 {add = true} : memref<256x128xf32, #tpu.memory_space<vmem>>[vector<16xi32>, vector<16xi32>], vector<16xf32>,
        tpu.vector_store_idx %arg13[%shift_right_arithmetic3A_304, %add3A_311], %broadcast_in_dim3A_7 {add = true} : memref<256x128xf32, #tpu.memory_space<vmem>>[vector<16xi32>, vector<16xi32>], vector<16xf32>,
        tpu.vector_store_idx %arg13[%shift_right_arithmetic3A_328, %add3A_335], %broadcast_in_dim3A_7 {add = true} : memref<256x128xf32, #tpu.memory_space<vmem>>[vector<16xi32>, vector<16xi32>], vector<16xf32>,
        tpu.vector_store_idx %arg13[%shift_right_arithmetic3A_352, %add3A_359], %broadcast_in_dim3A_7 {add = true} : memref<256x128xf32, #tpu.memory_space<vmem>>[vector<16xi32>, vector<16xi32>], vector<16xf32>,
        tpu.vector_store_idx %arg13[%shift_right_arithmetic3A_376, %add3A_383], %broadcast_in_dim3A_7 {add = true} : memref<256x128xf32, #tpu.memory_space<vmem>>[vector<16xi32>, vector<16xi32>], vector<16xf32>,
        tpu.vector_store_idx %arg13[%shift_right_arithmetic3A_400, %add3A_407], %broadcast_in_dim3A_7 {add = true} : memref<256x128xf32, #tpu.memory_space<vmem>>[vector<16xi32>, vector<16xi32>], vector<16xf32>,
        tpu.vector_store_idx %arg13[%shift_right_arithmetic3A_424, %add3A_431], %broadcast_in_dim3A_7 {add = true} : memref<256x128xf32, #tpu.memory_space<vmem>>[vector<16xi32>, vector<16xi32>], vector<16xf32>,
        tpu.vector_store_idx %arg13[%shift_right_arithmetic3A_448, %add3A_455], %broadcast_in_dim3A_7 {add = true} : memref<256x128xf32, #tpu.memory_space<vmem>>[vector<16xi32>, vector<16xi32>], vector<16xf32>,
        %get3A_456 = arith.index_cast %scan3A_220 : i32 to index
        %get3A_457 = arith.constant 128 : index
        %get3A_458 = tpu.vector_load %arg8[%get3A_456, %get3A_457] {strides = array<i32>} : memref<16x512xf32, #tpu.memory_space<vmem>>, vector<16xf32>,
        %get3A_459 = arith.index_cast %scan3A_220 : i32 to index
        %get3A_460 = arith.constant 144 : index
        %get3A_461 = tpu.vector_load %arg8[%get3A_459, %get3A_460] {strides = array<i32>} : memref<16x512xf32, #tpu.memory_space<vmem>>, vector<16xf32>,
        %get3A_462 = arith.index_cast %scan3A_220 : i32 to index
        %get3A_463 = arith.constant 160 : index
        %get3A_464 = tpu.vector_load %arg8[%get3A_462, %get3A_463] {strides = array<i32>} : memref<16x512xf32, #tpu.memory_space<vmem>>, vector<16xf32>,
        %get3A_465 = arith.index_cast %scan3A_220 : i32 to index
        %get3A_466 = arith.constant 176 : index
        %get3A_467 = tpu.vector_load %arg8[%get3A_465, %get3A_466] {strides = array<i32>} : memref<16x512xf32, #tpu.memory_space<vmem>>, vector<16xf32>,
        %get3A_468 = arith.index_cast %scan3A_220 : i32 to index
        %get3A_469 = arith.constant 192 : index
        %get3A_470 = tpu.vector_load %arg8[%get3A_468, %get3A_469] {strides = array<i32>} : memref<16x512xf32, #tpu.memory_space<vmem>>, vector<16xf32>,
        %get3A_471 = arith.index_cast %scan3A_220 : i32 to index
        %get3A_472 = arith.constant 208 : index
        %get3A_473 = tpu.vector_load %arg8[%get3A_471, %get3A_472] {strides = array<i32>} : memref<16x512xf32, #tpu.memory_space<vmem>>, vector<16xf32>,
        %get3A_474 = arith.index_cast %scan3A_220 : i32 to index
        %get3A_475 = arith.constant 224 : index
        %get3A_476 = tpu.vector_load %arg8[%get3A_474, %get3A_475] {strides = array<i32>} : memref<16x512xf32, #tpu.memory_space<vmem>>, vector<16xf32>,
        %get3A_477 = arith.index_cast %scan3A_220 : i32 to index
        %get3A_478 = arith.constant 240 : index
        %get3A_479 = tpu.vector_load %arg8[%get3A_477, %get3A_478] {strides = array<i32>} : memref<16x512xf32, #tpu.memory_space<vmem>>, vector<16xf32>,
        %get3A_480 = arith.index_cast %scan3A_220 : i32 to index
        %get3A_481 = arith.constant 128 : index
        %get3A_482 = tpu.vector_load %arg12[%get3A_480, %get3A_481] {strides = array<i32>} : memref<16x512xf32, #tpu.memory_space<vmem>>, vector<16xf32>,
        %get3A_483 = arith.index_cast %scan3A_220 : i32 to index
        %get3A_484 = arith.constant 144 : index
        %get3A_485 = tpu.vector_load %arg12[%get3A_483, %get3A_484] {strides = array<i32>} : memref<16x512xf32, #tpu.memory_space<vmem>>, vector<16xf32>,
        %get3A_486 = arith.index_cast %scan3A_220 : i32 to index
        %get3A_487 = arith.constant 160 : index
        %get3A_488 = tpu.vector_load %arg12[%get3A_486, %get3A_487] {strides = array<i32>} : memref<16x512xf32, #tpu.memory_space<vmem>>, vector<16xf32>,
        %get3A_489 = arith.index_cast %scan3A_220 : i32 to index
        %get3A_490 = arith.constant 176 : index
        %get3A_491 = tpu.vector_load %arg12[%get3A_489, %get3A_490] {strides = array<i32>} : memref<16x512xf32, #tpu.memory_space<vmem>>, vector<16xf32>,
        %get3A_492 = arith.index_cast %scan3A_220 : i32 to index
        %get3A_493 = arith.constant 192 : index
        %get3A_494 = tpu.vector_load %arg12[%get3A_492, %get3A_493] {strides = array<i32>} : memref<16x512xf32, #tpu.memory_space<vmem>>, vector<16xf32>,
        %get3A_495 = arith.index_cast %scan3A_220 : i32 to index
        %get3A_496 = arith.constant 208 : index
        %get3A_497 = tpu.vector_load %arg12[%get3A_495, %get3A_496] {strides = array<i32>} : memref<16x512xf32, #tpu.memory_space<vmem>>, vector<16xf32>,
        %get3A_498 = arith.index_cast %scan3A_220 : i32 to index
        %get3A_499 = arith.constant 224 : index
        %get3A_500 = tpu.vector_load %arg12[%get3A_498, %get3A_499] {strides = array<i32>} : memref<16x512xf32, #tpu.memory_space<vmem>>, vector<16xf32>,
        %get3A_501 = arith.index_cast %scan3A_220 : i32 to index
        %get3A_502 = arith.constant 240 : index
        %get3A_503 = tpu.vector_load %arg12[%get3A_501, %get3A_502] {strides = array<i32>} : memref<16x512xf32, #tpu.memory_space<vmem>>, vector<16xf32>,
        %sub3A_504 = arith.constant 1.000000e+00 : f32
        %sub3A_505 = vector.broadcast %sub3A_504 : f32 to vector<16xf32>
        %sub3A_506 = arith.subf %sub3A_505, %get3A_458 : vector<16xf32>
        %max3A_507 = arith.maximumf %sub3A_506, %get3A_482 : vector<16xf32>
        %bitcast3A_508 = vector.bitcast %max3A_507 : vector<16xf32> to vector<16xi32>
        %shift_right_arithmetic3A_509 = arith.constant 17 : i32
        %shift_right_arithmetic3A_510 = vector.broadcast %shift_right_arithmetic3A_509 : i32 to vector<16xi32>
        %shift_right_arithmetic3A_511 = arith.shrsi %bitcast3A_508, %shift_right_arithmetic3A_510 : vector<16xi32>
        %sub3A_512 = arith.constant 8128 : i32
        %sub3A_513 = vector.broadcast %sub3A_512 : i32 to vector<16xi32>
        %sub3A_514 = arith.subi %sub3A_513, %shift_right_arithmetic3A_511 : vector<16xi32>
        %min3A_515 = arith.constant 2047 : i32
        %min3A_516 = vector.broadcast %min3A_515 : i32 to vector<16xi32>
        %min3A_517 = arith.minui %sub3A_514, %min3A_516 : vector<16xi32>
        %shift_right_arithmetic3A_518 = arith.constant 3 : i32
        %shift_right_arithmetic3A_519 = vector.broadcast %shift_right_arithmetic3A_518 : i32 to vector<16xi32>
        %shift_right_arithmetic3A_520 = arith.shrsi %min3A_517, %shift_right_arithmetic3A_519 : vector<16xi32>
        %and3A_521 = arith.constant 7 : i32
        %and3A_522 = vector.broadcast %and3A_521 : i32 to vector<16xi32>
        %and3A_523 = arith.andi %min3A_517, %and3A_522 : vector<16xi32>
        %shift_left3A_524 = arith.constant 4 : i32
        %shift_left3A_525 = vector.broadcast %shift_left3A_524 : i32 to vector<16xi32>
        %shift_left3A_526 = arith.shli %and3A_523, %shift_left3A_525 : vector<16xi32>
        %add3A_527 = arith.addi %shift_left3A_526, %iota3A : vector<16xi32>
        %sub3A_528 = arith.constant 1.000000e+00 : f32
        %sub3A_529 = vector.broadcast %sub3A_528 : f32 to vector<16xf32>
        %sub3A_530 = arith.subf %sub3A_529, %get3A_461 : vector<16xf32>
        %max3A_531 = arith.maximumf %sub3A_530, %get3A_485 : vector<16xf32>
        %bitcast3A_532 = vector.bitcast %max3A_531 : vector<16xf32> to vector<16xi32>
        %shift_right_arithmetic3A_533 = arith.constant 17 : i32
        %shift_right_arithmetic3A_534 = vector.broadcast %shift_right_arithmetic3A_533 : i32 to vector<16xi32>
        %shift_right_arithmetic3A_535 = arith.shrsi %bitcast3A_532, %shift_right_arithmetic3A_534 : vector<16xi32>
        %sub3A_536 = arith.constant 8128 : i32
        %sub3A_537 = vector.broadcast %sub3A_536 : i32 to vector<16xi32>
        %sub3A_538 = arith.subi %sub3A_537, %shift_right_arithmetic3A_535 : vector<16xi32>
        %min3A_539 = arith.constant 2047 : i32
        %min3A_540 = vector.broadcast %min3A_539 : i32 to vector<16xi32>
        %min3A_541 = arith.minui %sub3A_538, %min3A_540 : vector<16xi32>
        %shift_right_arithmetic3A_542 = arith.constant 3 : i32
        %shift_right_arithmetic3A_543 = vector.broadcast %shift_right_arithmetic3A_542 : i32 to vector<16xi32>
        %shift_right_arithmetic3A_544 = arith.shrsi %min3A_541, %shift_right_arithmetic3A_543 : vector<16xi32>
        %and3A_545 = arith.constant 7 : i32
        %and3A_546 = vector.broadcast %and3A_545 : i32 to vector<16xi32>
        %and3A_547 = arith.andi %min3A_541, %and3A_546 : vector<16xi32>
        %shift_left3A_548 = arith.constant 4 : i32
        %shift_left3A_549 = vector.broadcast %shift_left3A_548 : i32 to vector<16xi32>
        %shift_left3A_550 = arith.shli %and3A_547, %shift_left3A_549 : vector<16xi32>
        %add3A_551 = arith.addi %shift_left3A_550, %iota3A : vector<16xi32>
        %sub3A_552 = arith.constant 1.000000e+00 : f32
        %sub3A_553 = vector.broadcast %sub3A_552 : f32 to vector<16xf32>
        %sub3A_554 = arith.subf %sub3A_553, %get3A_464 : vector<16xf32>
        %max3A_555 = arith.maximumf %sub3A_554, %get3A_488 : vector<16xf32>
        %bitcast3A_556 = vector.bitcast %max3A_555 : vector<16xf32> to vector<16xi32>
        %shift_right_arithmetic3A_557 = arith.constant 17 : i32
        %shift_right_arithmetic3A_558 = vector.broadcast %shift_right_arithmetic3A_557 : i32 to vector<16xi32>
        %shift_right_arithmetic3A_559 = arith.shrsi %bitcast3A_556, %shift_right_arithmetic3A_558 : vector<16xi32>
        %sub3A_560 = arith.constant 8128 : i32
        %sub3A_561 = vector.broadcast %sub3A_560 : i32 to vector<16xi32>
        %sub3A_562 = arith.subi %sub3A_561, %shift_right_arithmetic3A_559 : vector<16xi32>
        %min3A_563 = arith.constant 2047 : i32
        %min3A_564 = vector.broadcast %min3A_563 : i32 to vector<16xi32>
        %min3A_565 = arith.minui %sub3A_562, %min3A_564 : vector<16xi32>
        %shift_right_arithmetic3A_566 = arith.constant 3 : i32
        %shift_right_arithmetic3A_567 = vector.broadcast %shift_right_arithmetic3A_566 : i32 to vector<16xi32>
        %shift_right_arithmetic3A_568 = arith.shrsi %min3A_565, %shift_right_arithmetic3A_567 : vector<16xi32>
        %and3A_569 = arith.constant 7 : i32
        %and3A_570 = vector.broadcast %and3A_569 : i32 to vector<16xi32>
        %and3A_571 = arith.andi %min3A_565, %and3A_570 : vector<16xi32>
        %shift_left3A_572 = arith.constant 4 : i32
        %shift_left3A_573 = vector.broadcast %shift_left3A_572 : i32 to vector<16xi32>
        %shift_left3A_574 = arith.shli %and3A_571, %shift_left3A_573 : vector<16xi32>
        %add3A_575 = arith.addi %shift_left3A_574, %iota3A : vector<16xi32>
        %sub3A_576 = arith.constant 1.000000e+00 : f32
        %sub3A_577 = vector.broadcast %sub3A_576 : f32 to vector<16xf32>
        %sub3A_578 = arith.subf %sub3A_577, %get3A_467 : vector<16xf32>
        %max3A_579 = arith.maximumf %sub3A_578, %get3A_491 : vector<16xf32>
        %bitcast3A_580 = vector.bitcast %max3A_579 : vector<16xf32> to vector<16xi32>
        %shift_right_arithmetic3A_581 = arith.constant 17 : i32
        %shift_right_arithmetic3A_582 = vector.broadcast %shift_right_arithmetic3A_581 : i32 to vector<16xi32>
        %shift_right_arithmetic3A_583 = arith.shrsi %bitcast3A_580, %shift_right_arithmetic3A_582 : vector<16xi32>
        %sub3A_584 = arith.constant 8128 : i32
        %sub3A_585 = vector.broadcast %sub3A_584 : i32 to vector<16xi32>
        %sub3A_586 = arith.subi %sub3A_585, %shift_right_arithmetic3A_583 : vector<16xi32>
        %min3A_587 = arith.constant 2047 : i32
        %min3A_588 = vector.broadcast %min3A_587 : i32 to vector<16xi32>
        %min3A_589 = arith.minui %sub3A_586, %min3A_588 : vector<16xi32>
        %shift_right_arithmetic3A_590 = arith.constant 3 : i32
        %shift_right_arithmetic3A_591 = vector.broadcast %shift_right_arithmetic3A_590 : i32 to vector<16xi32>
        %shift_right_arithmetic3A_592 = arith.shrsi %min3A_589, %shift_right_arithmetic3A_591 : vector<16xi32>
        %and3A_593 = arith.constant 7 : i32
        %and3A_594 = vector.broadcast %and3A_593 : i32 to vector<16xi32>
        %and3A_595 = arith.andi %min3A_589, %and3A_594 : vector<16xi32>
        %shift_left3A_596 = arith.constant 4 : i32
        %shift_left3A_597 = vector.broadcast %shift_left3A_596 : i32 to vector<16xi32>
        %shift_left3A_598 = arith.shli %and3A_595, %shift_left3A_597 : vector<16xi32>
        %add3A_599 = arith.addi %shift_left3A_598, %iota3A : vector<16xi32>
        %sub3A_600 = arith.constant 1.000000e+00 : f32
        %sub3A_601 = vector.broadcast %sub3A_600 : f32 to vector<16xf32>
        %sub3A_602 = arith.subf %sub3A_601, %get3A_470 : vector<16xf32>
        %max3A_603 = arith.maximumf %sub3A_602, %get3A_494 : vector<16xf32>
        %bitcast3A_604 = vector.bitcast %max3A_603 : vector<16xf32> to vector<16xi32>
        %shift_right_arithmetic3A_605 = arith.constant 17 : i32
        %shift_right_arithmetic3A_606 = vector.broadcast %shift_right_arithmetic3A_605 : i32 to vector<16xi32>
        %shift_right_arithmetic3A_607 = arith.shrsi %bitcast3A_604, %shift_right_arithmetic3A_606 : vector<16xi32>
        %sub3A_608 = arith.constant 8128 : i32
        %sub3A_609 = vector.broadcast %sub3A_608 : i32 to vector<16xi32>
        %sub3A_610 = arith.subi %sub3A_609, %shift_right_arithmetic3A_607 : vector<16xi32>
        %min3A_611 = arith.constant 2047 : i32
        %min3A_612 = vector.broadcast %min3A_611 : i32 to vector<16xi32>
        %min3A_613 = arith.minui %sub3A_610, %min3A_612 : vector<16xi32>
        %shift_right_arithmetic3A_614 = arith.constant 3 : i32
        %shift_right_arithmetic3A_615 = vector.broadcast %shift_right_arithmetic3A_614 : i32 to vector<16xi32>
        %shift_right_arithmetic3A_616 = arith.shrsi %min3A_613, %shift_right_arithmetic3A_615 : vector<16xi32>
        %and3A_617 = arith.constant 7 : i32
        %and3A_618 = vector.broadcast %and3A_617 : i32 to vector<16xi32>
        %and3A_619 = arith.andi %min3A_613, %and3A_618 : vector<16xi32>
        %shift_left3A_620 = arith.constant 4 : i32
        %shift_left3A_621 = vector.broadcast %shift_left3A_620 : i32 to vector<16xi32>
        %shift_left3A_622 = arith.shli %and3A_619, %shift_left3A_621 : vector<16xi32>
        %add3A_623 = arith.addi %shift_left3A_622, %iota3A : vector<16xi32>
        %sub3A_624 = arith.constant 1.000000e+00 : f32
        %sub3A_625 = vector.broadcast %sub3A_624 : f32 to vector<16xf32>
        %sub3A_626 = arith.subf %sub3A_625, %get3A_473 : vector<16xf32>
        %max3A_627 = arith.maximumf %sub3A_626, %get3A_497 : vector<16xf32>
        %bitcast3A_628 = vector.bitcast %max3A_627 : vector<16xf32> to vector<16xi32>
        %shift_right_arithmetic3A_629 = arith.constant 17 : i32
        %shift_right_arithmetic3A_630 = vector.broadcast %shift_right_arithmetic3A_629 : i32 to vector<16xi32>
        %shift_right_arithmetic3A_631 = arith.shrsi %bitcast3A_628, %shift_right_arithmetic3A_630 : vector<16xi32>
        %sub3A_632 = arith.constant 8128 : i32
        %sub3A_633 = vector.broadcast %sub3A_632 : i32 to vector<16xi32>
        %sub3A_634 = arith.subi %sub3A_633, %shift_right_arithmetic3A_631 : vector<16xi32>
        %min3A_635 = arith.constant 2047 : i32
        %min3A_636 = vector.broadcast %min3A_635 : i32 to vector<16xi32>
        %min3A_637 = arith.minui %sub3A_634, %min3A_636 : vector<16xi32>
        %shift_right_arithmetic3A_638 = arith.constant 3 : i32
        %shift_right_arithmetic3A_639 = vector.broadcast %shift_right_arithmetic3A_638 : i32 to vector<16xi32>
        %shift_right_arithmetic3A_640 = arith.shrsi %min3A_637, %shift_right_arithmetic3A_639 : vector<16xi32>
        %and3A_641 = arith.constant 7 : i32
        %and3A_642 = vector.broadcast %and3A_641 : i32 to vector<16xi32>
        %and3A_643 = arith.andi %min3A_637, %and3A_642 : vector<16xi32>
        %shift_left3A_644 = arith.constant 4 : i32
        %shift_left3A_645 = vector.broadcast %shift_left3A_644 : i32 to vector<16xi32>
        %shift_left3A_646 = arith.shli %and3A_643, %shift_left3A_645 : vector<16xi32>
        %add3A_647 = arith.addi %shift_left3A_646, %iota3A : vector<16xi32>
        %sub3A_648 = arith.constant 1.000000e+00 : f32
        %sub3A_649 = vector.broadcast %sub3A_648 : f32 to vector<16xf32>
        %sub3A_650 = arith.subf %sub3A_649, %get3A_476 : vector<16xf32>
        %max3A_651 = arith.maximumf %sub3A_650, %get3A_500 : vector<16xf32>
        %bitcast3A_652 = vector.bitcast %max3A_651 : vector<16xf32> to vector<16xi32>
        %shift_right_arithmetic3A_653 = arith.constant 17 : i32
        %shift_right_arithmetic3A_654 = vector.broadcast %shift_right_arithmetic3A_653 : i32 to vector<16xi32>
        %shift_right_arithmetic3A_655 = arith.shrsi %bitcast3A_652, %shift_right_arithmetic3A_654 : vector<16xi32>
        %sub3A_656 = arith.constant 8128 : i32
        %sub3A_657 = vector.broadcast %sub3A_656 : i32 to vector<16xi32>
        %sub3A_658 = arith.subi %sub3A_657, %shift_right_arithmetic3A_655 : vector<16xi32>
        %min3A_659 = arith.constant 2047 : i32
        %min3A_660 = vector.broadcast %min3A_659 : i32 to vector<16xi32>
        %min3A_661 = arith.minui %sub3A_658, %min3A_660 : vector<16xi32>
        %shift_right_arithmetic3A_662 = arith.constant 3 : i32
        %shift_right_arithmetic3A_663 = vector.broadcast %shift_right_arithmetic3A_662 : i32 to vector<16xi32>
        %shift_right_arithmetic3A_664 = arith.shrsi %min3A_661, %shift_right_arithmetic3A_663 : vector<16xi32>
        %and3A_665 = arith.constant 7 : i32
        %and3A_666 = vector.broadcast %and3A_665 : i32 to vector<16xi32>
        %and3A_667 = arith.andi %min3A_661, %and3A_666 : vector<16xi32>
        %shift_left3A_668 = arith.constant 4 : i32
        %shift_left3A_669 = vector.broadcast %shift_left3A_668 : i32 to vector<16xi32>
        %shift_left3A_670 = arith.shli %and3A_667, %shift_left3A_669 : vector<16xi32>
        %add3A_671 = arith.addi %shift_left3A_670, %iota3A : vector<16xi32>
        %sub3A_672 = arith.constant 1.000000e+00 : f32
        %sub3A_673 = vector.broadcast %sub3A_672 : f32 to vector<16xf32>
        %sub3A_674 = arith.subf %sub3A_673, %get3A_479 : vector<16xf32>
        %max3A_675 = arith.maximumf %sub3A_674, %get3A_503 : vector<16xf32>
        %bitcast3A_676 = vector.bitcast %max3A_675 : vector<16xf32> to vector<16xi32>
        %shift_right_arithmetic3A_677 = arith.constant 17 : i32
        %shift_right_arithmetic3A_678 = vector.broadcast %shift_right_arithmetic3A_677 : i32 to vector<16xi32>
        %shift_right_arithmetic3A_679 = arith.shrsi %bitcast3A_676, %shift_right_arithmetic3A_678 : vector<16xi32>
        %sub3A_680 = arith.constant 8128 : i32
        %sub3A_681 = vector.broadcast %sub3A_680 : i32 to vector<16xi32>
        %sub3A_682 = arith.subi %sub3A_681, %shift_right_arithmetic3A_679 : vector<16xi32>
        %min3A_683 = arith.constant 2047 : i32
        %min3A_684 = vector.broadcast %min3A_683 : i32 to vector<16xi32>
        %min3A_685 = arith.minui %sub3A_682, %min3A_684 : vector<16xi32>
        %shift_right_arithmetic3A_686 = arith.constant 3 : i32
        %shift_right_arithmetic3A_687 = vector.broadcast %shift_right_arithmetic3A_686 : i32 to vector<16xi32>
        %shift_right_arithmetic3A_688 = arith.shrsi %min3A_685, %shift_right_arithmetic3A_687 : vector<16xi32>
        %and3A_689 = arith.constant 7 : i32
        %and3A_690 = vector.broadcast %and3A_689 : i32 to vector<16xi32>
        %and3A_691 = arith.andi %min3A_685, %and3A_690 : vector<16xi32>
        %shift_left3A_692 = arith.constant 4 : i32
        %shift_left3A_693 = vector.broadcast %shift_left3A_692 : i32 to vector<16xi32>
        %shift_left3A_694 = arith.shli %and3A_691, %shift_left3A_693 : vector<16xi32>
        %add3A_695 = arith.addi %shift_left3A_694, %iota3A : vector<16xi32>
        tpu.vector_store_idx %arg13[%shift_right_arithmetic3A_520, %add3A_527], %broadcast_in_dim3A_7 {add = true} : memref<256x128xf32, #tpu.memory_space<vmem>>[vector<16xi32>, vector<16xi32>], vector<16xf32>,
        tpu.vector_store_idx %arg13[%shift_right_arithmetic3A_544, %add3A_551], %broadcast_in_dim3A_7 {add = true} : memref<256x128xf32, #tpu.memory_space<vmem>>[vector<16xi32>, vector<16xi32>], vector<16xf32>,
        tpu.vector_store_idx %arg13[%shift_right_arithmetic3A_568, %add3A_575], %broadcast_in_dim3A_7 {add = true} : memref<256x128xf32, #tpu.memory_space<vmem>>[vector<16xi32>, vector<16xi32>], vector<16xf32>,
        tpu.vector_store_idx %arg13[%shift_right_arithmetic3A_592, %add3A_599], %broadcast_in_dim3A_7 {add = true} : memref<256x128xf32, #tpu.memory_space<vmem>>[vector<16xi32>, vector<16xi32>], vector<16xf32>,
        tpu.vector_store_idx %arg13[%shift_right_arithmetic3A_616, %add3A_623], %broadcast_in_dim3A_7 {add = true} : memref<256x128xf32, #tpu.memory_space<vmem>>[vector<16xi32>, vector<16xi32>], vector<16xf32>,
        tpu.vector_store_idx %arg13[%shift_right_arithmetic3A_640, %add3A_647], %broadcast_in_dim3A_7 {add = true} : memref<256x128xf32, #tpu.memory_space<vmem>>[vector<16xi32>, vector<16xi32>], vector<16xf32>,
        tpu.vector_store_idx %arg13[%shift_right_arithmetic3A_664, %add3A_671], %broadcast_in_dim3A_7 {add = true} : memref<256x128xf32, #tpu.memory_space<vmem>>[vector<16xi32>, vector<16xi32>], vector<16xf32>,
        tpu.vector_store_idx %arg13[%shift_right_arithmetic3A_688, %add3A_695], %broadcast_in_dim3A_7 {add = true} : memref<256x128xf32, #tpu.memory_space<vmem>>[vector<16xi32>, vector<16xi32>], vector<16xf32>,
        %get3A_696 = arith.index_cast %scan3A_220 : i32 to index
        %get3A_697 = arith.constant 256 : index
        %get3A_698 = tpu.vector_load %arg8[%get3A_696, %get3A_697] {strides = array<i32>} : memref<16x512xf32, #tpu.memory_space<vmem>>, vector<16xf32>,
        %get3A_699 = arith.index_cast %scan3A_220 : i32 to index
        %get3A_700 = arith.constant 272 : index
        %get3A_701 = tpu.vector_load %arg8[%get3A_699, %get3A_700] {strides = array<i32>} : memref<16x512xf32, #tpu.memory_space<vmem>>, vector<16xf32>,
        %get3A_702 = arith.index_cast %scan3A_220 : i32 to index
        %get3A_703 = arith.constant 288 : index
        %get3A_704 = tpu.vector_load %arg8[%get3A_702, %get3A_703] {strides = array<i32>} : memref<16x512xf32, #tpu.memory_space<vmem>>, vector<16xf32>,
        %get3A_705 = arith.index_cast %scan3A_220 : i32 to index
        %get3A_706 = arith.constant 304 : index
        %get3A_707 = tpu.vector_load %arg8[%get3A_705, %get3A_706] {strides = array<i32>} : memref<16x512xf32, #tpu.memory_space<vmem>>, vector<16xf32>,
        %get3A_708 = arith.index_cast %scan3A_220 : i32 to index
        %get3A_709 = arith.constant 320 : index
        %get3A_710 = tpu.vector_load %arg8[%get3A_708, %get3A_709] {strides = array<i32>} : memref<16x512xf32, #tpu.memory_space<vmem>>, vector<16xf32>,
        %get3A_711 = arith.index_cast %scan3A_220 : i32 to index
        %get3A_712 = arith.constant 336 : index
        %get3A_713 = tpu.vector_load %arg8[%get3A_711, %get3A_712] {strides = array<i32>} : memref<16x512xf32, #tpu.memory_space<vmem>>, vector<16xf32>,
        %get3A_714 = arith.index_cast %scan3A_220 : i32 to index
        %get3A_715 = arith.constant 352 : index
        %get3A_716 = tpu.vector_load %arg8[%get3A_714, %get3A_715] {strides = array<i32>} : memref<16x512xf32, #tpu.memory_space<vmem>>, vector<16xf32>,
        %get3A_717 = arith.index_cast %scan3A_220 : i32 to index
        %get3A_718 = arith.constant 368 : index
        %get3A_719 = tpu.vector_load %arg8[%get3A_717, %get3A_718] {strides = array<i32>} : memref<16x512xf32, #tpu.memory_space<vmem>>, vector<16xf32>,
        %get3A_720 = arith.index_cast %scan3A_220 : i32 to index
        %get3A_721 = arith.constant 256 : index
        %get3A_722 = tpu.vector_load %arg12[%get3A_720, %get3A_721] {strides = array<i32>} : memref<16x512xf32, #tpu.memory_space<vmem>>, vector<16xf32>,
        %get3A_723 = arith.index_cast %scan3A_220 : i32 to index
        %get3A_724 = arith.constant 272 : index
        %get3A_725 = tpu.vector_load %arg12[%get3A_723, %get3A_724] {strides = array<i32>} : memref<16x512xf32, #tpu.memory_space<vmem>>, vector<16xf32>,
        %get3A_726 = arith.index_cast %scan3A_220 : i32 to index
        %get3A_727 = arith.constant 288 : index
        %get3A_728 = tpu.vector_load %arg12[%get3A_726, %get3A_727] {strides = array<i32>} : memref<16x512xf32, #tpu.memory_space<vmem>>, vector<16xf32>,
        %get3A_729 = arith.index_cast %scan3A_220 : i32 to index
        %get3A_730 = arith.constant 304 : index
        %get3A_731 = tpu.vector_load %arg12[%get3A_729, %get3A_730] {strides = array<i32>} : memref<16x512xf32, #tpu.memory_space<vmem>>, vector<16xf32>,
        %get3A_732 = arith.index_cast %scan3A_220 : i32 to index
        %get3A_733 = arith.constant 320 : index
        %get3A_734 = tpu.vector_load %arg12[%get3A_732, %get3A_733] {strides = array<i32>} : memref<16x512xf32, #tpu.memory_space<vmem>>, vector<16xf32>,
        %get3A_735 = arith.index_cast %scan3A_220 : i32 to index
        %get3A_736 = arith.constant 336 : index
        %get3A_737 = tpu.vector_load %arg12[%get3A_735, %get3A_736] {strides = array<i32>} : memref<16x512xf32, #tpu.memory_space<vmem>>, vector<16xf32>,
        %get3A_738 = arith.index_cast %scan3A_220 : i32 to index
        %get3A_739 = arith.constant 352 : index
        %get3A_740 = tpu.vector_load %arg12[%get3A_738, %get3A_739] {strides = array<i32>} : memref<16x512xf32, #tpu.memory_space<vmem>>, vector<16xf32>,
        %get3A_741 = arith.index_cast %scan3A_220 : i32 to index
        %get3A_742 = arith.constant 368 : index
        %get3A_743 = tpu.vector_load %arg12[%get3A_741, %get3A_742] {strides = array<i32>} : memref<16x512xf32, #tpu.memory_space<vmem>>, vector<16xf32>,
        %sub3A_744 = arith.constant 1.000000e+00 : f32
        %sub3A_745 = vector.broadcast %sub3A_744 : f32 to vector<16xf32>
        %sub3A_746 = arith.subf %sub3A_745, %get3A_698 : vector<16xf32>
        %max3A_747 = arith.maximumf %sub3A_746, %get3A_722 : vector<16xf32>
        %bitcast3A_748 = vector.bitcast %max3A_747 : vector<16xf32> to vector<16xi32>
        %shift_right_arithmetic3A_749 = arith.constant 17 : i32
        %shift_right_arithmetic3A_750 = vector.broadcast %shift_right_arithmetic3A_749 : i32 to vector<16xi32>
        %shift_right_arithmetic3A_751 = arith.shrsi %bitcast3A_748, %shift_right_arithmetic3A_750 : vector<16xi32>
        %sub3A_752 = arith.constant 8128 : i32
        %sub3A_753 = vector.broadcast %sub3A_752 : i32 to vector<16xi32>
        %sub3A_754 = arith.subi %sub3A_753, %shift_right_arithmetic3A_751 : vector<16xi32>
        %min3A_755 = arith.constant 2047 : i32
        %min3A_756 = vector.broadcast %min3A_755 : i32 to vector<16xi32>
        %min3A_757 = arith.minui %sub3A_754, %min3A_756 : vector<16xi32>
        %shift_right_arithmetic3A_758 = arith.constant 3 : i32
        %shift_right_arithmetic3A_759 = vector.broadcast %shift_right_arithmetic3A_758 : i32 to vector<16xi32>
        %shift_right_arithmetic3A_760 = arith.shrsi %min3A_757, %shift_right_arithmetic3A_759 : vector<16xi32>
        %and3A_761 = arith.constant 7 : i32
        %and3A_762 = vector.broadcast %and3A_761 : i32 to vector<16xi32>
        %and3A_763 = arith.andi %min3A_757, %and3A_762 : vector<16xi32>
        %shift_left3A_764 = arith.constant 4 : i32
        %shift_left3A_765 = vector.broadcast %shift_left3A_764 : i32 to vector<16xi32>
        %shift_left3A_766 = arith.shli %and3A_763, %shift_left3A_765 : vector<16xi32>
        %add3A_767 = arith.addi %shift_left3A_766, %iota3A : vector<16xi32>
        %sub3A_768 = arith.constant 1.000000e+00 : f32
        %sub3A_769 = vector.broadcast %sub3A_768 : f32 to vector<16xf32>
        %sub3A_770 = arith.subf %sub3A_769, %get3A_701 : vector<16xf32>
        %max3A_771 = arith.maximumf %sub3A_770, %get3A_725 : vector<16xf32>
        %bitcast3A_772 = vector.bitcast %max3A_771 : vector<16xf32> to vector<16xi32>
        %shift_right_arithmetic3A_773 = arith.constant 17 : i32
        %shift_right_arithmetic3A_774 = vector.broadcast %shift_right_arithmetic3A_773 : i32 to vector<16xi32>
        %shift_right_arithmetic3A_775 = arith.shrsi %bitcast3A_772, %shift_right_arithmetic3A_774 : vector<16xi32>
        %sub3A_776 = arith.constant 8128 : i32
        %sub3A_777 = vector.broadcast %sub3A_776 : i32 to vector<16xi32>
        %sub3A_778 = arith.subi %sub3A_777, %shift_right_arithmetic3A_775 : vector<16xi32>
        %min3A_779 = arith.constant 2047 : i32
        %min3A_780 = vector.broadcast %min3A_779 : i32 to vector<16xi32>
        %min3A_781 = arith.minui %sub3A_778, %min3A_780 : vector<16xi32>
        %shift_right_arithmetic3A_782 = arith.constant 3 : i32
        %shift_right_arithmetic3A_783 = vector.broadcast %shift_right_arithmetic3A_782 : i32 to vector<16xi32>
        %shift_right_arithmetic3A_784 = arith.shrsi %min3A_781, %shift_right_arithmetic3A_783 : vector<16xi32>
        %and3A_785 = arith.constant 7 : i32
        %and3A_786 = vector.broadcast %and3A_785 : i32 to vector<16xi32>
        %and3A_787 = arith.andi %min3A_781, %and3A_786 : vector<16xi32>
        %shift_left3A_788 = arith.constant 4 : i32
        %shift_left3A_789 = vector.broadcast %shift_left3A_788 : i32 to vector<16xi32>
        %shift_left3A_790 = arith.shli %and3A_787, %shift_left3A_789 : vector<16xi32>
        %add3A_791 = arith.addi %shift_left3A_790, %iota3A : vector<16xi32>
        %sub3A_792 = arith.constant 1.000000e+00 : f32
        %sub3A_793 = vector.broadcast %sub3A_792 : f32 to vector<16xf32>
        %sub3A_794 = arith.subf %sub3A_793, %get3A_704 : vector<16xf32>
        %max3A_795 = arith.maximumf %sub3A_794, %get3A_728 : vector<16xf32>
        %bitcast3A_796 = vector.bitcast %max3A_795 : vector<16xf32> to vector<16xi32>
        %shift_right_arithmetic3A_797 = arith.constant 17 : i32
        %shift_right_arithmetic3A_798 = vector.broadcast %shift_right_arithmetic3A_797 : i32 to vector<16xi32>
        %shift_right_arithmetic3A_799 = arith.shrsi %bitcast3A_796, %shift_right_arithmetic3A_798 : vector<16xi32>
        %sub3A_800 = arith.constant 8128 : i32
        %sub3A_801 = vector.broadcast %sub3A_800 : i32 to vector<16xi32>
        %sub3A_802 = arith.subi %sub3A_801, %shift_right_arithmetic3A_799 : vector<16xi32>
        %min3A_803 = arith.constant 2047 : i32
        %min3A_804 = vector.broadcast %min3A_803 : i32 to vector<16xi32>
        %min3A_805 = arith.minui %sub3A_802, %min3A_804 : vector<16xi32>
        %shift_right_arithmetic3A_806 = arith.constant 3 : i32
        %shift_right_arithmetic3A_807 = vector.broadcast %shift_right_arithmetic3A_806 : i32 to vector<16xi32>
        %shift_right_arithmetic3A_808 = arith.shrsi %min3A_805, %shift_right_arithmetic3A_807 : vector<16xi32>
        %and3A_809 = arith.constant 7 : i32
        %and3A_810 = vector.broadcast %and3A_809 : i32 to vector<16xi32>
        %and3A_811 = arith.andi %min3A_805, %and3A_810 : vector<16xi32>
        %shift_left3A_812 = arith.constant 4 : i32
        %shift_left3A_813 = vector.broadcast %shift_left3A_812 : i32 to vector<16xi32>
        %shift_left3A_814 = arith.shli %and3A_811, %shift_left3A_813 : vector<16xi32>
        %add3A_815 = arith.addi %shift_left3A_814, %iota3A : vector<16xi32>
        %sub3A_816 = arith.constant 1.000000e+00 : f32
        %sub3A_817 = vector.broadcast %sub3A_816 : f32 to vector<16xf32>
        %sub3A_818 = arith.subf %sub3A_817, %get3A_707 : vector<16xf32>
        %max3A_819 = arith.maximumf %sub3A_818, %get3A_731 : vector<16xf32>
        %bitcast3A_820 = vector.bitcast %max3A_819 : vector<16xf32> to vector<16xi32>
        %shift_right_arithmetic3A_821 = arith.constant 17 : i32
        %shift_right_arithmetic3A_822 = vector.broadcast %shift_right_arithmetic3A_821 : i32 to vector<16xi32>
        %shift_right_arithmetic3A_823 = arith.shrsi %bitcast3A_820, %shift_right_arithmetic3A_822 : vector<16xi32>
        %sub3A_824 = arith.constant 8128 : i32
        %sub3A_825 = vector.broadcast %sub3A_824 : i32 to vector<16xi32>
        %sub3A_826 = arith.subi %sub3A_825, %shift_right_arithmetic3A_823 : vector<16xi32>
        %min3A_827 = arith.constant 2047 : i32
        %min3A_828 = vector.broadcast %min3A_827 : i32 to vector<16xi32>
        %min3A_829 = arith.minui %sub3A_826, %min3A_828 : vector<16xi32>
        %shift_right_arithmetic3A_830 = arith.constant 3 : i32
        %shift_right_arithmetic3A_831 = vector.broadcast %shift_right_arithmetic3A_830 : i32 to vector<16xi32>
        %shift_right_arithmetic3A_832 = arith.shrsi %min3A_829, %shift_right_arithmetic3A_831 : vector<16xi32>
        %and3A_833 = arith.constant 7 : i32
        %and3A_834 = vector.broadcast %and3A_833 : i32 to vector<16xi32>
        %and3A_835 = arith.andi %min3A_829, %and3A_834 : vector<16xi32>
        %shift_left3A_836 = arith.constant 4 : i32
        %shift_left3A_837 = vector.broadcast %shift_left3A_836 : i32 to vector<16xi32>
        %shift_left3A_838 = arith.shli %and3A_835, %shift_left3A_837 : vector<16xi32>
        %add3A_839 = arith.addi %shift_left3A_838, %iota3A : vector<16xi32>
        %sub3A_840 = arith.constant 1.000000e+00 : f32
        %sub3A_841 = vector.broadcast %sub3A_840 : f32 to vector<16xf32>
        %sub3A_842 = arith.subf %sub3A_841, %get3A_710 : vector<16xf32>
        %max3A_843 = arith.maximumf %sub3A_842, %get3A_734 : vector<16xf32>
        %bitcast3A_844 = vector.bitcast %max3A_843 : vector<16xf32> to vector<16xi32>
        %shift_right_arithmetic3A_845 = arith.constant 17 : i32
        %shift_right_arithmetic3A_846 = vector.broadcast %shift_right_arithmetic3A_845 : i32 to vector<16xi32>
        %shift_right_arithmetic3A_847 = arith.shrsi %bitcast3A_844, %shift_right_arithmetic3A_846 : vector<16xi32>
        %sub3A_848 = arith.constant 8128 : i32
        %sub3A_849 = vector.broadcast %sub3A_848 : i32 to vector<16xi32>
        %sub3A_850 = arith.subi %sub3A_849, %shift_right_arithmetic3A_847 : vector<16xi32>
        %min3A_851 = arith.constant 2047 : i32
        %min3A_852 = vector.broadcast %min3A_851 : i32 to vector<16xi32>
        %min3A_853 = arith.minui %sub3A_850, %min3A_852 : vector<16xi32>
        %shift_right_arithmetic3A_854 = arith.constant 3 : i32
        %shift_right_arithmetic3A_855 = vector.broadcast %shift_right_arithmetic3A_854 : i32 to vector<16xi32>
        %shift_right_arithmetic3A_856 = arith.shrsi %min3A_853, %shift_right_arithmetic3A_855 : vector<16xi32>
        %and3A_857 = arith.constant 7 : i32
        %and3A_858 = vector.broadcast %and3A_857 : i32 to vector<16xi32>
        %and3A_859 = arith.andi %min3A_853, %and3A_858 : vector<16xi32>
        %shift_left3A_860 = arith.constant 4 : i32
        %shift_left3A_861 = vector.broadcast %shift_left3A_860 : i32 to vector<16xi32>
        %shift_left3A_862 = arith.shli %and3A_859, %shift_left3A_861 : vector<16xi32>
        %add3A_863 = arith.addi %shift_left3A_862, %iota3A : vector<16xi32>
        %sub3A_864 = arith.constant 1.000000e+00 : f32
        %sub3A_865 = vector.broadcast %sub3A_864 : f32 to vector<16xf32>
        %sub3A_866 = arith.subf %sub3A_865, %get3A_713 : vector<16xf32>
        %max3A_867 = arith.maximumf %sub3A_866, %get3A_737 : vector<16xf32>
        %bitcast3A_868 = vector.bitcast %max3A_867 : vector<16xf32> to vector<16xi32>
        %shift_right_arithmetic3A_869 = arith.constant 17 : i32
        %shift_right_arithmetic3A_870 = vector.broadcast %shift_right_arithmetic3A_869 : i32 to vector<16xi32>
        %shift_right_arithmetic3A_871 = arith.shrsi %bitcast3A_868, %shift_right_arithmetic3A_870 : vector<16xi32>
        %sub3A_872 = arith.constant 8128 : i32
        %sub3A_873 = vector.broadcast %sub3A_872 : i32 to vector<16xi32>
        %sub3A_874 = arith.subi %sub3A_873, %shift_right_arithmetic3A_871 : vector<16xi32>
        %min3A_875 = arith.constant 2047 : i32
        %min3A_876 = vector.broadcast %min3A_875 : i32 to vector<16xi32>
        %min3A_877 = arith.minui %sub3A_874, %min3A_876 : vector<16xi32>
        %shift_right_arithmetic3A_878 = arith.constant 3 : i32
        %shift_right_arithmetic3A_879 = vector.broadcast %shift_right_arithmetic3A_878 : i32 to vector<16xi32>
        %shift_right_arithmetic3A_880 = arith.shrsi %min3A_877, %shift_right_arithmetic3A_879 : vector<16xi32>
        %and3A_881 = arith.constant 7 : i32
        %and3A_882 = vector.broadcast %and3A_881 : i32 to vector<16xi32>
        %and3A_883 = arith.andi %min3A_877, %and3A_882 : vector<16xi32>
        %shift_left3A_884 = arith.constant 4 : i32
        %shift_left3A_885 = vector.broadcast %shift_left3A_884 : i32 to vector<16xi32>
        %shift_left3A_886 = arith.shli %and3A_883, %shift_left3A_885 : vector<16xi32>
        %add3A_887 = arith.addi %shift_left3A_886, %iota3A : vector<16xi32>
        %sub3A_888 = arith.constant 1.000000e+00 : f32
        %sub3A_889 = vector.broadcast %sub3A_888 : f32 to vector<16xf32>
        %sub3A_890 = arith.subf %sub3A_889, %get3A_716 : vector<16xf32>
        %max3A_891 = arith.maximumf %sub3A_890, %get3A_740 : vector<16xf32>
        %bitcast3A_892 = vector.bitcast %max3A_891 : vector<16xf32> to vector<16xi32>
        %shift_right_arithmetic3A_893 = arith.constant 17 : i32
        %shift_right_arithmetic3A_894 = vector.broadcast %shift_right_arithmetic3A_893 : i32 to vector<16xi32>
        %shift_right_arithmetic3A_895 = arith.shrsi %bitcast3A_892, %shift_right_arithmetic3A_894 : vector<16xi32>
        %sub3A_896 = arith.constant 8128 : i32
        %sub3A_897 = vector.broadcast %sub3A_896 : i32 to vector<16xi32>
        %sub3A_898 = arith.subi %sub3A_897, %shift_right_arithmetic3A_895 : vector<16xi32>
        %min3A_899 = arith.constant 2047 : i32
        %min3A_900 = vector.broadcast %min3A_899 : i32 to vector<16xi32>
        %min3A_901 = arith.minui %sub3A_898, %min3A_900 : vector<16xi32>
        %shift_right_arithmetic3A_902 = arith.constant 3 : i32
        %shift_right_arithmetic3A_903 = vector.broadcast %shift_right_arithmetic3A_902 : i32 to vector<16xi32>
        %shift_right_arithmetic3A_904 = arith.shrsi %min3A_901, %shift_right_arithmetic3A_903 : vector<16xi32>
        %and3A_905 = arith.constant 7 : i32
        %and3A_906 = vector.broadcast %and3A_905 : i32 to vector<16xi32>
        %and3A_907 = arith.andi %min3A_901, %and3A_906 : vector<16xi32>
        %shift_left3A_908 = arith.constant 4 : i32
        %shift_left3A_909 = vector.broadcast %shift_left3A_908 : i32 to vector<16xi32>
        %shift_left3A_910 = arith.shli %and3A_907, %shift_left3A_909 : vector<16xi32>
        %add3A_911 = arith.addi %shift_left3A_910, %iota3A : vector<16xi32>
        %sub3A_912 = arith.constant 1.000000e+00 : f32
        %sub3A_913 = vector.broadcast %sub3A_912 : f32 to vector<16xf32>
        %sub3A_914 = arith.subf %sub3A_913, %get3A_719 : vector<16xf32>
        %max3A_915 = arith.maximumf %sub3A_914, %get3A_743 : vector<16xf32>
        %bitcast3A_916 = vector.bitcast %max3A_915 : vector<16xf32> to vector<16xi32>
        %shift_right_arithmetic3A_917 = arith.constant 17 : i32
        %shift_right_arithmetic3A_918 = vector.broadcast %shift_right_arithmetic3A_917 : i32 to vector<16xi32>
        %shift_right_arithmetic3A_919 = arith.shrsi %bitcast3A_916, %shift_right_arithmetic3A_918 : vector<16xi32>
        %sub3A_920 = arith.constant 8128 : i32
        %sub3A_921 = vector.broadcast %sub3A_920 : i32 to vector<16xi32>
        %sub3A_922 = arith.subi %sub3A_921, %shift_right_arithmetic3A_919 : vector<16xi32>
        %min3A_923 = arith.constant 2047 : i32
        %min3A_924 = vector.broadcast %min3A_923 : i32 to vector<16xi32>
        %min3A_925 = arith.minui %sub3A_922, %min3A_924 : vector<16xi32>
        %shift_right_arithmetic3A_926 = arith.constant 3 : i32
        %shift_right_arithmetic3A_927 = vector.broadcast %shift_right_arithmetic3A_926 : i32 to vector<16xi32>
        %shift_right_arithmetic3A_928 = arith.shrsi %min3A_925, %shift_right_arithmetic3A_927 : vector<16xi32>
        %and3A_929 = arith.constant 7 : i32
        %and3A_930 = vector.broadcast %and3A_929 : i32 to vector<16xi32>
        %and3A_931 = arith.andi %min3A_925, %and3A_930 : vector<16xi32>
        %shift_left3A_932 = arith.constant 4 : i32
        %shift_left3A_933 = vector.broadcast %shift_left3A_932 : i32 to vector<16xi32>
        %shift_left3A_934 = arith.shli %and3A_931, %shift_left3A_933 : vector<16xi32>
        %add3A_935 = arith.addi %shift_left3A_934, %iota3A : vector<16xi32>
        tpu.vector_store_idx %arg13[%shift_right_arithmetic3A_760, %add3A_767], %broadcast_in_dim3A_7 {add = true} : memref<256x128xf32, #tpu.memory_space<vmem>>[vector<16xi32>, vector<16xi32>], vector<16xf32>,
        tpu.vector_store_idx %arg13[%shift_right_arithmetic3A_784, %add3A_791], %broadcast_in_dim3A_7 {add = true} : memref<256x128xf32, #tpu.memory_space<vmem>>[vector<16xi32>, vector<16xi32>], vector<16xf32>,
        tpu.vector_store_idx %arg13[%shift_right_arithmetic3A_808, %add3A_815], %broadcast_in_dim3A_7 {add = true} : memref<256x128xf32, #tpu.memory_space<vmem>>[vector<16xi32>, vector<16xi32>], vector<16xf32>,
        tpu.vector_store_idx %arg13[%shift_right_arithmetic3A_832, %add3A_839], %broadcast_in_dim3A_7 {add = true} : memref<256x128xf32, #tpu.memory_space<vmem>>[vector<16xi32>, vector<16xi32>], vector<16xf32>,
        tpu.vector_store_idx %arg13[%shift_right_arithmetic3A_856, %add3A_863], %broadcast_in_dim3A_7 {add = true} : memref<256x128xf32, #tpu.memory_space<vmem>>[vector<16xi32>, vector<16xi32>], vector<16xf32>,
        tpu.vector_store_idx %arg13[%shift_right_arithmetic3A_880, %add3A_887], %broadcast_in_dim3A_7 {add = true} : memref<256x128xf32, #tpu.memory_space<vmem>>[vector<16xi32>, vector<16xi32>], vector<16xf32>,
        tpu.vector_store_idx %arg13[%shift_right_arithmetic3A_904, %add3A_911], %broadcast_in_dim3A_7 {add = true} : memref<256x128xf32, #tpu.memory_space<vmem>>[vector<16xi32>, vector<16xi32>], vector<16xf32>,
        tpu.vector_store_idx %arg13[%shift_right_arithmetic3A_928, %add3A_935], %broadcast_in_dim3A_7 {add = true} : memref<256x128xf32, #tpu.memory_space<vmem>>[vector<16xi32>, vector<16xi32>], vector<16xf32>,
        %get3A_936 = arith.index_cast %scan3A_220 : i32 to index
        %get3A_937 = arith.constant 384 : index
        %get3A_938 = tpu.vector_load %arg8[%get3A_936, %get3A_937] {strides = array<i32>} : memref<16x512xf32, #tpu.memory_space<vmem>>, vector<16xf32>,
        %get3A_939 = arith.index_cast %scan3A_220 : i32 to index
        %get3A_940 = arith.constant 400 : index
        %get3A_941 = tpu.vector_load %arg8[%get3A_939, %get3A_940] {strides = array<i32>} : memref<16x512xf32, #tpu.memory_space<vmem>>, vector<16xf32>,
        %get3A_942 = arith.index_cast %scan3A_220 : i32 to index
        %get3A_943 = arith.constant 416 : index
        %get3A_944 = tpu.vector_load %arg8[%get3A_942, %get3A_943] {strides = array<i32>} : memref<16x512xf32, #tpu.memory_space<vmem>>, vector<16xf32>,
        %get3A_945 = arith.index_cast %scan3A_220 : i32 to index
        %get3A_946 = arith.constant 432 : index
        %get3A_947 = tpu.vector_load %arg8[%get3A_945, %get3A_946] {strides = array<i32>} : memref<16x512xf32, #tpu.memory_space<vmem>>, vector<16xf32>,
        %get3A_948 = arith.index_cast %scan3A_220 : i32 to index
        %get3A_949 = arith.constant 448 : index
        %get3A_950 = tpu.vector_load %arg8[%get3A_948, %get3A_949] {strides = array<i32>} : memref<16x512xf32, #tpu.memory_space<vmem>>, vector<16xf32>,
        %get3A_951 = arith.index_cast %scan3A_220 : i32 to index
        %get3A_952 = arith.constant 464 : index
        %get3A_953 = tpu.vector_load %arg8[%get3A_951, %get3A_952] {strides = array<i32>} : memref<16x512xf32, #tpu.memory_space<vmem>>, vector<16xf32>,
        %get3A_954 = arith.index_cast %scan3A_220 : i32 to index
        %get3A_955 = arith.constant 480 : index
        %get3A_956 = tpu.vector_load %arg8[%get3A_954, %get3A_955] {strides = array<i32>} : memref<16x512xf32, #tpu.memory_space<vmem>>, vector<16xf32>,
        %get3A_957 = arith.index_cast %scan3A_220 : i32 to index
        %get3A_958 = arith.constant 496 : index
        %get3A_959 = tpu.vector_load %arg8[%get3A_957, %get3A_958] {strides = array<i32>} : memref<16x512xf32, #tpu.memory_space<vmem>>, vector<16xf32>,
        %get3A_960 = arith.index_cast %scan3A_220 : i32 to index
        %get3A_961 = arith.constant 384 : index
        %get3A_962 = tpu.vector_load %arg12[%get3A_960, %get3A_961] {strides = array<i32>} : memref<16x512xf32, #tpu.memory_space<vmem>>, vector<16xf32>,
        %get3A_963 = arith.index_cast %scan3A_220 : i32 to index
        %get3A_964 = arith.constant 400 : index
        %get3A_965 = tpu.vector_load %arg12[%get3A_963, %get3A_964] {strides = array<i32>} : memref<16x512xf32, #tpu.memory_space<vmem>>, vector<16xf32>,
        %get3A_966 = arith.index_cast %scan3A_220 : i32 to index
        %get3A_967 = arith.constant 416 : index
        %get3A_968 = tpu.vector_load %arg12[%get3A_966, %get3A_967] {strides = array<i32>} : memref<16x512xf32, #tpu.memory_space<vmem>>, vector<16xf32>,
        %get3A_969 = arith.index_cast %scan3A_220 : i32 to index
        %get3A_970 = arith.constant 432 : index
        %get3A_971 = tpu.vector_load %arg12[%get3A_969, %get3A_970] {strides = array<i32>} : memref<16x512xf32, #tpu.memory_space<vmem>>, vector<16xf32>,
        %get3A_972 = arith.index_cast %scan3A_220 : i32 to index
        %get3A_973 = arith.constant 448 : index
        %get3A_974 = tpu.vector_load %arg12[%get3A_972, %get3A_973] {strides = array<i32>} : memref<16x512xf32, #tpu.memory_space<vmem>>, vector<16xf32>,
        %get3A_975 = arith.index_cast %scan3A_220 : i32 to index
        %get3A_976 = arith.constant 464 : index
        %get3A_977 = tpu.vector_load %arg12[%get3A_975, %get3A_976] {strides = array<i32>} : memref<16x512xf32, #tpu.memory_space<vmem>>, vector<16xf32>,
        %get3A_978 = arith.index_cast %scan3A_220 : i32 to index
        %get3A_979 = arith.constant 480 : index
        %get3A_980 = tpu.vector_load %arg12[%get3A_978, %get3A_979] {strides = array<i32>} : memref<16x512xf32, #tpu.memory_space<vmem>>, vector<16xf32>,
        %get3A_981 = arith.index_cast %scan3A_220 : i32 to index
        %get3A_982 = arith.constant 496 : index
        %get3A_983 = tpu.vector_load %arg12[%get3A_981, %get3A_982] {strides = array<i32>} : memref<16x512xf32, #tpu.memory_space<vmem>>, vector<16xf32>,
        %sub3A_984 = arith.constant 1.000000e+00 : f32
        %sub3A_985 = vector.broadcast %sub3A_984 : f32 to vector<16xf32>
        %sub3A_986 = arith.subf %sub3A_985, %get3A_938 : vector<16xf32>
        %max3A_987 = arith.maximumf %sub3A_986, %get3A_962 : vector<16xf32>
        %bitcast3A_988 = vector.bitcast %max3A_987 : vector<16xf32> to vector<16xi32>
        %shift_right_arithmetic3A_989 = arith.constant 17 : i32
        %shift_right_arithmetic3A_990 = vector.broadcast %shift_right_arithmetic3A_989 : i32 to vector<16xi32>
        %shift_right_arithmetic3A_991 = arith.shrsi %bitcast3A_988, %shift_right_arithmetic3A_990 : vector<16xi32>
        %sub3A_992 = arith.constant 8128 : i32
        %sub3A_993 = vector.broadcast %sub3A_992 : i32 to vector<16xi32>
        %sub3A_994 = arith.subi %sub3A_993, %shift_right_arithmetic3A_991 : vector<16xi32>
        %min3A_995 = arith.constant 2047 : i32
        %min3A_996 = vector.broadcast %min3A_995 : i32 to vector<16xi32>
        %min3A_997 = arith.minui %sub3A_994, %min3A_996 : vector<16xi32>
        %shift_right_arithmetic3A_998 = arith.constant 3 : i32
        %shift_right_arithmetic3A_999 = vector.broadcast %shift_right_arithmetic3A_998 : i32 to vector<16xi32>
        %shift_right_arithmetic3A_1000 = arith.shrsi %min3A_997, %shift_right_arithmetic3A_999 : vector<16xi32>
        %and3A_1001 = arith.constant 7 : i32
        %and3A_1002 = vector.broadcast %and3A_1001 : i32 to vector<16xi32>
        %and3A_1003 = arith.andi %min3A_997, %and3A_1002 : vector<16xi32>
        %shift_left3A_1004 = arith.constant 4 : i32
        %shift_left3A_1005 = vector.broadcast %shift_left3A_1004 : i32 to vector<16xi32>
        %shift_left3A_1006 = arith.shli %and3A_1003, %shift_left3A_1005 : vector<16xi32>
        %add3A_1007 = arith.addi %shift_left3A_1006, %iota3A : vector<16xi32>
        %sub3A_1008 = arith.constant 1.000000e+00 : f32
        %sub3A_1009 = vector.broadcast %sub3A_1008 : f32 to vector<16xf32>
        %sub3A_1010 = arith.subf %sub3A_1009, %get3A_941 : vector<16xf32>
        %max3A_1011 = arith.maximumf %sub3A_1010, %get3A_965 : vector<16xf32>
        %bitcast3A_1012 = vector.bitcast %max3A_1011 : vector<16xf32> to vector<16xi32>
        %shift_right_arithmetic3A_1013 = arith.constant 17 : i32
        %shift_right_arithmetic3A_1014 = vector.broadcast %shift_right_arithmetic3A_1013 : i32 to vector<16xi32>
        %shift_right_arithmetic3A_1015 = arith.shrsi %bitcast3A_1012, %shift_right_arithmetic3A_1014 : vector<16xi32>
        %sub3A_1016 = arith.constant 8128 : i32
        %sub3A_1017 = vector.broadcast %sub3A_1016 : i32 to vector<16xi32>
        %sub3A_1018 = arith.subi %sub3A_1017, %shift_right_arithmetic3A_1015 : vector<16xi32>
        %min3A_1019 = arith.constant 2047 : i32
        %min3A_1020 = vector.broadcast %min3A_1019 : i32 to vector<16xi32>
        %min3A_1021 = arith.minui %sub3A_1018, %min3A_1020 : vector<16xi32>
        %shift_right_arithmetic3A_1022 = arith.constant 3 : i32
        %shift_right_arithmetic3A_1023 = vector.broadcast %shift_right_arithmetic3A_1022 : i32 to vector<16xi32>
        %shift_right_arithmetic3A_1024 = arith.shrsi %min3A_1021, %shift_right_arithmetic3A_1023 : vector<16xi32>
        %and3A_1025 = arith.constant 7 : i32
        %and3A_1026 = vector.broadcast %and3A_1025 : i32 to vector<16xi32>
        %and3A_1027 = arith.andi %min3A_1021, %and3A_1026 : vector<16xi32>
        %shift_left3A_1028 = arith.constant 4 : i32
        %shift_left3A_1029 = vector.broadcast %shift_left3A_1028 : i32 to vector<16xi32>
        %shift_left3A_1030 = arith.shli %and3A_1027, %shift_left3A_1029 : vector<16xi32>
        %add3A_1031 = arith.addi %shift_left3A_1030, %iota3A : vector<16xi32>
        %sub3A_1032 = arith.constant 1.000000e+00 : f32
        %sub3A_1033 = vector.broadcast %sub3A_1032 : f32 to vector<16xf32>
        %sub3A_1034 = arith.subf %sub3A_1033, %get3A_944 : vector<16xf32>
        %max3A_1035 = arith.maximumf %sub3A_1034, %get3A_968 : vector<16xf32>
        %bitcast3A_1036 = vector.bitcast %max3A_1035 : vector<16xf32> to vector<16xi32>
        %shift_right_arithmetic3A_1037 = arith.constant 17 : i32
        %shift_right_arithmetic3A_1038 = vector.broadcast %shift_right_arithmetic3A_1037 : i32 to vector<16xi32>
        %shift_right_arithmetic3A_1039 = arith.shrsi %bitcast3A_1036, %shift_right_arithmetic3A_1038 : vector<16xi32>
        %sub3A_1040 = arith.constant 8128 : i32
        %sub3A_1041 = vector.broadcast %sub3A_1040 : i32 to vector<16xi32>
        %sub3A_1042 = arith.subi %sub3A_1041, %shift_right_arithmetic3A_1039 : vector<16xi32>
        %min3A_1043 = arith.constant 2047 : i32
        %min3A_1044 = vector.broadcast %min3A_1043 : i32 to vector<16xi32>
        %min3A_1045 = arith.minui %sub3A_1042, %min3A_1044 : vector<16xi32>
        %shift_right_arithmetic3A_1046 = arith.constant 3 : i32
        %shift_right_arithmetic3A_1047 = vector.broadcast %shift_right_arithmetic3A_1046 : i32 to vector<16xi32>
        %shift_right_arithmetic3A_1048 = arith.shrsi %min3A_1045, %shift_right_arithmetic3A_1047 : vector<16xi32>
        %and3A_1049 = arith.constant 7 : i32
        %and3A_1050 = vector.broadcast %and3A_1049 : i32 to vector<16xi32>
        %and3A_1051 = arith.andi %min3A_1045, %and3A_1050 : vector<16xi32>
        %shift_left3A_1052 = arith.constant 4 : i32
        %shift_left3A_1053 = vector.broadcast %shift_left3A_1052 : i32 to vector<16xi32>
        %shift_left3A_1054 = arith.shli %and3A_1051, %shift_left3A_1053 : vector<16xi32>
        %add3A_1055 = arith.addi %shift_left3A_1054, %iota3A : vector<16xi32>
        %sub3A_1056 = arith.constant 1.000000e+00 : f32
        %sub3A_1057 = vector.broadcast %sub3A_1056 : f32 to vector<16xf32>
        %sub3A_1058 = arith.subf %sub3A_1057, %get3A_947 : vector<16xf32>
        %max3A_1059 = arith.maximumf %sub3A_1058, %get3A_971 : vector<16xf32>
        %bitcast3A_1060 = vector.bitcast %max3A_1059 : vector<16xf32> to vector<16xi32>
        %shift_right_arithmetic3A_1061 = arith.constant 17 : i32
        %shift_right_arithmetic3A_1062 = vector.broadcast %shift_right_arithmetic3A_1061 : i32 to vector<16xi32>
        %shift_right_arithmetic3A_1063 = arith.shrsi %bitcast3A_1060, %shift_right_arithmetic3A_1062 : vector<16xi32>
        %sub3A_1064 = arith.constant 8128 : i32
        %sub3A_1065 = vector.broadcast %sub3A_1064 : i32 to vector<16xi32>
        %sub3A_1066 = arith.subi %sub3A_1065, %shift_right_arithmetic3A_1063 : vector<16xi32>
        %min3A_1067 = arith.constant 2047 : i32
        %min3A_1068 = vector.broadcast %min3A_1067 : i32 to vector<16xi32>
        %min3A_1069 = arith.minui %sub3A_1066, %min3A_1068 : vector<16xi32>
        %shift_right_arithmetic3A_1070 = arith.constant 3 : i32
        %shift_right_arithmetic3A_1071 = vector.broadcast %shift_right_arithmetic3A_1070 : i32 to vector<16xi32>
        %shift_right_arithmetic3A_1072 = arith.shrsi %min3A_1069, %shift_right_arithmetic3A_1071 : vector<16xi32>
        %and3A_1073 = arith.constant 7 : i32
        %and3A_1074 = vector.broadcast %and3A_1073 : i32 to vector<16xi32>
        %and3A_1075 = arith.andi %min3A_1069, %and3A_1074 : vector<16xi32>
        %shift_left3A_1076 = arith.constant 4 : i32
        %shift_left3A_1077 = vector.broadcast %shift_left3A_1076 : i32 to vector<16xi32>
        %shift_left3A_1078 = arith.shli %and3A_1075, %shift_left3A_1077 : vector<16xi32>
        %add3A_1079 = arith.addi %shift_left3A_1078, %iota3A : vector<16xi32>
        %sub3A_1080 = arith.constant 1.000000e+00 : f32
        %sub3A_1081 = vector.broadcast %sub3A_1080 : f32 to vector<16xf32>
        %sub3A_1082 = arith.subf %sub3A_1081, %get3A_950 : vector<16xf32>
        %max3A_1083 = arith.maximumf %sub3A_1082, %get3A_974 : vector<16xf32>
        %bitcast3A_1084 = vector.bitcast %max3A_1083 : vector<16xf32> to vector<16xi32>
        %shift_right_arithmetic3A_1085 = arith.constant 17 : i32
        %shift_right_arithmetic3A_1086 = vector.broadcast %shift_right_arithmetic3A_1085 : i32 to vector<16xi32>
        %shift_right_arithmetic3A_1087 = arith.shrsi %bitcast3A_1084, %shift_right_arithmetic3A_1086 : vector<16xi32>
        %sub3A_1088 = arith.constant 8128 : i32
        %sub3A_1089 = vector.broadcast %sub3A_1088 : i32 to vector<16xi32>
        %sub3A_1090 = arith.subi %sub3A_1089, %shift_right_arithmetic3A_1087 : vector<16xi32>
        %min3A_1091 = arith.constant 2047 : i32
        %min3A_1092 = vector.broadcast %min3A_1091 : i32 to vector<16xi32>
        %min3A_1093 = arith.minui %sub3A_1090, %min3A_1092 : vector<16xi32>
        %shift_right_arithmetic3A_1094 = arith.constant 3 : i32
        %shift_right_arithmetic3A_1095 = vector.broadcast %shift_right_arithmetic3A_1094 : i32 to vector<16xi32>
        %shift_right_arithmetic3A_1096 = arith.shrsi %min3A_1093, %shift_right_arithmetic3A_1095 : vector<16xi32>
        %and3A_1097 = arith.constant 7 : i32
        %and3A_1098 = vector.broadcast %and3A_1097 : i32 to vector<16xi32>
        %and3A_1099 = arith.andi %min3A_1093, %and3A_1098 : vector<16xi32>
        %shift_left3A_1100 = arith.constant 4 : i32
        %shift_left3A_1101 = vector.broadcast %shift_left3A_1100 : i32 to vector<16xi32>
        %shift_left3A_1102 = arith.shli %and3A_1099, %shift_left3A_1101 : vector<16xi32>
        %add3A_1103 = arith.addi %shift_left3A_1102, %iota3A : vector<16xi32>
        %sub3A_1104 = arith.constant 1.000000e+00 : f32
        %sub3A_1105 = vector.broadcast %sub3A_1104 : f32 to vector<16xf32>
        %sub3A_1106 = arith.subf %sub3A_1105, %get3A_953 : vector<16xf32>
        %max3A_1107 = arith.maximumf %sub3A_1106, %get3A_977 : vector<16xf32>
        %bitcast3A_1108 = vector.bitcast %max3A_1107 : vector<16xf32> to vector<16xi32>
        %shift_right_arithmetic3A_1109 = arith.constant 17 : i32
        %shift_right_arithmetic3A_1110 = vector.broadcast %shift_right_arithmetic3A_1109 : i32 to vector<16xi32>
        %shift_right_arithmetic3A_1111 = arith.shrsi %bitcast3A_1108, %shift_right_arithmetic3A_1110 : vector<16xi32>
        %sub3A_1112 = arith.constant 8128 : i32
        %sub3A_1113 = vector.broadcast %sub3A_1112 : i32 to vector<16xi32>
        %sub3A_1114 = arith.subi %sub3A_1113, %shift_right_arithmetic3A_1111 : vector<16xi32>
        %min3A_1115 = arith.constant 2047 : i32
        %min3A_1116 = vector.broadcast %min3A_1115 : i32 to vector<16xi32>
        %min3A_1117 = arith.minui %sub3A_1114, %min3A_1116 : vector<16xi32>
        %shift_right_arithmetic3A_1118 = arith.constant 3 : i32
        %shift_right_arithmetic3A_1119 = vector.broadcast %shift_right_arithmetic3A_1118 : i32 to vector<16xi32>
        %shift_right_arithmetic3A_1120 = arith.shrsi %min3A_1117, %shift_right_arithmetic3A_1119 : vector<16xi32>
        %and3A_1121 = arith.constant 7 : i32
        %and3A_1122 = vector.broadcast %and3A_1121 : i32 to vector<16xi32>
        %and3A_1123 = arith.andi %min3A_1117, %and3A_1122 : vector<16xi32>
        %shift_left3A_1124 = arith.constant 4 : i32
        %shift_left3A_1125 = vector.broadcast %shift_left3A_1124 : i32 to vector<16xi32>
        %shift_left3A_1126 = arith.shli %and3A_1123, %shift_left3A_1125 : vector<16xi32>
        %add3A_1127 = arith.addi %shift_left3A_1126, %iota3A : vector<16xi32>
        %sub3A_1128 = arith.constant 1.000000e+00 : f32
        %sub3A_1129 = vector.broadcast %sub3A_1128 : f32 to vector<16xf32>
        %sub3A_1130 = arith.subf %sub3A_1129, %get3A_956 : vector<16xf32>
        %max3A_1131 = arith.maximumf %sub3A_1130, %get3A_980 : vector<16xf32>
        %bitcast3A_1132 = vector.bitcast %max3A_1131 : vector<16xf32> to vector<16xi32>
        %shift_right_arithmetic3A_1133 = arith.constant 17 : i32
        %shift_right_arithmetic3A_1134 = vector.broadcast %shift_right_arithmetic3A_1133 : i32 to vector<16xi32>
        %shift_right_arithmetic3A_1135 = arith.shrsi %bitcast3A_1132, %shift_right_arithmetic3A_1134 : vector<16xi32>
        %sub3A_1136 = arith.constant 8128 : i32
        %sub3A_1137 = vector.broadcast %sub3A_1136 : i32 to vector<16xi32>
        %sub3A_1138 = arith.subi %sub3A_1137, %shift_right_arithmetic3A_1135 : vector<16xi32>
        %min3A_1139 = arith.constant 2047 : i32
        %min3A_1140 = vector.broadcast %min3A_1139 : i32 to vector<16xi32>
        %min3A_1141 = arith.minui %sub3A_1138, %min3A_1140 : vector<16xi32>
        %shift_right_arithmetic3A_1142 = arith.constant 3 : i32
        %shift_right_arithmetic3A_1143 = vector.broadcast %shift_right_arithmetic3A_1142 : i32 to vector<16xi32>
        %shift_right_arithmetic3A_1144 = arith.shrsi %min3A_1141, %shift_right_arithmetic3A_1143 : vector<16xi32>
        %and3A_1145 = arith.constant 7 : i32
        %and3A_1146 = vector.broadcast %and3A_1145 : i32 to vector<16xi32>
        %and3A_1147 = arith.andi %min3A_1141, %and3A_1146 : vector<16xi32>
        %shift_left3A_1148 = arith.constant 4 : i32
        %shift_left3A_1149 = vector.broadcast %shift_left3A_1148 : i32 to vector<16xi32>
        %shift_left3A_1150 = arith.shli %and3A_1147, %shift_left3A_1149 : vector<16xi32>
        %add3A_1151 = arith.addi %shift_left3A_1150, %iota3A : vector<16xi32>
        %sub3A_1152 = arith.constant 1.000000e+00 : f32
        %sub3A_1153 = vector.broadcast %sub3A_1152 : f32 to vector<16xf32>
        %sub3A_1154 = arith.subf %sub3A_1153, %get3A_959 : vector<16xf32>
        %max3A_1155 = arith.maximumf %sub3A_1154, %get3A_983 : vector<16xf32>
        %bitcast3A_1156 = vector.bitcast %max3A_1155 : vector<16xf32> to vector<16xi32>
        %shift_right_arithmetic3A_1157 = arith.constant 17 : i32
        %shift_right_arithmetic3A_1158 = vector.broadcast %shift_right_arithmetic3A_1157 : i32 to vector<16xi32>
        %shift_right_arithmetic3A_1159 = arith.shrsi %bitcast3A_1156, %shift_right_arithmetic3A_1158 : vector<16xi32>
        %sub3A_1160 = arith.constant 8128 : i32
        %sub3A_1161 = vector.broadcast %sub3A_1160 : i32 to vector<16xi32>
        %sub3A_1162 = arith.subi %sub3A_1161, %shift_right_arithmetic3A_1159 : vector<16xi32>
        %min3A_1163 = arith.constant 2047 : i32
        %min3A_1164 = vector.broadcast %min3A_1163 : i32 to vector<16xi32>
        %min3A_1165 = arith.minui %sub3A_1162, %min3A_1164 : vector<16xi32>
        %shift_right_arithmetic3A_1166 = arith.constant 3 : i32
        %shift_right_arithmetic3A_1167 = vector.broadcast %shift_right_arithmetic3A_1166 : i32 to vector<16xi32>
        %shift_right_arithmetic3A_1168 = arith.shrsi %min3A_1165, %shift_right_arithmetic3A_1167 : vector<16xi32>
        %and3A_1169 = arith.constant 7 : i32
        %and3A_1170 = vector.broadcast %and3A_1169 : i32 to vector<16xi32>
        %and3A_1171 = arith.andi %min3A_1165, %and3A_1170 : vector<16xi32>
        %shift_left3A_1172 = arith.constant 4 : i32
        %shift_left3A_1173 = vector.broadcast %shift_left3A_1172 : i32 to vector<16xi32>
        %shift_left3A_1174 = arith.shli %and3A_1171, %shift_left3A_1173 : vector<16xi32>
        %add3A_1175 = arith.addi %shift_left3A_1174, %iota3A : vector<16xi32>
        tpu.vector_store_idx %arg13[%shift_right_arithmetic3A_1000, %add3A_1007], %broadcast_in_dim3A_7 {add = true} : memref<256x128xf32, #tpu.memory_space<vmem>>[vector<16xi32>, vector<16xi32>], vector<16xf32>,
        tpu.vector_store_idx %arg13[%shift_right_arithmetic3A_1024, %add3A_1031], %broadcast_in_dim3A_7 {add = true} : memref<256x128xf32, #tpu.memory_space<vmem>>[vector<16xi32>, vector<16xi32>], vector<16xf32>,
        tpu.vector_store_idx %arg13[%shift_right_arithmetic3A_1048, %add3A_1055], %broadcast_in_dim3A_7 {add = true} : memref<256x128xf32, #tpu.memory_space<vmem>>[vector<16xi32>, vector<16xi32>], vector<16xf32>,
        tpu.vector_store_idx %arg13[%shift_right_arithmetic3A_1072, %add3A_1079], %broadcast_in_dim3A_7 {add = true} : memref<256x128xf32, #tpu.memory_space<vmem>>[vector<16xi32>, vector<16xi32>], vector<16xf32>,
        tpu.vector_store_idx %arg13[%shift_right_arithmetic3A_1096, %add3A_1103], %broadcast_in_dim3A_7 {add = true} : memref<256x128xf32, #tpu.memory_space<vmem>>[vector<16xi32>, vector<16xi32>], vector<16xf32>,
        tpu.vector_store_idx %arg13[%shift_right_arithmetic3A_1120, %add3A_1127], %broadcast_in_dim3A_7 {add = true} : memref<256x128xf32, #tpu.memory_space<vmem>>[vector<16xi32>, vector<16xi32>], vector<16xf32>,
        tpu.vector_store_idx %arg13[%shift_right_arithmetic3A_1144, %add3A_1151], %broadcast_in_dim3A_7 {add = true} : memref<256x128xf32, #tpu.memory_space<vmem>>[vector<16xi32>, vector<16xi32>], vector<16xf32>,
        tpu.vector_store_idx %arg13[%shift_right_arithmetic3A_1168, %add3A_1175], %broadcast_in_dim3A_7 {add = true} : memref<256x128xf32, #tpu.memory_space<vmem>>[vector<16xi32>, vector<16xi32>], vector<16xf32>,
      }
      %scan3A_219 = arith.constant 16 : i32
    }
    %scan3A_65 = arith.constant 4 : i32
    %mul3A_66 = arith.constant 256 : i32
    %mul3A_67 = arith.muli %add3A, %mul3A_66 : i32
    "tpu.region"() ({
      %run_scoped3A = tpu.sem_alloc : memref<!tpu.dma_semaphore, #tpu.memory_space<semaphore_mem>>
      %dma_start3A_68 = arith.constant 0 : i32
      %dma_start3A_69 = tpu.memref_slice %arg4[%mul3A_67, %dma_start3A_68] : memref<8192x128xf32, #tpu.memory_space<hbm>> -> memref<256x128xf32, #tpu.memory_space<hbm>>
      %dma_start3A_70 = arith.constant 0 : i32
      %dma_start3A_71 = tpu.memref_slice %arg4[%mul3A_67, %dma_start3A_70] : memref<8192x128xf32, #tpu.memory_space<hbm>> -> memref<256x128xf32, #tpu.memory_space<hbm>>
      tpu.enqueue_dma source(%arg13 : memref<256x128xf32, #tpu.memory_space<vmem>>) target(%dma_start3A_71 : memref<256x128xf32, #tpu.memory_space<hbm>>) target_semaphore(%run_scoped3A : memref<!tpu.dma_semaphore, #tpu.memory_space<semaphore_mem>>)
      %dma_wait3A = arith.constant 0 : i32
      %dma_wait3A_72 = tpu.memref_slice %arg4[%mul3A_67, %dma_wait3A] : memref<8192x128xf32, #tpu.memory_space<hbm>> -> memref<256x128xf32, #tpu.memory_space<hbm>>
      %dma_wait3A_73 = arith.constant 0 : i32
      %dma_wait3A_74 = tpu.memref_slice %arg4[%mul3A_67, %dma_wait3A_73] : memref<8192x128xf32, #tpu.memory_space<hbm>> -> memref<256x128xf32, #tpu.memory_space<hbm>>
      tpu.wait_dma2 semaphore(%run_scoped3A : memref<!tpu.dma_semaphore, #tpu.memory_space<semaphore_mem>>) src(%arg13 : memref<256x128xf32, #tpu.memory_space<vmem>>) dst(%dma_wait3A_74 : memref<256x128xf32, #tpu.memory_space<hbm>>)
      tpu.yield
    }) : () -> ()
    return
  }
}

module attributes {stable_mosaic.version = 14 : i64} {
  func.func @_tc_dense_body(%arg0: i32, %arg1: memref<2x1x512x512xf32, #tpu.memory_space<vmem>>, %arg2: memref<2x1x512x512xf32, #tpu.memory_space<vmem>>, %arg3: memref<2x1x512x512xf32, #tpu.memory_space<vmem>>, %arg4: memref<2x1x512x512xf32, #tpu.memory_space<vmem>>, %arg5: memref<2x1x512x512xf32, #tpu.memory_space<vmem>>, %arg6: memref<2x1x512x512xf32, #tpu.memory_space<vmem>>, %arg7: memref<1x16xf32, #tpu.memory_space<smem>>) attributes {dimension_semantics = [#tpu.dimension_semantics<arbitrary>], iteration_bounds = array<i64: 8>, scalar_prefetch = 0 : i64, scratch_operands = 0 : i64, tpu.core_type = #tpu.core_type<tc>, window_params = [{transform_indices = @transform_0, window_bounds = array<i64: 2, 1, 512, 512>}, {transform_indices = @transform_1, window_bounds = array<i64: 2, 1, 512, 512>}, {transform_indices = @transform_2, window_bounds = array<i64: 2, 1, 512, 512>}, {transform_indices = @transform_3, window_bounds = array<i64: 2, 1, 512, 512>}, {transform_indices = @transform_4, window_bounds = array<i64: 2, 1, 512, 512>}, {transform_indices = @transform_5, window_bounds = array<i64: 2, 1, 512, 512>}, {transform_indices = @transform_6, window_bounds = array<i64: 1, 16>}]} {
    %get3A = arith.constant 0 : index
    %get3A_0 = arith.constant 0 : index
    %get3A_1 = arith.constant 0 : index
    %get3A_2 = arith.constant 0 : index
    %get3A_3 = vector.load %arg1[%get3A, %get3A_0, %get3A_1, %get3A_2] : memref<2x1x512x512xf32, #tpu.memory_space<vmem>>, vector<2x1x512x512xf32>
    %get3A_4 = arith.constant 0 : index
    %get3A_5 = arith.constant 0 : index
    %get3A_6 = arith.constant 0 : index
    %get3A_7 = arith.constant 0 : index
    %get3A_8 = vector.load %arg2[%get3A_4, %get3A_5, %get3A_6, %get3A_7] : memref<2x1x512x512xf32, #tpu.memory_space<vmem>>, vector<2x1x512x512xf32>
    %get3A_9 = arith.constant 0 : index
    %get3A_10 = arith.constant 0 : index
    %get3A_11 = arith.constant 0 : index
    %get3A_12 = arith.constant 0 : index
    %get3A_13 = vector.load %arg3[%get3A_9, %get3A_10, %get3A_11, %get3A_12] : memref<2x1x512x512xf32, #tpu.memory_space<vmem>>, vector<2x1x512x512xf32>
    %get3A_14 = arith.constant 0 : index
    %get3A_15 = arith.constant 0 : index
    %get3A_16 = arith.constant 0 : index
    %get3A_17 = arith.constant 0 : index
    %get3A_18 = vector.load %arg4[%get3A_14, %get3A_15, %get3A_16, %get3A_17] : memref<2x1x512x512xf32, #tpu.memory_space<vmem>>, vector<2x1x512x512xf32>
    %get3A_19 = arith.constant 0 : index
    %get3A_20 = arith.constant 0 : index
    %get3A_21 = arith.constant 0 : index
    %get3A_22 = arith.constant 0 : index
    %get3A_23 = vector.load %arg5[%get3A_19, %get3A_20, %get3A_21, %get3A_22] : memref<2x1x512x512xf32, #tpu.memory_space<vmem>>, vector<2x1x512x512xf32>
    %get3A_24 = arith.constant 0 : index
    %get3A_25 = arith.constant 0 : index
    %get3A_26 = arith.constant 0 : index
    %get3A_27 = arith.constant 0 : index
    %get3A_28 = vector.load %arg6[%get3A_24, %get3A_25, %get3A_26, %get3A_27] : memref<2x1x512x512xf32, #tpu.memory_space<vmem>>, vector<2x1x512x512xf32>
    %log3A = math.log %get3A_3 : vector<2x1x512x512xf32>
    %max3A = arith.constant -1.000000e+02 : f32
    %max3A_29 = vector.broadcast %max3A : f32 to vector<2x1x512x512xf32>
    %max3A_30 = arith.maximumf %log3A, %max3A_29 : vector<2x1x512x512xf32>
    %sub3A = arith.constant 1.000000e+00 : f32
    %sub3A_31 = vector.broadcast %sub3A : f32 to vector<2x1x512x512xf32>
    %sub3A_32 = arith.subf %sub3A_31, %get3A_3 : vector<2x1x512x512xf32>
    %max3A_33 = arith.maximumf %sub3A_32, %get3A_8 : vector<2x1x512x512xf32>
    %log3A_34 = math.log %max3A_33 : vector<2x1x512x512xf32>
    %max3A_35 = arith.constant -1.000000e+02 : f32
    %max3A_36 = vector.broadcast %max3A_35 : f32 to vector<2x1x512x512xf32>
    %max3A_37 = arith.maximumf %log3A_34, %max3A_36 : vector<2x1x512x512xf32>
    %neg3A = arith.constant 0.000000e+00 : f32
    %neg3A_38 = vector.broadcast %neg3A : f32 to vector<2x1x512x512xf32>
    %neg3A_39 = arith.subf %neg3A_38, %max3A_37 : vector<2x1x512x512xf32>
    %bitcast_convert_type3A = tpu.bitcast %max3A_33 : vector<2x1x512x512xf32> -> vector<2x1x512x512xi32>
    %lt3A = arith.constant 797179904 : i32
    %lt3A_40 = vector.broadcast %lt3A : i32 to vector<2x1x512x512xi32>
    %lt3A_41 = arith.cmpi slt, %bitcast_convert_type3A, %lt3A_40 : vector<2x1x512x512xi32>
    %reduce_sum3A = vector.shape_cast %get3A_8 : vector<2x1x512x512xf32> to vector<1x2x1x512x512xf32>
    %reduce_sum3A_42 = arith.constant dense<0.000000e+00> : vector<1xf32>
    %reduce_sum3A_43 = vector.multi_reduction <add>, %reduce_sum3A, %reduce_sum3A_42 [1, 2, 3, 4] : vector<1x2x1x512x512xf32> to vector<1xf32>
    %reduce_sum3A_44 = vector.shape_cast %reduce_sum3A_43 : vector<1xf32> to vector<1x1x1x1x1xf32>
    %reduce_sum3A_45 = vector.extract %reduce_sum3A_44[0, 0, 0, 0, 0] : f32 from vector<1x1x1x1x1xf32>
    %neg3A_46 = arith.constant 0.000000e+00 : f32
    %neg3A_47 = vector.broadcast %neg3A_46 : f32 to vector<2x1x512x512xf32>
    %neg3A_48 = arith.subf %neg3A_47, %max3A_30 : vector<2x1x512x512xf32>
    %mul3A = arith.mulf %get3A_8, %neg3A_48 : vector<2x1x512x512xf32>
    %reduce_sum3A_49 = vector.shape_cast %mul3A : vector<2x1x512x512xf32> to vector<1x2x1x512x512xf32>
    %reduce_sum3A_50 = arith.constant dense<0.000000e+00> : vector<1xf32>
    %reduce_sum3A_51 = vector.multi_reduction <add>, %reduce_sum3A_49, %reduce_sum3A_50 [1, 2, 3, 4] : vector<1x2x1x512x512xf32> to vector<1xf32>
    %reduce_sum3A_52 = vector.shape_cast %reduce_sum3A_51 : vector<1xf32> to vector<1x1x1x1x1xf32>
    %reduce_sum3A_53 = vector.extract %reduce_sum3A_52[0, 0, 0, 0, 0] : f32 from vector<1x1x1x1x1xf32>
    %reduce_sum3A_54 = vector.shape_cast %neg3A_39 : vector<2x1x512x512xf32> to vector<1x2x1x512x512xf32>
    %reduce_sum3A_55 = arith.constant dense<0.000000e+00> : vector<1xf32>
    %reduce_sum3A_56 = vector.multi_reduction <add>, %reduce_sum3A_54, %reduce_sum3A_55 [1, 2, 3, 4] : vector<1x2x1x512x512xf32> to vector<1xf32>
    %reduce_sum3A_57 = vector.shape_cast %reduce_sum3A_56 : vector<1xf32> to vector<1x1x1x1x1xf32>
    %reduce_sum3A_58 = vector.extract %reduce_sum3A_57[0, 0, 0, 0, 0] : f32 from vector<1x1x1x1x1xf32>
    %jit3A = arith.constant 0.000000e+00 : f32
    %broadcast_in_dim3A = vector.broadcast %jit3A : f32 to vector<2x1x512x512xf32>
    %select_n3A = arith.select %lt3A_41, %neg3A_39, %broadcast_in_dim3A : vector<2x1x512x512xi1>, vector<2x1x512x512xf32>
    %reduce_sum3A_59 = vector.shape_cast %select_n3A : vector<2x1x512x512xf32> to vector<1x2x1x512x512xf32>
    %reduce_sum3A_60 = arith.constant dense<0.000000e+00> : vector<1xf32>
    %reduce_sum3A_61 = vector.multi_reduction <add>, %reduce_sum3A_59, %reduce_sum3A_60 [1, 2, 3, 4] : vector<1x2x1x512x512xf32> to vector<1xf32>
    %reduce_sum3A_62 = vector.shape_cast %reduce_sum3A_61 : vector<1xf32> to vector<1x1x1x1x1xf32>
    %reduce_sum3A_63 = vector.extract %reduce_sum3A_62[0, 0, 0, 0, 0] : f32 from vector<1x1x1x1x1xf32>
    %jit3A_64 = arith.constant 1.000000e+00 : f32
    %jit3A_65 = arith.constant 0.000000e+00 : f32
    %broadcast_in_dim3A_66 = vector.broadcast %jit3A_64 : f32 to vector<2x1x512x512xf32>
    %broadcast_in_dim3A_67 = vector.broadcast %jit3A_65 : f32 to vector<2x1x512x512xf32>
    %select_n3A_68 = arith.select %lt3A_41, %broadcast_in_dim3A_66, %broadcast_in_dim3A_67 : vector<2x1x512x512xi1>, vector<2x1x512x512xf32>
    %reduce_sum3A_69 = vector.shape_cast %select_n3A_68 : vector<2x1x512x512xf32> to vector<1x2x1x512x512xf32>
    %reduce_sum3A_70 = arith.constant dense<0.000000e+00> : vector<1xf32>
    %reduce_sum3A_71 = vector.multi_reduction <add>, %reduce_sum3A_69, %reduce_sum3A_70 [1, 2, 3, 4] : vector<1x2x1x512x512xf32> to vector<1xf32>
    %reduce_sum3A_72 = vector.shape_cast %reduce_sum3A_71 : vector<1xf32> to vector<1x1x1x1x1xf32>
    %reduce_sum3A_73 = vector.extract %reduce_sum3A_72[0, 0, 0, 0, 0] : f32 from vector<1x1x1x1x1xf32>
    %reduce_sum3A_74 = vector.shape_cast %get3A_13 : vector<2x1x512x512xf32> to vector<1x2x1x512x512xf32>
    %reduce_sum3A_75 = arith.constant dense<0.000000e+00> : vector<1xf32>
    %reduce_sum3A_76 = vector.multi_reduction <add>, %reduce_sum3A_74, %reduce_sum3A_75 [1, 2, 3, 4] : vector<1x2x1x512x512xf32> to vector<1xf32>
    %reduce_sum3A_77 = vector.shape_cast %reduce_sum3A_76 : vector<1xf32> to vector<1x1x1x1x1xf32>
    %reduce_sum3A_78 = vector.extract %reduce_sum3A_77[0, 0, 0, 0, 0] : f32 from vector<1x1x1x1x1xf32>
    %mul3A_79 = arith.mulf %get3A_13, %get3A_8 : vector<2x1x512x512xf32>
    %reduce_sum3A_80 = vector.shape_cast %mul3A_79 : vector<2x1x512x512xf32> to vector<1x2x1x512x512xf32>
    %reduce_sum3A_81 = arith.constant dense<0.000000e+00> : vector<1xf32>
    %reduce_sum3A_82 = vector.multi_reduction <add>, %reduce_sum3A_80, %reduce_sum3A_81 [1, 2, 3, 4] : vector<1x2x1x512x512xf32> to vector<1xf32>
    %reduce_sum3A_83 = vector.shape_cast %reduce_sum3A_82 : vector<1xf32> to vector<1x1x1x1x1xf32>
    %reduce_sum3A_84 = vector.extract %reduce_sum3A_83[0, 0, 0, 0, 0] : f32 from vector<1x1x1x1x1xf32>
    %sub3A_85 = arith.subf %get3A_18, %get3A_23 : vector<2x1x512x512xf32>
    %abs3A = math.absf %sub3A_85 : vector<2x1x512x512xf32>
    %mul3A_86 = arith.mulf %abs3A, %get3A_28 : vector<2x1x512x512xf32>
    %reduce_sum3A_87 = vector.shape_cast %mul3A_86 : vector<2x1x512x512xf32> to vector<1x2x1x512x512xf32>
    %reduce_sum3A_88 = arith.constant dense<0.000000e+00> : vector<1xf32>
    %reduce_sum3A_89 = vector.multi_reduction <add>, %reduce_sum3A_87, %reduce_sum3A_88 [1, 2, 3, 4] : vector<1x2x1x512x512xf32> to vector<1xf32>
    %reduce_sum3A_90 = vector.shape_cast %reduce_sum3A_89 : vector<1xf32> to vector<1x1x1x1x1xf32>
    %reduce_sum3A_91 = vector.extract %reduce_sum3A_90[0, 0, 0, 0, 0] : f32 from vector<1x1x1x1x1xf32>
    %reduce_sum3A_92 = vector.shape_cast %get3A_28 : vector<2x1x512x512xf32> to vector<1x2x1x512x512xf32>
    %reduce_sum3A_93 = arith.constant dense<0.000000e+00> : vector<1xf32>
    %reduce_sum3A_94 = vector.multi_reduction <add>, %reduce_sum3A_92, %reduce_sum3A_93 [1, 2, 3, 4] : vector<1x2x1x512x512xf32> to vector<1xf32>
    %reduce_sum3A_95 = vector.shape_cast %reduce_sum3A_94 : vector<1xf32> to vector<1x1x1x1x1xf32>
    %reduce_sum3A_96 = vector.extract %reduce_sum3A_95[0, 0, 0, 0, 0] : f32 from vector<1x1x1x1x1xf32>
    %eq3A = arith.constant 0 : i32
    %eq3A_97 = arith.cmpi eq, %arg0, %eq3A : i32
    %convert_element_type3A = arith.extui %eq3A_97 : i1 to i32
    %cond3A = arith.constant 0 : i32
    %cond3A_98 = arith.cmpi ne, %convert_element_type3A, %cond3A : i32
    scf.if %cond3A_98 {
      %swap3A = arith.constant 0 : index
      %swap3A_103 = arith.constant 0 : index
      %swap3A_104 = memref.load %arg7[%swap3A, %swap3A_103] : memref<1x16xf32, #tpu.memory_space<smem>>
      memref.store %reduce_sum3A_45, %arg7[%swap3A, %swap3A_103] : memref<1x16xf32, #tpu.memory_space<smem>>
      %swap3A_105 = arith.constant 0 : index
      %swap3A_106 = arith.constant 1 : index
      %swap3A_107 = memref.load %arg7[%swap3A_105, %swap3A_106] : memref<1x16xf32, #tpu.memory_space<smem>>
      memref.store %reduce_sum3A_53, %arg7[%swap3A_105, %swap3A_106] : memref<1x16xf32, #tpu.memory_space<smem>>
      %swap3A_108 = arith.constant 0 : index
      %swap3A_109 = arith.constant 2 : index
      %swap3A_110 = memref.load %arg7[%swap3A_108, %swap3A_109] : memref<1x16xf32, #tpu.memory_space<smem>>
      memref.store %reduce_sum3A_58, %arg7[%swap3A_108, %swap3A_109] : memref<1x16xf32, #tpu.memory_space<smem>>
      %swap3A_111 = arith.constant 0 : index
      %swap3A_112 = arith.constant 3 : index
      %swap3A_113 = memref.load %arg7[%swap3A_111, %swap3A_112] : memref<1x16xf32, #tpu.memory_space<smem>>
      memref.store %reduce_sum3A_63, %arg7[%swap3A_111, %swap3A_112] : memref<1x16xf32, #tpu.memory_space<smem>>
      %swap3A_114 = arith.constant 0 : index
      %swap3A_115 = arith.constant 4 : index
      %swap3A_116 = memref.load %arg7[%swap3A_114, %swap3A_115] : memref<1x16xf32, #tpu.memory_space<smem>>
      memref.store %reduce_sum3A_73, %arg7[%swap3A_114, %swap3A_115] : memref<1x16xf32, #tpu.memory_space<smem>>
      %swap3A_117 = arith.constant 0 : index
      %swap3A_118 = arith.constant 5 : index
      %swap3A_119 = memref.load %arg7[%swap3A_117, %swap3A_118] : memref<1x16xf32, #tpu.memory_space<smem>>
      memref.store %reduce_sum3A_78, %arg7[%swap3A_117, %swap3A_118] : memref<1x16xf32, #tpu.memory_space<smem>>
      %swap3A_120 = arith.constant 0 : index
      %swap3A_121 = arith.constant 6 : index
      %swap3A_122 = memref.load %arg7[%swap3A_120, %swap3A_121] : memref<1x16xf32, #tpu.memory_space<smem>>
      memref.store %reduce_sum3A_84, %arg7[%swap3A_120, %swap3A_121] : memref<1x16xf32, #tpu.memory_space<smem>>
      %swap3A_123 = arith.constant 0 : index
      %swap3A_124 = arith.constant 7 : index
      %swap3A_125 = memref.load %arg7[%swap3A_123, %swap3A_124] : memref<1x16xf32, #tpu.memory_space<smem>>
      memref.store %reduce_sum3A_91, %arg7[%swap3A_123, %swap3A_124] : memref<1x16xf32, #tpu.memory_space<smem>>
      %swap3A_126 = arith.constant 0 : index
      %swap3A_127 = arith.constant 8 : index
      %swap3A_128 = memref.load %arg7[%swap3A_126, %swap3A_127] : memref<1x16xf32, #tpu.memory_space<smem>>
      memref.store %reduce_sum3A_96, %arg7[%swap3A_126, %swap3A_127] : memref<1x16xf32, #tpu.memory_space<smem>>
    } else {
    }
    %ne3A = arith.constant 0 : i32
    %ne3A_99 = arith.cmpi ne, %arg0, %ne3A : i32
    %convert_element_type3A_100 = arith.extui %ne3A_99 : i1 to i32
    %cond3A_101 = arith.constant 0 : i32
    %cond3A_102 = arith.cmpi ne, %convert_element_type3A_100, %cond3A_101 : i32
    scf.if %cond3A_102 {
      %get3A_103 = arith.constant 0 : index
      %get3A_104 = arith.constant 0 : index
      %get3A_105 = memref.load %arg7[%get3A_103, %get3A_104] : memref<1x16xf32, #tpu.memory_space<smem>>
      %add3A = arith.addf %get3A_105, %reduce_sum3A_45 : f32
      %swap3A = arith.constant 0 : index
      %swap3A_106 = arith.constant 0 : index
      %swap3A_107 = memref.load %arg7[%swap3A, %swap3A_106] : memref<1x16xf32, #tpu.memory_space<smem>>
      memref.store %add3A, %arg7[%swap3A, %swap3A_106] : memref<1x16xf32, #tpu.memory_space<smem>>
      %get3A_108 = arith.constant 0 : index
      %get3A_109 = arith.constant 1 : index
      %get3A_110 = memref.load %arg7[%get3A_108, %get3A_109] : memref<1x16xf32, #tpu.memory_space<smem>>
      %add3A_111 = arith.addf %get3A_110, %reduce_sum3A_53 : f32
      %swap3A_112 = arith.constant 0 : index
      %swap3A_113 = arith.constant 1 : index
      %swap3A_114 = memref.load %arg7[%swap3A_112, %swap3A_113] : memref<1x16xf32, #tpu.memory_space<smem>>
      memref.store %add3A_111, %arg7[%swap3A_112, %swap3A_113] : memref<1x16xf32, #tpu.memory_space<smem>>
      %get3A_115 = arith.constant 0 : index
      %get3A_116 = arith.constant 2 : index
      %get3A_117 = memref.load %arg7[%get3A_115, %get3A_116] : memref<1x16xf32, #tpu.memory_space<smem>>
      %add3A_118 = arith.addf %get3A_117, %reduce_sum3A_58 : f32
      %swap3A_119 = arith.constant 0 : index
      %swap3A_120 = arith.constant 2 : index
      %swap3A_121 = memref.load %arg7[%swap3A_119, %swap3A_120] : memref<1x16xf32, #tpu.memory_space<smem>>
      memref.store %add3A_118, %arg7[%swap3A_119, %swap3A_120] : memref<1x16xf32, #tpu.memory_space<smem>>
      %get3A_122 = arith.constant 0 : index
      %get3A_123 = arith.constant 3 : index
      %get3A_124 = memref.load %arg7[%get3A_122, %get3A_123] : memref<1x16xf32, #tpu.memory_space<smem>>
      %add3A_125 = arith.addf %get3A_124, %reduce_sum3A_63 : f32
      %swap3A_126 = arith.constant 0 : index
      %swap3A_127 = arith.constant 3 : index
      %swap3A_128 = memref.load %arg7[%swap3A_126, %swap3A_127] : memref<1x16xf32, #tpu.memory_space<smem>>
      memref.store %add3A_125, %arg7[%swap3A_126, %swap3A_127] : memref<1x16xf32, #tpu.memory_space<smem>>
      %get3A_129 = arith.constant 0 : index
      %get3A_130 = arith.constant 4 : index
      %get3A_131 = memref.load %arg7[%get3A_129, %get3A_130] : memref<1x16xf32, #tpu.memory_space<smem>>
      %add3A_132 = arith.addf %get3A_131, %reduce_sum3A_73 : f32
      %swap3A_133 = arith.constant 0 : index
      %swap3A_134 = arith.constant 4 : index
      %swap3A_135 = memref.load %arg7[%swap3A_133, %swap3A_134] : memref<1x16xf32, #tpu.memory_space<smem>>
      memref.store %add3A_132, %arg7[%swap3A_133, %swap3A_134] : memref<1x16xf32, #tpu.memory_space<smem>>
      %get3A_136 = arith.constant 0 : index
      %get3A_137 = arith.constant 5 : index
      %get3A_138 = memref.load %arg7[%get3A_136, %get3A_137] : memref<1x16xf32, #tpu.memory_space<smem>>
      %add3A_139 = arith.addf %get3A_138, %reduce_sum3A_78 : f32
      %swap3A_140 = arith.constant 0 : index
      %swap3A_141 = arith.constant 5 : index
      %swap3A_142 = memref.load %arg7[%swap3A_140, %swap3A_141] : memref<1x16xf32, #tpu.memory_space<smem>>
      memref.store %add3A_139, %arg7[%swap3A_140, %swap3A_141] : memref<1x16xf32, #tpu.memory_space<smem>>
      %get3A_143 = arith.constant 0 : index
      %get3A_144 = arith.constant 6 : index
      %get3A_145 = memref.load %arg7[%get3A_143, %get3A_144] : memref<1x16xf32, #tpu.memory_space<smem>>
      %add3A_146 = arith.addf %get3A_145, %reduce_sum3A_84 : f32
      %swap3A_147 = arith.constant 0 : index
      %swap3A_148 = arith.constant 6 : index
      %swap3A_149 = memref.load %arg7[%swap3A_147, %swap3A_148] : memref<1x16xf32, #tpu.memory_space<smem>>
      memref.store %add3A_146, %arg7[%swap3A_147, %swap3A_148] : memref<1x16xf32, #tpu.memory_space<smem>>
      %get3A_150 = arith.constant 0 : index
      %get3A_151 = arith.constant 7 : index
      %get3A_152 = memref.load %arg7[%get3A_150, %get3A_151] : memref<1x16xf32, #tpu.memory_space<smem>>
      %add3A_153 = arith.addf %get3A_152, %reduce_sum3A_91 : f32
      %swap3A_154 = arith.constant 0 : index
      %swap3A_155 = arith.constant 7 : index
      %swap3A_156 = memref.load %arg7[%swap3A_154, %swap3A_155] : memref<1x16xf32, #tpu.memory_space<smem>>
      memref.store %add3A_153, %arg7[%swap3A_154, %swap3A_155] : memref<1x16xf32, #tpu.memory_space<smem>>
      %get3A_157 = arith.constant 0 : index
      %get3A_158 = arith.constant 8 : index
      %get3A_159 = memref.load %arg7[%get3A_157, %get3A_158] : memref<1x16xf32, #tpu.memory_space<smem>>
      %add3A_160 = arith.addf %get3A_159, %reduce_sum3A_96 : f32
      %swap3A_161 = arith.constant 0 : index
      %swap3A_162 = arith.constant 8 : index
      %swap3A_163 = memref.load %arg7[%swap3A_161, %swap3A_162] : memref<1x16xf32, #tpu.memory_space<smem>>
      memref.store %add3A_160, %arg7[%swap3A_161, %swap3A_162] : memref<1x16xf32, #tpu.memory_space<smem>>
    } else {
    }
    return
  }
  func.func @transform_0(%arg0: i32) -> (i32, i32, i32, i32) {
    %c0_i32 = arith.constant 0 : i32
    %c0_i32_0 = arith.constant 0 : i32
    %c0_i32_1 = arith.constant 0 : i32
    %c0_i32_2 = arith.constant 0 : i32
    return %arg0, %c0_i32, %c0_i32_0, %c0_i32_1 : i32, i32, i32, i32
  }
  func.func @transform_1(%arg0: i32) -> (i32, i32, i32, i32) {
    %c0_i32 = arith.constant 0 : i32
    %c0_i32_0 = arith.constant 0 : i32
    %c0_i32_1 = arith.constant 0 : i32
    %c0_i32_2 = arith.constant 0 : i32
    return %arg0, %c0_i32, %c0_i32_0, %c0_i32_1 : i32, i32, i32, i32
  }
  func.func @transform_2(%arg0: i32) -> (i32, i32, i32, i32) {
    %c0_i32 = arith.constant 0 : i32
    %c0_i32_0 = arith.constant 0 : i32
    %c0_i32_1 = arith.constant 0 : i32
    %c0_i32_2 = arith.constant 0 : i32
    return %arg0, %c0_i32, %c0_i32_0, %c0_i32_1 : i32, i32, i32, i32
  }
  func.func @transform_3(%arg0: i32) -> (i32, i32, i32, i32) {
    %c0_i32 = arith.constant 0 : i32
    %c0_i32_0 = arith.constant 0 : i32
    %c0_i32_1 = arith.constant 0 : i32
    %c0_i32_2 = arith.constant 0 : i32
    return %arg0, %c0_i32, %c0_i32_0, %c0_i32_1 : i32, i32, i32, i32
  }
  func.func @transform_4(%arg0: i32) -> (i32, i32, i32, i32) {
    %c0_i32 = arith.constant 0 : i32
    %c0_i32_0 = arith.constant 0 : i32
    %c0_i32_1 = arith.constant 0 : i32
    %c0_i32_2 = arith.constant 0 : i32
    return %arg0, %c0_i32, %c0_i32_0, %c0_i32_1 : i32, i32, i32, i32
  }
  func.func @transform_5(%arg0: i32) -> (i32, i32, i32, i32) {
    %c0_i32 = arith.constant 0 : i32
    %c0_i32_0 = arith.constant 0 : i32
    %c0_i32_1 = arith.constant 0 : i32
    %c0_i32_2 = arith.constant 0 : i32
    return %arg0, %c0_i32, %c0_i32_0, %c0_i32_1 : i32, i32, i32, i32
  }
  func.func @transform_6(%arg0: i32) -> (i32, i32) {
    %c0_i32 = arith.constant 0 : i32
    %c0_i32_0 = arith.constant 0 : i32
    %c0_i32_1 = arith.constant 0 : i32
    return %c0_i32, %c0_i32_0 : i32, i32
  }
}

module attributes {stable_mosaic.version = 14 : i64} {
  func.func @_tc_fin_body(%arg0: memref<1x16xf32, #tpu.memory_space<smem>>, %arg1: memref<8192x128xf32, #tpu.memory_space<vmem>>, %arg2: memref<1x1xf32, #tpu.memory_space<smem>>) attributes {dimension_semantics = [], scalar_prefetch = 0 : i64, scratch_operands = 0 : i64, tpu.core_type = #tpu.core_type<tc>} {
    %get3A = arith.constant 0 : index
    %get3A_0 = arith.constant 0 : index
    %get3A_1 = memref.load %arg0[%get3A, %get3A_0] : memref<1x16xf32, #tpu.memory_space<smem>>
    %get3A_2 = arith.constant 0 : index
    %get3A_3 = arith.constant 1 : index
    %get3A_4 = memref.load %arg0[%get3A_2, %get3A_3] : memref<1x16xf32, #tpu.memory_space<smem>>
    %get3A_5 = arith.constant 0 : index
    %get3A_6 = arith.constant 2 : index
    %get3A_7 = memref.load %arg0[%get3A_5, %get3A_6] : memref<1x16xf32, #tpu.memory_space<smem>>
    %get3A_8 = arith.constant 0 : index
    %get3A_9 = arith.constant 3 : index
    %get3A_10 = memref.load %arg0[%get3A_8, %get3A_9] : memref<1x16xf32, #tpu.memory_space<smem>>
    %get3A_11 = arith.constant 0 : index
    %get3A_12 = arith.constant 4 : index
    %get3A_13 = memref.load %arg0[%get3A_11, %get3A_12] : memref<1x16xf32, #tpu.memory_space<smem>>
    %get3A_14 = arith.constant 0 : index
    %get3A_15 = arith.constant 5 : index
    %get3A_16 = memref.load %arg0[%get3A_14, %get3A_15] : memref<1x16xf32, #tpu.memory_space<smem>>
    %get3A_17 = arith.constant 0 : index
    %get3A_18 = arith.constant 6 : index
    %get3A_19 = memref.load %arg0[%get3A_17, %get3A_18] : memref<1x16xf32, #tpu.memory_space<smem>>
    %get3A_20 = arith.constant 0 : index
    %get3A_21 = arith.constant 7 : index
    %get3A_22 = memref.load %arg0[%get3A_20, %get3A_21] : memref<1x16xf32, #tpu.memory_space<smem>>
    %get3A_23 = arith.constant 0 : index
    %get3A_24 = arith.constant 8 : index
    %get3A_25 = memref.load %arg0[%get3A_23, %get3A_24] : memref<1x16xf32, #tpu.memory_space<smem>>
    %sub3A = arith.constant 0x4A800000 : f32
    %sub3A_26 = arith.subf %sub3A, %get3A_1 : f32
    %mul3A = arith.constant 3.000000e+00 : f32
    %mul3A_27 = arith.mulf %get3A_1, %mul3A : f32
    %floor3A = math.floor %mul3A_27 : f32
    %min3A = arith.minimumf %sub3A_26, %floor3A : f32
    %get3A_28 = arith.constant 0 : index
    %get3A_29 = arith.constant 0 : index
    %get3A_30 = vector.load %arg1[%get3A_28, %get3A_29] : memref<8192x128xf32, #tpu.memory_space<vmem>>, vector<8192x128xf32>
    %reshape3A = vector.shape_cast %get3A_30 : vector<8192x128xf32> to vector<32x256x128xf32>
    %reduce_sum3A = arith.constant dense<0.000000e+00> : vector<256x128xf32>
    %reduce_sum3A_31 = vector.multi_reduction <add>, %reshape3A, %reduce_sum3A [0] : vector<32x256x128xf32> to vector<256x128xf32>
    %iota3A = tpu.iota {dimensions = array<i32: 0>} : vector<256x128xi32>
    %iota3A_32 = tpu.iota {dimensions = array<i32: 1>} : vector<256x128xi32>
    %mul3A_33 = arith.constant 128 : i32
    %mul3A_34 = vector.broadcast %mul3A_33 : i32 to vector<256x128xi32>
    %mul3A_35 = arith.muli %iota3A, %mul3A_34 : vector<256x128xi32>
    %add3A = arith.addi %mul3A_35, %iota3A_32 : vector<256x128xi32>
    %shift_right_logical3A = arith.constant 4 : i32
    %shift_right_logical3A_36 = vector.broadcast %shift_right_logical3A : i32 to vector<256x128xi32>
    %shift_right_logical3A_37 = arith.shrui %add3A, %shift_right_logical3A_36 : vector<256x128xi32>
    %sub3A_38 = arith.constant 8128 : i32
    %sub3A_39 = vector.broadcast %sub3A_38 : i32 to vector<256x128xi32>
    %sub3A_40 = arith.subi %sub3A_39, %shift_right_logical3A_37 : vector<256x128xi32>
    %shift_left3A = arith.constant 17 : i32
    %shift_left3A_41 = vector.broadcast %shift_left3A : i32 to vector<256x128xi32>
    %shift_left3A_42 = arith.shli %sub3A_40, %shift_left3A_41 : vector<256x128xi32>
    %bitcast_convert_type3A = tpu.bitcast %shift_left3A_42 : vector<256x128xi32> -> vector<256x128xf32>
    %add3A_43 = arith.constant 1 : i32
    %add3A_44 = vector.broadcast %add3A_43 : i32 to vector<256x128xi32>
    %add3A_45 = arith.addi %sub3A_40, %add3A_44 : vector<256x128xi32>
    %shift_left3A_46 = arith.constant 17 : i32
    %shift_left3A_47 = vector.broadcast %shift_left3A_46 : i32 to vector<256x128xi32>
    %shift_left3A_48 = arith.shli %add3A_45, %shift_left3A_47 : vector<256x128xi32>
    %bitcast_convert_type3A_49 = tpu.bitcast %shift_left3A_48 : vector<256x128xi32> -> vector<256x128xf32>
    %log3A = math.log %bitcast_convert_type3A_49 : vector<256x128xf32>
    %mul3A_50 = arith.mulf %bitcast_convert_type3A_49, %log3A : vector<256x128xf32>
    %log3A_51 = math.log %bitcast_convert_type3A : vector<256x128xf32>
    %mul3A_52 = arith.mulf %bitcast_convert_type3A, %log3A_51 : vector<256x128xf32>
    %sub3A_53 = arith.subf %mul3A_50, %mul3A_52 : vector<256x128xf32>
    %sub3A_54 = arith.subf %bitcast_convert_type3A_49, %bitcast_convert_type3A : vector<256x128xf32>
    %div3A = arith.divf %sub3A_53, %sub3A_54 : vector<256x128xf32>
    %sub3A_55 = arith.constant 1.000000e+00 : f32
    %sub3A_56 = vector.broadcast %sub3A_55 : f32 to vector<256x128xf32>
    %sub3A_57 = arith.subf %sub3A_56, %div3A : vector<256x128xf32>
    %eq3A = arith.constant 0 : i32
    %eq3A_58 = vector.broadcast %eq3A : i32 to vector<256x128xi32>
    %eq3A_59 = arith.cmpi eq, %shift_right_logical3A_37, %eq3A_58 : vector<256x128xi32>
    %jit3A = arith.constant 0.000000e+00 : f32
    %broadcast_in_dim3A = vector.broadcast %jit3A : f32 to vector<256x128xf32>
    %select_n3A = arith.select %eq3A_59, %broadcast_in_dim3A, %sub3A_57 : vector<256x128xi1>, vector<256x128xf32>
    %scan3A = arith.constant 0 : i32
    %scan3A_60 = arith.constant 2048 : i32
    %scan3A_61 = arith.constant 0 : i32
    %scan3A_62 = arith.constant 12 : i32
    %scan3A_63 = arith.addi %scan3A_61, %scan3A_62 : i32
    %scan3A_64 = arith.constant 1 : i32
    %scan3A_65:2 = scf.for %scan3A_150 = %scan3A_61 to %scan3A_63 step %scan3A_64 iter_args(%scan3A_151 = %scan3A, %scan3A_152 = %scan3A_60) -> (i32, i32)  : i32 {
      %add3A_153 = arith.addi %scan3A_151, %scan3A_152 : i32
      %div3A_154 = arith.constant 2 : i32
      %div3A_155 = arith.divsi %add3A_153, %div3A_154 : i32
      %ge3A_156 = vector.broadcast %div3A_155 : i32 to vector<256x128xi32>
      %ge3A_157 = arith.cmpi sge, %shift_right_logical3A_37, %ge3A_156 : vector<256x128xi32>
      %jit3A_158 = arith.constant 0.000000e+00 : f32
      %broadcast_in_dim3A_159 = vector.broadcast %jit3A_158 : f32 to vector<256x128xf32>
      %select_n3A_160 = arith.select %ge3A_157, %reduce_sum3A_31, %broadcast_in_dim3A_159 : vector<256x128xi1>, vector<256x128xf32>
      %reduce_sum3A_161 = vector.shape_cast %select_n3A_160 : vector<256x128xf32> to vector<1x256x128xf32>
      %reduce_sum3A_162 = arith.constant dense<0.000000e+00> : vector<1xf32>
      %reduce_sum3A_163 = vector.multi_reduction <add>, %reduce_sum3A_161, %reduce_sum3A_162 [1, 2] : vector<1x256x128xf32> to vector<1xf32>
      %reduce_sum3A_164 = vector.shape_cast %reduce_sum3A_163 : vector<1xf32> to vector<1x1x1xf32>
      %reduce_sum3A_165 = vector.extract %reduce_sum3A_164[0, 0, 0] : f32 from vector<1x1x1xf32>
      %ge3A_166 = arith.cmpf oge, %reduce_sum3A_165, %min3A : f32
      %select_n3A_167 = arith.select %ge3A_166, %div3A_155, %scan3A_151 : i32
      %select_n3A_168 = arith.select %ge3A_166, %scan3A_152, %div3A_155 : i32
      scf.yield %select_n3A_167, %select_n3A_168 : i32, i32
    }
    %gt3A = vector.broadcast %scan3A_65#0 : i32 to vector<256x128xi32>
    %gt3A_66 = arith.cmpi sgt, %shift_right_logical3A_37, %gt3A : vector<256x128xi32>
    %jit3A_67 = arith.constant 0.000000e+00 : f32
    %broadcast_in_dim3A_68 = vector.broadcast %jit3A_67 : f32 to vector<256x128xf32>
    %select_n3A_69 = arith.select %gt3A_66, %reduce_sum3A_31, %broadcast_in_dim3A_68 : vector<256x128xi1>, vector<256x128xf32>
    %reduce_sum3A_70 = vector.shape_cast %select_n3A_69 : vector<256x128xf32> to vector<1x256x128xf32>
    %reduce_sum3A_71 = arith.constant dense<0.000000e+00> : vector<1xf32>
    %reduce_sum3A_72 = vector.multi_reduction <add>, %reduce_sum3A_70, %reduce_sum3A_71 [1, 2] : vector<1x256x128xf32> to vector<1xf32>
    %reduce_sum3A_73 = vector.shape_cast %reduce_sum3A_72 : vector<1xf32> to vector<1x1x1xf32>
    %reduce_sum3A_74 = vector.extract %reduce_sum3A_73[0, 0, 0] : f32 from vector<1x1x1xf32>
    %lt3A = arith.constant 2047 : i32
    %lt3A_75 = vector.broadcast %lt3A : i32 to vector<256x128xi32>
    %lt3A_76 = arith.cmpi slt, %shift_right_logical3A_37, %lt3A_75 : vector<256x128xi32>
    %and3A = arith.andi %gt3A_66, %lt3A_76 : vector<256x128xi1>
    %mul3A_77 = arith.mulf %reduce_sum3A_31, %select_n3A : vector<256x128xf32>
    %jit3A_78 = arith.constant 0.000000e+00 : f32
    %broadcast_in_dim3A_79 = vector.broadcast %jit3A_78 : f32 to vector<256x128xf32>
    %select_n3A_80 = arith.select %and3A, %mul3A_77, %broadcast_in_dim3A_79 : vector<256x128xi1>, vector<256x128xf32>
    %reduce_sum3A_81 = vector.shape_cast %select_n3A_80 : vector<256x128xf32> to vector<1x256x128xf32>
    %reduce_sum3A_82 = arith.constant dense<0.000000e+00> : vector<1xf32>
    %reduce_sum3A_83 = vector.multi_reduction <add>, %reduce_sum3A_81, %reduce_sum3A_82 [1, 2] : vector<1x256x128xf32> to vector<1xf32>
    %reduce_sum3A_84 = vector.shape_cast %reduce_sum3A_83 : vector<1xf32> to vector<1x1x1xf32>
    %reduce_sum3A_85 = vector.extract %reduce_sum3A_84[0, 0, 0] : f32 from vector<1x1x1xf32>
    %lt3A_86 = arith.constant 2047 : i32
    %lt3A_87 = arith.cmpi slt, %scan3A_65#0, %lt3A_86 : i32
    %jit3A_88 = arith.constant 0.000000e+00 : f32
    %select_n3A_89 = arith.select %lt3A_87, %get3A_10, %jit3A_88 : f32
    %add3A_90 = arith.addf %reduce_sum3A_85, %select_n3A_89 : f32
    %sub3A_91 = arith.subf %min3A, %reduce_sum3A_74 : f32
    %max3A = arith.constant 1.000000e+00 : f32
    %max3A_92 = arith.maximumf %get3A_13, %max3A : f32
    %div3A_93 = arith.divf %get3A_10, %max3A_92 : f32
    %eq3A_94 = vector.broadcast %scan3A_65#0 : i32 to vector<256x128xi32>
    %eq3A_95 = arith.cmpi eq, %shift_right_logical3A_37, %eq3A_94 : vector<256x128xi32>
    %mul3A_96 = arith.mulf %reduce_sum3A_31, %select_n3A : vector<256x128xf32>
    %jit3A_97 = arith.constant 0.000000e+00 : f32
    %broadcast_in_dim3A_98 = vector.broadcast %jit3A_97 : f32 to vector<256x128xf32>
    %select_n3A_99 = arith.select %eq3A_95, %mul3A_96, %broadcast_in_dim3A_98 : vector<256x128xi1>, vector<256x128xf32>
    %reduce_sum3A_100 = vector.shape_cast %select_n3A_99 : vector<256x128xf32> to vector<1x256x128xf32>
    %reduce_sum3A_101 = arith.constant dense<0.000000e+00> : vector<1xf32>
    %reduce_sum3A_102 = vector.multi_reduction <add>, %reduce_sum3A_100, %reduce_sum3A_101 [1, 2] : vector<1x256x128xf32> to vector<1xf32>
    %reduce_sum3A_103 = vector.shape_cast %reduce_sum3A_102 : vector<1xf32> to vector<1x1x1xf32>
    %reduce_sum3A_104 = vector.extract %reduce_sum3A_103[0, 0, 0] : f32 from vector<1x1x1xf32>
    %eq3A_105 = vector.broadcast %scan3A_65#0 : i32 to vector<256x128xi32>
    %eq3A_106 = arith.cmpi eq, %shift_right_logical3A_37, %eq3A_105 : vector<256x128xi32>
    %jit3A_107 = arith.constant 0.000000e+00 : f32
    %broadcast_in_dim3A_108 = vector.broadcast %jit3A_107 : f32 to vector<256x128xf32>
    %select_n3A_109 = arith.select %eq3A_106, %reduce_sum3A_31, %broadcast_in_dim3A_108 : vector<256x128xi1>, vector<256x128xf32>
    %reduce_sum3A_110 = vector.shape_cast %select_n3A_109 : vector<256x128xf32> to vector<1x256x128xf32>
    %reduce_sum3A_111 = arith.constant dense<0.000000e+00> : vector<1xf32>
    %reduce_sum3A_112 = vector.multi_reduction <add>, %reduce_sum3A_110, %reduce_sum3A_111 [1, 2] : vector<1x256x128xf32> to vector<1xf32>
    %reduce_sum3A_113 = vector.shape_cast %reduce_sum3A_112 : vector<1xf32> to vector<1x1x1xf32>
    %reduce_sum3A_114 = vector.extract %reduce_sum3A_113[0, 0, 0] : f32 from vector<1x1x1xf32>
    %max3A_115 = arith.constant 1.000000e+00 : f32
    %max3A_116 = arith.maximumf %reduce_sum3A_114, %max3A_115 : f32
    %div3A_117 = arith.divf %reduce_sum3A_104, %max3A_116 : f32
    %eq3A_118 = arith.constant 2047 : i32
    %eq3A_119 = arith.cmpi eq, %scan3A_65#0, %eq3A_118 : i32
    %select_n3A_120 = arith.select %eq3A_119, %div3A_93, %div3A_117 : f32
    %mul3A_121 = arith.mulf %sub3A_91, %select_n3A_120 : f32
    %ge3A = arith.cmpf oge, %min3A, %sub3A_26 : f32
    %add3A_122 = arith.addf %add3A_90, %mul3A_121 : f32
    %select_n3A_123 = arith.select %ge3A, %get3A_7, %add3A_122 : f32
    %add3A_124 = arith.constant 9.99999997E-7 : f32
    %add3A_125 = arith.addf %get3A_1, %add3A_124 : f32
    %div3A_126 = arith.divf %get3A_4, %add3A_125 : f32
    %div3A_127 = arith.divf %select_n3A_123, %min3A : f32
    %mul3A_128 = arith.constant 2.000000e+00 : f32
    %mul3A_129 = arith.mulf %mul3A_128, %get3A_19 : f32
    %add3A_130 = arith.constant 1.000000e+00 : f32
    %add3A_131 = arith.addf %mul3A_129, %add3A_130 : f32
    %add3A_132 = arith.addf %get3A_16, %get3A_1 : f32
    %add3A_133 = arith.constant 1.000000e+00 : f32
    %add3A_134 = arith.addf %add3A_132, %add3A_133 : f32
    %div3A_135 = arith.divf %add3A_131, %add3A_134 : f32
    %sub3A_136 = arith.constant 1.000000e+00 : f32
    %sub3A_137 = arith.subf %sub3A_136, %div3A_135 : f32
    %add3A_138 = arith.constant 9.99999997E-7 : f32
    %add3A_139 = arith.addf %get3A_25, %add3A_138 : f32
    %div3A_140 = arith.divf %get3A_22, %add3A_139 : f32
    %add3A_141 = arith.addf %div3A_126, %div3A_127 : f32
    %mul3A_142 = arith.constant 1.000000e+00 : f32
    %mul3A_143 = arith.mulf %mul3A_142, %sub3A_137 : f32
    %add3A_144 = arith.addf %add3A_141, %mul3A_143 : f32
    %mul3A_145 = arith.constant 1.000000e+01 : f32
    %mul3A_146 = arith.mulf %mul3A_145, %div3A_140 : f32
    %add3A_147 = arith.addf %add3A_144, %mul3A_146 : f32
    %swap3A = arith.constant 0 : index
    %swap3A_148 = arith.constant 0 : index
    %swap3A_149 = memref.load %arg2[%swap3A, %swap3A_148] : memref<1x1xf32, #tpu.memory_space<smem>>
    memref.store %add3A_147, %arg2[%swap3A, %swap3A_148] : memref<1x1xf32, #tpu.memory_space<smem>>
    return
  }
}

</mosaic_0001>

<sc_bundles>
// kernel: kernel.5.cloned.1.call-start
scs
__scs_entry_jumppad:
0x0: {  	(pc) =	sbr.rel $0x88, $3  }
0x1: {  	(tag) =	ssettag $0x0;
	lr =	simm.s32 $0x1  }
0x2: {  	[smem:$0x3F9B] =	sst lr;
	_ =	strace $0xD0000000  }
0x3: {  	_ = 	snop  }
0x4: {  	_ = 	snop  }
0x5: {  	_ = 	snop  }
0x6: {  	_ = 	snop  }
0x7: {  	_ = 	snop  }
__scs_overlays_trampoline_lowered:
0x8: {  	[smem:$0x3FAA] =	sst s0  }
0x9: {  	[smem:$0x3FAB] =	sst s1  }
0xa: {  	[smem:$0x3FAC] =	sst s2  }
0xb: {  	[smem:$0x3FAD] =	sst s3  }
0xc: {  	[smem:$0x3FAE] =	sst s4  }
0xd: {  	[smem:$0x3FAF] =	sst s5  }
0xe: {  	[smem:$0x3FB0] =	sst s6  }
0xf: {  	[smem:$0x3FB1] =	sst s7  }
0x10: {  	[smem:$0x3FB2] =	sst s8  }
0x11: {  	[smem:$0x3FB3] =	sst s9;
	s0 =	simm.s32 @!p0 $0x0  }
0x12: {  	s1 =	sld [smem:$0x3F99];
	s0 =	simm.s32 @p0 $0x1  }
0x13: {  	[smem:$0x3FB4] =	sst s0;
	s0 =	simm.s32 @!p1 $0x0  }
0x14: {  	s2 =	sld [smem:$0x3F98];
	s0 =	simm.s32 @p1 $0x1  }
0x15: {  	[smem:$0x3FB5] =	sst s0;
	s0 =	simm.s32 @!p2 $0x0  }
0x16: {  	s3 =	sld [smem:$0x3FDB];
	s0 =	simm.s32 @p2 $0x1  }
0x17: {  	s4 =	simm.s32 $0x1BF5;
	[smem:$0x3FB7] =	sst s0  }
0x18: {  	s0 =	sld [smem:$0x3F9A];
	_ =	swait.ge [sflag:s4], $0x0  }
0x19: {  	s7 =	sld [smem:$0x3F9B]  }
0x1a: {  	s8 =	sadd.s32 $0xFFFFE003, lr  }
0x1b: {  	s9 =	sadd.s32 $0xFFFFFEF7, lr;
	s5 =	simm.s32 $0xFFFFFFFF;
	p2 =	slt.u32 s8, $0xFFFFF086  }
0x1c: {  	p1 =	slt.u32 s9, $0xF7A;
	s5 =	simm.s32 @!p2 $0x0  }
0x1d: {  	s5 =	simm.s32 @p1 $0x1;
	p0 =	seq.s32 s7, s2  }
0x1e: {  	s7 =	smul.u32 @!p0 $0xF7A, s2;
	p2 =	seq.s32 @!p0 s5, $0x0  }
0x1f: {  	s9 =	smul.u32 $0xF7A, s1;
	s8 =	simm.s32 @!p0 $0x1BF5;
	p2 =	por !p2, p0  }
0x20: {  	[sflag:s8] =	ssyncset.s32 @!p0 $0xFFFFF086;
	s6 =	sadd.s32 @!p0 s3, s7;
	s7 =	simm.s32 @!p0 $0x108  }
0x21: {  	s3 =	sadd.s32 s3, s9;
	s6 =	sadd.s32 @!p0 $0x88, s6;
	s7 =	simm.s32 @p2 $0x1082  }
0x22: {  	[simem:s7], [sflag:s8] =	dma.local @!p0 [hbm:s6], $0xF7A  }
0x23: {  	s9 =	sor.u32 $0xD0000000, s2;
	s6 =	simm.s32 $0x108;
	_ =	swait.ge @!p0 [sflag:s8], $0x0  }
0x24: {  	s3 =	sadd.s32 $0x88, s3;
	s6 =	simm.s32 @!p1 $0x1082;
	[sflag:s4] =	ssyncset.s32 $0xFFFFF086  }
0x25: {  	[simem:s6], [sflag:s4] =	dma.local [hbm:s3], $0xF7A  }
0x26: {  	[smem:$0x3F9B] =	sst s1;
	(tag) =	ssettag s2;
	_ =	strace s9  }
0x27: {  	s1 =	sld [smem:$0x3FAB]  }
0x28: {  	s2 =	sld [smem:$0x3FAC]  }
0x29: {  	s4 =	sld [smem:$0x3FAE]  }
0x2a: {  	p0 =	seq.s32 s5, $0x0;
	s5 =	sld [smem:$0x3FAF]  }
0x2b: {  	s6 =	sld [smem:$0x3FB0]  }
0x2c: {  	s7 =	sld [smem:$0x3FB1]  }
0x2d: {  	s3 =	simm.s32 $0x108;
	s8 =	sld [smem:$0x3FB2]  }
0x2e: {  	s3 =	simm.s32 @!p0 $0x1082;
	s9 =	sld [smem:$0x3FB3]  }
0x2f: {  	lr =	sadd.s32 s0, s3;
	s0 =	sld [smem:$0x3FAA]  }
0x30: {  	s3 =	sld [smem:$0x3FAD]  }
0x31: {  	[smem:$0x3FB6] =	sst s10  }
0x32: {  	s10 =	sld [smem:$0x3FB4];
	_ =	sdelay $0x3  }
0x33: {  	p0 =	seq.s32 s10, $0x1;
	s10 =	sld [smem:$0x3FB6];
	_ =	sdelay $0x3  }
0x34: {  	[smem:$0x3FB6] =	sst s10  }
0x35: {  	s10 =	sld [smem:$0x3FB5];
	_ =	sdelay $0x3  }
0x36: {  	p1 =	seq.s32 s10, $0x1;
	s10 =	sld [smem:$0x3FB6];
	_ =	sdelay $0x3  }
0x37: {  	[smem:$0x3FB6] =	sst s10  }
0x38: {  	s10 =	sld [smem:$0x3FB7]  }
0x39: {  	_ = 	snop;
	(pc) =	sbr.ind lr, $3  }
0x3a: {  	_ = 	snop  }
0x3b: {  	_ = 	snop  }
0x3c: {  	p2 =	seq.s32 s10, $0x1;
	s10 =	sld [smem:$0x3FB6]  }
0x3d: {  	_ =	shalt  }
0x3e: {  	_ =	shalt  }
0x3f: {  	_ =	shalt  }
0x40: {  	_ =	shalt  }
0x41: {  	_ =	shalt  }
0x42: {  	_ =	shalt  }
0x43: {  	_ =	shalt  }
0x44: {  	_ =	shalt  }
0x45: {  	_ =	shalt  }
0x46: {  	_ =	shalt  }
0x47: {  	_ =	shalt  }
0x48: {  	_ =	shalt  }
0x49: {  	_ =	shalt  }
0x4a: {  	_ =	shalt  }
0x4b: {  	_ =	shalt  }
0x4c: {  	_ =	shalt  }
0x4d: {  	_ =	shalt  }
0x4e: {  	_ =	shalt  }
0x4f: {  	_ =	shalt  }
0x50: {  	_ =	shalt  }
0x51: {  	_ =	shalt  }
0x52: {  	_ =	shalt  }
0x53: {  	_ =	shalt  }
0x54: {  	_ =	shalt  }
0x55: {  	_ =	shalt  }
0x56: {  	_ =	shalt  }
0x57: {  	_ =	shalt  }
0x58: {  	_ =	shalt  }
0x59: {  	_ =	shalt  }
0x5a: {  	_ =	shalt  }
0x5b: {  	_ =	shalt  }
0x5c: {  	_ =	shalt  }
0x5d: {  	_ =	shalt  }
0x5e: {  	_ =	shalt  }
0x5f: {  	_ =	shalt  }
0x60: {  	_ =	shalt  }
0x61: {  	_ =	shalt  }
0x62: {  	_ =	shalt  }
0x63: {  	_ =	shalt  }
0x64: {  	_ =	shalt  }
0x65: {  	_ =	shalt  }
0x66: {  	_ =	shalt  }
0x67: {  	_ =	shalt  }
0x68: {  	_ =	shalt  }
0x69: {  	_ =	shalt  }
0x6a: {  	_ =	shalt  }
0x6b: {  	_ =	shalt  }
0x6c: {  	_ =	shalt  }
0x6d: {  	_ =	shalt  }
0x6e: {  	_ =	shalt  }
0x6f: {  	_ =	shalt  }
0x70: {  	_ =	shalt  }
0x71: {  	_ =	shalt  }
0x72: {  	_ =	shalt  }
0x73: {  	_ =	shalt  }
0x74: {  	_ =	shalt  }
0x75: {  	_ =	shalt  }
0x76: {  	_ =	shalt  }
0x77: {  	_ =	shalt  }
0x78: {  	_ =	shalt  }
0x79: {  	_ =	shalt  }
0x7a: {  	_ =	shalt  }
0x7b: {  	_ =	shalt  }
0x7c: {  	_ =	shalt  }
0x7d: {  	_ =	shalt  }
0x7e: {  	_ =	shalt  }
0x7f: {  	_ =	shalt  }
0x80: {  	_ =	shalt  }
0x81: {  	_ =	shalt  }
0x82: {  	_ =	shalt  }
0x83: {  	_ =	shalt  }
0x84: {  	_ =	shalt  }
0x85: {  	_ =	shalt  }
0x86: {  	_ =	shalt  }
0x87: {  	_ =	shalt  }
.Lfunc_end0:
.L_simem_size_0:
called_computation_lowered:
.L_overlay_start_0:
0x88: {  	s2 =	sld [smem:$0x3FD9]  }
0x89: {  	s3 =	sld [smem:$0x3FFE];
	_ =	sdelay $0x1  }
0x8a: {  	s1 =	srdreg.scid  }
0x8b: {  	s0 =	sand.u32 $0x1, s1  }
0x8c: {  	s17 =	sshll.u32 s0, $0xA;
	s2 =	sadd.s32 s3, s2  }
0x8d: {  	s2 =	sadd.s32 s2, s17  }
0x8e: {  	[smem:$0x3FC2] =	sst s2  }
0x8f: {  	_ = 	snop  }
0x90: {  	s2 =	sld [smem:$0x3FC9]  }
0x91: {  	s18 =	sld [smem:$0x3FC6];
	(tm) =	ssettm $0x1  }
0x92: {  	s4 =	sld [smem:$0x3FFB];
	_ =	sdelay $0x3  }
0x93: {  	_ =	strace s4  }
0x94: {  	s4 =	sld [smem:$0x3FFC];
	_ =	sdelay $0x3  }
0x95: {  	_ =	strace s4  }
0x96: {  	s4 =	sld [smem:$0x3FFD];
	_ =	sdelay $0x3  }
0x97: {  	_ =	strace s4  }
0x98: {  	_ =	strace $0x8FFFFFFF  }
0x99: {  	s19 =	sld [smem:$0x3FDB];
	_ =	sdelay $0x1  }
0x9a: {  	s5 =	simm.s32 $_scs_section_size  }
0x9b: {  	s6 =	simm.s32 $_size__tile_overlayer_lowered;
	s7 =	simm.s32 $_tile_overlayer_lowered  }
0x9c: {  	s22 =	simm.s32 $0x1BFF;
	s21 =	sshll.u32 s7, $0x1;
	s4 =	sadd.s32 s5, s19  }
0x9d: {  	s8 =	simm.s32 $0x0;
	s20 =	sshll.u32 s6, $0x1;
	s6 =	sadd.s32 s21, s4  }
0x9e: {  	[timem:s8], [sflag:s22] =	dma.local [hbm:s6], s20  }
0x9f: {  	_ =	swait.ge [sflag:s22], s20  }
0xa0: {  	s5 =	ssub.s32 $0x0, s20;
	[sflag:s22] =	ssyncset.done $0x0  }
0xa1: {  	[sflag:s22] =	ssyncadd.s32 s5;
	_ =	sdelay $0x1  }
0xa2: {  	s23 =	simm.s32 $0x1B8B  }
0xa3: {  	_ =	swait.ge [sflag:s23], $0x1  }
0xa4: {  	[sflag:s23] =	ssyncset.done $0x0  }
0xa5: {  	s25 =	simm.s32 $0x1B8E;
	s24 =	sld [smem:$0x3FFE];
	[sflag:s23] =	ssyncadd.s32 $0xFFFFFFFF  }
0xa6: {  	s26 =	simm.s32 $execute0_lowered;
	[smem:$0x3FD2] =	sst s25  }
0xa7: {  	s6 =	sshll.u32 s26, $0x1;
	_ =	strace $0x80000046;
	[dreg:$0x1] =	wrdreg $0xFFFFFFFF  }
0xa8: {  	s28 =	simm.s32 $_size_execute0_lowered;
	s4 =	sadd.s32 s4, s6;
	[dreg:$0x0] =	wrdreg $0x0  }
0xa9: {  	s6 =	sshll.u32 s28, $0x1;
	[dreg:$0x2] =	wrdreg s4  }
0xaa: {  	[dreg:$0x3] =	wrdreg s6  }
0xab: {  	[dreg:$0x4] =	wrdreg $0xC0  }
0xac: {  	_ =	task [dreg:s8], $0x5FFFF  }
0xad: {  	[dreg:$0x1] =	wrdreg $0xFFFFFFFF  }
0xae: {  	[dreg:$0x0] =	wrdreg $0x60  }
0xaf: {  	[dreg:$0x2] =	wrdreg s2  }
0xb0: {  	[dreg:$0x3] =	wrdreg s18  }
0xb1: {  	[dreg:$0x4] =	wrdreg s24  }
0xb2: {  	[dreg:$0x5] =	wrdreg $0x9  }
0xb3: {  	_ =	task.clear_ibuf [dreg:s8], $0x6FFFF;
	_ =	strace $0x90000046  }
0xb4: {  	s29 =	simm.s32 $0x9;
	_ =	strace $0x80000048  }
0xb5: {  	_ =	swait.ge [sflag:s29], $0x1  }
0xb6: {  	[sflag:s29] =	ssyncadd.s32 $0xFFFFFFFF  }
0xb7: {  	_ =	strace $0x90000048  }
0xb8: {  	_ =	sfence  }
0xb9: {  	s30 =	sld [smem:$0x0];
	_ =	sdelay $0x2  }
0xba: {  	s31 =	sshll.u32 s1, $0xD;
	s1 =	sshrl.u32 s1, $0x2  }
0xbb: {  	s3 =	sand.u32 $0x4000, s31;
	s1 =	sadd.s32 s1, s30  }
0xbc: {  	s0 =	sor.u32 s3, s0;
	s1 =	sshll.u32 s1, $0x11  }
0xbd: {  	s0 =	sor.u32 s1, s0  }
0xbe: {  	s0 =	sadd.s32 $0x8F2B, s0  }
0xbf: {  	[sflag:s0] =	ssyncadd.remote.s32 $0x1  }
0xc0: {  	_ =	sfence.sel $0xFFFF  }
0xc1: {  	[dreg:$0x0] =	wrdreg $0xFFFFFFFF;
	(pc) =	sbr.abs _section_cstart, $3  }
0xc2: {  	[dreg:$0x1] =	wrdreg $0xFFFFFFFF  }
0xc3: {  	_ =	task.clear_ibuf [dreg:s8], $0x2FFFF;
	_ =	strace $0x9FFFFFFF  }
0xc4: {  	(tm) =	ssettm $0x7FFFFFFF  }
0xc5: {  	_ =	shalt  }
tec
execute0_lowered:
.L_overlay_start_1:
0x0: {  	(tag) =	ssettag $0x1  }
0x1: {  	s1 =	rddreg [dreg:$0x0]  }
0x2: {  	s2 =	rddreg [dreg:$0x1]  }
0x3: {  	s0 =	rddreg [dreg:$0x2];
	s3 =	simm.s32 $0x0;
	s19 =	srdreg.scid  }
0x4: {  	s8 =	stileid.u32;
	s28 =	simm.s32 $0x2;
	s29 =	simm.s32 $0x6  }
0x5: {  	s30 =	simm.s32 $0x3;
	s31 =	simm.s32 $0x7;
	s17 =	simm.s32 $0x9  }
0x6: {  	s18 =	simm.s32 $0x0;
	[smem:$0x7FF] =	sst s3;
	s3 =	sand.u32 $0x1, s19  }
0x7: {  	s6 =	sshll.u32 s8, $0x12;
	s26 =	sshll.u32 s8, $0xD;
	s19 =	simm.s32 $0x0  }
0x8: {  	_ =	strace $0x80000047;
	s4 =	ssub.s32 $0x2, s3;
	s5 =	sshll.u32 s3, $0x11  }
0x9: {  	s3 =	sshll.u32 s3, $0xC;
	s7 =	sshrl.u32 s4, $0x1;
	s5 =	sor.u32 s5, s6  }
0xa: {  	s0 =	sadd.s32 s3, s0;
	s20 =	ssub.s32 s4, s7;
	s21 =	sshrl.u32 s5, $0x3  }
0xb: {  	s12 =	sor.u32 $0x8000, s5;
	s13 =	sor.u32 $0xA000, s5;
	s0 =	sadd.s32 s26, s0  }
0xc: {  	s14 =	sor.u32 $0xC000, s5;
	s26 =	simm.s32 $0x10000;
	s22 =	sadd.s32 s1, s21  }
0xd: {  	s23 =	sadd.s32 s2, s21;
	s24 =	sor.u32 $0x400, s21;
	s4 =	sor.u32 $0x800, s21  }
0xe: {  	s15 =	sadd.s32 $0x800, s0;
	s16 =	smax.u32 s20, $0x1;
	[dreg:$0x4] =	wrdreg s22  }
0xf: {  	s0 =	simm.s32 $0x4;
	[dreg:$0x5] =	wrdreg s23;
	s25 =	sadd.s32 s1, s24  }
0x10: {  	s9 =	sadd.s32 s2, s24;
	s10 =	sadd.s32 s1, s4;
	s11 =	sadd.s32 s2, s4  }
0x11: {  	s22 =	simm.s32 $0x6000;
	s23 =	simm.s32 $0xE000;
	s24 =	simm.s32 $0x1  }
0x12: {  	v0 =	vimm.f32 $0.0e+00;
	v1 =	vimm.f32 $1.000000000e+00;
	v2 =	vlaneseq.u32;
	s4 =	simm.s32 $0x8;
	[dreg:$0x6] =	wrdreg s25;
	s25 =	simm.s32 $0x5  }
.LBB2_1:
0x13: {  	s3 =	simm.s32 $0x0;
	s6 =	simm.s32 $0x200  }
.LBB2_2:
0x14: {  	p0 =	sne.s32 s6, $0x1FE00;
	[tilespmem:s3+$0x10070] =	vst v0  }
0x15: {  	[tilespmem:s3+$0x10000] =	vst v0  }
0x16: {  	[tilespmem:s3+$0x10010] =	vst v0  }
.Ltmp0:
0x17: {  	[tilespmem:s3+$0x10020] =	vst v0;
	(pc) =	sbr.rel @p0 .LBB2_2-.Ltmp0, $4  }
0x18: {  	[tilespmem:s3+$0x10030] =	vst v0  }
0x19: {  	[tilespmem:s3+$0x10040] =	vst v0  }
0x1a: {  	[tilespmem:s3+$0x10050] =	vst v0  }
0x1b: {  	[tilespmem:s3+$0x10060] =	vst v0;
	s3 =	sshra.s32 s6, $0x2;
	s6 =	sadd.s32 $0x200, s6  }
0x1c: {  	[tilespmem:s3+$0x10070] =	vst v0  }
0x1d: {  	[tilespmem:s3+$0x10000] =	vst v0  }
0x1e: {  	[tilespmem:s3+$0x10010] =	vst v0  }
0x1f: {  	[tilespmem:s3+$0x10020] =	vst v0  }
0x20: {  	[tilespmem:s3+$0x10030] =	vst v0  }
0x21: {  	[tilespmem:s3+$0x10040] =	vst v0  }
0x22: {  	[tilespmem:s3+$0x10050] =	vst v0  }
0x23: {  	[tilespmem:s3+$0x10060] =	vst v0;
	s20 =	rddreg [dreg:$0x4]  }
0x24: {  	[tilespmem:s19], [sflag:$0x1] =	stream.linear.gather [hbm4b:s20+s19], $0x2000, $0x38;
	[tilespmem:$0x18000] =	vst v63  }
0x25: {  	s21 =	rddreg [dreg:$0x5];
	s6 =	simm.s32 $0x8000  }
0x26: {  	[tilespmem:s6], [sflag:$0x5] =	stream.linear.gather [hbm4b:s21+s19], $0x2000, $0x38;
	[tilespmem:$0x18000] =	vst v63  }
0x27: {  	s7 =	simm.s32 $0x2000;
	s6 =	rddreg [dreg:$0x6]  }
0x28: {  	[tilespmem:s7], [sflag:$0x2] =	stream.linear.gather [hbm4b:s6+s19], $0x2000, $0x38;
	[tilespmem:$0x18000] =	vst v63  }
0x29: {  	s8 =	simm.s32 $0xA000  }
0x2a: {  	[tilespmem:s8], [sflag:$0x6] =	stream.linear.gather [hbm4b:s9+s19], $0x2000, $0x38;
	[tilespmem:$0x18000] =	vst v63  }
0x2b: {  	s20 =	simm.s32 $0x4000  }
0x2c: {  	[tilespmem:s20], [sflag:$0x3] =	stream.linear.gather [hbm4b:s10+s19], $0x2000, $0x38;
	[tilespmem:$0x18000] =	vst v63  }
0x2d: {  	s21 =	simm.s32 $0xC000;
	s20 =	simm.s32 $0x0  }
0x2e: {  	[tilespmem:s21], [sflag:$0x7] =	stream.linear.gather [hbm4b:s11+s19], $0x2000, $0x38;
	[tilespmem:$0x18000] =	vst v63  }
.LBB2_4:
0x2f: {  	s21 =	sshll.u32 s20, $0xF  }
0x30: {  	s3 =	sor.u32 s21, s5  }
0x31: {  	s3 =	sshrl.u32 s3, $0x3  }
0x32: {  	s3 =	sor.u32 $0xC00, s3  }
0x33: {  	s6 =	sadd.s32 s1, s3  }
0x34: {  	[tilespmem:s22], [sflag:$0x4] =	stream.linear.gather [hbm4b:s6+s19], $0x2000, $0x38;
	[tilespmem:$0x18000] =	vst v63  }
0x35: {  	s3 =	sadd.s32 s2, s3  }
0x36: {  	[tilespmem:s23], [sflag:$0x8] =	stream.linear.gather [hbm4b:s3+s19], $0x2000, $0x38;
	[tilespmem:$0x18000] =	vst v63  }
0x37: {  	_ =	swait.ge [sflag:s24], $0x2000  }
0x38: {  	[sflag:s24] =	ssyncset.done $0x0  }
0x39: {  	[sflag:s24] =	ssyncadd.s32 $0xFFFFE000  }
0x3a: {  	_ =	swait.ge [sflag:s25], $0x2000  }
0x3b: {  	[sflag:s25] =	ssyncset.done $0x0  }
0x3c: {  	s6 =	simm.s32 $0x0;
	s3 =	simm.s32 $0x0;
	[sflag:s25] =	ssyncadd.s32 $0xFFFFE000  }
.LBB2_5:
0x3d: {  	s7 =	sand.u32 $0x1000, s6;
	s8 =	sand.u32 $0x380, s3  }
0x3e: {  	s7 =	sor.u32 s8, s7  }
0x3f: {  	v3 =	vld [tilespmem:s7+$0x0]  }
0x40: {  	v4 =	vld [tilespmem:s7+$0x10]  }
0x41: {  	v5 =	vld [tilespmem:s7+$0x8000]  }
0x42: {  	v6 =	vld [tilespmem:s7+$0x20]  }
0x43: {  	v7 =	vld [tilespmem:s7+$0x30]  }
0x44: {  	v8 =	vld [tilespmem:s7+$0x8010]  }
0x45: {  	v9 =	vld [tilespmem:s7+$0x8020]  }
0x46: {  	v10 =	vld [tilespmem:s7+$0x40]  }
0x47: {  	v55 =	vld [tilespmem:s7+$0x50]  }
0x48: {  	v11 =	vld [tilespmem:s7+$0x8030]  }
0x49: {  	v58 =	vld [tilespmem:s7+$0x60]  }
0x4a: {  	v59 =	vld [tilespmem:s7+$0x70]  }
0x4b: {  	v12 =	vld [tilespmem:s7+$0x8040]  }
0x4c: {  	v13 =	vld [tilespmem:s7+$0x8070];
	v3 =	vsub.f32 $1.000000000e+00, v3  }
0x4d: {  	v4 =	vsub.f32 $1.000000000e+00, v4;
	v6 =	vsub.f32 $1.000000000e+00, v6  }
0x4e: {  	v7 =	vsub.f32 $1.000000000e+00, v7;
	v57 =	vsub.f32 $1.000000000e+00, v10  }
0x4f: {  	v62 =	vsub.f32 $1.000000000e+00, v58;
	v63 =	vsub.f32 $1.000000000e+00, v59;
	v3 =	vmax.f32 v3, v5  }
0x50: {  	v56 =	vld [tilespmem:s7+$0x8050];
	v4 =	vmax.f32 v4, v8;
	v6 =	vmax.f32 v6, v9;
	v7 =	vmax.f32 v7, v11  }
0x51: {  	v9 =	vmax.f32 v57, v12;
	v5 =	vsub.f32 $1.000000000e+00, v55;
	v10 =	vmax.f32 v63, v13  }
0x52: {  	v3 =	vshra.s32 v3, $0x11;
	v4 =	vshra.s32 v4, $0x11;
	v6 =	vshra.s32 v6, $0x11  }
0x53: {  	v60 =	vld [tilespmem:s7+$0x8060];
	v7 =	vshra.s32 v7, $0x11;
	v9 =	vshra.s32 v9, $0x11;
	v10 =	vshra.s32 v10, $0x11  }
0x54: {  	v3 =	vsub.s32 $0x1FC0, v3;
	v4 =	vsub.s32 $0x1FC0, v4;
	v6 =	vsub.s32 $0x1FC0, v6  }
0x55: {  	v7 =	vsub.s32 $0x1FC0, v7;
	v9 =	vsub.s32 $0x1FC0, v9;
	v5 =	vmax.f32 v5, v56  }
0x56: {  	v10 =	vsub.s32 $0x1FC0, v10;
	v3 =	vmin.u32 v3, $0x7FF;
	v4 =	vmin.u32 v4, $0x7FF  }
0x57: {  	v6 =	vmin.u32 v6, $0x7FF;
	v7 =	vmin.u32 v7, $0x7FF;
	v61 =	vmin.u32 v9, $0x7FF  }
0x58: {  	v5 =	vshra.s32 v5, $0x11;
	v9 =	vmax.f32 v62, v60;
	v3 =	vshll.u32 v3, $0x4  }
0x59: {  	v4 =	vshll.u32 v4, $0x4;
	v6 =	vshll.u32 v6, $0x4;
	v3 =	vor.u32 v2, v3  }
0x5a: {  	v7 =	vshll.u32 v7, $0x4;
	v8 =	vshll.u32 v61, $0x4;
	v4 =	vor.u32 v2, v4  }
0x5b: {  	v5 =	vsub.s32 $0x1FC0, v5;
	v9 =	vshra.s32 v9, $0x11;
	v6 =	vor.u32 v2, v6  }
0x5c: {  	v5 =	vmin.u32 v5, $0x7FF;
	v9 =	vsub.s32 $0x1FC0, v9;
	v7 =	vor.u32 v2, v7  }
0x5d: {  	v8 =	vor.u32 v2, v8;
	v5 =	vshll.u32 v5, $0x4;
	v9 =	vmin.u32 v9, $0x7FF  }
0x5e: {  	v10 =	vmin.u32 v10, $0x7FF;
	v9 =	vshll.u32 v9, $0x4;
	[tilespmem:v3+s26+$0x0] =	vst.idx.add.f32.msk $0xffff, v1;
	v3 =	vor.u32 v2, v5  }
0x5f: {  	v14 =	vshll.u32 v10, $0x4;
	v15 =	vor.u32 v2, v9;
	[tilespmem:v4+s26+$0x0] =	vst.idx.add.f32.msk $0xffff, v1  }
0x60: {  	v5 =	vor.u32 v2, v14;
	[tilespmem:v6+s26+$0x0] =	vst.idx.add.f32.msk $0xffff, v1  }
0x61: {  	[tilespmem:v7+s26+$0x0] =	vst.idx.add.f32.msk $0xffff, v1  }
0x62: {  	[tilespmem:v8+s26+$0x0] =	vst.idx.add.f32.msk $0xffff, v1  }
0x63: {  	[tilespmem:v3+s26+$0x0] =	vst.idx.add.f32.msk $0xffff, v1  }
0x64: {  	[tilespmem:v15+s26+$0x0] =	vst.idx.add.f32.msk $0xffff, v1  }
0x65: {  	[tilespmem:v5+s26+$0x0] =	vst.idx.add.f32.msk $0xffff, v1  }
0x66: {  	v3 =	vld [tilespmem:s7+$0x400]  }
0x67: {  	v4 =	vld [tilespmem:s7+$0x410]  }
0x68: {  	v5 =	vld [tilespmem:s7+$0x8400]  }
0x69: {  	v6 =	vld [tilespmem:s7+$0x420]  }
0x6a: {  	v7 =	vld [tilespmem:s7+$0x430]  }
0x6b: {  	v8 =	vld [tilespmem:s7+$0x8410]  }
0x6c: {  	v16 =	vld [tilespmem:s7+$0x8420]  }
0x6d: {  	v17 =	vld [tilespmem:s7+$0x440]  }
0x6e: {  	v18 =	vld [tilespmem:s7+$0x450]  }
0x6f: {  	v19 =	vld [tilespmem:s7+$0x8430]  }
0x70: {  	v23 =	vld [tilespmem:s7+$0x460]  }
0x71: {  	v24 =	vld [tilespmem:s7+$0x470]  }
0x72: {  	v20 =	vld [tilespmem:s7+$0x8440]  }
0x73: {  	v26 =	vld [tilespmem:s7+$0x8470];
	v3 =	vsub.f32 $1.000000000e+00, v3  }
0x74: {  	v4 =	vsub.f32 $1.000000000e+00, v4;
	v6 =	vsub.f32 $1.000000000e+00, v6  }
0x75: {  	v7 =	vsub.f32 $1.000000000e+00, v7;
	v22 =	vsub.f32 $1.000000000e+00, v17  }
0x76: {  	v28 =	vsub.f32 $1.000000000e+00, v23;
	v29 =	vsub.f32 $1.000000000e+00, v24;
	v3 =	vmax.f32 v3, v5  }
0x77: {  	v21 =	vld [tilespmem:s7+$0x8450];
	v4 =	vmax.f32 v4, v8;
	v6 =	vmax.f32 v6, v16;
	v7 =	vmax.f32 v7, v19  }
0x78: {  	v9 =	vmax.f32 v22, v20;
	v5 =	vsub.f32 $1.000000000e+00, v18;
	v10 =	vmax.f32 v29, v26  }
0x79: {  	v3 =	vshra.s32 v3, $0x11;
	v4 =	vshra.s32 v4, $0x11;
	v6 =	vshra.s32 v6, $0x11  }
0x7a: {  	v25 =	vld [tilespmem:s7+$0x8460];
	v7 =	vshra.s32 v7, $0x11;
	v9 =	vshra.s32 v9, $0x11;
	v10 =	vshra.s32 v10, $0x11  }
0x7b: {  	v3 =	vsub.s32 $0x1FC0, v3;
	v4 =	vsub.s32 $0x1FC0, v4;
	v6 =	vsub.s32 $0x1FC0, v6  }
0x7c: {  	v7 =	vsub.s32 $0x1FC0, v7;
	v9 =	vsub.s32 $0x1FC0, v9;
	v5 =	vmax.f32 v5, v21  }
0x7d: {  	v10 =	vsub.s32 $0x1FC0, v10;
	v3 =	vmin.u32 v3, $0x7FF;
	v4 =	vmin.u32 v4, $0x7FF  }
0x7e: {  	v6 =	vmin.u32 v6, $0x7FF;
	v7 =	vmin.u32 v7, $0x7FF;
	v27 =	vmin.u32 v9, $0x7FF  }
0x7f: {  	v5 =	vshra.s32 v5, $0x11;
	v9 =	vmax.f32 v28, v25;
	v3 =	vshll.u32 v3, $0x4  }
0x80: {  	v4 =	vshll.u32 v4, $0x4;
	v6 =	vshll.u32 v6, $0x4;
	v3 =	vor.u32 v2, v3  }
0x81: {  	v7 =	vshll.u32 v7, $0x4;
	v8 =	vshll.u32 v27, $0x4;
	v4 =	vor.u32 v2, v4  }
0x82: {  	v5 =	vsub.s32 $0x1FC0, v5;
	v9 =	vshra.s32 v9, $0x11;
	v6 =	vor.u32 v2, v6  }
0x83: {  	v5 =	vmin.u32 v5, $0x7FF;
	v9 =	vsub.s32 $0x1FC0, v9;
	v7 =	vor.u32 v2, v7  }
0x84: {  	v8 =	vor.u32 v2, v8;
	v5 =	vshll.u32 v5, $0x4;
	v9 =	vmin.u32 v9, $0x7FF  }
0x85: {  	v10 =	vmin.u32 v10, $0x7FF;
	v9 =	vshll.u32 v9, $0x4;
	[tilespmem:v3+s26+$0x0] =	vst.idx.add.f32.msk $0xffff, v1;
	v3 =	vor.u32 v2, v5  }
0x86: {  	v30 =	vshll.u32 v10, $0x4;
	v31 =	vor.u32 v2, v9;
	[tilespmem:v4+s26+$0x0] =	vst.idx.add.f32.msk $0xffff, v1  }
0x87: {  	v5 =	vor.u32 v2, v30;
	[tilespmem:v6+s26+$0x0] =	vst.idx.add.f32.msk $0xffff, v1  }
0x88: {  	[tilespmem:v7+s26+$0x0] =	vst.idx.add.f32.msk $0xffff, v1  }
0x89: {  	[tilespmem:v8+s26+$0x0] =	vst.idx.add.f32.msk $0xffff, v1  }
0x8a: {  	[tilespmem:v3+s26+$0x0] =	vst.idx.add.f32.msk $0xffff, v1  }
0x8b: {  	[tilespmem:v31+s26+$0x0] =	vst.idx.add.f32.msk $0xffff, v1  }
0x8c: {  	[tilespmem:v5+s26+$0x0] =	vst.idx.add.f32.msk $0xffff, v1  }
0x8d: {  	v3 =	vld [tilespmem:s7+$0x800]  }
0x8e: {  	v4 =	vld [tilespmem:s7+$0x810]  }
0x8f: {  	v5 =	vld [tilespmem:s7+$0x8800]  }
0x90: {  	v6 =	vld [tilespmem:s7+$0x820]  }
0x91: {  	v7 =	vld [tilespmem:s7+$0x830]  }
0x92: {  	v8 =	vld [tilespmem:s7+$0x8810]  }
0x93: {  	v32 =	vld [tilespmem:s7+$0x8820]  }
0x94: {  	v33 =	vld [tilespmem:s7+$0x840]  }
0x95: {  	v34 =	vld [tilespmem:s7+$0x850]  }
0x96: {  	v35 =	vld [tilespmem:s7+$0x8830]  }
0x97: {  	v39 =	vld [tilespmem:s7+$0x860]  }
0x98: {  	v40 =	vld [tilespmem:s7+$0x870]  }
0x99: {  	v36 =	vld [tilespmem:s7+$0x8840]  }
0x9a: {  	v42 =	vld [tilespmem:s7+$0x8870];
	v3 =	vsub.f32 $1.000000000e+00, v3  }
0x9b: {  	v4 =	vsub.f32 $1.000000000e+00, v4;
	v6 =	vsub.f32 $1.000000000e+00, v6  }
0x9c: {  	v7 =	vsub.f32 $1.000000000e+00, v7;
	v38 =	vsub.f32 $1.000000000e+00, v33  }
0x9d: {  	v44 =	vsub.f32 $1.000000000e+00, v39;
	v45 =	vsub.f32 $1.000000000e+00, v40;
	v3 =	vmax.f32 v3, v5  }
0x9e: {  	v37 =	vld [tilespmem:s7+$0x8850];
	v4 =	vmax.f32 v4, v8;
	v6 =	vmax.f32 v6, v32;
	v7 =	vmax.f32 v7, v35  }
0x9f: {  	v9 =	vmax.f32 v38, v36;
	v5 =	vsub.f32 $1.000000000e+00, v34;
	v10 =	vmax.f32 v45, v42  }
0xa0: {  	v3 =	vshra.s32 v3, $0x11;
	v4 =	vshra.s32 v4, $0x11;
	v6 =	vshra.s32 v6, $0x11  }
0xa1: {  	v41 =	vld [tilespmem:s7+$0x8860];
	v7 =	vshra.s32 v7, $0x11;
	v9 =	vshra.s32 v9, $0x11;
	v10 =	vshra.s32 v10, $0x11  }
0xa2: {  	v3 =	vsub.s32 $0x1FC0, v3;
	v4 =	vsub.s32 $0x1FC0, v4;
	v6 =	vsub.s32 $0x1FC0, v6  }
0xa3: {  	v7 =	vsub.s32 $0x1FC0, v7;
	v9 =	vsub.s32 $0x1FC0, v9;
	v5 =	vmax.f32 v5, v37  }
0xa4: {  	v10 =	vsub.s32 $0x1FC0, v10;
	v3 =	vmin.u32 v3, $0x7FF;
	v4 =	vmin.u32 v4, $0x7FF  }
0xa5: {  	v6 =	vmin.u32 v6, $0x7FF;
	v7 =	vmin.u32 v7, $0x7FF;
	v43 =	vmin.u32 v9, $0x7FF  }
0xa6: {  	v5 =	vshra.s32 v5, $0x11;
	v9 =	vmax.f32 v44, v41;
	v3 =	vshll.u32 v3, $0x4  }
0xa7: {  	v4 =	vshll.u32 v4, $0x4;
	v6 =	vshll.u32 v6, $0x4;
	v3 =	vor.u32 v2, v3  }
0xa8: {  	v7 =	vshll.u32 v7, $0x4;
	v8 =	vshll.u32 v43, $0x4;
	v4 =	vor.u32 v2, v4  }
0xa9: {  	v5 =	vsub.s32 $0x1FC0, v5;
	v9 =	vshra.s32 v9, $0x11;
	v6 =	vor.u32 v2, v6  }
0xaa: {  	v5 =	vmin.u32 v5, $0x7FF;
	v9 =	vsub.s32 $0x1FC0, v9;
	v7 =	vor.u32 v2, v7  }
0xab: {  	v8 =	vor.u32 v2, v8;
	v5 =	vshll.u32 v5, $0x4;
	v9 =	vmin.u32 v9, $0x7FF  }
0xac: {  	v10 =	vmin.u32 v10, $0x7FF;
	v9 =	vshll.u32 v9, $0x4;
	[tilespmem:v3+s26+$0x0] =	vst.idx.add.f32.msk $0xffff, v1;
	v3 =	vor.u32 v2, v5  }
0xad: {  	v46 =	vshll.u32 v10, $0x4;
	v47 =	vor.u32 v2, v9;
	[tilespmem:v4+s26+$0x0] =	vst.idx.add.f32.msk $0xffff, v1  }
0xae: {  	v5 =	vor.u32 v2, v46;
	[tilespmem:v6+s26+$0x0] =	vst.idx.add.f32.msk $0xffff, v1  }
0xaf: {  	[tilespmem:v7+s26+$0x0] =	vst.idx.add.f32.msk $0xffff, v1  }
0xb0: {  	[tilespmem:v8+s26+$0x0] =	vst.idx.add.f32.msk $0xffff, v1  }
0xb1: {  	[tilespmem:v3+s26+$0x0] =	vst.idx.add.f32.msk $0xffff, v1  }
0xb2: {  	[tilespmem:v47+s26+$0x0] =	vst.idx.add.f32.msk $0xffff, v1  }
0xb3: {  	[tilespmem:v5+s26+$0x0] =	vst.idx.add.f32.msk $0xffff, v1  }
0xb4: {  	v3 =	vld [tilespmem:s7+$0xC00]  }
0xb5: {  	v4 =	vld [tilespmem:s7+$0xC10]  }
0xb6: {  	v5 =	vld [tilespmem:s7+$0x8C00]  }
0xb7: {  	v6 =	vld [tilespmem:s7+$0xC20]  }
0xb8: {  	v7 =	vld [tilespmem:s7+$0xC30]  }
0xb9: {  	v8 =	vld [tilespmem:s7+$0x8C10]  }
0xba: {  	v48 =	vld [tilespmem:s7+$0x8C20]  }
0xbb: {  	v49 =	vld [tilespmem:s7+$0xC40]  }
0xbc: {  	v50 =	vld [tilespmem:s7+$0xC50]  }
0xbd: {  	v51 =	vld [tilespmem:s7+$0x8C30]  }
0xbe: {  	v55 =	vld [tilespmem:s7+$0xC60]  }
0xbf: {  	v56 =	vld [tilespmem:s7+$0xC70]  }
0xc0: {  	v52 =	vld [tilespmem:s7+$0x8C40]  }
0xc1: {  	v58 =	vld [tilespmem:s7+$0x8C70];
	v3 =	vsub.f32 $1.000000000e+00, v3  }
0xc2: {  	v4 =	vsub.f32 $1.000000000e+00, v4;
	v6 =	vsub.f32 $1.000000000e+00, v6  }
0xc3: {  	v7 =	vsub.f32 $1.000000000e+00, v7;
	v54 =	vsub.f32 $1.000000000e+00, v49  }
0xc4: {  	v60 =	vsub.f32 $1.000000000e+00, v55;
	v61 =	vsub.f32 $1.000000000e+00, v56;
	v3 =	vmax.f32 v3, v5  }
0xc5: {  	v53 =	vld [tilespmem:s7+$0x8C50];
	v4 =	vmax.f32 v4, v8;
	v6 =	vmax.f32 v6, v48;
	v7 =	vmax.f32 v7, v51  }
0xc6: {  	v9 =	vmax.f32 v54, v52;
	v5 =	vsub.f32 $1.000000000e+00, v50;
	v10 =	vmax.f32 v61, v58  }
0xc7: {  	v3 =	vshra.s32 v3, $0x11;
	v4 =	vshra.s32 v4, $0x11;
	v6 =	vshra.s32 v6, $0x11  }
0xc8: {  	v57 =	vld [tilespmem:s7+$0x8C60];
	v7 =	vshra.s32 v7, $0x11;
	v9 =	vshra.s32 v9, $0x11;
	v10 =	vshra.s32 v10, $0x11  }
0xc9: {  	v3 =	vsub.s32 $0x1FC0, v3;
	v4 =	vsub.s32 $0x1FC0, v4;
	v6 =	vsub.s32 $0x1FC0, v6  }
0xca: {  	v7 =	vsub.s32 $0x1FC0, v7;
	v9 =	vsub.s32 $0x1FC0, v9;
	v5 =	vmax.f32 v5, v53  }
0xcb: {  	v10 =	vsub.s32 $0x1FC0, v10;
	v3 =	vmin.u32 v3, $0x7FF;
	v4 =	vmin.u32 v4, $0x7FF  }
0xcc: {  	v6 =	vmin.u32 v6, $0x7FF;
	v7 =	vmin.u32 v7, $0x7FF;
	v59 =	vmin.u32 v9, $0x7FF  }
0xcd: {  	v5 =	vshra.s32 v5, $0x11;
	v9 =	vmax.f32 v60, v57;
	v3 =	vshll.u32 v3, $0x4  }
0xce: {  	v4 =	vshll.u32 v4, $0x4;
	v6 =	vshll.u32 v6, $0x4;
	v3 =	vor.u32 v2, v3  }
0xcf: {  	v7 =	vshll.u32 v7, $0x4;
	v8 =	vshll.u32 v59, $0x4;
	v4 =	vor.u32 v2, v4  }
0xd0: {  	v5 =	vsub.s32 $0x1FC0, v5;
	v9 =	vshra.s32 v9, $0x11;
	v6 =	vor.u32 v2, v6  }
0xd1: {  	v5 =	vmin.u32 v5, $0x7FF;
	v9 =	vsub.s32 $0x1FC0, v9;
	v7 =	vor.u32 v2, v7  }
0xd2: {  	v8 =	vor.u32 v2, v8;
	v5 =	vshll.u32 v5, $0x4;
	v9 =	vmin.u32 v9, $0x7FF  }
0xd3: {  	v10 =	vmin.u32 v10, $0x7FF;
	v9 =	vshll.u32 v9, $0x4;
	[tilespmem:v3+s26+$0x0] =	vst.idx.add.f32.msk $0xffff, v1;
	v3 =	vor.u32 v2, v5  }
0xd4: {  	v62 =	vshll.u32 v10, $0x4;
	v63 =	vor.u32 v2, v9;
	[tilespmem:v4+s26+$0x0] =	vst.idx.add.f32.msk $0xffff, v1  }
0xd5: {  	p0 =	sne.s32 s6, $0x1E00;
	v5 =	vor.u32 v2, v62;
	[tilespmem:v6+s26+$0x0] =	vst.idx.add.f32.msk $0xffff, v1  }
.Ltmp1:
0xd6: {  	[tilespmem:v7+s26+$0x0] =	vst.idx.add.f32.msk $0xffff, v1;
	(pc) =	sbr.rel @p0 .LBB2_5-.Ltmp1, $4  }
0xd7: {  	[tilespmem:v8+s26+$0x0] =	vst.idx.add.f32.msk $0xffff, v1  }
0xd8: {  	[tilespmem:v3+s26+$0x0] =	vst.idx.add.f32.msk $0xffff, v1  }
0xd9: {  	[tilespmem:v63+s26+$0x0] =	vst.idx.add.f32.msk $0xffff, v1  }
0xda: {  	s3 =	sadd.s32 $0x80, s3;
	s6 =	sadd.s32 $0x200, s6;
	[tilespmem:v5+s26+$0x0] =	vst.idx.add.f32.msk $0xffff, v1  }
0xdb: {  	p0 =	seq.s32 s20, $0x3  }
0xdc: {  	s3 =	sadd.s32 @!p0 s21, s12  }
0xdd: {  	s3 =	sshrl.u32 @!p0 s3, $0x3  }
0xde: {  	s7 =	simm.s32 @!p0 $0x0;
	s6 =	sadd.s32 @!p0 s1, s3  }
0xdf: {  	[tilespmem:s7], [sflag:$0x1] =	stream.linear.gather @!p0 [hbm4b:s6+s7], $0x2000, $0x38;
	[tilespmem:$0x18000] =	vst v63  }
0xe0: {  	s3 =	sadd.s32 @!p0 s2, s3;
	s6 =	simm.s32 @!p0 $0x8000  }
0xe1: {  	[tilespmem:s6], [sflag:$0x5] =	stream.linear.gather @!p0 [hbm4b:s3+s7], $0x2000, $0x38;
	[tilespmem:$0x18000] =	vst v63  }
0xe2: {  	_ =	swait.ge [sflag:s28], $0x2000  }
0xe3: {  	[sflag:s28] =	ssyncset.done $0x0  }
0xe4: {  	[sflag:s28] =	ssyncadd.s32 $0xFFFFE000  }
0xe5: {  	_ =	swait.ge [sflag:s29], $0x2000  }
0xe6: {  	[sflag:s29] =	ssyncset.done $0x0  }
0xe7: {  	s3 =	simm.s32 $0x0;
	s6 =	simm.s32 $0x0;
	[sflag:s29] =	ssyncadd.s32 $0xFFFFE000  }
.LBB2_7:
0xe8: {  	s7 =	sand.u32 $0x1000, s6;
	s8 =	sand.u32 $0x380, s3  }
0xe9: {  	s7 =	sor.u32 s8, s7  }
0xea: {  	v3 =	vld [tilespmem:s7+$0x2000]  }
0xeb: {  	v4 =	vld [tilespmem:s7+$0x2010]  }
0xec: {  	v5 =	vld [tilespmem:s7+$0xA000]  }
0xed: {  	v6 =	vld [tilespmem:s7+$0x2020]  }
0xee: {  	v7 =	vld [tilespmem:s7+$0x2030]  }
0xef: {  	v8 =	vld [tilespmem:s7+$0xA010]  }
0xf0: {  	v9 =	vld [tilespmem:s7+$0xA020]  }
0xf1: {  	v10 =	vld [tilespmem:s7+$0x2040]  }
0xf2: {  	v55 =	vld [tilespmem:s7+$0x2050]  }
0xf3: {  	v11 =	vld [tilespmem:s7+$0xA030]  }
0xf4: {  	v58 =	vld [tilespmem:s7+$0x2060]  }
0xf5: {  	v59 =	vld [tilespmem:s7+$0x2070]  }
0xf6: {  	v12 =	vld [tilespmem:s7+$0xA040]  }
0xf7: {  	v13 =	vld [tilespmem:s7+$0xA070];
	v3 =	vsub.f32 $1.000000000e+00, v3  }
0xf8: {  	v4 =	vsub.f32 $1.000000000e+00, v4;
	v6 =	vsub.f32 $1.000000000e+00, v6  }
0xf9: {  	v7 =	vsub.f32 $1.000000000e+00, v7;
	v57 =	vsub.f32 $1.000000000e+00, v10  }
0xfa: {  	v62 =	vsub.f32 $1.000000000e+00, v58;
	v63 =	vsub.f32 $1.000000000e+00, v59;
	v3 =	vmax.f32 v3, v5  }
0xfb: {  	v56 =	vld [tilespmem:s7+$0xA050];
	v4 =	vmax.f32 v4, v8;
	v6 =	vmax.f32 v6, v9;
	v7 =	vmax.f32 v7, v11  }
0xfc: {  	v9 =	vmax.f32 v57, v12;
	v5 =	vsub.f32 $1.000000000e+00, v55;
	v10 =	vmax.f32 v63, v13  }
0xfd: {  	v3 =	vshra.s32 v3, $0x11;
	v4 =	vshra.s32 v4, $0x11;
	v6 =	vshra.s32 v6, $0x11  }
0xfe: {  	v60 =	vld [tilespmem:s7+$0xA060];
	v7 =	vshra.s32 v7, $0x11;
	v9 =	vshra.s32 v9, $0x11;
	v10 =	vshra.s32 v10, $0x11  }
0xff: {  	v3 =	vsub.s32 $0x1FC0, v3;
	v4 =	vsub.s32 $0x1FC0, v4;
	v6 =	vsub.s32 $0x1FC0, v6  }
0x100: {  	v7 =	vsub.s32 $0x1FC0, v7;
	v9 =	vsub.s32 $0x1FC0, v9;
	v5 =	vmax.f32 v5, v56  }
0x101: {  	v10 =	vsub.s32 $0x1FC0, v10;
	v3 =	vmin.u32 v3, $0x7FF;
	v4 =	vmin.u32 v4, $0x7FF  }
0x102: {  	v6 =	vmin.u32 v6, $0x7FF;
	v7 =	vmin.u32 v7, $0x7FF;
	v61 =	vmin.u32 v9, $0x7FF  }
0x103: {  	v5 =	vshra.s32 v5, $0x11;
	v9 =	vmax.f32 v62, v60;
	v3 =	vshll.u32 v3, $0x4  }
0x104: {  	v4 =	vshll.u32 v4, $0x4;
	v6 =	vshll.u32 v6, $0x4;
	v3 =	vor.u32 v2, v3  }
0x105: {  	v7 =	vshll.u32 v7, $0x4;
	v8 =	vshll.u32 v61, $0x4;
	v4 =	vor.u32 v2, v4  }
0x106: {  	v5 =	vsub.s32 $0x1FC0, v5;
	v9 =	vshra.s32 v9, $0x11;
	v6 =	vor.u32 v2, v6  }
0x107: {  	v5 =	vmin.u32 v5, $0x7FF;
	v9 =	vsub.s32 $0x1FC0, v9;
	v7 =	vor.u32 v2, v7  }
0x108: {  	v8 =	vor.u32 v2, v8;
	v5 =	vshll.u32 v5, $0x4;
	v9 =	vmin.u32 v9, $0x7FF  }
0x109: {  	v10 =	vmin.u32 v10, $0x7FF;
	v9 =	vshll.u32 v9, $0x4;
	[tilespmem:v3+s26+$0x0] =	vst.idx.add.f32.msk $0xffff, v1;
	v3 =	vor.u32 v2, v5  }
0x10a: {  	v14 =	vshll.u32 v10, $0x4;
	v15 =	vor.u32 v2, v9;
	[tilespmem:v4+s26+$0x0] =	vst.idx.add.f32.msk $0xffff, v1  }
0x10b: {  	v5 =	vor.u32 v2, v14;
	[tilespmem:v6+s26+$0x0] =	vst.idx.add.f32.msk $0xffff, v1  }
0x10c: {  	[tilespmem:v7+s26+$0x0] =	vst.idx.add.f32.msk $0xffff, v1  }
0x10d: {  	[tilespmem:v8+s26+$0x0] =	vst.idx.add.f32.msk $0xffff, v1  }
0x10e: {  	[tilespmem:v3+s26+$0x0] =	vst.idx.add.f32.msk $0xffff, v1  }
0x10f: {  	[tilespmem:v15+s26+$0x0] =	vst.idx.add.f32.msk $0xffff, v1  }
0x110: {  	[tilespmem:v5+s26+$0x0] =	vst.idx.add.f32.msk $0xffff, v1  }
0x111: {  	v3 =	vld [tilespmem:s7+$0x2400]  }
0x112: {  	v4 =	vld [tilespmem:s7+$0x2410]  }
0x113: {  	v5 =	vld [tilespmem:s7+$0xA400]  }
0x114: {  	v6 =	vld [tilespmem:s7+$0x2420]  }
0x115: {  	v7 =	vld [tilespmem:s7+$0x2430]  }
0x116: {  	v8 =	vld [tilespmem:s7+$0xA410]  }
0x117: {  	v16 =	vld [tilespmem:s7+$0xA420]  }
0x118: {  	v17 =	vld [tilespmem:s7+$0x2440]  }
0x119: {  	v18 =	vld [tilespmem:s7+$0x2450]  }
0x11a: {  	v19 =	vld [tilespmem:s7+$0xA430]  }
0x11b: {  	v23 =	vld [tilespmem:s7+$0x2460]  }
0x11c: {  	v24 =	vld [tilespmem:s7+$0x2470]  }
0x11d: {  	v20 =	vld [tilespmem:s7+$0xA440]  }
0x11e: {  	v26 =	vld [tilespmem:s7+$0xA470];
	v3 =	vsub.f32 $1.000000000e+00, v3  }
0x11f: {  	v4 =	vsub.f32 $1.000000000e+00, v4;
	v6 =	vsub.f32 $1.000000000e+00, v6  }
0x120: {  	v7 =	vsub.f32 $1.000000000e+00, v7;
	v22 =	vsub.f32 $1.000000000e+00, v17  }
0x121: {  	v28 =	vsub.f32 $1.000000000e+00, v23;
	v29 =	vsub.f32 $1.000000000e+00, v24;
	v3 =	vmax.f32 v3, v5  }
0x122: {  	v21 =	vld [tilespmem:s7+$0xA450];
	v4 =	vmax.f32 v4, v8;
	v6 =	vmax.f32 v6, v16;
	v7 =	vmax.f32 v7, v19  }
0x123: {  	v9 =	vmax.f32 v22, v20;
	v5 =	vsub.f32 $1.000000000e+00, v18;
	v10 =	vmax.f32 v29, v26  }
0x124: {  	v3 =	vshra.s32 v3, $0x11;
	v4 =	vshra.s32 v4, $0x11;
	v6 =	vshra.s32 v6, $0x11  }
0x125: {  	v25 =	vld [tilespmem:s7+$0xA460];
	v7 =	vshra.s32 v7, $0x11;
	v9 =	vshra.s32 v9, $0x11;
	v10 =	vshra.s32 v10, $0x11  }
0x126: {  	v3 =	vsub.s32 $0x1FC0, v3;
	v4 =	vsub.s32 $0x1FC0, v4;
	v6 =	vsub.s32 $0x1FC0, v6  }
0x127: {  	v7 =	vsub.s32 $0x1FC0, v7;
	v9 =	vsub.s32 $0x1FC0, v9;
	v5 =	vmax.f32 v5, v21  }
0x128: {  	v10 =	vsub.s32 $0x1FC0, v10;
	v3 =	vmin.u32 v3, $0x7FF;
	v4 =	vmin.u32 v4, $0x7FF  }
0x129: {  	v6 =	vmin.u32 v6, $0x7FF;
	v7 =	vmin.u32 v7, $0x7FF;
	v27 =	vmin.u32 v9, $0x7FF  }
0x12a: {  	v5 =	vshra.s32 v5, $0x11;
	v9 =	vmax.f32 v28, v25;
	v3 =	vshll.u32 v3, $0x4  }
0x12b: {  	v4 =	vshll.u32 v4, $0x4;
	v6 =	vshll.u32 v6, $0x4;
	v3 =	vor.u32 v2, v3  }
0x12c: {  	v7 =	vshll.u32 v7, $0x4;
	v8 =	vshll.u32 v27, $0x4;
	v4 =	vor.u32 v2, v4  }
0x12d: {  	v5 =	vsub.s32 $0x1FC0, v5;
	v9 =	vshra.s32 v9, $0x11;
	v6 =	vor.u32 v2, v6  }
0x12e: {  	v5 =	vmin.u32 v5, $0x7FF;
	v9 =	vsub.s32 $0x1FC0, v9;
	v7 =	vor.u32 v2, v7  }
0x12f: {  	v8 =	vor.u32 v2, v8;
	v5 =	vshll.u32 v5, $0x4;
	v9 =	vmin.u32 v9, $0x7FF  }
0x130: {  	v10 =	vmin.u32 v10, $0x7FF;
	v9 =	vshll.u32 v9, $0x4;
	[tilespmem:v3+s26+$0x0] =	vst.idx.add.f32.msk $0xffff, v1;
	v3 =	vor.u32 v2, v5  }
0x131: {  	v30 =	vshll.u32 v10, $0x4;
	v31 =	vor.u32 v2, v9;
	[tilespmem:v4+s26+$0x0] =	vst.idx.add.f32.msk $0xffff, v1  }
0x132: {  	v5 =	vor.u32 v2, v30;
	[tilespmem:v6+s26+$0x0] =	vst.idx.add.f32.msk $0xffff, v1  }
0x133: {  	[tilespmem:v7+s26+$0x0] =	vst.idx.add.f32.msk $0xffff, v1  }
0x134: {  	[tilespmem:v8+s26+$0x0] =	vst.idx.add.f32.msk $0xffff, v1  }
0x135: {  	[tilespmem:v3+s26+$0x0] =	vst.idx.add.f32.msk $0xffff, v1  }
0x136: {  	[tilespmem:v31+s26+$0x0] =	vst.idx.add.f32.msk $0xffff, v1  }
0x137: {  	[tilespmem:v5+s26+$0x0] =	vst.idx.add.f32.msk $0xffff, v1  }
0x138: {  	v3 =	vld [tilespmem:s7+$0x2800]  }
0x139: {  	v4 =	vld [tilespmem:s7+$0x2810]  }
0x13a: {  	v5 =	vld [tilespmem:s7+$0xA800]  }
0x13b: {  	v6 =	vld [tilespmem:s7+$0x2820]  }
0x13c: {  	v7 =	vld [tilespmem:s7+$0x2830]  }
0x13d: {  	v8 =	vld [tilespmem:s7+$0xA810]  }
0x13e: {  	v32 =	vld [tilespmem:s7+$0xA820]  }
0x13f: {  	v33 =	vld [tilespmem:s7+$0x2840]  }
0x140: {  	v34 =	vld [tilespmem:s7+$0x2850]  }
0x141: {  	v35 =	vld [tilespmem:s7+$0xA830]  }
0x142: {  	v39 =	vld [tilespmem:s7+$0x2860]  }
0x143: {  	v40 =	vld [tilespmem:s7+$0x2870]  }
0x144: {  	v36 =	vld [tilespmem:s7+$0xA840]  }
0x145: {  	v42 =	vld [tilespmem:s7+$0xA870];
	v3 =	vsub.f32 $1.000000000e+00, v3  }
0x146: {  	v4 =	vsub.f32 $1.000000000e+00, v4;
	v6 =	vsub.f32 $1.000000000e+00, v6  }
0x147: {  	v7 =	vsub.f32 $1.000000000e+00, v7;
	v38 =	vsub.f32 $1.000000000e+00, v33  }
0x148: {  	v44 =	vsub.f32 $1.000000000e+00, v39;
	v45 =	vsub.f32 $1.000000000e+00, v40;
	v3 =	vmax.f32 v3, v5  }
0x149: {  	v37 =	vld [tilespmem:s7+$0xA850];
	v4 =	vmax.f32 v4, v8;
	v6 =	vmax.f32 v6, v32;
	v7 =	vmax.f32 v7, v35  }
0x14a: {  	v9 =	vmax.f32 v38, v36;
	v5 =	vsub.f32 $1.000000000e+00, v34;
	v10 =	vmax.f32 v45, v42  }
0x14b: {  	v3 =	vshra.s32 v3, $0x11;
	v4 =	vshra.s32 v4, $0x11;
	v6 =	vshra.s32 v6, $0x11  }
0x14c: {  	v41 =	vld [tilespmem:s7+$0xA860];
	v7 =	vshra.s32 v7, $0x11;
	v9 =	vshra.s32 v9, $0x11;
	v10 =	vshra.s32 v10, $0x11  }
0x14d: {  	v3 =	vsub.s32 $0x1FC0, v3;
	v4 =	vsub.s32 $0x1FC0, v4;
	v6 =	vsub.s32 $0x1FC0, v6  }
0x14e: {  	v7 =	vsub.s32 $0x1FC0, v7;
	v9 =	vsub.s32 $0x1FC0, v9;
	v5 =	vmax.f32 v5, v37  }
0x14f: {  	v10 =	vsub.s32 $0x1FC0, v10;
	v3 =	vmin.u32 v3, $0x7FF;
	v4 =	vmin.u32 v4, $0x7FF  }
0x150: {  	v6 =	vmin.u32 v6, $0x7FF;
	v7 =	vmin.u32 v7, $0x7FF;
	v43 =	vmin.u32 v9, $0x7FF  }
0x151: {  	v5 =	vshra.s32 v5, $0x11;
	v9 =	vmax.f32 v44, v41;
	v3 =	vshll.u32 v3, $0x4  }
0x152: {  	v4 =	vshll.u32 v4, $0x4;
	v6 =	vshll.u32 v6, $0x4;
	v3 =	vor.u32 v2, v3  }
0x153: {  	v7 =	vshll.u32 v7, $0x4;
	v8 =	vshll.u32 v43, $0x4;
	v4 =	vor.u32 v2, v4  }
0x154: {  	v5 =	vsub.s32 $0x1FC0, v5;
	v9 =	vshra.s32 v9, $0x11;
	v6 =	vor.u32 v2, v6  }
0x155: {  	v5 =	vmin.u32 v5, $0x7FF;
	v9 =	vsub.s32 $0x1FC0, v9;
	v7 =	vor.u32 v2, v7  }
0x156: {  	v8 =	vor.u32 v2, v8;
	v5 =	vshll.u32 v5, $0x4;
	v9 =	vmin.u32 v9, $0x7FF  }
0x157: {  	v10 =	vmin.u32 v10, $0x7FF;
	v9 =	vshll.u32 v9, $0x4;
	[tilespmem:v3+s26+$0x0] =	vst.idx.add.f32.msk $0xffff, v1;
	v3 =	vor.u32 v2, v5  }
0x158: {  	v46 =	vshll.u32 v10, $0x4;
	v47 =	vor.u32 v2, v9;
	[tilespmem:v4+s26+$0x0] =	vst.idx.add.f32.msk $0xffff, v1  }
0x159: {  	v5 =	vor.u32 v2, v46;
	[tilespmem:v6+s26+$0x0] =	vst.idx.add.f32.msk $0xffff, v1  }
0x15a: {  	[tilespmem:v7+s26+$0x0] =	vst.idx.add.f32.msk $0xffff, v1  }
0x15b: {  	[tilespmem:v8+s26+$0x0] =	vst.idx.add.f32.msk $0xffff, v1  }
0x15c: {  	[tilespmem:v3+s26+$0x0] =	vst.idx.add.f32.msk $0xffff, v1  }
0x15d: {  	[tilespmem:v47+s26+$0x0] =	vst.idx.add.f32.msk $0xffff, v1  }
0x15e: {  	[tilespmem:v5+s26+$0x0] =	vst.idx.add.f32.msk $0xffff, v1  }
0x15f: {  	v3 =	vld [tilespmem:s7+$0x2C00]  }
0x160: {  	v4 =	vld [tilespmem:s7+$0x2C10]  }
0x161: {  	v5 =	vld [tilespmem:s7+$0xAC00]  }
0x162: {  	v6 =	vld [tilespmem:s7+$0x2C20]  }
0x163: {  	v7 =	vld [tilespmem:s7+$0x2C30]  }
0x164: {  	v8 =	vld [tilespmem:s7+$0xAC10]  }
0x165: {  	v48 =	vld [tilespmem:s7+$0xAC20]  }
0x166: {  	v49 =	vld [tilespmem:s7+$0x2C40]  }
0x167: {  	v50 =	vld [tilespmem:s7+$0x2C50]  }
0x168: {  	v51 =	vld [tilespmem:s7+$0xAC30]  }
0x169: {  	v55 =	vld [tilespmem:s7+$0x2C60]  }
0x16a: {  	v56 =	vld [tilespmem:s7+$0x2C70]  }
0x16b: {  	v52 =	vld [tilespmem:s7+$0xAC40]  }
0x16c: {  	v58 =	vld [tilespmem:s7+$0xAC70];
	v3 =	vsub.f32 $1.000000000e+00, v3  }
0x16d: {  	v4 =	vsub.f32 $1.000000000e+00, v4;
	v6 =	vsub.f32 $1.000000000e+00, v6  }
0x16e: {  	v7 =	vsub.f32 $1.000000000e+00, v7;
	v54 =	vsub.f32 $1.000000000e+00, v49  }
0x16f: {  	v60 =	vsub.f32 $1.000000000e+00, v55;
	v61 =	vsub.f32 $1.000000000e+00, v56;
	v3 =	vmax.f32 v3, v5  }
0x170: {  	v53 =	vld [tilespmem:s7+$0xAC50];
	v4 =	vmax.f32 v4, v8;
	v6 =	vmax.f32 v6, v48;
	v7 =	vmax.f32 v7, v51  }
0x171: {  	v9 =	vmax.f32 v54, v52;
	v5 =	vsub.f32 $1.000000000e+00, v50;
	v10 =	vmax.f32 v61, v58  }
0x172: {  	v3 =	vshra.s32 v3, $0x11;
	v4 =	vshra.s32 v4, $0x11;
	v6 =	vshra.s32 v6, $0x11  }
0x173: {  	v57 =	vld [tilespmem:s7+$0xAC60];
	v7 =	vshra.s32 v7, $0x11;
	v9 =	vshra.s32 v9, $0x11;
	v10 =	vshra.s32 v10, $0x11  }
0x174: {  	v3 =	vsub.s32 $0x1FC0, v3;
	v4 =	vsub.s32 $0x1FC0, v4;
	v6 =	vsub.s32 $0x1FC0, v6  }
0x175: {  	v7 =	vsub.s32 $0x1FC0, v7;
	v9 =	vsub.s32 $0x1FC0, v9;
	v5 =	vmax.f32 v5, v53  }
0x176: {  	v10 =	vsub.s32 $0x1FC0, v10;
	v3 =	vmin.u32 v3, $0x7FF;
	v4 =	vmin.u32 v4, $0x7FF  }
0x177: {  	v6 =	vmin.u32 v6, $0x7FF;
	v7 =	vmin.u32 v7, $0x7FF;
	v59 =	vmin.u32 v9, $0x7FF  }
0x178: {  	v5 =	vshra.s32 v5, $0x11;
	v9 =	vmax.f32 v60, v57;
	v3 =	vshll.u32 v3, $0x4  }
0x179: {  	v4 =	vshll.u32 v4, $0x4;
	v6 =	vshll.u32 v6, $0x4;
	v3 =	vor.u32 v2, v3  }
0x17a: {  	v7 =	vshll.u32 v7, $0x4;
	v8 =	vshll.u32 v59, $0x4;
	v4 =	vor.u32 v2, v4  }
0x17b: {  	v5 =	vsub.s32 $0x1FC0, v5;
	v9 =	vshra.s32 v9, $0x11;
	v6 =	vor.u32 v2, v6  }
0x17c: {  	v5 =	vmin.u32 v5, $0x7FF;
	v9 =	vsub.s32 $0x1FC0, v9;
	v7 =	vor.u32 v2, v7  }
0x17d: {  	v8 =	vor.u32 v2, v8;
	v5 =	vshll.u32 v5, $0x4;
	v9 =	vmin.u32 v9, $0x7FF  }
0x17e: {  	v10 =	vmin.u32 v10, $0x7FF;
	v9 =	vshll.u32 v9, $0x4;
	[tilespmem:v3+s26+$0x0] =	vst.idx.add.f32.msk $0xffff, v1;
	v3 =	vor.u32 v2, v5  }
0x17f: {  	v62 =	vshll.u32 v10, $0x4;
	v63 =	vor.u32 v2, v9;
	[tilespmem:v4+s26+$0x0] =	vst.idx.add.f32.msk $0xffff, v1  }
0x180: {  	p1 =	sne.s32 s6, $0x1E00;
	v5 =	vor.u32 v2, v62;
	[tilespmem:v6+s26+$0x0] =	vst.idx.add.f32.msk $0xffff, v1  }
.Ltmp2:
0x181: {  	[tilespmem:v7+s26+$0x0] =	vst.idx.add.f32.msk $0xffff, v1;
	(pc) =	sbr.rel @p1 .LBB2_7-.Ltmp2, $4  }
0x182: {  	[tilespmem:v8+s26+$0x0] =	vst.idx.add.f32.msk $0xffff, v1  }
0x183: {  	[tilespmem:v3+s26+$0x0] =	vst.idx.add.f32.msk $0xffff, v1  }
0x184: {  	[tilespmem:v63+s26+$0x0] =	vst.idx.add.f32.msk $0xffff, v1  }
0x185: {  	s3 =	sadd.s32 $0x80, s3;
	s6 =	sadd.s32 $0x200, s6;
	[tilespmem:v5+s26+$0x0] =	vst.idx.add.f32.msk $0xffff, v1  }
0x186: {  	s3 =	sadd.s32 @!p0 s21, s13  }
0x187: {  	s3 =	sshrl.u32 @!p0 s3, $0x3  }
0x188: {  	s7 =	simm.s32 @!p0 $0x0;
	s8 =	simm.s32 @!p0 $0x2000;
	s6 =	sadd.s32 @!p0 s1, s3  }
0x189: {  	[tilespmem:s8], [sflag:$0x2] =	stream.linear.gather @!p0 [hbm4b:s6+s7], $0x2000, $0x38;
	[tilespmem:$0x18000] =	vst v63  }
0x18a: {  	s3 =	sadd.s32 @!p0 s2, s3;
	s6 =	simm.s32 @!p0 $0xA000  }
0x18b: {  	[tilespmem:s6], [sflag:$0x6] =	stream.linear.gather @!p0 [hbm4b:s3+s7], $0x2000, $0x38;
	[tilespmem:$0x18000] =	vst v63  }
0x18c: {  	_ =	swait.ge [sflag:s30], $0x2000  }
0x18d: {  	[sflag:s30] =	ssyncset.done $0x0  }
0x18e: {  	[sflag:s30] =	ssyncadd.s32 $0xFFFFE000  }
0x18f: {  	_ =	swait.ge [sflag:s31], $0x2000  }
0x190: {  	[sflag:s31] =	ssyncset.done $0x0  }
0x191: {  	s3 =	simm.s32 $0x0;
	s6 =	simm.s32 $0x0;
	[sflag:s31] =	ssyncadd.s32 $0xFFFFE000  }
.LBB2_9:
0x192: {  	s7 =	sand.u32 $0x1000, s6;
	s8 =	sand.u32 $0x380, s3  }
0x193: {  	s7 =	sor.u32 s8, s7  }
0x194: {  	v3 =	vld [tilespmem:s7+$0x4000]  }
0x195: {  	v4 =	vld [tilespmem:s7+$0x4010]  }
0x196: {  	v5 =	vld [tilespmem:s7+$0xC000]  }
0x197: {  	v6 =	vld [tilespmem:s7+$0x4020]  }
0x198: {  	v7 =	vld [tilespmem:s7+$0x4030]  }
0x199: {  	v8 =	vld [tilespmem:s7+$0xC010]  }
0x19a: {  	v9 =	vld [tilespmem:s7+$0xC020]  }
0x19b: {  	v10 =	vld [tilespmem:s7+$0x4040]  }
0x19c: {  	v55 =	vld [tilespmem:s7+$0x4050]  }
0x19d: {  	v11 =	vld [tilespmem:s7+$0xC030]  }
0x19e: {  	v58 =	vld [tilespmem:s7+$0x4060]  }
0x19f: {  	v59 =	vld [tilespmem:s7+$0x4070]  }
0x1a0: {  	v12 =	vld [tilespmem:s7+$0xC040]  }
0x1a1: {  	v13 =	vld [tilespmem:s7+$0xC070];
	v3 =	vsub.f32 $1.000000000e+00, v3  }
0x1a2: {  	v4 =	vsub.f32 $1.000000000e+00, v4;
	v6 =	vsub.f32 $1.000000000e+00, v6  }
0x1a3: {  	v7 =	vsub.f32 $1.000000000e+00, v7;
	v57 =	vsub.f32 $1.000000000e+00, v10  }
0x1a4: {  	v62 =	vsub.f32 $1.000000000e+00, v58;
	v63 =	vsub.f32 $1.000000000e+00, v59;
	v3 =	vmax.f32 v3, v5  }
0x1a5: {  	v56 =	vld [tilespmem:s7+$0xC050];
	v4 =	vmax.f32 v4, v8;
	v6 =	vmax.f32 v6, v9;
	v7 =	vmax.f32 v7, v11  }
0x1a6: {  	v9 =	vmax.f32 v57, v12;
	v5 =	vsub.f32 $1.000000000e+00, v55;
	v10 =	vmax.f32 v63, v13  }
0x1a7: {  	v3 =	vshra.s32 v3, $0x11;
	v4 =	vshra.s32 v4, $0x11;
	v6 =	vshra.s32 v6, $0x11  }
0x1a8: {  	v60 =	vld [tilespmem:s7+$0xC060];
	v7 =	vshra.s32 v7, $0x11;
	v9 =	vshra.s32 v9, $0x11;
	v10 =	vshra.s32 v10, $0x11  }
0x1a9: {  	v3 =	vsub.s32 $0x1FC0, v3;
	v4 =	vsub.s32 $0x1FC0, v4;
	v6 =	vsub.s32 $0x1FC0, v6  }
0x1aa: {  	v7 =	vsub.s32 $0x1FC0, v7;
	v9 =	vsub.s32 $0x1FC0, v9;
	v5 =	vmax.f32 v5, v56  }
0x1ab: {  	v10 =	vsub.s32 $0x1FC0, v10;
	v3 =	vmin.u32 v3, $0x7FF;
	v4 =	vmin.u32 v4, $0x7FF  }
0x1ac: {  	v6 =	vmin.u32 v6, $0x7FF;
	v7 =	vmin.u32 v7, $0x7FF;
	v61 =	vmin.u32 v9, $0x7FF  }
0x1ad: {  	v5 =	vshra.s32 v5, $0x11;
	v9 =	vmax.f32 v62, v60;
	v3 =	vshll.u32 v3, $0x4  }
0x1ae: {  	v4 =	vshll.u32 v4, $0x4;
	v6 =	vshll.u32 v6, $0x4;
	v3 =	vor.u32 v2, v3  }
0x1af: {  	v7 =	vshll.u32 v7, $0x4;
	v8 =	vshll.u32 v61, $0x4;
	v4 =	vor.u32 v2, v4  }
0x1b0: {  	v5 =	vsub.s32 $0x1FC0, v5;
	v9 =	vshra.s32 v9, $0x11;
	v6 =	vor.u32 v2, v6  }
0x1b1: {  	v5 =	vmin.u32 v5, $0x7FF;
	v9 =	vsub.s32 $0x1FC0, v9;
	v7 =	vor.u32 v2, v7  }
0x1b2: {  	v8 =	vor.u32 v2, v8;
	v5 =	vshll.u32 v5, $0x4;
	v9 =	vmin.u32 v9, $0x7FF  }
0x1b3: {  	v10 =	vmin.u32 v10, $0x7FF;
	v9 =	vshll.u32 v9, $0x4;
	[tilespmem:v3+s26+$0x0] =	vst.idx.add.f32.msk $0xffff, v1;
	v3 =	vor.u32 v2, v5  }
0x1b4: {  	v14 =	vshll.u32 v10, $0x4;
	v15 =	vor.u32 v2, v9;
	[tilespmem:v4+s26+$0x0] =	vst.idx.add.f32.msk $0xffff, v1  }
0x1b5: {  	v5 =	vor.u32 v2, v14;
	[tilespmem:v6+s26+$0x0] =	vst.idx.add.f32.msk $0xffff, v1  }
0x1b6: {  	[tilespmem:v7+s26+$0x0] =	vst.idx.add.f32.msk $0xffff, v1  }
0x1b7: {  	[tilespmem:v8+s26+$0x0] =	vst.idx.add.f32.msk $0xffff, v1  }
0x1b8: {  	[tilespmem:v3+s26+$0x0] =	vst.idx.add.f32.msk $0xffff, v1  }
0x1b9: {  	[tilespmem:v15+s26+$0x0] =	vst.idx.add.f32.msk $0xffff, v1  }
0x1ba: {  	[tilespmem:v5+s26+$0x0] =	vst.idx.add.f32.msk $0xffff, v1  }
0x1bb: {  	v3 =	vld [tilespmem:s7+$0x4400]  }
0x1bc: {  	v4 =	vld [tilespmem:s7+$0x4410]  }
0x1bd: {  	v5 =	vld [tilespmem:s7+$0xC400]  }
0x1be: {  	v6 =	vld [tilespmem:s7+$0x4420]  }
0x1bf: {  	v7 =	vld [tilespmem:s7+$0x4430]  }
0x1c0: {  	v8 =	vld [tilespmem:s7+$0xC410]  }
0x1c1: {  	v16 =	vld [tilespmem:s7+$0xC420]  }
0x1c2: {  	v17 =	vld [tilespmem:s7+$0x4440]  }
0x1c3: {  	v18 =	vld [tilespmem:s7+$0x4450]  }
0x1c4: {  	v19 =	vld [tilespmem:s7+$0xC430]  }
0x1c5: {  	v23 =	vld [tilespmem:s7+$0x4460]  }
0x1c6: {  	v24 =	vld [tilespmem:s7+$0x4470]  }
0x1c7: {  	v20 =	vld [tilespmem:s7+$0xC440]  }
0x1c8: {  	v26 =	vld [tilespmem:s7+$0xC470];
	v3 =	vsub.f32 $1.000000000e+00, v3  }
0x1c9: {  	v4 =	vsub.f32 $1.000000000e+00, v4;
	v6 =	vsub.f32 $1.000000000e+00, v6  }
0x1ca: {  	v7 =	vsub.f32 $1.000000000e+00, v7;
	v22 =	vsub.f32 $1.000000000e+00, v17  }
0x1cb: {  	v28 =	vsub.f32 $1.000000000e+00, v23;
	v29 =	vsub.f32 $1.000000000e+00, v24;
	v3 =	vmax.f32 v3, v5  }
0x1cc: {  	v21 =	vld [tilespmem:s7+$0xC450];
	v4 =	vmax.f32 v4, v8;
	v6 =	vmax.f32 v6, v16;
	v7 =	vmax.f32 v7, v19  }
0x1cd: {  	v9 =	vmax.f32 v22, v20;
	v5 =	vsub.f32 $1.000000000e+00, v18;
	v10 =	vmax.f32 v29, v26  }
0x1ce: {  	v3 =	vshra.s32 v3, $0x11;
	v4 =	vshra.s32 v4, $0x11;
	v6 =	vshra.s32 v6, $0x11  }
0x1cf: {  	v25 =	vld [tilespmem:s7+$0xC460];
	v7 =	vshra.s32 v7, $0x11;
	v9 =	vshra.s32 v9, $0x11;
	v10 =	vshra.s32 v10, $0x11  }
0x1d0: {  	v3 =	vsub.s32 $0x1FC0, v3;
	v4 =	vsub.s32 $0x1FC0, v4;
	v6 =	vsub.s32 $0x1FC0, v6  }
0x1d1: {  	v7 =	vsub.s32 $0x1FC0, v7;
	v9 =	vsub.s32 $0x1FC0, v9;
	v5 =	vmax.f32 v5, v21  }
0x1d2: {  	v10 =	vsub.s32 $0x1FC0, v10;
	v3 =	vmin.u32 v3, $0x7FF;
	v4 =	vmin.u32 v4, $0x7FF  }
0x1d3: {  	v6 =	vmin.u32 v6, $0x7FF;
	v7 =	vmin.u32 v7, $0x7FF;
	v27 =	vmin.u32 v9, $0x7FF  }
0x1d4: {  	v5 =	vshra.s32 v5, $0x11;
	v9 =	vmax.f32 v28, v25;
	v3 =	vshll.u32 v3, $0x4  }
0x1d5: {  	v4 =	vshll.u32 v4, $0x4;
	v6 =	vshll.u32 v6, $0x4;
	v3 =	vor.u32 v2, v3  }
0x1d6: {  	v7 =	vshll.u32 v7, $0x4;
	v8 =	vshll.u32 v27, $0x4;
	v4 =	vor.u32 v2, v4  }
0x1d7: {  	v5 =	vsub.s32 $0x1FC0, v5;
	v9 =	vshra.s32 v9, $0x11;
	v6 =	vor.u32 v2, v6  }
0x1d8: {  	v5 =	vmin.u32 v5, $0x7FF;
	v9 =	vsub.s32 $0x1FC0, v9;
	v7 =	vor.u32 v2, v7  }
0x1d9: {  	v8 =	vor.u32 v2, v8;
	v5 =	vshll.u32 v5, $0x4;
	v9 =	vmin.u32 v9, $0x7FF  }
0x1da: {  	v10 =	vmin.u32 v10, $0x7FF;
	v9 =	vshll.u32 v9, $0x4;
	[tilespmem:v3+s26+$0x0] =	vst.idx.add.f32.msk $0xffff, v1;
	v3 =	vor.u32 v2, v5  }
0x1db: {  	v30 =	vshll.u32 v10, $0x4;
	v31 =	vor.u32 v2, v9;
	[tilespmem:v4+s26+$0x0] =	vst.idx.add.f32.msk $0xffff, v1  }
0x1dc: {  	v5 =	vor.u32 v2, v30;
	[tilespmem:v6+s26+$0x0] =	vst.idx.add.f32.msk $0xffff, v1  }
0x1dd: {  	[tilespmem:v7+s26+$0x0] =	vst.idx.add.f32.msk $0xffff, v1  }
0x1de: {  	[tilespmem:v8+s26+$0x0] =	vst.idx.add.f32.msk $0xffff, v1  }
0x1df: {  	[tilespmem:v3+s26+$0x0] =	vst.idx.add.f32.msk $0xffff, v1  }
0x1e0: {  	[tilespmem:v31+s26+$0x0] =	vst.idx.add.f32.msk $0xffff, v1  }
0x1e1: {  	[tilespmem:v5+s26+$0x0] =	vst.idx.add.f32.msk $0xffff, v1  }
0x1e2: {  	v3 =	vld [tilespmem:s7+$0x4800]  }
0x1e3: {  	v4 =	vld [tilespmem:s7+$0x4810]  }
0x1e4: {  	v5 =	vld [tilespmem:s7+$0xC800]  }
0x1e5: {  	v6 =	vld [tilespmem:s7+$0x4820]  }
0x1e6: {  	v7 =	vld [tilespmem:s7+$0x4830]  }
0x1e7: {  	v8 =	vld [tilespmem:s7+$0xC810]  }
0x1e8: {  	v32 =	vld [tilespmem:s7+$0xC820]  }
0x1e9: {  	v33 =	vld [tilespmem:s7+$0x4840]  }
0x1ea: {  	v34 =	vld [tilespmem:s7+$0x4850]  }
0x1eb: {  	v35 =	vld [tilespmem:s7+$0xC830]  }
0x1ec: {  	v39 =	vld [tilespmem:s7+$0x4860]  }
0x1ed: {  	v40 =	vld [tilespmem:s7+$0x4870]  }
0x1ee: {  	v36 =	vld [tilespmem:s7+$0xC840]  }
0x1ef: {  	v42 =	vld [tilespmem:s7+$0xC870];
	v3 =	vsub.f32 $1.000000000e+00, v3  }
0x1f0: {  	v4 =	vsub.f32 $1.000000000e+00, v4;
	v6 =	vsub.f32 $1.000000000e+00, v6  }
0x1f1: {  	v7 =	vsub.f32 $1.000000000e+00, v7;
	v38 =	vsub.f32 $1.000000000e+00, v33  }
0x1f2: {  	v44 =	vsub.f32 $1.000000000e+00, v39;
	v45 =	vsub.f32 $1.000000000e+00, v40;
	v3 =	vmax.f32 v3, v5  }
0x1f3: {  	v37 =	vld [tilespmem:s7+$0xC850];
	v4 =	vmax.f32 v4, v8;
	v6 =	vmax.f32 v6, v32;
	v7 =	vmax.f32 v7, v35  }
0x1f4: {  	v9 =	vmax.f32 v38, v36;
	v5 =	vsub.f32 $1.000000000e+00, v34;
	v10 =	vmax.f32 v45, v42  }
0x1f5: {  	v3 =	vshra.s32 v3, $0x11;
	v4 =	vshra.s32 v4, $0x11;
	v6 =	vshra.s32 v6, $0x11  }
0x1f6: {  	v41 =	vld [tilespmem:s7+$0xC860];
	v7 =	vshra.s32 v7, $0x11;
	v9 =	vshra.s32 v9, $0x11;
	v10 =	vshra.s32 v10, $0x11  }
0x1f7: {  	v3 =	vsub.s32 $0x1FC0, v3;
	v4 =	vsub.s32 $0x1FC0, v4;
	v6 =	vsub.s32 $0x1FC0, v6  }
0x1f8: {  	v7 =	vsub.s32 $0x1FC0, v7;
	v9 =	vsub.s32 $0x1FC0, v9;
	v5 =	vmax.f32 v5, v37  }
0x1f9: {  	v10 =	vsub.s32 $0x1FC0, v10;
	v3 =	vmin.u32 v3, $0x7FF;
	v4 =	vmin.u32 v4, $0x7FF  }
0x1fa: {  	v6 =	vmin.u32 v6, $0x7FF;
	v7 =	vmin.u32 v7, $0x7FF;
	v43 =	vmin.u32 v9, $0x7FF  }
0x1fb: {  	v5 =	vshra.s32 v5, $0x11;
	v9 =	vmax.f32 v44, v41;
	v3 =	vshll.u32 v3, $0x4  }
0x1fc: {  	v4 =	vshll.u32 v4, $0x4;
	v6 =	vshll.u32 v6, $0x4;
	v3 =	vor.u32 v2, v3  }
0x1fd: {  	v7 =	vshll.u32 v7, $0x4;
	v8 =	vshll.u32 v43, $0x4;
	v4 =	vor.u32 v2, v4  }
0x1fe: {  	v5 =	vsub.s32 $0x1FC0, v5;
	v9 =	vshra.s32 v9, $0x11;
	v6 =	vor.u32 v2, v6  }
0x1ff: {  	v5 =	vmin.u32 v5, $0x7FF;
	v9 =	vsub.s32 $0x1FC0, v9;
	v7 =	vor.u32 v2, v7  }
0x200: {  	v8 =	vor.u32 v2, v8;
	v5 =	vshll.u32 v5, $0x4;
	v9 =	vmin.u32 v9, $0x7FF  }
0x201: {  	v10 =	vmin.u32 v10, $0x7FF;
	v9 =	vshll.u32 v9, $0x4;
	[tilespmem:v3+s26+$0x0] =	vst.idx.add.f32.msk $0xffff, v1;
	v3 =	vor.u32 v2, v5  }
0x202: {  	v46 =	vshll.u32 v10, $0x4;
	v47 =	vor.u32 v2, v9;
	[tilespmem:v4+s26+$0x0] =	vst.idx.add.f32.msk $0xffff, v1  }
0x203: {  	v5 =	vor.u32 v2, v46;
	[tilespmem:v6+s26+$0x0] =	vst.idx.add.f32.msk $0xffff, v1  }
0x204: {  	[tilespmem:v7+s26+$0x0] =	vst.idx.add.f32.msk $0xffff, v1  }
0x205: {  	[tilespmem:v8+s26+$0x0] =	vst.idx.add.f32.msk $0xffff, v1  }
0x206: {  	[tilespmem:v3+s26+$0x0] =	vst.idx.add.f32.msk $0xffff, v1  }
0x207: {  	[tilespmem:v47+s26+$0x0] =	vst.idx.add.f32.msk $0xffff, v1  }
0x208: {  	[tilespmem:v5+s26+$0x0] =	vst.idx.add.f32.msk $0xffff, v1  }
0x209: {  	v3 =	vld [tilespmem:s7+$0x4C00]  }
0x20a: {  	v4 =	vld [tilespmem:s7+$0x4C10]  }
0x20b: {  	v5 =	vld [tilespmem:s7+$0xCC00]  }
0x20c: {  	v6 =	vld [tilespmem:s7+$0x4C20]  }
0x20d: {  	v7 =	vld [tilespmem:s7+$0x4C30]  }
0x20e: {  	v8 =	vld [tilespmem:s7+$0xCC10]  }
0x20f: {  	v48 =	vld [tilespmem:s7+$0xCC20]  }
0x210: {  	v49 =	vld [tilespmem:s7+$0x4C40]  }
0x211: {  	v50 =	vld [tilespmem:s7+$0x4C50]  }
0x212: {  	v51 =	vld [tilespmem:s7+$0xCC30]  }
0x213: {  	v55 =	vld [tilespmem:s7+$0x4C60]  }
0x214: {  	v56 =	vld [tilespmem:s7+$0x4C70]  }
0x215: {  	v52 =	vld [tilespmem:s7+$0xCC40]  }
0x216: {  	v58 =	vld [tilespmem:s7+$0xCC70];
	v3 =	vsub.f32 $1.000000000e+00, v3  }
0x217: {  	v4 =	vsub.f32 $1.000000000e+00, v4;
	v6 =	vsub.f32 $1.000000000e+00, v6  }
0x218: {  	v7 =	vsub.f32 $1.000000000e+00, v7;
	v54 =	vsub.f32 $1.000000000e+00, v49  }
0x219: {  	v60 =	vsub.f32 $1.000000000e+00, v55;
	v61 =	vsub.f32 $1.000000000e+00, v56;
	v3 =	vmax.f32 v3, v5  }
0x21a: {  	v53 =	vld [tilespmem:s7+$0xCC50];
	v4 =	vmax.f32 v4, v8;
	v6 =	vmax.f32 v6, v48;
	v7 =	vmax.f32 v7, v51  }
0x21b: {  	v9 =	vmax.f32 v54, v52;
	v5 =	vsub.f32 $1.000000000e+00, v50;
	v10 =	vmax.f32 v61, v58  }
0x21c: {  	v3 =	vshra.s32 v3, $0x11;
	v4 =	vshra.s32 v4, $0x11;
	v6 =	vshra.s32 v6, $0x11  }
0x21d: {  	v57 =	vld [tilespmem:s7+$0xCC60];
	v7 =	vshra.s32 v7, $0x11;
	v9 =	vshra.s32 v9, $0x11;
	v10 =	vshra.s32 v10, $0x11  }
0x21e: {  	v3 =	vsub.s32 $0x1FC0, v3;
	v4 =	vsub.s32 $0x1FC0, v4;
	v6 =	vsub.s32 $0x1FC0, v6  }
0x21f: {  	v7 =	vsub.s32 $0x1FC0, v7;
	v9 =	vsub.s32 $0x1FC0, v9;
	v5 =	vmax.f32 v5, v53  }
0x220: {  	v10 =	vsub.s32 $0x1FC0, v10;
	v3 =	vmin.u32 v3, $0x7FF;
	v4 =	vmin.u32 v4, $0x7FF  }
0x221: {  	v6 =	vmin.u32 v6, $0x7FF;
	v7 =	vmin.u32 v7, $0x7FF;
	v59 =	vmin.u32 v9, $0x7FF  }
0x222: {  	v5 =	vshra.s32 v5, $0x11;
	v9 =	vmax.f32 v60, v57;
	v3 =	vshll.u32 v3, $0x4  }
0x223: {  	v4 =	vshll.u32 v4, $0x4;
	v6 =	vshll.u32 v6, $0x4;
	v3 =	vor.u32 v2, v3  }
0x224: {  	v7 =	vshll.u32 v7, $0x4;
	v8 =	vshll.u32 v59, $0x4;
	v4 =	vor.u32 v2, v4  }
0x225: {  	v5 =	vsub.s32 $0x1FC0, v5;
	v9 =	vshra.s32 v9, $0x11;
	v6 =	vor.u32 v2, v6  }
0x226: {  	v5 =	vmin.u32 v5, $0x7FF;
	v9 =	vsub.s32 $0x1FC0, v9;
	v7 =	vor.u32 v2, v7  }
0x227: {  	v8 =	vor.u32 v2, v8;
	v5 =	vshll.u32 v5, $0x4;
	v9 =	vmin.u32 v9, $0x7FF  }
0x228: {  	v10 =	vmin.u32 v10, $0x7FF;
	v9 =	vshll.u32 v9, $0x4;
	[tilespmem:v3+s26+$0x0] =	vst.idx.add.f32.msk $0xffff, v1;
	v3 =	vor.u32 v2, v5  }
0x229: {  	v62 =	vshll.u32 v10, $0x4;
	v63 =	vor.u32 v2, v9;
	[tilespmem:v4+s26+$0x0] =	vst.idx.add.f32.msk $0xffff, v1  }
0x22a: {  	p1 =	sne.s32 s6, $0x1E00;
	v5 =	vor.u32 v2, v62;
	[tilespmem:v6+s26+$0x0] =	vst.idx.add.f32.msk $0xffff, v1  }
.Ltmp3:
0x22b: {  	[tilespmem:v7+s26+$0x0] =	vst.idx.add.f32.msk $0xffff, v1;
	(pc) =	sbr.rel @p1 .LBB2_9-.Ltmp3, $4  }
0x22c: {  	[tilespmem:v8+s26+$0x0] =	vst.idx.add.f32.msk $0xffff, v1  }
0x22d: {  	[tilespmem:v3+s26+$0x0] =	vst.idx.add.f32.msk $0xffff, v1  }
0x22e: {  	[tilespmem:v63+s26+$0x0] =	vst.idx.add.f32.msk $0xffff, v1  }
0x22f: {  	s3 =	sadd.s32 $0x80, s3;
	s6 =	sadd.s32 $0x200, s6;
	[tilespmem:v5+s26+$0x0] =	vst.idx.add.f32.msk $0xffff, v1  }
0x230: {  	s3 =	sadd.s32 @!p0 s21, s14  }
0x231: {  	s3 =	sshrl.u32 @!p0 s3, $0x3  }
0x232: {  	s7 =	simm.s32 @!p0 $0x0;
	s8 =	simm.s32 @!p0 $0x4000;
	s6 =	sadd.s32 @!p0 s1, s3  }
0x233: {  	[tilespmem:s8], [sflag:$0x3] =	stream.linear.gather @!p0 [hbm4b:s6+s7], $0x2000, $0x38;
	[tilespmem:$0x18000] =	vst v63  }
0x234: {  	s3 =	sadd.s32 @!p0 s2, s3;
	s6 =	simm.s32 @!p0 $0xC000  }
0x235: {  	[tilespmem:s6], [sflag:$0x7] =	stream.linear.gather @!p0 [hbm4b:s3+s7], $0x2000, $0x38;
	[tilespmem:$0x18000] =	vst v63  }
0x236: {  	_ =	swait.ge [sflag:s0], $0x2000  }
0x237: {  	[sflag:s0] =	ssyncset.done $0x0  }
0x238: {  	[sflag:s0] =	ssyncadd.s32 $0xFFFFE000  }
0x239: {  	_ =	swait.ge [sflag:s4], $0x2000  }
0x23a: {  	[sflag:s4] =	ssyncset.done $0x0  }
0x23b: {  	s3 =	simm.s32 $0x0;
	s6 =	simm.s32 $0x0;
	[sflag:s4] =	ssyncadd.s32 $0xFFFFE000  }
.LBB2_11:
0x23c: {  	s7 =	sand.u32 $0x1000, s6;
	s8 =	sand.u32 $0x380, s3  }
0x23d: {  	s7 =	sor.u32 s8, s7  }
0x23e: {  	v3 =	vld [tilespmem:s7+$0x6000]  }
0x23f: {  	v4 =	vld [tilespmem:s7+$0x6010]  }
0x240: {  	v5 =	vld [tilespmem:s7+$0xE000]  }
0x241: {  	v6 =	vld [tilespmem:s7+$0x6020]  }
0x242: {  	v7 =	vld [tilespmem:s7+$0x6030]  }
0x243: {  	v8 =	vld [tilespmem:s7+$0xE010]  }
0x244: {  	v9 =	vld [tilespmem:s7+$0xE020]  }
0x245: {  	v10 =	vld [tilespmem:s7+$0x6040]  }
0x246: {  	v55 =	vld [tilespmem:s7+$0x6050]  }
0x247: {  	v11 =	vld [tilespmem:s7+$0xE030]  }
0x248: {  	v58 =	vld [tilespmem:s7+$0x6060]  }
0x249: {  	v59 =	vld [tilespmem:s7+$0x6070]  }
0x24a: {  	v12 =	vld [tilespmem:s7+$0xE040]  }
0x24b: {  	v13 =	vld [tilespmem:s7+$0xE070];
	v3 =	vsub.f32 $1.000000000e+00, v3  }
0x24c: {  	v4 =	vsub.f32 $1.000000000e+00, v4;
	v6 =	vsub.f32 $1.000000000e+00, v6  }
0x24d: {  	v7 =	vsub.f32 $1.000000000e+00, v7;
	v57 =	vsub.f32 $1.000000000e+00, v10  }
0x24e: {  	v62 =	vsub.f32 $1.000000000e+00, v58;
	v63 =	vsub.f32 $1.000000000e+00, v59;
	v3 =	vmax.f32 v3, v5  }
0x24f: {  	v56 =	vld [tilespmem:s7+$0xE050];
	v4 =	vmax.f32 v4, v8;
	v6 =	vmax.f32 v6, v9;
	v7 =	vmax.f32 v7, v11  }
0x250: {  	v9 =	vmax.f32 v57, v12;
	v5 =	vsub.f32 $1.000000000e+00, v55;
	v10 =	vmax.f32 v63, v13  }
0x251: {  	v3 =	vshra.s32 v3, $0x11;
	v4 =	vshra.s32 v4, $0x11;
	v6 =	vshra.s32 v6, $0x11  }
0x252: {  	v60 =	vld [tilespmem:s7+$0xE060];
	v7 =	vshra.s32 v7, $0x11;
	v9 =	vshra.s32 v9, $0x11;
	v10 =	vshra.s32 v10, $0x11  }
0x253: {  	v3 =	vsub.s32 $0x1FC0, v3;
	v4 =	vsub.s32 $0x1FC0, v4;
	v6 =	vsub.s32 $0x1FC0, v6  }
0x254: {  	v7 =	vsub.s32 $0x1FC0, v7;
	v9 =	vsub.s32 $0x1FC0, v9;
	v5 =	vmax.f32 v5, v56  }
0x255: {  	v10 =	vsub.s32 $0x1FC0, v10;
	v3 =	vmin.u32 v3, $0x7FF;
	v4 =	vmin.u32 v4, $0x7FF  }
0x256: {  	v6 =	vmin.u32 v6, $0x7FF;
	v7 =	vmin.u32 v7, $0x7FF;
	v61 =	vmin.u32 v9, $0x7FF  }
0x257: {  	v5 =	vshra.s32 v5, $0x11;
	v9 =	vmax.f32 v62, v60;
	v3 =	vshll.u32 v3, $0x4  }
0x258: {  	v4 =	vshll.u32 v4, $0x4;
	v6 =	vshll.u32 v6, $0x4;
	v3 =	vor.u32 v2, v3  }
0x259: {  	v7 =	vshll.u32 v7, $0x4;
	v8 =	vshll.u32 v61, $0x4;
	v4 =	vor.u32 v2, v4  }
0x25a: {  	v5 =	vsub.s32 $0x1FC0, v5;
	v9 =	vshra.s32 v9, $0x11;
	v6 =	vor.u32 v2, v6  }
0x25b: {  	v5 =	vmin.u32 v5, $0x7FF;
	v9 =	vsub.s32 $0x1FC0, v9;
	v7 =	vor.u32 v2, v7  }
0x25c: {  	v8 =	vor.u32 v2, v8;
	v5 =	vshll.u32 v5, $0x4;
	v9 =	vmin.u32 v9, $0x7FF  }
0x25d: {  	v10 =	vmin.u32 v10, $0x7FF;
	v9 =	vshll.u32 v9, $0x4;
	[tilespmem:v3+s26+$0x0] =	vst.idx.add.f32.msk $0xffff, v1;
	v3 =	vor.u32 v2, v5  }
0x25e: {  	v14 =	vshll.u32 v10, $0x4;
	v15 =	vor.u32 v2, v9;
	[tilespmem:v4+s26+$0x0] =	vst.idx.add.f32.msk $0xffff, v1  }
0x25f: {  	v5 =	vor.u32 v2, v14;
	[tilespmem:v6+s26+$0x0] =	vst.idx.add.f32.msk $0xffff, v1  }
0x260: {  	[tilespmem:v7+s26+$0x0] =	vst.idx.add.f32.msk $0xffff, v1  }
0x261: {  	[tilespmem:v8+s26+$0x0] =	vst.idx.add.f32.msk $0xffff, v1  }
0x262: {  	[tilespmem:v3+s26+$0x0] =	vst.idx.add.f32.msk $0xffff, v1  }
0x263: {  	[tilespmem:v15+s26+$0x0] =	vst.idx.add.f32.msk $0xffff, v1  }
0x264: {  	[tilespmem:v5+s26+$0x0] =	vst.idx.add.f32.msk $0xffff, v1  }
0x265: {  	v3 =	vld [tilespmem:s7+$0x6400]  }
0x266: {  	v4 =	vld [tilespmem:s7+$0x6410]  }
0x267: {  	v5 =	vld [tilespmem:s7+$0xE400]  }
0x268: {  	v6 =	vld [tilespmem:s7+$0x6420]  }
0x269: {  	v7 =	vld [tilespmem:s7+$0x6430]  }
0x26a: {  	v8 =	vld [tilespmem:s7+$0xE410]  }
0x26b: {  	v16 =	vld [tilespmem:s7+$0xE420]  }
0x26c: {  	v17 =	vld [tilespmem:s7+$0x6440]  }
0x26d: {  	v18 =	vld [tilespmem:s7+$0x6450]  }
0x26e: {  	v19 =	vld [tilespmem:s7+$0xE430]  }
0x26f: {  	v23 =	vld [tilespmem:s7+$0x6460]  }
0x270: {  	v24 =	vld [tilespmem:s7+$0x6470]  }
0x271: {  	v20 =	vld [tilespmem:s7+$0xE440]  }
0x272: {  	v26 =	vld [tilespmem:s7+$0xE470];
	v3 =	vsub.f32 $1.000000000e+00, v3  }
0x273: {  	v4 =	vsub.f32 $1.000000000e+00, v4;
	v6 =	vsub.f32 $1.000000000e+00, v6  }
0x274: {  	v7 =	vsub.f32 $1.000000000e+00, v7;
	v22 =	vsub.f32 $1.000000000e+00, v17  }
0x275: {  	v28 =	vsub.f32 $1.000000000e+00, v23;
	v29 =	vsub.f32 $1.000000000e+00, v24;
	v3 =	vmax.f32 v3, v5  }
0x276: {  	v21 =	vld [tilespmem:s7+$0xE450];
	v4 =	vmax.f32 v4, v8;
	v6 =	vmax.f32 v6, v16;
	v7 =	vmax.f32 v7, v19  }
0x277: {  	v9 =	vmax.f32 v22, v20;
	v5 =	vsub.f32 $1.000000000e+00, v18;
	v10 =	vmax.f32 v29, v26  }
0x278: {  	v3 =	vshra.s32 v3, $0x11;
	v4 =	vshra.s32 v4, $0x11;
	v6 =	vshra.s32 v6, $0x11  }
0x279: {  	v25 =	vld [tilespmem:s7+$0xE460];
	v7 =	vshra.s32 v7, $0x11;
	v9 =	vshra.s32 v9, $0x11;
	v10 =	vshra.s32 v10, $0x11  }
0x27a: {  	v3 =	vsub.s32 $0x1FC0, v3;
	v4 =	vsub.s32 $0x1FC0, v4;
	v6 =	vsub.s32 $0x1FC0, v6  }
0x27b: {  	v7 =	vsub.s32 $0x1FC0, v7;
	v9 =	vsub.s32 $0x1FC0, v9;
	v5 =	vmax.f32 v5, v21  }
0x27c: {  	v10 =	vsub.s32 $0x1FC0, v10;
	v3 =	vmin.u32 v3, $0x7FF;
	v4 =	vmin.u32 v4, $0x7FF  }
0x27d: {  	v6 =	vmin.u32 v6, $0x7FF;
	v7 =	vmin.u32 v7, $0x7FF;
	v27 =	vmin.u32 v9, $0x7FF  }
0x27e: {  	v5 =	vshra.s32 v5, $0x11;
	v9 =	vmax.f32 v28, v25;
	v3 =	vshll.u32 v3, $0x4  }
0x27f: {  	v4 =	vshll.u32 v4, $0x4;
	v6 =	vshll.u32 v6, $0x4;
	v3 =	vor.u32 v2, v3  }
0x280: {  	v7 =	vshll.u32 v7, $0x4;
	v8 =	vshll.u32 v27, $0x4;
	v4 =	vor.u32 v2, v4  }
0x281: {  	v5 =	vsub.s32 $0x1FC0, v5;
	v9 =	vshra.s32 v9, $0x11;
	v6 =	vor.u32 v2, v6  }
0x282: {  	v5 =	vmin.u32 v5, $0x7FF;
	v9 =	vsub.s32 $0x1FC0, v9;
	v7 =	vor.u32 v2, v7  }
0x283: {  	v8 =	vor.u32 v2, v8;
	v5 =	vshll.u32 v5, $0x4;
	v9 =	vmin.u32 v9, $0x7FF  }
0x284: {  	v10 =	vmin.u32 v10, $0x7FF;
	v9 =	vshll.u32 v9, $0x4;
	[tilespmem:v3+s26+$0x0] =	vst.idx.add.f32.msk $0xffff, v1;
	v3 =	vor.u32 v2, v5  }
0x285: {  	v30 =	vshll.u32 v10, $0x4;
	v31 =	vor.u32 v2, v9;
	[tilespmem:v4+s26+$0x0] =	vst.idx.add.f32.msk $0xffff, v1  }
0x286: {  	v5 =	vor.u32 v2, v30;
	[tilespmem:v6+s26+$0x0] =	vst.idx.add.f32.msk $0xffff, v1  }
0x287: {  	[tilespmem:v7+s26+$0x0] =	vst.idx.add.f32.msk $0xffff, v1  }
0x288: {  	[tilespmem:v8+s26+$0x0] =	vst.idx.add.f32.msk $0xffff, v1  }
0x289: {  	[tilespmem:v3+s26+$0x0] =	vst.idx.add.f32.msk $0xffff, v1  }
0x28a: {  	[tilespmem:v31+s26+$0x0] =	vst.idx.add.f32.msk $0xffff, v1  }
0x28b: {  	[tilespmem:v5+s26+$0x0] =	vst.idx.add.f32.msk $0xffff, v1  }
0x28c: {  	v3 =	vld [tilespmem:s7+$0x6800]  }
0x28d: {  	v4 =	vld [tilespmem:s7+$0x6810]  }
0x28e: {  	v5 =	vld [tilespmem:s7+$0xE800]  }
0x28f: {  	v6 =	vld [tilespmem:s7+$0x6820]  }
0x290: {  	v7 =	vld [tilespmem:s7+$0x6830]  }
0x291: {  	v8 =	vld [tilespmem:s7+$0xE810]  }
0x292: {  	v32 =	vld [tilespmem:s7+$0xE820]  }
0x293: {  	v33 =	vld [tilespmem:s7+$0x6840]  }
0x294: {  	v34 =	vld [tilespmem:s7+$0x6850]  }
0x295: {  	v35 =	vld [tilespmem:s7+$0xE830]  }
0x296: {  	v39 =	vld [tilespmem:s7+$0x6860]  }
0x297: {  	v40 =	vld [tilespmem:s7+$0x6870]  }
0x298: {  	v36 =	vld [tilespmem:s7+$0xE840]  }
0x299: {  	v42 =	vld [tilespmem:s7+$0xE870];
	v3 =	vsub.f32 $1.000000000e+00, v3  }
0x29a: {  	v4 =	vsub.f32 $1.000000000e+00, v4;
	v6 =	vsub.f32 $1.000000000e+00, v6  }
0x29b: {  	v7 =	vsub.f32 $1.000000000e+00, v7;
	v38 =	vsub.f32 $1.000000000e+00, v33  }
0x29c: {  	v44 =	vsub.f32 $1.000000000e+00, v39;
	v45 =	vsub.f32 $1.000000000e+00, v40;
	v3 =	vmax.f32 v3, v5  }
0x29d: {  	v37 =	vld [tilespmem:s7+$0xE850];
	v4 =	vmax.f32 v4, v8;
	v6 =	vmax.f32 v6, v32;
	v7 =	vmax.f32 v7, v35  }
0x29e: {  	v9 =	vmax.f32 v38, v36;
	v5 =	vsub.f32 $1.000000000e+00, v34;
	v10 =	vmax.f32 v45, v42  }
0x29f: {  	v3 =	vshra.s32 v3, $0x11;
	v4 =	vshra.s32 v4, $0x11;
	v6 =	vshra.s32 v6, $0x11  }
0x2a0: {  	v41 =	vld [tilespmem:s7+$0xE860];
	v7 =	vshra.s32 v7, $0x11;
	v9 =	vshra.s32 v9, $0x11;
	v10 =	vshra.s32 v10, $0x11  }
0x2a1: {  	v3 =	vsub.s32 $0x1FC0, v3;
	v4 =	vsub.s32 $0x1FC0, v4;
	v6 =	vsub.s32 $0x1FC0, v6  }
0x2a2: {  	v7 =	vsub.s32 $0x1FC0, v7;
	v9 =	vsub.s32 $0x1FC0, v9;
	v5 =	vmax.f32 v5, v37  }
0x2a3: {  	v10 =	vsub.s32 $0x1FC0, v10;
	v3 =	vmin.u32 v3, $0x7FF;
	v4 =	vmin.u32 v4, $0x7FF  }
0x2a4: {  	v6 =	vmin.u32 v6, $0x7FF;
	v7 =	vmin.u32 v7, $0x7FF;
	v43 =	vmin.u32 v9, $0x7FF  }
0x2a5: {  	v5 =	vshra.s32 v5, $0x11;
	v9 =	vmax.f32 v44, v41;
	v3 =	vshll.u32 v3, $0x4  }
0x2a6: {  	v4 =	vshll.u32 v4, $0x4;
	v6 =	vshll.u32 v6, $0x4;
	v3 =	vor.u32 v2, v3  }
0x2a7: {  	v7 =	vshll.u32 v7, $0x4;
	v8 =	vshll.u32 v43, $0x4;
	v4 =	vor.u32 v2, v4  }
0x2a8: {  	v5 =	vsub.s32 $0x1FC0, v5;
	v9 =	vshra.s32 v9, $0x11;
	v6 =	vor.u32 v2, v6  }
0x2a9: {  	v5 =	vmin.u32 v5, $0x7FF;
	v9 =	vsub.s32 $0x1FC0, v9;
	v7 =	vor.u32 v2, v7  }
0x2aa: {  	v8 =	vor.u32 v2, v8;
	v5 =	vshll.u32 v5, $0x4;
	v9 =	vmin.u32 v9, $0x7FF  }
0x2ab: {  	v10 =	vmin.u32 v10, $0x7FF;
	v9 =	vshll.u32 v9, $0x4;
	[tilespmem:v3+s26+$0x0] =	vst.idx.add.f32.msk $0xffff, v1;
	v3 =	vor.u32 v2, v5  }
0x2ac: {  	v46 =	vshll.u32 v10, $0x4;
	v47 =	vor.u32 v2, v9;
	[tilespmem:v4+s26+$0x0] =	vst.idx.add.f32.msk $0xffff, v1  }
0x2ad: {  	v5 =	vor.u32 v2, v46;
	[tilespmem:v6+s26+$0x0] =	vst.idx.add.f32.msk $0xffff, v1  }
0x2ae: {  	[tilespmem:v7+s26+$0x0] =	vst.idx.add.f32.msk $0xffff, v1  }
0x2af: {  	[tilespmem:v8+s26+$0x0] =	vst.idx.add.f32.msk $0xffff, v1  }
0x2b0: {  	[tilespmem:v3+s26+$0x0] =	vst.idx.add.f32.msk $0xffff, v1  }
0x2b1: {  	[tilespmem:v47+s26+$0x0] =	vst.idx.add.f32.msk $0xffff, v1  }
0x2b2: {  	[tilespmem:v5+s26+$0x0] =	vst.idx.add.f32.msk $0xffff, v1  }
0x2b3: {  	v3 =	vld [tilespmem:s7+$0x6C00]  }
0x2b4: {  	v4 =	vld [tilespmem:s7+$0x6C10]  }
0x2b5: {  	v5 =	vld [tilespmem:s7+$0xEC00]  }
0x2b6: {  	v6 =	vld [tilespmem:s7+$0x6C20]  }
0x2b7: {  	v7 =	vld [tilespmem:s7+$0x6C30]  }
0x2b8: {  	v8 =	vld [tilespmem:s7+$0xEC10]  }
0x2b9: {  	v48 =	vld [tilespmem:s7+$0xEC20]  }
0x2ba: {  	v49 =	vld [tilespmem:s7+$0x6C40]  }
0x2bb: {  	v50 =	vld [tilespmem:s7+$0x6C50]  }
0x2bc: {  	v51 =	vld [tilespmem:s7+$0xEC30]  }
0x2bd: {  	v55 =	vld [tilespmem:s7+$0x6C60]  }
0x2be: {  	v56 =	vld [tilespmem:s7+$0x6C70]  }
0x2bf: {  	v52 =	vld [tilespmem:s7+$0xEC40]  }
0x2c0: {  	v58 =	vld [tilespmem:s7+$0xEC70];
	v3 =	vsub.f32 $1.000000000e+00, v3  }
0x2c1: {  	v4 =	vsub.f32 $1.000000000e+00, v4;
	v6 =	vsub.f32 $1.000000000e+00, v6  }
0x2c2: {  	v7 =	vsub.f32 $1.000000000e+00, v7;
	v54 =	vsub.f32 $1.000000000e+00, v49  }
0x2c3: {  	v60 =	vsub.f32 $1.000000000e+00, v55;
	v61 =	vsub.f32 $1.000000000e+00, v56;
	v3 =	vmax.f32 v3, v5  }
0x2c4: {  	v53 =	vld [tilespmem:s7+$0xEC50];
	v4 =	vmax.f32 v4, v8;
	v6 =	vmax.f32 v6, v48;
	v7 =	vmax.f32 v7, v51  }
0x2c5: {  	v9 =	vmax.f32 v54, v52;
	v5 =	vsub.f32 $1.000000000e+00, v50;
	v10 =	vmax.f32 v61, v58  }
0x2c6: {  	v3 =	vshra.s32 v3, $0x11;
	v4 =	vshra.s32 v4, $0x11;
	v6 =	vshra.s32 v6, $0x11  }
0x2c7: {  	v57 =	vld [tilespmem:s7+$0xEC60];
	v7 =	vshra.s32 v7, $0x11;
	v9 =	vshra.s32 v9, $0x11;
	v10 =	vshra.s32 v10, $0x11  }
0x2c8: {  	v3 =	vsub.s32 $0x1FC0, v3;
	v4 =	vsub.s32 $0x1FC0, v4;
	v6 =	vsub.s32 $0x1FC0, v6  }
0x2c9: {  	v7 =	vsub.s32 $0x1FC0, v7;
	v9 =	vsub.s32 $0x1FC0, v9;
	v5 =	vmax.f32 v5, v53  }
0x2ca: {  	v10 =	vsub.s32 $0x1FC0, v10;
	v3 =	vmin.u32 v3, $0x7FF;
	v4 =	vmin.u32 v4, $0x7FF  }
0x2cb: {  	v6 =	vmin.u32 v6, $0x7FF;
	v7 =	vmin.u32 v7, $0x7FF;
	v59 =	vmin.u32 v9, $0x7FF  }
0x2cc: {  	v5 =	vshra.s32 v5, $0x11;
	v9 =	vmax.f32 v60, v57;
	v3 =	vshll.u32 v3, $0x4  }
0x2cd: {  	v4 =	vshll.u32 v4, $0x4;
	v6 =	vshll.u32 v6, $0x4;
	v3 =	vor.u32 v2, v3  }
0x2ce: {  	v7 =	vshll.u32 v7, $0x4;
	v8 =	vshll.u32 v59, $0x4;
	v4 =	vor.u32 v2, v4  }
0x2cf: {  	v5 =	vsub.s32 $0x1FC0, v5;
	v9 =	vshra.s32 v9, $0x11;
	v6 =	vor.u32 v2, v6  }
0x2d0: {  	v5 =	vmin.u32 v5, $0x7FF;
	v9 =	vsub.s32 $0x1FC0, v9;
	v7 =	vor.u32 v2, v7  }
0x2d1: {  	v8 =	vor.u32 v2, v8;
	v5 =	vshll.u32 v5, $0x4;
	v9 =	vmin.u32 v9, $0x7FF  }
0x2d2: {  	v10 =	vmin.u32 v10, $0x7FF;
	v9 =	vshll.u32 v9, $0x4;
	[tilespmem:v3+s26+$0x0] =	vst.idx.add.f32.msk $0xffff, v1;
	v3 =	vor.u32 v2, v5  }
0x2d3: {  	v62 =	vshll.u32 v10, $0x4;
	v63 =	vor.u32 v2, v9;
	[tilespmem:v4+s26+$0x0] =	vst.idx.add.f32.msk $0xffff, v1  }
0x2d4: {  	p0 =	sne.s32 s6, $0x1E00;
	v5 =	vor.u32 v2, v62;
	[tilespmem:v6+s26+$0x0] =	vst.idx.add.f32.msk $0xffff, v1  }
.Ltmp4:
0x2d5: {  	[tilespmem:v7+s26+$0x0] =	vst.idx.add.f32.msk $0xffff, v1;
	(pc) =	sbr.rel @p0 .LBB2_11-.Ltmp4, $4  }
0x2d6: {  	[tilespmem:v8+s26+$0x0] =	vst.idx.add.f32.msk $0xffff, v1  }
0x2d7: {  	[tilespmem:v3+s26+$0x0] =	vst.idx.add.f32.msk $0xffff, v1  }
0x2d8: {  	[tilespmem:v63+s26+$0x0] =	vst.idx.add.f32.msk $0xffff, v1  }
0x2d9: {  	s3 =	sadd.s32 $0x80, s3;
	s6 =	sadd.s32 $0x200, s6;
	[tilespmem:v5+s26+$0x0] =	vst.idx.add.f32.msk $0xffff, v1  }
0x2da: {  	s20 =	sadd.s32 $0x1, s20  }
0x2db: {  	p0 =	sne.s32 s20, $0x4  }
.Ltmp5:
0x2dc: {  	_ = 	snop;
	(pc) =	sbr.rel @p0 .LBB2_4-.Ltmp5, $1  }
0x2dd: {  	_ =	sdelay $0x3  }
0x2de: {  	s18 =	sadd.s32 $0x1, s18  }
0x2df: {  	p0 =	sne.s32 s18, s16  }
.Ltmp6:
0x2e0: {  	s3 =	simm.s32 $0x0;
	(pc) =	sbr.rel @p0 .LBB2_1-.Ltmp6, $4  }
0x2e1: {  	[hbm4b:s15+s3] =	stream.linear.scatter [tilespmem:s26], [sflag:$0x9], $0x8000, $0x38;
	[tilespmem:$0x18000] =	vst v63  }
0x2e2: {  	_ =	swait.ge [sflag:s17], $0x8000  }
0x2e3: {  	[sflag:s17] =	ssyncset.done $0x0  }
0x2e4: {  	[sflag:s17] =	ssyncadd.s32 $0xFFFF8000  }
0x2e5: {  	_ =	sfence.sel $0x180000  }
0x2e6: {  	[bflag:$0x0] =	sbarrier.arrive $0xFFFF  }
0x2e7: {  	_ =	strace $0x90000047  }
0x2e8: {  	s0 =	stileid.u32;
	[bflag:$0x2] =	sbarrier.arrive $0xFFFF  }
0x2e9: {  	p0 =	sne.s32 s0, $0x0;
	s0 =	rddreg [dreg:$0x3]  }
0x2ea: {  	s0 =	sadd.s32 @!p0 $0x100000, s0  }
0x2eb: {  	[sflag:s0] =	ssyncadd.tile.s32 @!p0 $0x1;
	_ =	shalt  }
.Lfunc_end2:
_tile_overlayer_lowered:
.L_overlay_start_2:
0x2ec: {  	(tag) =	ssettag $0x2  }
0x2ed: {  	s0 =	rddreg [dreg:$0x0];
	s2 =	stileid.u32  }
0x2ee: {  	s1 =	rddreg [dreg:$0x1];
	p0 =	sne.s32 s2, $0x0  }
0x2ef: {  	s3 =	rddreg [dreg:$0x2];
	[bflag:$0x3] =	sbarrier.arrive $0xFFFF;
	s2 =	simm.s32 @!p0 $0x1C09  }
0x2f0: {  	[timem:s3], [sflag:s2] =	dma.local @!p0 [hbm:s0], s1  }
0x2f1: {  	s0 =	simm.s32 @!p0 $0x9  }
0x2f2: {  	_ =	swait.ge @!p0 [sflag:s0], s1  }
0x2f3: {  	s1 =	ssub.s32 @!p0 $0x0, s1;
	[sflag:s0] =	ssyncset.done @!p0 $0x0  }
0x2f4: {  	[sflag:s0] =	ssyncadd.s32 @!p0 s1  }
0x2f5: {  	[bflag:$0x3] =	sbarrier.arrive $0xFFFF  }
0x2f6: {  	_ =	shalt  }

</sc_bundles>
